<compile_context>
chip_gen: v7x
topology: tpu7x:2x2x1
jax: 0.10.2.dev20260603
libtpu: 0.0.44.dev20260713+nightly
codegen_flags: <defaults>
</compile_context>

<pallas_src>
import functools

import jax
import jax.numpy as jnp
from jax import lax
from jax.experimental import pallas as pl
from jax.experimental.pallas import tpu as pltpu
from jax.experimental.pallas import tpu_sc as plsc

N_NODES = 10000
NPAD = 10240
E_REAL = 320000
EPT = E_REAL // 32
EGROUPS = EPT // 16
ECHUNK = 2000
DOFF = E_REAL
DEGROWS = 79
DUMP = NPAD
SLPT = NPAD // 32
SLG = SLPT // 16
ROWS = 82
GSTRIDE = 128
ATFLAT = NPAD * GSTRIDE
AT_PER_TILE = ATFLAT // 16
ATOUT = N_NODES * GSTRIDE
ATOUT_PER_TILE = ATOUT // 16
DEG_PER_TILE = NPAD // 16
NB = 5
BLK = N_NODES // NB

_mesh = plsc.VectorSubcoreMesh(core_axis_name="c", subcore_axis_name="s")


def _fast_rsqrt(d):
    xi = lax.bitcast_convert_type(d, jnp.int32)
    yi = jnp.int32(0x5F3759DF) - (xi >> 1)
    y = lax.bitcast_convert_type(yi, jnp.float32)
    for _ in range(3):
        y = y * (jnp.float32(1.5) - jnp.float32(0.5) * d * y * y)
    return y


@functools.partial(
    pl.kernel,
    out_type=jax.ShapeDtypeStruct((2 * NPAD,), jnp.float32),
    mesh=_mesh,
    compiler_params=pltpu.CompilerParams(needs_layout_passes=False),
    scratch_types=[
        pltpu.VMEM((ECHUNK,), jnp.int32),
        pltpu.VMEM((DEGROWS, 128), jnp.int32),
        pltpu.VMEM((128,), jnp.float32),
        pltpu.VMEM((DEG_PER_TILE + 16,), jnp.float32),
        pltpu.VMEM_SHARED((NPAD + 128,), jnp.float32),
        pltpu.SemaphoreType.DMA,
    ],
)
def _deg_kernel(bc_hbm, out_hbm, dst_v, idx_v, ones_v, zeros_v, deg_sh, sem):
    c = lax.axis_index("c")
    s = lax.axis_index("s")
    w = c * 16 + s
    base = DOFF + w * EPT

    def zinit_body(i, _):
        zeros_v[pl.ds(i * 16, 16)] = jnp.zeros((16,), jnp.float32)
        return 0

    lax.fori_loop(0, (DEG_PER_TILE + 16) // 16, zinit_body, 0)
    pltpu.sync_copy(zeros_v.at[pl.ds(0, DEG_PER_TILE + 8)],
                    deg_sh.at[pl.ds(s * (DEG_PER_TILE + 8),
                                    DEG_PER_TILE + 8)])

    def ones_body(l, _):
        ones_v[pl.ds(l * 16, 16)] = jnp.ones((16,), jnp.float32)
        return 0

    lax.fori_loop(0, 8, ones_body, 0)

    for g0 in range(625, 632):
        idx_v[g0 >> 3, pl.ds((g0 & 7) * 16, 16)] = jnp.full((16,), DUMP,
                                                            jnp.int32)

    plsc.subcore_barrier()

    def fire_body(r, _):
        pltpu.async_copy(ones_v, deg_sh.at[idx_v.at[r]], sem, add=True)
        return 0

    fr = (0, 15, 31, 46, 62, 78)
    for q in range(5):
        pltpu.sync_copy(bc_hbm.at[pl.ds(base + q * ECHUNK, ECHUNK)], dst_v)

        def grp_body(t2, _):
            for u in range(5):
                t = t2 * 5 + u
                gidx = q * 125 + t
                dd = dst_v[pl.ds(t * 16, 16)]
                idx_v[gidx >> 3, pl.ds((gidx & 7) * 16, 16)] = dd
            return 0

        lax.fori_loop(0, 25, grp_body, 0)
        lax.fori_loop(fr[q], fr[q + 1], fire_body, 0)

    lax.fori_loop(78, DEGROWS, fire_body, 0)

    def drain_body(r, _):
        pltpu.make_async_copy(ones_v, deg_sh.at[idx_v.at[r]], sem).wait()
        return 0

    lax.fori_loop(0, DEGROWS, drain_body, 0)
    plsc.subcore_barrier()
    pltpu.sync_copy(
        deg_sh.at[pl.ds(s * DEG_PER_TILE, DEG_PER_TILE)],
        out_hbm.at[pl.ds(c * NPAD + s * DEG_PER_TILE, DEG_PER_TILE)],
    )


@functools.partial(
    pl.kernel,
    out_type=jax.ShapeDtypeStruct((2 * ATOUT,), jnp.float32),
    mesh=_mesh,
    compiler_params=pltpu.CompilerParams(needs_layout_passes=False),
    scratch_types=[
        pltpu.VMEM((ECHUNK,), jnp.int32),
        pltpu.VMEM((ECHUNK,), jnp.int32),
        pltpu.VMEM((ROWS, 128), jnp.int32),
        pltpu.VMEM((ROWS, 128), jnp.float32),
        pltpu.VMEM((NPAD,), jnp.float32),
        pltpu.VMEM((DEG_PER_TILE,), jnp.float32),
        pltpu.VMEM((AT_PER_TILE // 64,), jnp.float32),
        pltpu.VMEM_SHARED((ATFLAT,), jnp.float32),
        pltpu.VMEM_SHARED((NPAD,), jnp.float32),
        pltpu.SemaphoreType.DMA,
    ],
)
def _a_kernel(bc_hbm, deg_hbm, a_out, src_v, dst_v, idx_v, val_v,
              dinv_v, dslc_v, zeros_v, a_sh, dinv_sh, sem):
    c = lax.axis_index("c")
    s = lax.axis_index("s")
    w = c * 16 + s
    base = w * EPT
    zchunk = AT_PER_TILE // 64
    lane1 = jnp.arange(16, dtype=jnp.int32)

    def zinit_body(i, _):
        zeros_v[pl.ds(i * 16, 16)] = jnp.zeros((16,), jnp.float32)
        return 0

    lax.fori_loop(0, zchunk // 16, zinit_body, 0)

    def zcopy_body(t, _):
        pltpu.async_copy(zeros_v, a_sh.at[pl.ds((s * 64 + t) * zchunk,
                                                zchunk)], sem)
        return 0

    lax.fori_loop(0, 64, zcopy_body, 0)

    pltpu.sync_copy(deg_hbm.at[pl.ds(s * DEG_PER_TILE, DEG_PER_TILE)],
                    dslc_v)
    pltpu.sync_copy(deg_hbm.at[pl.ds(NPAD + s * DEG_PER_TILE, DEG_PER_TILE)],
                    dinv_v.at[pl.ds(0, DEG_PER_TILE)])

    def dinv_body(i, _):
        d = (dslc_v[pl.ds(i * 16, 16)] + dinv_v[pl.ds(i * 16, 16)]
             + jnp.float32(1.0))
        dslc_v[pl.ds(i * 16, 16)] = _fast_rsqrt(d)
        return 0

    lax.fori_loop(0, DEG_PER_TILE // 16, dinv_body, 0)
    pltpu.sync_copy(dslc_v, dinv_sh.at[pl.ds(s * DEG_PER_TILE,
                                             DEG_PER_TILE)])

    def zdrain_body(t, _):
        pltpu.make_async_copy(
            zeros_v, a_sh.at[pl.ds((s * 64 + t) * zchunk, zchunk)], sem
        ).wait()
        return 0

    lax.fori_loop(0, 64, zdrain_body, 0)
    plsc.subcore_barrier()
    pltpu.sync_copy(dinv_sh, dinv_v)

    def fire_body(r, _):
        pltpu.async_copy(val_v.at[r], a_sh.at[idx_v.at[r]], sem, add=True)
        return 0

    fr = (0, 15, 31, 46, 62, 78)
    for q in range(5):
        pltpu.sync_copy(bc_hbm.at[pl.ds(base + q * ECHUNK, ECHUNK)], src_v)
        pltpu.sync_copy(bc_hbm.at[pl.ds(DOFF + base + q * ECHUNK, ECHUNK)],
                        dst_v)

        def grp_body(t2, _):
            for u in range(5):
                t = t2 * 5 + u
                gidx = q * 125 + t
                dd = dst_v[pl.ds(t * 16, 16)]
                ss = src_v[pl.ds(t * 16, 16)]
                g = (dd * 5243) >> 19
                idx_v[gidx >> 3, pl.ds((gidx & 7) * 16, 16)] = (ss << 7) + g
                val_v[gidx >> 3, pl.ds((gidx & 7) * 16, 16)] = (
                    plsc.load_gather(dinv_v, [dd])
                    * plsc.load_gather(dinv_v, [ss])
                )
            return 0

        lax.fori_loop(0, 25, grp_body, 0)
        lax.fori_loop(fr[q], fr[q + 1], fire_body, 0)

    for g0 in range(625, 632):
        idx_v[g0 >> 3, pl.ds((g0 & 7) * 16, 16)] = jnp.zeros((16,),
                                                             jnp.int32)
        val_v[g0 >> 3, pl.ds((g0 & 7) * 16, 16)] = jnp.zeros((16,),
                                                             jnp.float32)

    for t in range(SLG):
        gidx = 632 + t
        n = w * SLPT + t * 16 + lane1
        dv = plsc.load_gather(dinv_v, [n])
        g = (n * 5243) >> 19
        idx_v[gidx >> 3, pl.ds((gidx & 7) * 16, 16)] = (n << 7) + g
        val_v[gidx >> 3, pl.ds((gidx & 7) * 16, 16)] = jnp.where(
            n < N_NODES, dv * dv, jnp.float32(0.0))

    for g0 in range(652, 656):
        idx_v[g0 >> 3, pl.ds((g0 & 7) * 16, 16)] = jnp.zeros((16,),
                                                             jnp.int32)
        val_v[g0 >> 3, pl.ds((g0 & 7) * 16, 16)] = jnp.zeros((16,),
                                                             jnp.float32)

    lax.fori_loop(78, ROWS, fire_body, 0)

    def drain_body(r, _):
        pltpu.make_async_copy(val_v.at[r], a_sh.at[idx_v.at[r]], sem).wait()
        return 0

    lax.fori_loop(0, ROWS, drain_body, 0)
    plsc.subcore_barrier()
    pltpu.sync_copy(
        a_sh.at[pl.ds(s * ATOUT_PER_TILE, ATOUT_PER_TILE)],
        a_out.at[pl.ds(c * ATOUT + s * ATOUT_PER_TILE, ATOUT_PER_TILE)],
    )


def _tc_body(x_ref, at_ref, wg_ref, w1_ref, b1_ref, bg_ref, w2_ref, b2_ref,
             out_ref, pool, ssum):
    k = pl.program_id(0)

    @pl.when(k == 0)
    def _():
        pool[...] = jnp.zeros_like(pool)
        ssum[...] = jnp.zeros_like(ssum)

    x = x_ref[...]
    h = jnp.dot(x, wg_ref[...], preferred_element_type=jnp.float32)
    at = at_ref[...]
    asum = at[0] + at[1]
    pool[...] += lax.dot_general(
        asum, h, (((0,), (0,)), ((), ())),
        preferred_element_type=jnp.float32)

    col = lax.broadcasted_iota(jnp.int32, (128, BLK), 1) + k * BLK
    grp = (col * 5243) >> 19
    row = lax.broadcasted_iota(jnp.int32, (128, BLK), 0)
    sel = jnp.where(grp == row, jnp.float32(1.0), jnp.float32(0.0))
    ssum[...] += jnp.dot(sel, x, preferred_element_type=jnp.float32)

    @pl.when(k == NB - 1)
    def _():
        w1a = w1_ref[0:128, :]
        w1b = w1_ref[128:256, :]
        bgw = jnp.dot(bg_ref[...], w1b, preferred_element_type=jnp.float32)
        vpre = (
            jnp.dot(ssum[...], w1a, preferred_element_type=jnp.float32)
            + jnp.dot(pool[...], w1b, preferred_element_type=jnp.float32)
            + b1_ref[...]
            + jnp.float32(100.0) * bgw
        )
        v = jnp.maximum(vpre, jnp.float32(0.0))
        out_ref[...] = (
            jnp.dot(v, w2_ref[...], preferred_element_type=jnp.float32)
            + b2_ref[...]
        )


def kernel(state, edge_index, Wg, bg, W1, b1, W2, b2):
    bc = edge_index.astype(jnp.int32).reshape(-1)

    deg = _deg_kernel(bc)
    at_parts = _a_kernel(bc, deg)
    at3 = at_parts.reshape(2, N_NODES, GSTRIDE)

    out = pl.pallas_call(
        _tc_body,
        grid=(NB,),
        in_specs=[
            pl.BlockSpec((BLK, 128), lambda k: (k, 0)),
            pl.BlockSpec((2, BLK, 128), lambda k: (0, k, 0)),
            pl.BlockSpec((128, 128), lambda k: (0, 0)),
            pl.BlockSpec((256, 128), lambda k: (0, 0)),
            pl.BlockSpec((1, 128), lambda k: (0, 0)),
            pl.BlockSpec((1, 128), lambda k: (0, 0)),
            pl.BlockSpec((128, 1), lambda k: (0, 0)),
            pl.BlockSpec((1, 1), lambda k: (0, 0)),
        ],
        out_specs=pl.BlockSpec((128, 1), lambda k: (0, 0)),
        out_shape=jax.ShapeDtypeStruct((128, 1), jnp.float32),
        scratch_shapes=[
            pltpu.VMEM((128, 128), jnp.float32),
            pltpu.VMEM((128, 128), jnp.float32),
        ],
    )(state, at3, Wg, W1, b1.reshape(1, 128), bg.reshape(1, 128), W2,
      b2.reshape(1, 1))
    return out[:100, 0]

# --- scband reference (transcript-rebuilt; emitter-appended) ---
"""Pipeline reference for scband-vf-27195732918308 (READ-ONLY COPY).

The authoritative reference and input builder live on the scoring server;
editing this copy changes nothing except your own understanding.
"""

import jax, jax.numpy as jnp
import numpy as np

N_NODES = 10000
N_EDGES = 320000
IN_CH = 128
HIDDEN = 128
OUT_CH = 1
NNODES = 100


def setup_inputs(seed: int = 0) -> dict:
    key = jax.random.key(seed)
    k1, k2, k3, k4, k5 = jax.random.split(key, 5)
    state = jax.random.normal(k1, (N_NODES, IN_CH), dtype=jnp.float32)
    edge_index = jax.random.randint(k2, (2, N_EDGES), 0, N_NODES, dtype=jnp.int64)
    # GCNConv params
    Wg = jax.random.normal(k3, (IN_CH, HIDDEN), dtype=jnp.float32) * (1.0 / np.sqrt(IN_CH))
    bg = jnp.zeros((HIDDEN,), dtype=jnp.float32)
    # lin1: (in_channels + hidden) -> hidden
    W1 = jax.random.normal(k4, (IN_CH + HIDDEN, HIDDEN), dtype=jnp.float32) * (1.0 / np.sqrt(IN_CH + HIDDEN))
    b1 = jnp.zeros((HIDDEN,), dtype=jnp.float32)
    # g_to_v: hidden -> out_channels
    W2 = jax.random.normal(k5, (HIDDEN, OUT_CH), dtype=jnp.float32) * (1.0 / np.sqrt(HIDDEN))
    b2 = jnp.zeros((OUT_CH,), dtype=jnp.float32)
    return {"state": state, "edge_index": edge_index, "Wg": Wg, "bg": bg,
            "W1": W1, "b1": b1, "W2": W2, "b2": b2}


def gcn_conv(x, edge_index, W, b):
    # torch_geometric GCNConv with default add_self_loops=True, normalize=True
    N = x.shape[0]
    loop = jnp.arange(N, dtype=edge_index.dtype)
    src = jnp.concatenate([edge_index[0], loop])
    dst = jnp.concatenate([edge_index[1], loop])
    h = x @ W
    deg = jnp.zeros((N,), dtype=x.dtype).at[dst].add(jnp.ones_like(dst, dtype=x.dtype))
    dinv = jnp.where(deg > 0, deg ** -0.5, 0.0)
    norm = dinv[src] * dinv[dst]
    msg = h[src] * norm[:, None]
    out = jnp.zeros((N, W.shape[1]), dtype=x.dtype).at[dst].add(msg)
    return out + b


def reference(state, edge_index, Wg, bg, W1, b1, W2, b2):
    x_pp = gcn_conv(state, edge_index, Wg, bg)
    x_pp = jnp.concatenate([state, x_pp], axis=1)
    x_pp = x_pp.reshape(-1, NNODES, IN_CH + HIDDEN)
    v = jnp.sum(x_pp, axis=1)
    v = jax.nn.relu(v @ W1 + b1)
    v = v @ W2 + b2
    return jnp.squeeze(v, axis=-1)

if __name__ == "__main__":
    import jax
    _d = setup_inputs()
    print(jax.jit(kernel)(*tuple(_d.values())))

</pallas_src>

<mosaic_0001>
#map = affine_map<(d0, d1) -> (0)>
module attributes {stable_mosaic.version = 14 : i64} {
  func.func @_deg_kernel(%arg0: i32, %arg1: i32, %arg2: memref<640000xi32, #tpu.memory_space<hbm>>, %arg3: memref<20480xf32, #tpu.memory_space<hbm>>, %arg4: memref<2000xi32, #tpu.memory_space<vmem>>, %arg5: memref<79x128xi32, #tpu.memory_space<vmem>>, %arg6: memref<128xf32, #tpu.memory_space<vmem>>, %arg7: memref<656xf32, #tpu.memory_space<vmem>>, %arg8: memref<10368xf32, #tpu.memory_space<vmem_shared>>, %arg9: memref<!tpu.dma_semaphore, #tpu.memory_space<semaphore_mem>>) attributes {dimension_semantics = [#tpu.dimension_semantics<core_parallel>, #tpu.dimension_semantics<subcore_parallel>], iteration_bounds = array<i64: 2, 16>, scalar_prefetch = 0 : i64, scratch_operands = 6 : i64, tpu.core_type = #tpu.core_type<sc_vector_subcore>, window_params = [{transform_indices = #map}, {transform_indices = #map}]} {
    %mul3A = arith.constant 16 : i32
    %mul3A_0 = arith.muli %arg0, %mul3A : i32
    %add3A = arith.addi %mul3A_0, %arg1 : i32
    %mul3A_1 = arith.constant 10000 : i32
    %mul3A_2 = arith.muli %add3A, %mul3A_1 : i32
    %add3A_3 = arith.constant 320000 : i32
    %add3A_4 = arith.addi %add3A_3, %mul3A_2 : i32
    %scan3A = arith.constant 0 : i32
    %scan3A_5 = arith.constant 0 : i32
    %scan3A_6 = arith.constant 41 : i32
    %scan3A_7 = arith.addi %scan3A_5, %scan3A_6 : i32
    %scan3A_8 = arith.constant 1 : i32
    %scan3A_9 = scf.for %scan3A_163 = %scan3A_5 to %scan3A_7 step %scan3A_8 iter_args(%scan3A_164 = %scan3A) -> (i32)  : i32 {
      %broadcast_in_dim3A_165 = arith.constant 0.000000e+00 : f32
      %broadcast_in_dim3A_166 = vector.broadcast %broadcast_in_dim3A_165 : f32 to vector<16xf32>
      %mul3A_167 = arith.constant 16 : i32
      %mul3A_168 = arith.muli %scan3A_163, %mul3A_167 : i32
      %swap3A_169 = arith.index_cast %mul3A_168 : i32 to index
      %swap3A_170 = tpu.vector_load %arg7[%swap3A_169] {strides = array<i32>} : memref<656xf32, #tpu.memory_space<vmem>>, vector<16xf32>,
      tpu.vector_store %arg7[%swap3A_169], %broadcast_in_dim3A_166 {strides = array<i32>} : memref<656xf32, #tpu.memory_space<vmem>>, vector<16xf32>,
      %scan3A_171 = arith.constant 0 : i32
      scf.yield %scan3A_171 : i32
    }
    %scan3A_10 = arith.constant 41 : i32
    %mul3A_11 = arith.constant 648 : i32
    %mul3A_12 = arith.muli %arg1, %mul3A_11 : i32
    "tpu.region"() ({
      %run_scoped3A = tpu.sem_alloc : memref<!tpu.dma_semaphore, #tpu.memory_space<semaphore_mem>>
      %dma_start3A_163 = arith.constant 0 : i32
      %dma_start3A_164 = tpu.memref_slice %arg7[%dma_start3A_163] : memref<656xf32, #tpu.memory_space<vmem>> -> memref<648xf32, #tpu.memory_space<vmem>>
      %dma_start3A_165 = tpu.memref_slice %arg8[%mul3A_12] : memref<10368xf32, #tpu.memory_space<vmem_shared>> -> memref<648xf32, #tpu.memory_space<vmem_shared>>
      %dma_start3A_166 = tpu.memref_slice %arg8[%mul3A_12] : memref<10368xf32, #tpu.memory_space<vmem_shared>> -> memref<648xf32, #tpu.memory_space<vmem_shared>>
      %dma_start3A_167 = arith.constant 0 : i32
      %dma_start3A_168 = tpu.memref_slice %arg7[%dma_start3A_167] : memref<656xf32, #tpu.memory_space<vmem>> -> memref<648xf32, #tpu.memory_space<vmem>>
      tpu.enqueue_dma source(%dma_start3A_168 : memref<648xf32, #tpu.memory_space<vmem>>) target(%dma_start3A_166 : memref<648xf32, #tpu.memory_space<vmem_shared>>) target_semaphore(%run_scoped3A : memref<!tpu.dma_semaphore, #tpu.memory_space<semaphore_mem>>)
      %dma_wait3A = arith.constant 0 : i32
      %dma_wait3A_169 = tpu.memref_slice %arg7[%dma_wait3A] : memref<656xf32, #tpu.memory_space<vmem>> -> memref<648xf32, #tpu.memory_space<vmem>>
      %dma_wait3A_170 = tpu.memref_slice %arg8[%mul3A_12] : memref<10368xf32, #tpu.memory_space<vmem_shared>> -> memref<648xf32, #tpu.memory_space<vmem_shared>>
      %dma_wait3A_171 = tpu.memref_slice %arg8[%mul3A_12] : memref<10368xf32, #tpu.memory_space<vmem_shared>> -> memref<648xf32, #tpu.memory_space<vmem_shared>>
      %dma_wait3A_172 = arith.constant 0 : i32
      %dma_wait3A_173 = tpu.memref_slice %arg7[%dma_wait3A_172] : memref<656xf32, #tpu.memory_space<vmem>> -> memref<648xf32, #tpu.memory_space<vmem>>
      tpu.wait_dma2 semaphore(%run_scoped3A : memref<!tpu.dma_semaphore, #tpu.memory_space<semaphore_mem>>) src(%dma_wait3A_173 : memref<648xf32, #tpu.memory_space<vmem>>) dst(%dma_wait3A_171 : memref<648xf32, #tpu.memory_space<vmem_shared>>)
      tpu.yield
    }) : () -> ()
    %scan3A_13 = arith.constant 0 : i32
    %scan3A_14 = arith.constant 0 : i32
    %scan3A_15 = arith.constant 8 : i32
    %scan3A_16 = arith.addi %scan3A_14, %scan3A_15 : i32
    %scan3A_17 = arith.constant 1 : i32
    %scan3A_18 = scf.for %scan3A_163 = %scan3A_14 to %scan3A_16 step %scan3A_17 iter_args(%scan3A_164 = %scan3A_13) -> (i32)  : i32 {
      %broadcast_in_dim3A_165 = arith.constant 1.000000e+00 : f32
      %broadcast_in_dim3A_166 = vector.broadcast %broadcast_in_dim3A_165 : f32 to vector<16xf32>
      %mul3A_167 = arith.constant 16 : i32
      %mul3A_168 = arith.muli %scan3A_163, %mul3A_167 : i32
      %swap3A_169 = arith.index_cast %mul3A_168 : i32 to index
      %swap3A_170 = tpu.vector_load %arg6[%swap3A_169] {strides = array<i32>} : memref<128xf32, #tpu.memory_space<vmem>>, vector<16xf32>,
      tpu.vector_store %arg6[%swap3A_169], %broadcast_in_dim3A_166 {strides = array<i32>} : memref<128xf32, #tpu.memory_space<vmem>>, vector<16xf32>,
      %scan3A_171 = arith.constant 0 : i32
      scf.yield %scan3A_171 : i32
    }
    %scan3A_19 = arith.constant 8 : i32
    %broadcast_in_dim3A = arith.constant 10240 : i32
    %broadcast_in_dim3A_20 = vector.broadcast %broadcast_in_dim3A : i32 to vector<16xi32>
    %swap3A = arith.constant 78 : i32
    %swap3A_21 = arith.index_cast %swap3A : i32 to index
    %swap3A_22 = arith.constant 16 : index
    %swap3A_23 = tpu.vector_load %arg5[%swap3A_21, %swap3A_22] {strides = array<i32>} : memref<79x128xi32, #tpu.memory_space<vmem>>, vector<16xi32>,
    tpu.vector_store %arg5[%swap3A_21, %swap3A_22], %broadcast_in_dim3A_20 {strides = array<i32>} : memref<79x128xi32, #tpu.memory_space<vmem>>, vector<16xi32>,
    %broadcast_in_dim3A_24 = arith.constant 10240 : i32
    %broadcast_in_dim3A_25 = vector.broadcast %broadcast_in_dim3A_24 : i32 to vector<16xi32>
    %swap3A_26 = arith.constant 78 : i32
    %swap3A_27 = arith.index_cast %swap3A_26 : i32 to index
    %swap3A_28 = arith.constant 32 : index
    %swap3A_29 = tpu.vector_load %arg5[%swap3A_27, %swap3A_28] {strides = array<i32>} : memref<79x128xi32, #tpu.memory_space<vmem>>, vector<16xi32>,
    tpu.vector_store %arg5[%swap3A_27, %swap3A_28], %broadcast_in_dim3A_25 {strides = array<i32>} : memref<79x128xi32, #tpu.memory_space<vmem>>, vector<16xi32>,
    %broadcast_in_dim3A_30 = arith.constant 10240 : i32
    %broadcast_in_dim3A_31 = vector.broadcast %broadcast_in_dim3A_30 : i32 to vector<16xi32>
    %swap3A_32 = arith.constant 78 : i32
    %swap3A_33 = arith.index_cast %swap3A_32 : i32 to index
    %swap3A_34 = arith.constant 48 : index
    %swap3A_35 = tpu.vector_load %arg5[%swap3A_33, %swap3A_34] {strides = array<i32>} : memref<79x128xi32, #tpu.memory_space<vmem>>, vector<16xi32>,
    tpu.vector_store %arg5[%swap3A_33, %swap3A_34], %broadcast_in_dim3A_31 {strides = array<i32>} : memref<79x128xi32, #tpu.memory_space<vmem>>, vector<16xi32>,
    %broadcast_in_dim3A_36 = arith.constant 10240 : i32
    %broadcast_in_dim3A_37 = vector.broadcast %broadcast_in_dim3A_36 : i32 to vector<16xi32>
    %swap3A_38 = arith.constant 78 : i32
    %swap3A_39 = arith.index_cast %swap3A_38 : i32 to index
    %swap3A_40 = arith.constant 64 : index
    %swap3A_41 = tpu.vector_load %arg5[%swap3A_39, %swap3A_40] {strides = array<i32>} : memref<79x128xi32, #tpu.memory_space<vmem>>, vector<16xi32>,
    tpu.vector_store %arg5[%swap3A_39, %swap3A_40], %broadcast_in_dim3A_37 {strides = array<i32>} : memref<79x128xi32, #tpu.memory_space<vmem>>, vector<16xi32>,
    %broadcast_in_dim3A_42 = arith.constant 10240 : i32
    %broadcast_in_dim3A_43 = vector.broadcast %broadcast_in_dim3A_42 : i32 to vector<16xi32>
    %swap3A_44 = arith.constant 78 : i32
    %swap3A_45 = arith.index_cast %swap3A_44 : i32 to index
    %swap3A_46 = arith.constant 80 : index
    %swap3A_47 = tpu.vector_load %arg5[%swap3A_45, %swap3A_46] {strides = array<i32>} : memref<79x128xi32, #tpu.memory_space<vmem>>, vector<16xi32>,
    tpu.vector_store %arg5[%swap3A_45, %swap3A_46], %broadcast_in_dim3A_43 {strides = array<i32>} : memref<79x128xi32, #tpu.memory_space<vmem>>, vector<16xi32>,
    %broadcast_in_dim3A_48 = arith.constant 10240 : i32
    %broadcast_in_dim3A_49 = vector.broadcast %broadcast_in_dim3A_48 : i32 to vector<16xi32>
    %swap3A_50 = arith.constant 78 : i32
    %swap3A_51 = arith.index_cast %swap3A_50 : i32 to index
    %swap3A_52 = arith.constant 96 : index
    %swap3A_53 = tpu.vector_load %arg5[%swap3A_51, %swap3A_52] {strides = array<i32>} : memref<79x128xi32, #tpu.memory_space<vmem>>, vector<16xi32>,
    tpu.vector_store %arg5[%swap3A_51, %swap3A_52], %broadcast_in_dim3A_49 {strides = array<i32>} : memref<79x128xi32, #tpu.memory_space<vmem>>, vector<16xi32>,
    %broadcast_in_dim3A_54 = arith.constant 10240 : i32
    %broadcast_in_dim3A_55 = vector.broadcast %broadcast_in_dim3A_54 : i32 to vector<16xi32>
    %swap3A_56 = arith.constant 78 : i32
    %swap3A_57 = arith.index_cast %swap3A_56 : i32 to index
    %swap3A_58 = arith.constant 112 : index
    %swap3A_59 = tpu.vector_load %arg5[%swap3A_57, %swap3A_58] {strides = array<i32>} : memref<79x128xi32, #tpu.memory_space<vmem>>, vector<16xi32>,
    tpu.vector_store %arg5[%swap3A_57, %swap3A_58], %broadcast_in_dim3A_55 {strides = array<i32>} : memref<79x128xi32, #tpu.memory_space<vmem>>, vector<16xi32>,
    %barrier3A = arith.constant 0 : index
    tpu.barrier barrier_id(%barrier3A)
    %add3A_60 = arith.constant 0 : i32
    %add3A_61 = arith.addi %add3A_4, %add3A_60 : i32
    "tpu.region"() ({
      %run_scoped3A = tpu.sem_alloc : memref<!tpu.dma_semaphore, #tpu.memory_space<semaphore_mem>>
      %dma_start3A_163 = tpu.memref_slice %arg2[%add3A_61] : memref<640000xi32, #tpu.memory_space<hbm>> -> memref<2000xi32, #tpu.memory_space<hbm>>
      %dma_start3A_164 = tpu.memref_slice %arg2[%add3A_61] : memref<640000xi32, #tpu.memory_space<hbm>> -> memref<2000xi32, #tpu.memory_space<hbm>>
      tpu.enqueue_dma source(%dma_start3A_164 : memref<2000xi32, #tpu.memory_space<hbm>>) target(%arg4 : memref<2000xi32, #tpu.memory_space<vmem>>) target_semaphore(%run_scoped3A : memref<!tpu.dma_semaphore, #tpu.memory_space<semaphore_mem>>)
      %dma_wait3A = tpu.memref_slice %arg2[%add3A_61] : memref<640000xi32, #tpu.memory_space<hbm>> -> memref<2000xi32, #tpu.memory_space<hbm>>
      %dma_wait3A_165 = tpu.memref_slice %arg2[%add3A_61] : memref<640000xi32, #tpu.memory_space<hbm>> -> memref<2000xi32, #tpu.memory_space<hbm>>
      tpu.wait_dma2 semaphore(%run_scoped3A : memref<!tpu.dma_semaphore, #tpu.memory_space<semaphore_mem>>) src(%dma_wait3A_165 : memref<2000xi32, #tpu.memory_space<hbm>>) dst(%arg4 : memref<2000xi32, #tpu.memory_space<vmem>>)
      tpu.yield
    }) : () -> ()
    %scan3A_62 = arith.constant 0 : i32
    %scan3A_63 = arith.constant 0 : i32
    %scan3A_64 = arith.constant 25 : i32
    %scan3A_65 = arith.addi %scan3A_63, %scan3A_64 : i32
    %scan3A_66 = arith.constant 1 : i32
    %scan3A_67 = scf.for %scan3A_163 = %scan3A_63 to %scan3A_65 step %scan3A_66 iter_args(%scan3A_164 = %scan3A_62) -> (i32)  : i32 {
      %mul3A_165 = arith.constant 5 : i32
      %mul3A_166 = arith.muli %scan3A_163, %mul3A_165 : i32
      %add3A_167 = arith.constant 0 : i32
      %add3A_168 = arith.addi %mul3A_166, %add3A_167 : i32
      %add3A_169 = arith.constant 0 : i32
      %add3A_170 = arith.addi %add3A_169, %add3A_168 : i32
      %mul3A_171 = arith.constant 16 : i32
      %mul3A_172 = arith.muli %add3A_168, %mul3A_171 : i32
      %get3A = arith.index_cast %mul3A_172 : i32 to index
      %get3A_173 = tpu.vector_load %arg4[%get3A] {strides = array<i32>} : memref<2000xi32, #tpu.memory_space<vmem>>, vector<16xi32>,
      %shift_right_arithmetic3A = arith.constant 3 : i32
      %shift_right_arithmetic3A_174 = arith.shrsi %add3A_170, %shift_right_arithmetic3A : i32
      %and3A = arith.constant 7 : i32
      %and3A_175 = arith.andi %add3A_170, %and3A : i32
      %mul3A_176 = arith.constant 16 : i32
      %mul3A_177 = arith.muli %and3A_175, %mul3A_176 : i32
      %swap3A_178 = arith.index_cast %shift_right_arithmetic3A_174 : i32 to index
      %swap3A_179 = arith.index_cast %mul3A_177 : i32 to index
      %swap3A_180 = tpu.vector_load %arg5[%swap3A_178, %swap3A_179] {strides = array<i32>} : memref<79x128xi32, #tpu.memory_space<vmem>>, vector<16xi32>,
      tpu.vector_store %arg5[%swap3A_178, %swap3A_179], %get3A_173 {strides = array<i32>} : memref<79x128xi32, #tpu.memory_space<vmem>>, vector<16xi32>,
      %mul3A_181 = arith.constant 5 : i32
      %mul3A_182 = arith.muli %scan3A_163, %mul3A_181 : i32
      %add3A_183 = arith.constant 1 : i32
      %add3A_184 = arith.addi %mul3A_182, %add3A_183 : i32
      %add3A_185 = arith.constant 0 : i32
      %add3A_186 = arith.addi %add3A_185, %add3A_184 : i32
      %mul3A_187 = arith.constant 16 : i32
      %mul3A_188 = arith.muli %add3A_184, %mul3A_187 : i32
      %get3A_189 = arith.index_cast %mul3A_188 : i32 to index
      %get3A_190 = tpu.vector_load %arg4[%get3A_189] {strides = array<i32>} : memref<2000xi32, #tpu.memory_space<vmem>>, vector<16xi32>,
      %shift_right_arithmetic3A_191 = arith.constant 3 : i32
      %shift_right_arithmetic3A_192 = arith.shrsi %add3A_186, %shift_right_arithmetic3A_191 : i32
      %and3A_193 = arith.constant 7 : i32
      %and3A_194 = arith.andi %add3A_186, %and3A_193 : i32
      %mul3A_195 = arith.constant 16 : i32
      %mul3A_196 = arith.muli %and3A_194, %mul3A_195 : i32
      %swap3A_197 = arith.index_cast %shift_right_arithmetic3A_192 : i32 to index
      %swap3A_198 = arith.index_cast %mul3A_196 : i32 to index
      %swap3A_199 = tpu.vector_load %arg5[%swap3A_197, %swap3A_198] {strides = array<i32>} : memref<79x128xi32, #tpu.memory_space<vmem>>, vector<16xi32>,
      tpu.vector_store %arg5[%swap3A_197, %swap3A_198], %get3A_190 {strides = array<i32>} : memref<79x128xi32, #tpu.memory_space<vmem>>, vector<16xi32>,
      %mul3A_200 = arith.constant 5 : i32
      %mul3A_201 = arith.muli %scan3A_163, %mul3A_200 : i32
      %add3A_202 = arith.constant 2 : i32
      %add3A_203 = arith.addi %mul3A_201, %add3A_202 : i32
      %add3A_204 = arith.constant 0 : i32
      %add3A_205 = arith.addi %add3A_204, %add3A_203 : i32
      %mul3A_206 = arith.constant 16 : i32
      %mul3A_207 = arith.muli %add3A_203, %mul3A_206 : i32
      %get3A_208 = arith.index_cast %mul3A_207 : i32 to index
      %get3A_209 = tpu.vector_load %arg4[%get3A_208] {strides = array<i32>} : memref<2000xi32, #tpu.memory_space<vmem>>, vector<16xi32>,
      %shift_right_arithmetic3A_210 = arith.constant 3 : i32
      %shift_right_arithmetic3A_211 = arith.shrsi %add3A_205, %shift_right_arithmetic3A_210 : i32
      %and3A_212 = arith.constant 7 : i32
      %and3A_213 = arith.andi %add3A_205, %and3A_212 : i32
      %mul3A_214 = arith.constant 16 : i32
      %mul3A_215 = arith.muli %and3A_213, %mul3A_214 : i32
      %swap3A_216 = arith.index_cast %shift_right_arithmetic3A_211 : i32 to index
      %swap3A_217 = arith.index_cast %mul3A_215 : i32 to index
      %swap3A_218 = tpu.vector_load %arg5[%swap3A_216, %swap3A_217] {strides = array<i32>} : memref<79x128xi32, #tpu.memory_space<vmem>>, vector<16xi32>,
      tpu.vector_store %arg5[%swap3A_216, %swap3A_217], %get3A_209 {strides = array<i32>} : memref<79x128xi32, #tpu.memory_space<vmem>>, vector<16xi32>,
      %mul3A_219 = arith.constant 5 : i32
      %mul3A_220 = arith.muli %scan3A_163, %mul3A_219 : i32
      %add3A_221 = arith.constant 3 : i32
      %add3A_222 = arith.addi %mul3A_220, %add3A_221 : i32
      %add3A_223 = arith.constant 0 : i32
      %add3A_224 = arith.addi %add3A_223, %add3A_222 : i32
      %mul3A_225 = arith.constant 16 : i32
      %mul3A_226 = arith.muli %add3A_222, %mul3A_225 : i32
      %get3A_227 = arith.index_cast %mul3A_226 : i32 to index
      %get3A_228 = tpu.vector_load %arg4[%get3A_227] {strides = array<i32>} : memref<2000xi32, #tpu.memory_space<vmem>>, vector<16xi32>,
      %shift_right_arithmetic3A_229 = arith.constant 3 : i32
      %shift_right_arithmetic3A_230 = arith.shrsi %add3A_224, %shift_right_arithmetic3A_229 : i32
      %and3A_231 = arith.constant 7 : i32
      %and3A_232 = arith.andi %add3A_224, %and3A_231 : i32
      %mul3A_233 = arith.constant 16 : i32
      %mul3A_234 = arith.muli %and3A_232, %mul3A_233 : i32
      %swap3A_235 = arith.index_cast %shift_right_arithmetic3A_230 : i32 to index
      %swap3A_236 = arith.index_cast %mul3A_234 : i32 to index
      %swap3A_237 = tpu.vector_load %arg5[%swap3A_235, %swap3A_236] {strides = array<i32>} : memref<79x128xi32, #tpu.memory_space<vmem>>, vector<16xi32>,
      tpu.vector_store %arg5[%swap3A_235, %swap3A_236], %get3A_228 {strides = array<i32>} : memref<79x128xi32, #tpu.memory_space<vmem>>, vector<16xi32>,
      %mul3A_238 = arith.constant 5 : i32
      %mul3A_239 = arith.muli %scan3A_163, %mul3A_238 : i32
      %add3A_240 = arith.constant 4 : i32
      %add3A_241 = arith.addi %mul3A_239, %add3A_240 : i32
      %add3A_242 = arith.constant 0 : i32
      %add3A_243 = arith.addi %add3A_242, %add3A_241 : i32
      %mul3A_244 = arith.constant 16 : i32
      %mul3A_245 = arith.muli %add3A_241, %mul3A_244 : i32
      %get3A_246 = arith.index_cast %mul3A_245 : i32 to index
      %get3A_247 = tpu.vector_load %arg4[%get3A_246] {strides = array<i32>} : memref<2000xi32, #tpu.memory_space<vmem>>, vector<16xi32>,
      %shift_right_arithmetic3A_248 = arith.constant 3 : i32
      %shift_right_arithmetic3A_249 = arith.shrsi %add3A_243, %shift_right_arithmetic3A_248 : i32
      %and3A_250 = arith.constant 7 : i32
      %and3A_251 = arith.andi %add3A_243, %and3A_250 : i32
      %mul3A_252 = arith.constant 16 : i32
      %mul3A_253 = arith.muli %and3A_251, %mul3A_252 : i32
      %swap3A_254 = arith.index_cast %shift_right_arithmetic3A_249 : i32 to index
      %swap3A_255 = arith.index_cast %mul3A_253 : i32 to index
      %swap3A_256 = tpu.vector_load %arg5[%swap3A_254, %swap3A_255] {strides = array<i32>} : memref<79x128xi32, #tpu.memory_space<vmem>>, vector<16xi32>,
      tpu.vector_store %arg5[%swap3A_254, %swap3A_255], %get3A_247 {strides = array<i32>} : memref<79x128xi32, #tpu.memory_space<vmem>>, vector<16xi32>,
      %scan3A_257 = arith.constant 0 : i32
      scf.yield %scan3A_257 : i32
    }
    %scan3A_68 = arith.constant 25 : i32
    %scan3A_69 = arith.constant 0 : i32
    %scan3A_70 = arith.constant 0 : i32
    %scan3A_71 = arith.constant 15 : i32
    %scan3A_72 = arith.addi %scan3A_70, %scan3A_71 : i32
    %scan3A_73 = arith.constant 1 : i32
    %scan3A_74 = scf.for %scan3A_163 = %scan3A_70 to %scan3A_72 step %scan3A_73 iter_args(%scan3A_164 = %scan3A_69) -> (i32)  : i32 {
      %dma_start3A_165 = arith.constant 0 : i32
      %dma_start3A_166 = tpu.memref_slice %arg5[%scan3A_163, %dma_start3A_165] : memref<79x128xi32, #tpu.memory_space<vmem>> -> memref<1x128xi32, #tpu.memory_space<vmem>>
      %dma_start3A_167 = tpu.memref_squeeze %dma_start3A_166 : memref<1x128xi32, #tpu.memory_space<vmem>> -> memref<128xi32, #tpu.memory_space<vmem>>
      %dma_start3A_168 = arith.constant 0 : i32
      %dma_start3A_169 = tpu.memref_slice %arg8[%dma_start3A_168] : memref<10368xf32, #tpu.memory_space<vmem_shared>> -> memref<10368xf32, #tpu.memory_space<vmem_shared>>
      tpu.enqueue_indirect_dma source(%arg6 : memref<128xf32, #tpu.memory_space<vmem>>) target(%dma_start3A_169 : memref<10368xf32, #tpu.memory_space<vmem_shared>>) offsets(%dma_start3A_167 : memref<128xi32, #tpu.memory_space<vmem>>) semaphore(%arg9 : memref<!tpu.dma_semaphore, #tpu.memory_space<semaphore_mem>>) {add = true}
      %scan3A_170 = arith.constant 0 : i32
      scf.yield %scan3A_170 : i32
    }
    %scan3A_75 = arith.constant 15 : i32
    %add3A_76 = arith.constant 2000 : i32
    %add3A_77 = arith.addi %add3A_4, %add3A_76 : i32
    "tpu.region"() ({
      %run_scoped3A = tpu.sem_alloc : memref<!tpu.dma_semaphore, #tpu.memory_space<semaphore_mem>>
      %dma_start3A_163 = tpu.memref_slice %arg2[%add3A_77] : memref<640000xi32, #tpu.memory_space<hbm>> -> memref<2000xi32, #tpu.memory_space<hbm>>
      %dma_start3A_164 = tpu.memref_slice %arg2[%add3A_77] : memref<640000xi32, #tpu.memory_space<hbm>> -> memref<2000xi32, #tpu.memory_space<hbm>>
      tpu.enqueue_dma source(%dma_start3A_164 : memref<2000xi32, #tpu.memory_space<hbm>>) target(%arg4 : memref<2000xi32, #tpu.memory_space<vmem>>) target_semaphore(%run_scoped3A : memref<!tpu.dma_semaphore, #tpu.memory_space<semaphore_mem>>)
      %dma_wait3A = tpu.memref_slice %arg2[%add3A_77] : memref<640000xi32, #tpu.memory_space<hbm>> -> memref<2000xi32, #tpu.memory_space<hbm>>
      %dma_wait3A_165 = tpu.memref_slice %arg2[%add3A_77] : memref<640000xi32, #tpu.memory_space<hbm>> -> memref<2000xi32, #tpu.memory_space<hbm>>
      tpu.wait_dma2 semaphore(%run_scoped3A : memref<!tpu.dma_semaphore, #tpu.memory_space<semaphore_mem>>) src(%dma_wait3A_165 : memref<2000xi32, #tpu.memory_space<hbm>>) dst(%arg4 : memref<2000xi32, #tpu.memory_space<vmem>>)
      tpu.yield
    }) : () -> ()
    %scan3A_78 = arith.constant 0 : i32
    %scan3A_79 = arith.constant 0 : i32
    %scan3A_80 = arith.constant 25 : i32
    %scan3A_81 = arith.addi %scan3A_79, %scan3A_80 : i32
    %scan3A_82 = arith.constant 1 : i32
    %scan3A_83 = scf.for %scan3A_163 = %scan3A_79 to %scan3A_81 step %scan3A_82 iter_args(%scan3A_164 = %scan3A_78) -> (i32)  : i32 {
      %mul3A_165 = arith.constant 5 : i32
      %mul3A_166 = arith.muli %scan3A_163, %mul3A_165 : i32
      %add3A_167 = arith.constant 0 : i32
      %add3A_168 = arith.addi %mul3A_166, %add3A_167 : i32
      %add3A_169 = arith.constant 125 : i32
      %add3A_170 = arith.addi %add3A_169, %add3A_168 : i32
      %mul3A_171 = arith.constant 16 : i32
      %mul3A_172 = arith.muli %add3A_168, %mul3A_171 : i32
      %get3A = arith.index_cast %mul3A_172 : i32 to index
      %get3A_173 = tpu.vector_load %arg4[%get3A] {strides = array<i32>} : memref<2000xi32, #tpu.memory_space<vmem>>, vector<16xi32>,
      %shift_right_arithmetic3A = arith.constant 3 : i32
      %shift_right_arithmetic3A_174 = arith.shrsi %add3A_170, %shift_right_arithmetic3A : i32
      %and3A = arith.constant 7 : i32
      %and3A_175 = arith.andi %add3A_170, %and3A : i32
      %mul3A_176 = arith.constant 16 : i32
      %mul3A_177 = arith.muli %and3A_175, %mul3A_176 : i32
      %swap3A_178 = arith.index_cast %shift_right_arithmetic3A_174 : i32 to index
      %swap3A_179 = arith.index_cast %mul3A_177 : i32 to index
      %swap3A_180 = tpu.vector_load %arg5[%swap3A_178, %swap3A_179] {strides = array<i32>} : memref<79x128xi32, #tpu.memory_space<vmem>>, vector<16xi32>,
      tpu.vector_store %arg5[%swap3A_178, %swap3A_179], %get3A_173 {strides = array<i32>} : memref<79x128xi32, #tpu.memory_space<vmem>>, vector<16xi32>,
      %mul3A_181 = arith.constant 5 : i32
      %mul3A_182 = arith.muli %scan3A_163, %mul3A_181 : i32
      %add3A_183 = arith.constant 1 : i32
      %add3A_184 = arith.addi %mul3A_182, %add3A_183 : i32
      %add3A_185 = arith.constant 125 : i32
      %add3A_186 = arith.addi %add3A_185, %add3A_184 : i32
      %mul3A_187 = arith.constant 16 : i32
      %mul3A_188 = arith.muli %add3A_184, %mul3A_187 : i32
      %get3A_189 = arith.index_cast %mul3A_188 : i32 to index
      %get3A_190 = tpu.vector_load %arg4[%get3A_189] {strides = array<i32>} : memref<2000xi32, #tpu.memory_space<vmem>>, vector<16xi32>,
      %shift_right_arithmetic3A_191 = arith.constant 3 : i32
      %shift_right_arithmetic3A_192 = arith.shrsi %add3A_186, %shift_right_arithmetic3A_191 : i32
      %and3A_193 = arith.constant 7 : i32
      %and3A_194 = arith.andi %add3A_186, %and3A_193 : i32
      %mul3A_195 = arith.constant 16 : i32
      %mul3A_196 = arith.muli %and3A_194, %mul3A_195 : i32
      %swap3A_197 = arith.index_cast %shift_right_arithmetic3A_192 : i32 to index
      %swap3A_198 = arith.index_cast %mul3A_196 : i32 to index
      %swap3A_199 = tpu.vector_load %arg5[%swap3A_197, %swap3A_198] {strides = array<i32>} : memref<79x128xi32, #tpu.memory_space<vmem>>, vector<16xi32>,
      tpu.vector_store %arg5[%swap3A_197, %swap3A_198], %get3A_190 {strides = array<i32>} : memref<79x128xi32, #tpu.memory_space<vmem>>, vector<16xi32>,
      %mul3A_200 = arith.constant 5 : i32
      %mul3A_201 = arith.muli %scan3A_163, %mul3A_200 : i32
      %add3A_202 = arith.constant 2 : i32
      %add3A_203 = arith.addi %mul3A_201, %add3A_202 : i32
      %add3A_204 = arith.constant 125 : i32
      %add3A_205 = arith.addi %add3A_204, %add3A_203 : i32
      %mul3A_206 = arith.constant 16 : i32
      %mul3A_207 = arith.muli %add3A_203, %mul3A_206 : i32
      %get3A_208 = arith.index_cast %mul3A_207 : i32 to index
      %get3A_209 = tpu.vector_load %arg4[%get3A_208] {strides = array<i32>} : memref<2000xi32, #tpu.memory_space<vmem>>, vector<16xi32>,
      %shift_right_arithmetic3A_210 = arith.constant 3 : i32
      %shift_right_arithmetic3A_211 = arith.shrsi %add3A_205, %shift_right_arithmetic3A_210 : i32
      %and3A_212 = arith.constant 7 : i32
      %and3A_213 = arith.andi %add3A_205, %and3A_212 : i32
      %mul3A_214 = arith.constant 16 : i32
      %mul3A_215 = arith.muli %and3A_213, %mul3A_214 : i32
      %swap3A_216 = arith.index_cast %shift_right_arithmetic3A_211 : i32 to index
      %swap3A_217 = arith.index_cast %mul3A_215 : i32 to index
      %swap3A_218 = tpu.vector_load %arg5[%swap3A_216, %swap3A_217] {strides = array<i32>} : memref<79x128xi32, #tpu.memory_space<vmem>>, vector<16xi32>,
      tpu.vector_store %arg5[%swap3A_216, %swap3A_217], %get3A_209 {strides = array<i32>} : memref<79x128xi32, #tpu.memory_space<vmem>>, vector<16xi32>,
      %mul3A_219 = arith.constant 5 : i32
      %mul3A_220 = arith.muli %scan3A_163, %mul3A_219 : i32
      %add3A_221 = arith.constant 3 : i32
      %add3A_222 = arith.addi %mul3A_220, %add3A_221 : i32
      %add3A_223 = arith.constant 125 : i32
      %add3A_224 = arith.addi %add3A_223, %add3A_222 : i32
      %mul3A_225 = arith.constant 16 : i32
      %mul3A_226 = arith.muli %add3A_222, %mul3A_225 : i32
      %get3A_227 = arith.index_cast %mul3A_226 : i32 to index
      %get3A_228 = tpu.vector_load %arg4[%get3A_227] {strides = array<i32>} : memref<2000xi32, #tpu.memory_space<vmem>>, vector<16xi32>,
      %shift_right_arithmetic3A_229 = arith.constant 3 : i32
      %shift_right_arithmetic3A_230 = arith.shrsi %add3A_224, %shift_right_arithmetic3A_229 : i32
      %and3A_231 = arith.constant 7 : i32
      %and3A_232 = arith.andi %add3A_224, %and3A_231 : i32
      %mul3A_233 = arith.constant 16 : i32
      %mul3A_234 = arith.muli %and3A_232, %mul3A_233 : i32
      %swap3A_235 = arith.index_cast %shift_right_arithmetic3A_230 : i32 to index
      %swap3A_236 = arith.index_cast %mul3A_234 : i32 to index
      %swap3A_237 = tpu.vector_load %arg5[%swap3A_235, %swap3A_236] {strides = array<i32>} : memref<79x128xi32, #tpu.memory_space<vmem>>, vector<16xi32>,
      tpu.vector_store %arg5[%swap3A_235, %swap3A_236], %get3A_228 {strides = array<i32>} : memref<79x128xi32, #tpu.memory_space<vmem>>, vector<16xi32>,
      %mul3A_238 = arith.constant 5 : i32
      %mul3A_239 = arith.muli %scan3A_163, %mul3A_238 : i32
      %add3A_240 = arith.constant 4 : i32
      %add3A_241 = arith.addi %mul3A_239, %add3A_240 : i32
      %add3A_242 = arith.constant 125 : i32
      %add3A_243 = arith.addi %add3A_242, %add3A_241 : i32
      %mul3A_244 = arith.constant 16 : i32
      %mul3A_245 = arith.muli %add3A_241, %mul3A_244 : i32
      %get3A_246 = arith.index_cast %mul3A_245 : i32 to index
      %get3A_247 = tpu.vector_load %arg4[%get3A_246] {strides = array<i32>} : memref<2000xi32, #tpu.memory_space<vmem>>, vector<16xi32>,
      %shift_right_arithmetic3A_248 = arith.constant 3 : i32
      %shift_right_arithmetic3A_249 = arith.shrsi %add3A_243, %shift_right_arithmetic3A_248 : i32
      %and3A_250 = arith.constant 7 : i32
      %and3A_251 = arith.andi %add3A_243, %and3A_250 : i32
      %mul3A_252 = arith.constant 16 : i32
      %mul3A_253 = arith.muli %and3A_251, %mul3A_252 : i32
      %swap3A_254 = arith.index_cast %shift_right_arithmetic3A_249 : i32 to index
      %swap3A_255 = arith.index_cast %mul3A_253 : i32 to index
      %swap3A_256 = tpu.vector_load %arg5[%swap3A_254, %swap3A_255] {strides = array<i32>} : memref<79x128xi32, #tpu.memory_space<vmem>>, vector<16xi32>,
      tpu.vector_store %arg5[%swap3A_254, %swap3A_255], %get3A_247 {strides = array<i32>} : memref<79x128xi32, #tpu.memory_space<vmem>>, vector<16xi32>,
      %scan3A_257 = arith.constant 0 : i32
      scf.yield %scan3A_257 : i32
    }
    %scan3A_84 = arith.constant 25 : i32
    %scan3A_85 = arith.constant 0 : i32
    %scan3A_86 = arith.constant 15 : i32
    %scan3A_87 = arith.constant 16 : i32
    %scan3A_88 = arith.addi %scan3A_86, %scan3A_87 : i32
    %scan3A_89 = arith.constant 1 : i32
    %scan3A_90 = scf.for %scan3A_163 = %scan3A_86 to %scan3A_88 step %scan3A_89 iter_args(%scan3A_164 = %scan3A_85) -> (i32)  : i32 {
      %dma_start3A_165 = arith.constant 0 : i32
      %dma_start3A_166 = tpu.memref_slice %arg5[%scan3A_163, %dma_start3A_165] : memref<79x128xi32, #tpu.memory_space<vmem>> -> memref<1x128xi32, #tpu.memory_space<vmem>>
      %dma_start3A_167 = tpu.memref_squeeze %dma_start3A_166 : memref<1x128xi32, #tpu.memory_space<vmem>> -> memref<128xi32, #tpu.memory_space<vmem>>
      %dma_start3A_168 = arith.constant 0 : i32
      %dma_start3A_169 = tpu.memref_slice %arg8[%dma_start3A_168] : memref<10368xf32, #tpu.memory_space<vmem_shared>> -> memref<10368xf32, #tpu.memory_space<vmem_shared>>
      tpu.enqueue_indirect_dma source(%arg6 : memref<128xf32, #tpu.memory_space<vmem>>) target(%dma_start3A_169 : memref<10368xf32, #tpu.memory_space<vmem_shared>>) offsets(%dma_start3A_167 : memref<128xi32, #tpu.memory_space<vmem>>) semaphore(%arg9 : memref<!tpu.dma_semaphore, #tpu.memory_space<semaphore_mem>>) {add = true}
      %scan3A_170 = arith.constant 0 : i32
      scf.yield %scan3A_170 : i32
    }
    %scan3A_91 = arith.constant 16 : i32
    %add3A_92 = arith.constant 4000 : i32
    %add3A_93 = arith.addi %add3A_4, %add3A_92 : i32
    "tpu.region"() ({
      %run_scoped3A = tpu.sem_alloc : memref<!tpu.dma_semaphore, #tpu.memory_space<semaphore_mem>>
      %dma_start3A_163 = tpu.memref_slice %arg2[%add3A_93] : memref<640000xi32, #tpu.memory_space<hbm>> -> memref<2000xi32, #tpu.memory_space<hbm>>
      %dma_start3A_164 = tpu.memref_slice %arg2[%add3A_93] : memref<640000xi32, #tpu.memory_space<hbm>> -> memref<2000xi32, #tpu.memory_space<hbm>>
      tpu.enqueue_dma source(%dma_start3A_164 : memref<2000xi32, #tpu.memory_space<hbm>>) target(%arg4 : memref<2000xi32, #tpu.memory_space<vmem>>) target_semaphore(%run_scoped3A : memref<!tpu.dma_semaphore, #tpu.memory_space<semaphore_mem>>)
      %dma_wait3A = tpu.memref_slice %arg2[%add3A_93] : memref<640000xi32, #tpu.memory_space<hbm>> -> memref<2000xi32, #tpu.memory_space<hbm>>
      %dma_wait3A_165 = tpu.memref_slice %arg2[%add3A_93] : memref<640000xi32, #tpu.memory_space<hbm>> -> memref<2000xi32, #tpu.memory_space<hbm>>
      tpu.wait_dma2 semaphore(%run_scoped3A : memref<!tpu.dma_semaphore, #tpu.memory_space<semaphore_mem>>) src(%dma_wait3A_165 : memref<2000xi32, #tpu.memory_space<hbm>>) dst(%arg4 : memref<2000xi32, #tpu.memory_space<vmem>>)
      tpu.yield
    }) : () -> ()
    %scan3A_94 = arith.constant 0 : i32
    %scan3A_95 = arith.constant 0 : i32
    %scan3A_96 = arith.constant 25 : i32
    %scan3A_97 = arith.addi %scan3A_95, %scan3A_96 : i32
    %scan3A_98 = arith.constant 1 : i32
    %scan3A_99 = scf.for %scan3A_163 = %scan3A_95 to %scan3A_97 step %scan3A_98 iter_args(%scan3A_164 = %scan3A_94) -> (i32)  : i32 {
      %mul3A_165 = arith.constant 5 : i32
      %mul3A_166 = arith.muli %scan3A_163, %mul3A_165 : i32
      %add3A_167 = arith.constant 0 : i32
      %add3A_168 = arith.addi %mul3A_166, %add3A_167 : i32
      %add3A_169 = arith.constant 250 : i32
      %add3A_170 = arith.addi %add3A_169, %add3A_168 : i32
      %mul3A_171 = arith.constant 16 : i32
      %mul3A_172 = arith.muli %add3A_168, %mul3A_171 : i32
      %get3A = arith.index_cast %mul3A_172 : i32 to index
      %get3A_173 = tpu.vector_load %arg4[%get3A] {strides = array<i32>} : memref<2000xi32, #tpu.memory_space<vmem>>, vector<16xi32>,
      %shift_right_arithmetic3A = arith.constant 3 : i32
      %shift_right_arithmetic3A_174 = arith.shrsi %add3A_170, %shift_right_arithmetic3A : i32
      %and3A = arith.constant 7 : i32
      %and3A_175 = arith.andi %add3A_170, %and3A : i32
      %mul3A_176 = arith.constant 16 : i32
      %mul3A_177 = arith.muli %and3A_175, %mul3A_176 : i32
      %swap3A_178 = arith.index_cast %shift_right_arithmetic3A_174 : i32 to index
      %swap3A_179 = arith.index_cast %mul3A_177 : i32 to index
      %swap3A_180 = tpu.vector_load %arg5[%swap3A_178, %swap3A_179] {strides = array<i32>} : memref<79x128xi32, #tpu.memory_space<vmem>>, vector<16xi32>,
      tpu.vector_store %arg5[%swap3A_178, %swap3A_179], %get3A_173 {strides = array<i32>} : memref<79x128xi32, #tpu.memory_space<vmem>>, vector<16xi32>,
      %mul3A_181 = arith.constant 5 : i32
      %mul3A_182 = arith.muli %scan3A_163, %mul3A_181 : i32
      %add3A_183 = arith.constant 1 : i32
      %add3A_184 = arith.addi %mul3A_182, %add3A_183 : i32
      %add3A_185 = arith.constant 250 : i32
      %add3A_186 = arith.addi %add3A_185, %add3A_184 : i32
      %mul3A_187 = arith.constant 16 : i32
      %mul3A_188 = arith.muli %add3A_184, %mul3A_187 : i32
      %get3A_189 = arith.index_cast %mul3A_188 : i32 to index
      %get3A_190 = tpu.vector_load %arg4[%get3A_189] {strides = array<i32>} : memref<2000xi32, #tpu.memory_space<vmem>>, vector<16xi32>,
      %shift_right_arithmetic3A_191 = arith.constant 3 : i32
      %shift_right_arithmetic3A_192 = arith.shrsi %add3A_186, %shift_right_arithmetic3A_191 : i32
      %and3A_193 = arith.constant 7 : i32
      %and3A_194 = arith.andi %add3A_186, %and3A_193 : i32
      %mul3A_195 = arith.constant 16 : i32
      %mul3A_196 = arith.muli %and3A_194, %mul3A_195 : i32
      %swap3A_197 = arith.index_cast %shift_right_arithmetic3A_192 : i32 to index
      %swap3A_198 = arith.index_cast %mul3A_196 : i32 to index
      %swap3A_199 = tpu.vector_load %arg5[%swap3A_197, %swap3A_198] {strides = array<i32>} : memref<79x128xi32, #tpu.memory_space<vmem>>, vector<16xi32>,
      tpu.vector_store %arg5[%swap3A_197, %swap3A_198], %get3A_190 {strides = array<i32>} : memref<79x128xi32, #tpu.memory_space<vmem>>, vector<16xi32>,
      %mul3A_200 = arith.constant 5 : i32
      %mul3A_201 = arith.muli %scan3A_163, %mul3A_200 : i32
      %add3A_202 = arith.constant 2 : i32
      %add3A_203 = arith.addi %mul3A_201, %add3A_202 : i32
      %add3A_204 = arith.constant 250 : i32
      %add3A_205 = arith.addi %add3A_204, %add3A_203 : i32
      %mul3A_206 = arith.constant 16 : i32
      %mul3A_207 = arith.muli %add3A_203, %mul3A_206 : i32
      %get3A_208 = arith.index_cast %mul3A_207 : i32 to index
      %get3A_209 = tpu.vector_load %arg4[%get3A_208] {strides = array<i32>} : memref<2000xi32, #tpu.memory_space<vmem>>, vector<16xi32>,
      %shift_right_arithmetic3A_210 = arith.constant 3 : i32
      %shift_right_arithmetic3A_211 = arith.shrsi %add3A_205, %shift_right_arithmetic3A_210 : i32
      %and3A_212 = arith.constant 7 : i32
      %and3A_213 = arith.andi %add3A_205, %and3A_212 : i32
      %mul3A_214 = arith.constant 16 : i32
      %mul3A_215 = arith.muli %and3A_213, %mul3A_214 : i32
      %swap3A_216 = arith.index_cast %shift_right_arithmetic3A_211 : i32 to index
      %swap3A_217 = arith.index_cast %mul3A_215 : i32 to index
      %swap3A_218 = tpu.vector_load %arg5[%swap3A_216, %swap3A_217] {strides = array<i32>} : memref<79x128xi32, #tpu.memory_space<vmem>>, vector<16xi32>,
      tpu.vector_store %arg5[%swap3A_216, %swap3A_217], %get3A_209 {strides = array<i32>} : memref<79x128xi32, #tpu.memory_space<vmem>>, vector<16xi32>,
      %mul3A_219 = arith.constant 5 : i32
      %mul3A_220 = arith.muli %scan3A_163, %mul3A_219 : i32
      %add3A_221 = arith.constant 3 : i32
      %add3A_222 = arith.addi %mul3A_220, %add3A_221 : i32
      %add3A_223 = arith.constant 250 : i32
      %add3A_224 = arith.addi %add3A_223, %add3A_222 : i32
      %mul3A_225 = arith.constant 16 : i32
      %mul3A_226 = arith.muli %add3A_222, %mul3A_225 : i32
      %get3A_227 = arith.index_cast %mul3A_226 : i32 to index
      %get3A_228 = tpu.vector_load %arg4[%get3A_227] {strides = array<i32>} : memref<2000xi32, #tpu.memory_space<vmem>>, vector<16xi32>,
      %shift_right_arithmetic3A_229 = arith.constant 3 : i32
      %shift_right_arithmetic3A_230 = arith.shrsi %add3A_224, %shift_right_arithmetic3A_229 : i32
      %and3A_231 = arith.constant 7 : i32
      %and3A_232 = arith.andi %add3A_224, %and3A_231 : i32
      %mul3A_233 = arith.constant 16 : i32
      %mul3A_234 = arith.muli %and3A_232, %mul3A_233 : i32
      %swap3A_235 = arith.index_cast %shift_right_arithmetic3A_230 : i32 to index
      %swap3A_236 = arith.index_cast %mul3A_234 : i32 to index
      %swap3A_237 = tpu.vector_load %arg5[%swap3A_235, %swap3A_236] {strides = array<i32>} : memref<79x128xi32, #tpu.memory_space<vmem>>, vector<16xi32>,
      tpu.vector_store %arg5[%swap3A_235, %swap3A_236], %get3A_228 {strides = array<i32>} : memref<79x128xi32, #tpu.memory_space<vmem>>, vector<16xi32>,
      %mul3A_238 = arith.constant 5 : i32
      %mul3A_239 = arith.muli %scan3A_163, %mul3A_238 : i32
      %add3A_240 = arith.constant 4 : i32
      %add3A_241 = arith.addi %mul3A_239, %add3A_240 : i32
      %add3A_242 = arith.constant 250 : i32
      %add3A_243 = arith.addi %add3A_242, %add3A_241 : i32
      %mul3A_244 = arith.constant 16 : i32
      %mul3A_245 = arith.muli %add3A_241, %mul3A_244 : i32
      %get3A_246 = arith.index_cast %mul3A_245 : i32 to index
      %get3A_247 = tpu.vector_load %arg4[%get3A_246] {strides = array<i32>} : memref<2000xi32, #tpu.memory_space<vmem>>, vector<16xi32>,
      %shift_right_arithmetic3A_248 = arith.constant 3 : i32
      %shift_right_arithmetic3A_249 = arith.shrsi %add3A_243, %shift_right_arithmetic3A_248 : i32
      %and3A_250 = arith.constant 7 : i32
      %and3A_251 = arith.andi %add3A_243, %and3A_250 : i32
      %mul3A_252 = arith.constant 16 : i32
      %mul3A_253 = arith.muli %and3A_251, %mul3A_252 : i32
      %swap3A_254 = arith.index_cast %shift_right_arithmetic3A_249 : i32 to index
      %swap3A_255 = arith.index_cast %mul3A_253 : i32 to index
      %swap3A_256 = tpu.vector_load %arg5[%swap3A_254, %swap3A_255] {strides = array<i32>} : memref<79x128xi32, #tpu.memory_space<vmem>>, vector<16xi32>,
      tpu.vector_store %arg5[%swap3A_254, %swap3A_255], %get3A_247 {strides = array<i32>} : memref<79x128xi32, #tpu.memory_space<vmem>>, vector<16xi32>,
      %scan3A_257 = arith.constant 0 : i32
      scf.yield %scan3A_257 : i32
    }
    %scan3A_100 = arith.constant 25 : i32
    %scan3A_101 = arith.constant 0 : i32
    %scan3A_102 = arith.constant 31 : i32
    %scan3A_103 = arith.constant 15 : i32
    %scan3A_104 = arith.addi %scan3A_102, %scan3A_103 : i32
    %scan3A_105 = arith.constant 1 : i32
    %scan3A_106 = scf.for %scan3A_163 = %scan3A_102 to %scan3A_104 step %scan3A_105 iter_args(%scan3A_164 = %scan3A_101) -> (i32)  : i32 {
      %dma_start3A_165 = arith.constant 0 : i32
      %dma_start3A_166 = tpu.memref_slice %arg5[%scan3A_163, %dma_start3A_165] : memref<79x128xi32, #tpu.memory_space<vmem>> -> memref<1x128xi32, #tpu.memory_space<vmem>>
      %dma_start3A_167 = tpu.memref_squeeze %dma_start3A_166 : memref<1x128xi32, #tpu.memory_space<vmem>> -> memref<128xi32, #tpu.memory_space<vmem>>
      %dma_start3A_168 = arith.constant 0 : i32
      %dma_start3A_169 = tpu.memref_slice %arg8[%dma_start3A_168] : memref<10368xf32, #tpu.memory_space<vmem_shared>> -> memref<10368xf32, #tpu.memory_space<vmem_shared>>
      tpu.enqueue_indirect_dma source(%arg6 : memref<128xf32, #tpu.memory_space<vmem>>) target(%dma_start3A_169 : memref<10368xf32, #tpu.memory_space<vmem_shared>>) offsets(%dma_start3A_167 : memref<128xi32, #tpu.memory_space<vmem>>) semaphore(%arg9 : memref<!tpu.dma_semaphore, #tpu.memory_space<semaphore_mem>>) {add = true}
      %scan3A_170 = arith.constant 0 : i32
      scf.yield %scan3A_170 : i32
    }
    %scan3A_107 = arith.constant 15 : i32
    %add3A_108 = arith.constant 6000 : i32
    %add3A_109 = arith.addi %add3A_4, %add3A_108 : i32
    "tpu.region"() ({
      %run_scoped3A = tpu.sem_alloc : memref<!tpu.dma_semaphore, #tpu.memory_space<semaphore_mem>>
      %dma_start3A_163 = tpu.memref_slice %arg2[%add3A_109] : memref<640000xi32, #tpu.memory_space<hbm>> -> memref<2000xi32, #tpu.memory_space<hbm>>
      %dma_start3A_164 = tpu.memref_slice %arg2[%add3A_109] : memref<640000xi32, #tpu.memory_space<hbm>> -> memref<2000xi32, #tpu.memory_space<hbm>>
      tpu.enqueue_dma source(%dma_start3A_164 : memref<2000xi32, #tpu.memory_space<hbm>>) target(%arg4 : memref<2000xi32, #tpu.memory_space<vmem>>) target_semaphore(%run_scoped3A : memref<!tpu.dma_semaphore, #tpu.memory_space<semaphore_mem>>)
      %dma_wait3A = tpu.memref_slice %arg2[%add3A_109] : memref<640000xi32, #tpu.memory_space<hbm>> -> memref<2000xi32, #tpu.memory_space<hbm>>
      %dma_wait3A_165 = tpu.memref_slice %arg2[%add3A_109] : memref<640000xi32, #tpu.memory_space<hbm>> -> memref<2000xi32, #tpu.memory_space<hbm>>
      tpu.wait_dma2 semaphore(%run_scoped3A : memref<!tpu.dma_semaphore, #tpu.memory_space<semaphore_mem>>) src(%dma_wait3A_165 : memref<2000xi32, #tpu.memory_space<hbm>>) dst(%arg4 : memref<2000xi32, #tpu.memory_space<vmem>>)
      tpu.yield
    }) : () -> ()
    %scan3A_110 = arith.constant 0 : i32
    %scan3A_111 = arith.constant 0 : i32
    %scan3A_112 = arith.constant 25 : i32
    %scan3A_113 = arith.addi %scan3A_111, %scan3A_112 : i32
    %scan3A_114 = arith.constant 1 : i32
    %scan3A_115 = scf.for %scan3A_163 = %scan3A_111 to %scan3A_113 step %scan3A_114 iter_args(%scan3A_164 = %scan3A_110) -> (i32)  : i32 {
      %mul3A_165 = arith.constant 5 : i32
      %mul3A_166 = arith.muli %scan3A_163, %mul3A_165 : i32
      %add3A_167 = arith.constant 0 : i32
      %add3A_168 = arith.addi %mul3A_166, %add3A_167 : i32
      %add3A_169 = arith.constant 375 : i32
      %add3A_170 = arith.addi %add3A_169, %add3A_168 : i32
      %mul3A_171 = arith.constant 16 : i32
      %mul3A_172 = arith.muli %add3A_168, %mul3A_171 : i32
      %get3A = arith.index_cast %mul3A_172 : i32 to index
      %get3A_173 = tpu.vector_load %arg4[%get3A] {strides = array<i32>} : memref<2000xi32, #tpu.memory_space<vmem>>, vector<16xi32>,
      %shift_right_arithmetic3A = arith.constant 3 : i32
      %shift_right_arithmetic3A_174 = arith.shrsi %add3A_170, %shift_right_arithmetic3A : i32
      %and3A = arith.constant 7 : i32
      %and3A_175 = arith.andi %add3A_170, %and3A : i32
      %mul3A_176 = arith.constant 16 : i32
      %mul3A_177 = arith.muli %and3A_175, %mul3A_176 : i32
      %swap3A_178 = arith.index_cast %shift_right_arithmetic3A_174 : i32 to index
      %swap3A_179 = arith.index_cast %mul3A_177 : i32 to index
      %swap3A_180 = tpu.vector_load %arg5[%swap3A_178, %swap3A_179] {strides = array<i32>} : memref<79x128xi32, #tpu.memory_space<vmem>>, vector<16xi32>,
      tpu.vector_store %arg5[%swap3A_178, %swap3A_179], %get3A_173 {strides = array<i32>} : memref<79x128xi32, #tpu.memory_space<vmem>>, vector<16xi32>,
      %mul3A_181 = arith.constant 5 : i32
      %mul3A_182 = arith.muli %scan3A_163, %mul3A_181 : i32
      %add3A_183 = arith.constant 1 : i32
      %add3A_184 = arith.addi %mul3A_182, %add3A_183 : i32
      %add3A_185 = arith.constant 375 : i32
      %add3A_186 = arith.addi %add3A_185, %add3A_184 : i32
      %mul3A_187 = arith.constant 16 : i32
      %mul3A_188 = arith.muli %add3A_184, %mul3A_187 : i32
      %get3A_189 = arith.index_cast %mul3A_188 : i32 to index
      %get3A_190 = tpu.vector_load %arg4[%get3A_189] {strides = array<i32>} : memref<2000xi32, #tpu.memory_space<vmem>>, vector<16xi32>,
      %shift_right_arithmetic3A_191 = arith.constant 3 : i32
      %shift_right_arithmetic3A_192 = arith.shrsi %add3A_186, %shift_right_arithmetic3A_191 : i32
      %and3A_193 = arith.constant 7 : i32
      %and3A_194 = arith.andi %add3A_186, %and3A_193 : i32
      %mul3A_195 = arith.constant 16 : i32
      %mul3A_196 = arith.muli %and3A_194, %mul3A_195 : i32
      %swap3A_197 = arith.index_cast %shift_right_arithmetic3A_192 : i32 to index
      %swap3A_198 = arith.index_cast %mul3A_196 : i32 to index
      %swap3A_199 = tpu.vector_load %arg5[%swap3A_197, %swap3A_198] {strides = array<i32>} : memref<79x128xi32, #tpu.memory_space<vmem>>, vector<16xi32>,
      tpu.vector_store %arg5[%swap3A_197, %swap3A_198], %get3A_190 {strides = array<i32>} : memref<79x128xi32, #tpu.memory_space<vmem>>, vector<16xi32>,
      %mul3A_200 = arith.constant 5 : i32
      %mul3A_201 = arith.muli %scan3A_163, %mul3A_200 : i32
      %add3A_202 = arith.constant 2 : i32
      %add3A_203 = arith.addi %mul3A_201, %add3A_202 : i32
      %add3A_204 = arith.constant 375 : i32
      %add3A_205 = arith.addi %add3A_204, %add3A_203 : i32
      %mul3A_206 = arith.constant 16 : i32
      %mul3A_207 = arith.muli %add3A_203, %mul3A_206 : i32
      %get3A_208 = arith.index_cast %mul3A_207 : i32 to index
      %get3A_209 = tpu.vector_load %arg4[%get3A_208] {strides = array<i32>} : memref<2000xi32, #tpu.memory_space<vmem>>, vector<16xi32>,
      %shift_right_arithmetic3A_210 = arith.constant 3 : i32
      %shift_right_arithmetic3A_211 = arith.shrsi %add3A_205, %shift_right_arithmetic3A_210 : i32
      %and3A_212 = arith.constant 7 : i32
      %and3A_213 = arith.andi %add3A_205, %and3A_212 : i32
      %mul3A_214 = arith.constant 16 : i32
      %mul3A_215 = arith.muli %and3A_213, %mul3A_214 : i32
      %swap3A_216 = arith.index_cast %shift_right_arithmetic3A_211 : i32 to index
      %swap3A_217 = arith.index_cast %mul3A_215 : i32 to index
      %swap3A_218 = tpu.vector_load %arg5[%swap3A_216, %swap3A_217] {strides = array<i32>} : memref<79x128xi32, #tpu.memory_space<vmem>>, vector<16xi32>,
      tpu.vector_store %arg5[%swap3A_216, %swap3A_217], %get3A_209 {strides = array<i32>} : memref<79x128xi32, #tpu.memory_space<vmem>>, vector<16xi32>,
      %mul3A_219 = arith.constant 5 : i32
      %mul3A_220 = arith.muli %scan3A_163, %mul3A_219 : i32
      %add3A_221 = arith.constant 3 : i32
      %add3A_222 = arith.addi %mul3A_220, %add3A_221 : i32
      %add3A_223 = arith.constant 375 : i32
      %add3A_224 = arith.addi %add3A_223, %add3A_222 : i32
      %mul3A_225 = arith.constant 16 : i32
      %mul3A_226 = arith.muli %add3A_222, %mul3A_225 : i32
      %get3A_227 = arith.index_cast %mul3A_226 : i32 to index
      %get3A_228 = tpu.vector_load %arg4[%get3A_227] {strides = array<i32>} : memref<2000xi32, #tpu.memory_space<vmem>>, vector<16xi32>,
      %shift_right_arithmetic3A_229 = arith.constant 3 : i32
      %shift_right_arithmetic3A_230 = arith.shrsi %add3A_224, %shift_right_arithmetic3A_229 : i32
      %and3A_231 = arith.constant 7 : i32
      %and3A_232 = arith.andi %add3A_224, %and3A_231 : i32
      %mul3A_233 = arith.constant 16 : i32
      %mul3A_234 = arith.muli %and3A_232, %mul3A_233 : i32
      %swap3A_235 = arith.index_cast %shift_right_arithmetic3A_230 : i32 to index
      %swap3A_236 = arith.index_cast %mul3A_234 : i32 to index
      %swap3A_237 = tpu.vector_load %arg5[%swap3A_235, %swap3A_236] {strides = array<i32>} : memref<79x128xi32, #tpu.memory_space<vmem>>, vector<16xi32>,
      tpu.vector_store %arg5[%swap3A_235, %swap3A_236], %get3A_228 {strides = array<i32>} : memref<79x128xi32, #tpu.memory_space<vmem>>, vector<16xi32>,
      %mul3A_238 = arith.constant 5 : i32
      %mul3A_239 = arith.muli %scan3A_163, %mul3A_238 : i32
      %add3A_240 = arith.constant 4 : i32
      %add3A_241 = arith.addi %mul3A_239, %add3A_240 : i32
      %add3A_242 = arith.constant 375 : i32
      %add3A_243 = arith.addi %add3A_242, %add3A_241 : i32
      %mul3A_244 = arith.constant 16 : i32
      %mul3A_245 = arith.muli %add3A_241, %mul3A_244 : i32
      %get3A_246 = arith.index_cast %mul3A_245 : i32 to index
      %get3A_247 = tpu.vector_load %arg4[%get3A_246] {strides = array<i32>} : memref<2000xi32, #tpu.memory_space<vmem>>, vector<16xi32>,
      %shift_right_arithmetic3A_248 = arith.constant 3 : i32
      %shift_right_arithmetic3A_249 = arith.shrsi %add3A_243, %shift_right_arithmetic3A_248 : i32
      %and3A_250 = arith.constant 7 : i32
      %and3A_251 = arith.andi %add3A_243, %and3A_250 : i32
      %mul3A_252 = arith.constant 16 : i32
      %mul3A_253 = arith.muli %and3A_251, %mul3A_252 : i32
      %swap3A_254 = arith.index_cast %shift_right_arithmetic3A_249 : i32 to index
      %swap3A_255 = arith.index_cast %mul3A_253 : i32 to index
      %swap3A_256 = tpu.vector_load %arg5[%swap3A_254, %swap3A_255] {strides = array<i32>} : memref<79x128xi32, #tpu.memory_space<vmem>>, vector<16xi32>,
      tpu.vector_store %arg5[%swap3A_254, %swap3A_255], %get3A_247 {strides = array<i32>} : memref<79x128xi32, #tpu.memory_space<vmem>>, vector<16xi32>,
      %scan3A_257 = arith.constant 0 : i32
      scf.yield %scan3A_257 : i32
    }
    %scan3A_116 = arith.constant 25 : i32
    %scan3A_117 = arith.constant 0 : i32
    %scan3A_118 = arith.constant 46 : i32
    %scan3A_119 = arith.constant 16 : i32
    %scan3A_120 = arith.addi %scan3A_118, %scan3A_119 : i32
    %scan3A_121 = arith.constant 1 : i32
    %scan3A_122 = scf.for %scan3A_163 = %scan3A_118 to %scan3A_120 step %scan3A_121 iter_args(%scan3A_164 = %scan3A_117) -> (i32)  : i32 {
      %dma_start3A_165 = arith.constant 0 : i32
      %dma_start3A_166 = tpu.memref_slice %arg5[%scan3A_163, %dma_start3A_165] : memref<79x128xi32, #tpu.memory_space<vmem>> -> memref<1x128xi32, #tpu.memory_space<vmem>>
      %dma_start3A_167 = tpu.memref_squeeze %dma_start3A_166 : memref<1x128xi32, #tpu.memory_space<vmem>> -> memref<128xi32, #tpu.memory_space<vmem>>
      %dma_start3A_168 = arith.constant 0 : i32
      %dma_start3A_169 = tpu.memref_slice %arg8[%dma_start3A_168] : memref<10368xf32, #tpu.memory_space<vmem_shared>> -> memref<10368xf32, #tpu.memory_space<vmem_shared>>
      tpu.enqueue_indirect_dma source(%arg6 : memref<128xf32, #tpu.memory_space<vmem>>) target(%dma_start3A_169 : memref<10368xf32, #tpu.memory_space<vmem_shared>>) offsets(%dma_start3A_167 : memref<128xi32, #tpu.memory_space<vmem>>) semaphore(%arg9 : memref<!tpu.dma_semaphore, #tpu.memory_space<semaphore_mem>>) {add = true}
      %scan3A_170 = arith.constant 0 : i32
      scf.yield %scan3A_170 : i32
    }
    %scan3A_123 = arith.constant 16 : i32
    %add3A_124 = arith.constant 8000 : i32
    %add3A_125 = arith.addi %add3A_4, %add3A_124 : i32
    "tpu.region"() ({
      %run_scoped3A = tpu.sem_alloc : memref<!tpu.dma_semaphore, #tpu.memory_space<semaphore_mem>>
      %dma_start3A_163 = tpu.memref_slice %arg2[%add3A_125] : memref<640000xi32, #tpu.memory_space<hbm>> -> memref<2000xi32, #tpu.memory_space<hbm>>
      %dma_start3A_164 = tpu.memref_slice %arg2[%add3A_125] : memref<640000xi32, #tpu.memory_space<hbm>> -> memref<2000xi32, #tpu.memory_space<hbm>>
      tpu.enqueue_dma source(%dma_start3A_164 : memref<2000xi32, #tpu.memory_space<hbm>>) target(%arg4 : memref<2000xi32, #tpu.memory_space<vmem>>) target_semaphore(%run_scoped3A : memref<!tpu.dma_semaphore, #tpu.memory_space<semaphore_mem>>)
      %dma_wait3A = tpu.memref_slice %arg2[%add3A_125] : memref<640000xi32, #tpu.memory_space<hbm>> -> memref<2000xi32, #tpu.memory_space<hbm>>
      %dma_wait3A_165 = tpu.memref_slice %arg2[%add3A_125] : memref<640000xi32, #tpu.memory_space<hbm>> -> memref<2000xi32, #tpu.memory_space<hbm>>
      tpu.wait_dma2 semaphore(%run_scoped3A : memref<!tpu.dma_semaphore, #tpu.memory_space<semaphore_mem>>) src(%dma_wait3A_165 : memref<2000xi32, #tpu.memory_space<hbm>>) dst(%arg4 : memref<2000xi32, #tpu.memory_space<vmem>>)
      tpu.yield
    }) : () -> ()
    %scan3A_126 = arith.constant 0 : i32
    %scan3A_127 = arith.constant 0 : i32
    %scan3A_128 = arith.constant 25 : i32
    %scan3A_129 = arith.addi %scan3A_127, %scan3A_128 : i32
    %scan3A_130 = arith.constant 1 : i32
    %scan3A_131 = scf.for %scan3A_163 = %scan3A_127 to %scan3A_129 step %scan3A_130 iter_args(%scan3A_164 = %scan3A_126) -> (i32)  : i32 {
      %mul3A_165 = arith.constant 5 : i32
      %mul3A_166 = arith.muli %scan3A_163, %mul3A_165 : i32
      %add3A_167 = arith.constant 0 : i32
      %add3A_168 = arith.addi %mul3A_166, %add3A_167 : i32
      %add3A_169 = arith.constant 500 : i32
      %add3A_170 = arith.addi %add3A_169, %add3A_168 : i32
      %mul3A_171 = arith.constant 16 : i32
      %mul3A_172 = arith.muli %add3A_168, %mul3A_171 : i32
      %get3A = arith.index_cast %mul3A_172 : i32 to index
      %get3A_173 = tpu.vector_load %arg4[%get3A] {strides = array<i32>} : memref<2000xi32, #tpu.memory_space<vmem>>, vector<16xi32>,
      %shift_right_arithmetic3A = arith.constant 3 : i32
      %shift_right_arithmetic3A_174 = arith.shrsi %add3A_170, %shift_right_arithmetic3A : i32
      %and3A = arith.constant 7 : i32
      %and3A_175 = arith.andi %add3A_170, %and3A : i32
      %mul3A_176 = arith.constant 16 : i32
      %mul3A_177 = arith.muli %and3A_175, %mul3A_176 : i32
      %swap3A_178 = arith.index_cast %shift_right_arithmetic3A_174 : i32 to index
      %swap3A_179 = arith.index_cast %mul3A_177 : i32 to index
      %swap3A_180 = tpu.vector_load %arg5[%swap3A_178, %swap3A_179] {strides = array<i32>} : memref<79x128xi32, #tpu.memory_space<vmem>>, vector<16xi32>,
      tpu.vector_store %arg5[%swap3A_178, %swap3A_179], %get3A_173 {strides = array<i32>} : memref<79x128xi32, #tpu.memory_space<vmem>>, vector<16xi32>,
      %mul3A_181 = arith.constant 5 : i32
      %mul3A_182 = arith.muli %scan3A_163, %mul3A_181 : i32
      %add3A_183 = arith.constant 1 : i32
      %add3A_184 = arith.addi %mul3A_182, %add3A_183 : i32
      %add3A_185 = arith.constant 500 : i32
      %add3A_186 = arith.addi %add3A_185, %add3A_184 : i32
      %mul3A_187 = arith.constant 16 : i32
      %mul3A_188 = arith.muli %add3A_184, %mul3A_187 : i32
      %get3A_189 = arith.index_cast %mul3A_188 : i32 to index
      %get3A_190 = tpu.vector_load %arg4[%get3A_189] {strides = array<i32>} : memref<2000xi32, #tpu.memory_space<vmem>>, vector<16xi32>,
      %shift_right_arithmetic3A_191 = arith.constant 3 : i32
      %shift_right_arithmetic3A_192 = arith.shrsi %add3A_186, %shift_right_arithmetic3A_191 : i32
      %and3A_193 = arith.constant 7 : i32
      %and3A_194 = arith.andi %add3A_186, %and3A_193 : i32
      %mul3A_195 = arith.constant 16 : i32
      %mul3A_196 = arith.muli %and3A_194, %mul3A_195 : i32
      %swap3A_197 = arith.index_cast %shift_right_arithmetic3A_192 : i32 to index
      %swap3A_198 = arith.index_cast %mul3A_196 : i32 to index
      %swap3A_199 = tpu.vector_load %arg5[%swap3A_197, %swap3A_198] {strides = array<i32>} : memref<79x128xi32, #tpu.memory_space<vmem>>, vector<16xi32>,
      tpu.vector_store %arg5[%swap3A_197, %swap3A_198], %get3A_190 {strides = array<i32>} : memref<79x128xi32, #tpu.memory_space<vmem>>, vector<16xi32>,
      %mul3A_200 = arith.constant 5 : i32
      %mul3A_201 = arith.muli %scan3A_163, %mul3A_200 : i32
      %add3A_202 = arith.constant 2 : i32
      %add3A_203 = arith.addi %mul3A_201, %add3A_202 : i32
      %add3A_204 = arith.constant 500 : i32
      %add3A_205 = arith.addi %add3A_204, %add3A_203 : i32
      %mul3A_206 = arith.constant 16 : i32
      %mul3A_207 = arith.muli %add3A_203, %mul3A_206 : i32
      %get3A_208 = arith.index_cast %mul3A_207 : i32 to index
      %get3A_209 = tpu.vector_load %arg4[%get3A_208] {strides = array<i32>} : memref<2000xi32, #tpu.memory_space<vmem>>, vector<16xi32>,
      %shift_right_arithmetic3A_210 = arith.constant 3 : i32
      %shift_right_arithmetic3A_211 = arith.shrsi %add3A_205, %shift_right_arithmetic3A_210 : i32
      %and3A_212 = arith.constant 7 : i32
      %and3A_213 = arith.andi %add3A_205, %and3A_212 : i32
      %mul3A_214 = arith.constant 16 : i32
      %mul3A_215 = arith.muli %and3A_213, %mul3A_214 : i32
      %swap3A_216 = arith.index_cast %shift_right_arithmetic3A_211 : i32 to index
      %swap3A_217 = arith.index_cast %mul3A_215 : i32 to index
      %swap3A_218 = tpu.vector_load %arg5[%swap3A_216, %swap3A_217] {strides = array<i32>} : memref<79x128xi32, #tpu.memory_space<vmem>>, vector<16xi32>,
      tpu.vector_store %arg5[%swap3A_216, %swap3A_217], %get3A_209 {strides = array<i32>} : memref<79x128xi32, #tpu.memory_space<vmem>>, vector<16xi32>,
      %mul3A_219 = arith.constant 5 : i32
      %mul3A_220 = arith.muli %scan3A_163, %mul3A_219 : i32
      %add3A_221 = arith.constant 3 : i32
      %add3A_222 = arith.addi %mul3A_220, %add3A_221 : i32
      %add3A_223 = arith.constant 500 : i32
      %add3A_224 = arith.addi %add3A_223, %add3A_222 : i32
      %mul3A_225 = arith.constant 16 : i32
      %mul3A_226 = arith.muli %add3A_222, %mul3A_225 : i32
      %get3A_227 = arith.index_cast %mul3A_226 : i32 to index
      %get3A_228 = tpu.vector_load %arg4[%get3A_227] {strides = array<i32>} : memref<2000xi32, #tpu.memory_space<vmem>>, vector<16xi32>,
      %shift_right_arithmetic3A_229 = arith.constant 3 : i32
      %shift_right_arithmetic3A_230 = arith.shrsi %add3A_224, %shift_right_arithmetic3A_229 : i32
      %and3A_231 = arith.constant 7 : i32
      %and3A_232 = arith.andi %add3A_224, %and3A_231 : i32
      %mul3A_233 = arith.constant 16 : i32
      %mul3A_234 = arith.muli %and3A_232, %mul3A_233 : i32
      %swap3A_235 = arith.index_cast %shift_right_arithmetic3A_230 : i32 to index
      %swap3A_236 = arith.index_cast %mul3A_234 : i32 to index
      %swap3A_237 = tpu.vector_load %arg5[%swap3A_235, %swap3A_236] {strides = array<i32>} : memref<79x128xi32, #tpu.memory_space<vmem>>, vector<16xi32>,
      tpu.vector_store %arg5[%swap3A_235, %swap3A_236], %get3A_228 {strides = array<i32>} : memref<79x128xi32, #tpu.memory_space<vmem>>, vector<16xi32>,
      %mul3A_238 = arith.constant 5 : i32
      %mul3A_239 = arith.muli %scan3A_163, %mul3A_238 : i32
      %add3A_240 = arith.constant 4 : i32
      %add3A_241 = arith.addi %mul3A_239, %add3A_240 : i32
      %add3A_242 = arith.constant 500 : i32
      %add3A_243 = arith.addi %add3A_242, %add3A_241 : i32
      %mul3A_244 = arith.constant 16 : i32
      %mul3A_245 = arith.muli %add3A_241, %mul3A_244 : i32
      %get3A_246 = arith.index_cast %mul3A_245 : i32 to index
      %get3A_247 = tpu.vector_load %arg4[%get3A_246] {strides = array<i32>} : memref<2000xi32, #tpu.memory_space<vmem>>, vector<16xi32>,
      %shift_right_arithmetic3A_248 = arith.constant 3 : i32
      %shift_right_arithmetic3A_249 = arith.shrsi %add3A_243, %shift_right_arithmetic3A_248 : i32
      %and3A_250 = arith.constant 7 : i32
      %and3A_251 = arith.andi %add3A_243, %and3A_250 : i32
      %mul3A_252 = arith.constant 16 : i32
      %mul3A_253 = arith.muli %and3A_251, %mul3A_252 : i32
      %swap3A_254 = arith.index_cast %shift_right_arithmetic3A_249 : i32 to index
      %swap3A_255 = arith.index_cast %mul3A_253 : i32 to index
      %swap3A_256 = tpu.vector_load %arg5[%swap3A_254, %swap3A_255] {strides = array<i32>} : memref<79x128xi32, #tpu.memory_space<vmem>>, vector<16xi32>,
      tpu.vector_store %arg5[%swap3A_254, %swap3A_255], %get3A_247 {strides = array<i32>} : memref<79x128xi32, #tpu.memory_space<vmem>>, vector<16xi32>,
      %scan3A_257 = arith.constant 0 : i32
      scf.yield %scan3A_257 : i32
    }
    %scan3A_132 = arith.constant 25 : i32
    %scan3A_133 = arith.constant 0 : i32
    %scan3A_134 = arith.constant 62 : i32
    %scan3A_135 = arith.constant 16 : i32
    %scan3A_136 = arith.addi %scan3A_134, %scan3A_135 : i32
    %scan3A_137 = arith.constant 1 : i32
    %scan3A_138 = scf.for %scan3A_163 = %scan3A_134 to %scan3A_136 step %scan3A_137 iter_args(%scan3A_164 = %scan3A_133) -> (i32)  : i32 {
      %dma_start3A_165 = arith.constant 0 : i32
      %dma_start3A_166 = tpu.memref_slice %arg5[%scan3A_163, %dma_start3A_165] : memref<79x128xi32, #tpu.memory_space<vmem>> -> memref<1x128xi32, #tpu.memory_space<vmem>>
      %dma_start3A_167 = tpu.memref_squeeze %dma_start3A_166 : memref<1x128xi32, #tpu.memory_space<vmem>> -> memref<128xi32, #tpu.memory_space<vmem>>
      %dma_start3A_168 = arith.constant 0 : i32
      %dma_start3A_169 = tpu.memref_slice %arg8[%dma_start3A_168] : memref<10368xf32, #tpu.memory_space<vmem_shared>> -> memref<10368xf32, #tpu.memory_space<vmem_shared>>
      tpu.enqueue_indirect_dma source(%arg6 : memref<128xf32, #tpu.memory_space<vmem>>) target(%dma_start3A_169 : memref<10368xf32, #tpu.memory_space<vmem_shared>>) offsets(%dma_start3A_167 : memref<128xi32, #tpu.memory_space<vmem>>) semaphore(%arg9 : memref<!tpu.dma_semaphore, #tpu.memory_space<semaphore_mem>>) {add = true}
      %scan3A_170 = arith.constant 0 : i32
      scf.yield %scan3A_170 : i32
    }
    %scan3A_139 = arith.constant 16 : i32
    %scan3A_140 = arith.constant 0 : i32
    %scan3A_141 = arith.constant 78 : i32
    %dma_start3A = arith.constant 0 : i32
    %dma_start3A_142 = tpu.memref_slice %arg5[%scan3A_141, %dma_start3A] : memref<79x128xi32, #tpu.memory_space<vmem>> -> memref<1x128xi32, #tpu.memory_space<vmem>>
    %dma_start3A_143 = tpu.memref_squeeze %dma_start3A_142 : memref<1x128xi32, #tpu.memory_space<vmem>> -> memref<128xi32, #tpu.memory_space<vmem>>
    %dma_start3A_144 = arith.constant 0 : i32
    %dma_start3A_145 = tpu.memref_slice %arg8[%dma_start3A_144] : memref<10368xf32, #tpu.memory_space<vmem_shared>> -> memref<10368xf32, #tpu.memory_space<vmem_shared>>
    tpu.enqueue_indirect_dma source(%arg6 : memref<128xf32, #tpu.memory_space<vmem>>) target(%dma_start3A_145 : memref<10368xf32, #tpu.memory_space<vmem_shared>>) offsets(%dma_start3A_143 : memref<128xi32, #tpu.memory_space<vmem>>) semaphore(%arg9 : memref<!tpu.dma_semaphore, #tpu.memory_space<semaphore_mem>>) {add = true}
    %scan3A_146 = arith.constant 0 : i32
    %scan3A_147 = arith.constant 1 : i32
    %scan3A_148 = arith.constant 0 : i32
    %scan3A_149 = arith.constant 0 : i32
    %scan3A_150 = arith.constant 79 : i32
    %scan3A_151 = arith.addi %scan3A_149, %scan3A_150 : i32
    %scan3A_152 = arith.constant 1 : i32
    %scan3A_153 = scf.for %scan3A_163 = %scan3A_149 to %scan3A_151 step %scan3A_152 iter_args(%scan3A_164 = %scan3A_148) -> (i32)  : i32 {
      %dma_wait3A = arith.constant 0 : i32
      %dma_wait3A_165 = tpu.memref_slice %arg5[%scan3A_163, %dma_wait3A] : memref<79x128xi32, #tpu.memory_space<vmem>> -> memref<1x128xi32, #tpu.memory_space<vmem>>
      %dma_wait3A_166 = tpu.memref_squeeze %dma_wait3A_165 : memref<1x128xi32, #tpu.memory_space<vmem>> -> memref<128xi32, #tpu.memory_space<vmem>>
      %dma_wait3A_167 = arith.constant 0 : i32
      %dma_wait3A_168 = tpu.memref_slice %arg8[%dma_wait3A_167] : memref<10368xf32, #tpu.memory_space<vmem_shared>> -> memref<10368xf32, #tpu.memory_space<vmem_shared>>
      tpu.wait_indirect_dma semaphore(%arg9 : memref<!tpu.dma_semaphore, #tpu.memory_space<semaphore_mem>>) src(%arg6 : memref<128xf32, #tpu.memory_space<vmem>>) dst(%dma_wait3A_168 : memref<10368xf32, #tpu.memory_space<vmem_shared>>)
      %scan3A_169 = arith.constant 0 : i32
      scf.yield %scan3A_169 : i32
    }
    %scan3A_154 = arith.constant 79 : i32
    %barrier3A_155 = arith.constant 0 : index
    tpu.barrier barrier_id(%barrier3A_155)
    %mul3A_156 = arith.constant 640 : i32
    %mul3A_157 = arith.muli %arg1, %mul3A_156 : i32
    %mul3A_158 = arith.constant 10240 : i32
    %mul3A_159 = arith.muli %arg0, %mul3A_158 : i32
    %mul3A_160 = arith.constant 640 : i32
    %mul3A_161 = arith.muli %arg1, %mul3A_160 : i32
    %add3A_162 = arith.addi %mul3A_159, %mul3A_161 : i32
    "tpu.region"() ({
      %run_scoped3A = tpu.sem_alloc : memref<!tpu.dma_semaphore, #tpu.memory_space<semaphore_mem>>
      %dma_start3A_163 = tpu.memref_slice %arg3[%add3A_162] : memref<20480xf32, #tpu.memory_space<hbm>> -> memref<640xf32, #tpu.memory_space<hbm>>
      %dma_start3A_164 = tpu.memref_slice %arg8[%mul3A_157] : memref<10368xf32, #tpu.memory_space<vmem_shared>> -> memref<640xf32, #tpu.memory_space<vmem_shared>>
      tpu.enqueue_dma source(%dma_start3A_164 : memref<640xf32, #tpu.memory_space<vmem_shared>>) target(%dma_start3A_163 : memref<640xf32, #tpu.memory_space<hbm>>) target_semaphore(%run_scoped3A : memref<!tpu.dma_semaphore, #tpu.memory_space<semaphore_mem>>)
      %dma_wait3A = tpu.memref_slice %arg3[%add3A_162] : memref<20480xf32, #tpu.memory_space<hbm>> -> memref<640xf32, #tpu.memory_space<hbm>>
      %dma_wait3A_165 = tpu.memref_slice %arg8[%mul3A_157] : memref<10368xf32, #tpu.memory_space<vmem_shared>> -> memref<640xf32, #tpu.memory_space<vmem_shared>>
      tpu.wait_dma2 semaphore(%run_scoped3A : memref<!tpu.dma_semaphore, #tpu.memory_space<semaphore_mem>>) src(%dma_wait3A_165 : memref<640xf32, #tpu.memory_space<vmem_shared>>) dst(%dma_wait3A : memref<640xf32, #tpu.memory_space<hbm>>)
      tpu.yield
    }) : () -> ()
    return
  }
}

#map = affine_map<(d0, d1) -> (0)>
module attributes {stable_mosaic.version = 14 : i64} {
  func.func @_a_kernel(%arg0: i32, %arg1: i32, %arg2: memref<640000xi32, #tpu.memory_space<hbm>>, %arg3: memref<20480xf32, #tpu.memory_space<hbm>>, %arg4: memref<2560000xf32, #tpu.memory_space<hbm>>, %arg5: memref<2000xi32, #tpu.memory_space<vmem>>, %arg6: memref<2000xi32, #tpu.memory_space<vmem>>, %arg7: memref<82x128xi32, #tpu.memory_space<vmem>>, %arg8: memref<82x128xf32, #tpu.memory_space<vmem>>, %arg9: memref<10240xf32, #tpu.memory_space<vmem>>, %arg10: memref<640xf32, #tpu.memory_space<vmem>>, %arg11: memref<1280xf32, #tpu.memory_space<vmem>>, %arg12: memref<1310720xf32, #tpu.memory_space<vmem_shared>>, %arg13: memref<10240xf32, #tpu.memory_space<vmem_shared>>, %arg14: memref<!tpu.dma_semaphore, #tpu.memory_space<semaphore_mem>>) attributes {dimension_semantics = [#tpu.dimension_semantics<core_parallel>, #tpu.dimension_semantics<subcore_parallel>], iteration_bounds = array<i64: 2, 16>, scalar_prefetch = 0 : i64, scratch_operands = 10 : i64, tpu.core_type = #tpu.core_type<sc_vector_subcore>, window_params = [{transform_indices = #map}, {transform_indices = #map}, {transform_indices = #map}]} {
    %mul3A = arith.constant 16 : i32
    %mul3A_0 = arith.muli %arg0, %mul3A : i32
    %add3A = arith.addi %mul3A_0, %arg1 : i32
    %mul3A_1 = arith.constant 10000 : i32
    %mul3A_2 = arith.muli %add3A, %mul3A_1 : i32
    %iota3A = tpu.iota {dimensions = array<i32: 0>} : vector<16xi32>
    %scan3A = arith.constant 0 : i32
    %scan3A_3 = arith.constant 0 : i32
    %scan3A_4 = arith.constant 80 : i32
    %scan3A_5 = arith.addi %scan3A_3, %scan3A_4 : i32
    %scan3A_6 = arith.constant 1 : i32
    %scan3A_7 = scf.for %scan3A_924 = %scan3A_3 to %scan3A_5 step %scan3A_6 iter_args(%scan3A_925 = %scan3A) -> (i32)  : i32 {
      %broadcast_in_dim3A_926 = arith.constant 0.000000e+00 : f32
      %broadcast_in_dim3A_927 = vector.broadcast %broadcast_in_dim3A_926 : f32 to vector<16xf32>
      %mul3A_928 = arith.constant 16 : i32
      %mul3A_929 = arith.muli %scan3A_924, %mul3A_928 : i32
      %swap3A_930 = arith.index_cast %mul3A_929 : i32 to index
      %swap3A_931 = tpu.vector_load %arg11[%swap3A_930] {strides = array<i32>} : memref<1280xf32, #tpu.memory_space<vmem>>, vector<16xf32>,
      tpu.vector_store %arg11[%swap3A_930], %broadcast_in_dim3A_927 {strides = array<i32>} : memref<1280xf32, #tpu.memory_space<vmem>>, vector<16xf32>,
      %scan3A_932 = arith.constant 0 : i32
      scf.yield %scan3A_932 : i32
    }
    %scan3A_8 = arith.constant 80 : i32
    %scan3A_9 = arith.constant 0 : i32
    %scan3A_10 = arith.constant 0 : i32
    %scan3A_11 = arith.constant 64 : i32
    %scan3A_12 = arith.addi %scan3A_10, %scan3A_11 : i32
    %scan3A_13 = arith.constant 1 : i32
    %scan3A_14 = scf.for %scan3A_924 = %scan3A_10 to %scan3A_12 step %scan3A_13 iter_args(%scan3A_925 = %scan3A_9) -> (i32)  : i32 {
      %mul3A_926 = arith.constant 64 : i32
      %mul3A_927 = arith.muli %arg1, %mul3A_926 : i32
      %add3A_928 = arith.addi %mul3A_927, %scan3A_924 : i32
      %mul3A_929 = arith.constant 1280 : i32
      %mul3A_930 = arith.muli %add3A_928, %mul3A_929 : i32
      %dma_start3A = tpu.memref_slice %arg12[%mul3A_930] : memref<1310720xf32, #tpu.memory_space<vmem_shared>> -> memref<1280xf32, #tpu.memory_space<vmem_shared>>
      %dma_start3A_931 = tpu.memref_slice %arg12[%mul3A_930] : memref<1310720xf32, #tpu.memory_space<vmem_shared>> -> memref<1280xf32, #tpu.memory_space<vmem_shared>>
      tpu.enqueue_dma source(%arg11 : memref<1280xf32, #tpu.memory_space<vmem>>) target(%dma_start3A_931 : memref<1280xf32, #tpu.memory_space<vmem_shared>>) target_semaphore(%arg14 : memref<!tpu.dma_semaphore, #tpu.memory_space<semaphore_mem>>)
      %scan3A_932 = arith.constant 0 : i32
      scf.yield %scan3A_932 : i32
    }
    %scan3A_15 = arith.constant 64 : i32
    %mul3A_16 = arith.constant 640 : i32
    %mul3A_17 = arith.muli %arg1, %mul3A_16 : i32
    "tpu.region"() ({
      %run_scoped3A = tpu.sem_alloc : memref<!tpu.dma_semaphore, #tpu.memory_space<semaphore_mem>>
      %dma_start3A = tpu.memref_slice %arg3[%mul3A_17] : memref<20480xf32, #tpu.memory_space<hbm>> -> memref<640xf32, #tpu.memory_space<hbm>>
      %dma_start3A_924 = tpu.memref_slice %arg3[%mul3A_17] : memref<20480xf32, #tpu.memory_space<hbm>> -> memref<640xf32, #tpu.memory_space<hbm>>
      tpu.enqueue_dma source(%dma_start3A_924 : memref<640xf32, #tpu.memory_space<hbm>>) target(%arg10 : memref<640xf32, #tpu.memory_space<vmem>>) target_semaphore(%run_scoped3A : memref<!tpu.dma_semaphore, #tpu.memory_space<semaphore_mem>>)
      %dma_wait3A = tpu.memref_slice %arg3[%mul3A_17] : memref<20480xf32, #tpu.memory_space<hbm>> -> memref<640xf32, #tpu.memory_space<hbm>>
      %dma_wait3A_925 = tpu.memref_slice %arg3[%mul3A_17] : memref<20480xf32, #tpu.memory_space<hbm>> -> memref<640xf32, #tpu.memory_space<hbm>>
      tpu.wait_dma2 semaphore(%run_scoped3A : memref<!tpu.dma_semaphore, #tpu.memory_space<semaphore_mem>>) src(%dma_wait3A_925 : memref<640xf32, #tpu.memory_space<hbm>>) dst(%arg10 : memref<640xf32, #tpu.memory_space<vmem>>)
      tpu.yield
    }) : () -> ()
    %mul3A_18 = arith.constant 640 : i32
    %mul3A_19 = arith.muli %arg1, %mul3A_18 : i32
    %add3A_20 = arith.constant 10240 : i32
    %add3A_21 = arith.addi %add3A_20, %mul3A_19 : i32
    "tpu.region"() ({
      %run_scoped3A = tpu.sem_alloc : memref<!tpu.dma_semaphore, #tpu.memory_space<semaphore_mem>>
      %dma_start3A = arith.constant 0 : i32
      %dma_start3A_924 = tpu.memref_slice %arg9[%dma_start3A] : memref<10240xf32, #tpu.memory_space<vmem>> -> memref<640xf32, #tpu.memory_space<vmem>>
      %dma_start3A_925 = tpu.memref_slice %arg3[%add3A_21] : memref<20480xf32, #tpu.memory_space<hbm>> -> memref<640xf32, #tpu.memory_space<hbm>>
      %dma_start3A_926 = arith.constant 0 : i32
      %dma_start3A_927 = tpu.memref_slice %arg9[%dma_start3A_926] : memref<10240xf32, #tpu.memory_space<vmem>> -> memref<640xf32, #tpu.memory_space<vmem>>
      %dma_start3A_928 = tpu.memref_slice %arg3[%add3A_21] : memref<20480xf32, #tpu.memory_space<hbm>> -> memref<640xf32, #tpu.memory_space<hbm>>
      tpu.enqueue_dma source(%dma_start3A_928 : memref<640xf32, #tpu.memory_space<hbm>>) target(%dma_start3A_927 : memref<640xf32, #tpu.memory_space<vmem>>) target_semaphore(%run_scoped3A : memref<!tpu.dma_semaphore, #tpu.memory_space<semaphore_mem>>)
      %dma_wait3A = arith.constant 0 : i32
      %dma_wait3A_929 = tpu.memref_slice %arg9[%dma_wait3A] : memref<10240xf32, #tpu.memory_space<vmem>> -> memref<640xf32, #tpu.memory_space<vmem>>
      %dma_wait3A_930 = tpu.memref_slice %arg3[%add3A_21] : memref<20480xf32, #tpu.memory_space<hbm>> -> memref<640xf32, #tpu.memory_space<hbm>>
      %dma_wait3A_931 = arith.constant 0 : i32
      %dma_wait3A_932 = tpu.memref_slice %arg9[%dma_wait3A_931] : memref<10240xf32, #tpu.memory_space<vmem>> -> memref<640xf32, #tpu.memory_space<vmem>>
      %dma_wait3A_933 = tpu.memref_slice %arg3[%add3A_21] : memref<20480xf32, #tpu.memory_space<hbm>> -> memref<640xf32, #tpu.memory_space<hbm>>
      tpu.wait_dma2 semaphore(%run_scoped3A : memref<!tpu.dma_semaphore, #tpu.memory_space<semaphore_mem>>) src(%dma_wait3A_933 : memref<640xf32, #tpu.memory_space<hbm>>) dst(%dma_wait3A_932 : memref<640xf32, #tpu.memory_space<vmem>>)
      tpu.yield
    }) : () -> ()
    %scan3A_22 = arith.constant 0 : i32
    %scan3A_23 = arith.constant 0 : i32
    %scan3A_24 = arith.constant 40 : i32
    %scan3A_25 = arith.addi %scan3A_23, %scan3A_24 : i32
    %scan3A_26 = arith.constant 1 : i32
    %scan3A_27 = scf.for %scan3A_924 = %scan3A_23 to %scan3A_25 step %scan3A_26 iter_args(%scan3A_925 = %scan3A_22) -> (i32)  : i32 {
      %mul3A_926 = arith.constant 16 : i32
      %mul3A_927 = arith.muli %scan3A_924, %mul3A_926 : i32
      %get3A = arith.index_cast %mul3A_927 : i32 to index
      %get3A_928 = tpu.vector_load %arg10[%get3A] {strides = array<i32>} : memref<640xf32, #tpu.memory_space<vmem>>, vector<16xf32>,
      %mul3A_929 = arith.constant 16 : i32
      %mul3A_930 = arith.muli %scan3A_924, %mul3A_929 : i32
      %get3A_931 = arith.index_cast %mul3A_930 : i32 to index
      %get3A_932 = tpu.vector_load %arg9[%get3A_931] {strides = array<i32>} : memref<10240xf32, #tpu.memory_space<vmem>>, vector<16xf32>,
      %add3A_933 = arith.addf %get3A_928, %get3A_932 : vector<16xf32>
      %add3A_934 = arith.constant 1.000000e+00 : f32
      %add3A_935 = vector.broadcast %add3A_934 : f32 to vector<16xf32>
      %add3A_936 = arith.addf %add3A_933, %add3A_935 : vector<16xf32>
      %bitcast_convert_type3A = tpu.bitcast %add3A_936 : vector<16xf32> -> vector<16xi32>
      %shift_right_arithmetic3A_937 = arith.constant 1 : i32
      %shift_right_arithmetic3A_938 = vector.broadcast %shift_right_arithmetic3A_937 : i32 to vector<16xi32>
      %shift_right_arithmetic3A_939 = arith.shrsi %bitcast_convert_type3A, %shift_right_arithmetic3A_938 : vector<16xi32>
      %sub3A = arith.constant 1597463007 : i32
      %sub3A_940 = vector.broadcast %sub3A : i32 to vector<16xi32>
      %sub3A_941 = arith.subi %sub3A_940, %shift_right_arithmetic3A_939 : vector<16xi32>
      %bitcast_convert_type3A_942 = tpu.bitcast %sub3A_941 : vector<16xi32> -> vector<16xf32>
      %mul3A_943 = arith.constant 5.000000e-01 : f32
      %mul3A_944 = vector.broadcast %mul3A_943 : f32 to vector<16xf32>
      %mul3A_945 = arith.mulf %mul3A_944, %add3A_936 : vector<16xf32>
      %mul3A_946 = arith.mulf %mul3A_945, %bitcast_convert_type3A_942 : vector<16xf32>
      %mul3A_947 = arith.mulf %mul3A_946, %bitcast_convert_type3A_942 : vector<16xf32>
      %sub3A_948 = arith.constant 1.500000e+00 : f32
      %sub3A_949 = vector.broadcast %sub3A_948 : f32 to vector<16xf32>
      %sub3A_950 = arith.subf %sub3A_949, %mul3A_947 : vector<16xf32>
      %mul3A_951 = arith.mulf %bitcast_convert_type3A_942, %sub3A_950 : vector<16xf32>
      %mul3A_952 = arith.constant 5.000000e-01 : f32
      %mul3A_953 = vector.broadcast %mul3A_952 : f32 to vector<16xf32>
      %mul3A_954 = arith.mulf %mul3A_953, %add3A_936 : vector<16xf32>
      %mul3A_955 = arith.mulf %mul3A_954, %mul3A_951 : vector<16xf32>
      %mul3A_956 = arith.mulf %mul3A_955, %mul3A_951 : vector<16xf32>
      %sub3A_957 = arith.constant 1.500000e+00 : f32
      %sub3A_958 = vector.broadcast %sub3A_957 : f32 to vector<16xf32>
      %sub3A_959 = arith.subf %sub3A_958, %mul3A_956 : vector<16xf32>
      %mul3A_960 = arith.mulf %mul3A_951, %sub3A_959 : vector<16xf32>
      %mul3A_961 = arith.constant 5.000000e-01 : f32
      %mul3A_962 = vector.broadcast %mul3A_961 : f32 to vector<16xf32>
      %mul3A_963 = arith.mulf %mul3A_962, %add3A_936 : vector<16xf32>
      %mul3A_964 = arith.mulf %mul3A_963, %mul3A_960 : vector<16xf32>
      %mul3A_965 = arith.mulf %mul3A_964, %mul3A_960 : vector<16xf32>
      %sub3A_966 = arith.constant 1.500000e+00 : f32
      %sub3A_967 = vector.broadcast %sub3A_966 : f32 to vector<16xf32>
      %sub3A_968 = arith.subf %sub3A_967, %mul3A_965 : vector<16xf32>
      %mul3A_969 = arith.mulf %mul3A_960, %sub3A_968 : vector<16xf32>
      %mul3A_970 = arith.constant 16 : i32
      %mul3A_971 = arith.muli %scan3A_924, %mul3A_970 : i32
      %swap3A_972 = arith.index_cast %mul3A_971 : i32 to index
      %swap3A_973 = tpu.vector_load %arg10[%swap3A_972] {strides = array<i32>} : memref<640xf32, #tpu.memory_space<vmem>>, vector<16xf32>,
      tpu.vector_store %arg10[%swap3A_972], %mul3A_969 {strides = array<i32>} : memref<640xf32, #tpu.memory_space<vmem>>, vector<16xf32>,
      %scan3A_974 = arith.constant 0 : i32
      scf.yield %scan3A_974 : i32
    }
    %scan3A_28 = arith.constant 40 : i32
    %mul3A_29 = arith.constant 640 : i32
    %mul3A_30 = arith.muli %arg1, %mul3A_29 : i32
    "tpu.region"() ({
      %run_scoped3A = tpu.sem_alloc : memref<!tpu.dma_semaphore, #tpu.memory_space<semaphore_mem>>
      %dma_start3A = tpu.memref_slice %arg13[%mul3A_30] : memref<10240xf32, #tpu.memory_space<vmem_shared>> -> memref<640xf32, #tpu.memory_space<vmem_shared>>
      %dma_start3A_924 = tpu.memref_slice %arg13[%mul3A_30] : memref<10240xf32, #tpu.memory_space<vmem_shared>> -> memref<640xf32, #tpu.memory_space<vmem_shared>>
      tpu.enqueue_dma source(%arg10 : memref<640xf32, #tpu.memory_space<vmem>>) target(%dma_start3A_924 : memref<640xf32, #tpu.memory_space<vmem_shared>>) target_semaphore(%run_scoped3A : memref<!tpu.dma_semaphore, #tpu.memory_space<semaphore_mem>>)
      %dma_wait3A = tpu.memref_slice %arg13[%mul3A_30] : memref<10240xf32, #tpu.memory_space<vmem_shared>> -> memref<640xf32, #tpu.memory_space<vmem_shared>>
      %dma_wait3A_925 = tpu.memref_slice %arg13[%mul3A_30] : memref<10240xf32, #tpu.memory_space<vmem_shared>> -> memref<640xf32, #tpu.memory_space<vmem_shared>>
      tpu.wait_dma2 semaphore(%run_scoped3A : memref<!tpu.dma_semaphore, #tpu.memory_space<semaphore_mem>>) src(%arg10 : memref<640xf32, #tpu.memory_space<vmem>>) dst(%dma_wait3A_925 : memref<640xf32, #tpu.memory_space<vmem_shared>>)
      tpu.yield
    }) : () -> ()
    %scan3A_31 = arith.constant 0 : i32
    %scan3A_32 = arith.constant 0 : i32
    %scan3A_33 = arith.constant 64 : i32
    %scan3A_34 = arith.addi %scan3A_32, %scan3A_33 : i32
    %scan3A_35 = arith.constant 1 : i32
    %scan3A_36 = scf.for %scan3A_924 = %scan3A_32 to %scan3A_34 step %scan3A_35 iter_args(%scan3A_925 = %scan3A_31) -> (i32)  : i32 {
      %mul3A_926 = arith.constant 64 : i32
      %mul3A_927 = arith.muli %arg1, %mul3A_926 : i32
      %add3A_928 = arith.addi %mul3A_927, %scan3A_924 : i32
      %mul3A_929 = arith.constant 1280 : i32
      %mul3A_930 = arith.muli %add3A_928, %mul3A_929 : i32
      %dma_wait3A = tpu.memref_slice %arg12[%mul3A_930] : memref<1310720xf32, #tpu.memory_space<vmem_shared>> -> memref<1280xf32, #tpu.memory_space<vmem_shared>>
      %dma_wait3A_931 = tpu.memref_slice %arg12[%mul3A_930] : memref<1310720xf32, #tpu.memory_space<vmem_shared>> -> memref<1280xf32, #tpu.memory_space<vmem_shared>>
      tpu.wait_dma2 semaphore(%arg14 : memref<!tpu.dma_semaphore, #tpu.memory_space<semaphore_mem>>) src(%arg11 : memref<1280xf32, #tpu.memory_space<vmem>>) dst(%dma_wait3A_931 : memref<1280xf32, #tpu.memory_space<vmem_shared>>)
      %scan3A_932 = arith.constant 0 : i32
      scf.yield %scan3A_932 : i32
    }
    %scan3A_37 = arith.constant 64 : i32
    %barrier3A = arith.constant 0 : index
    tpu.barrier barrier_id(%barrier3A)
    "tpu.region"() ({
      %run_scoped3A = tpu.sem_alloc : memref<!tpu.dma_semaphore, #tpu.memory_space<semaphore_mem>>
      tpu.enqueue_dma source(%arg13 : memref<10240xf32, #tpu.memory_space<vmem_shared>>) target(%arg9 : memref<10240xf32, #tpu.memory_space<vmem>>) target_semaphore(%run_scoped3A : memref<!tpu.dma_semaphore, #tpu.memory_space<semaphore_mem>>)
      tpu.wait_dma2 semaphore(%run_scoped3A : memref<!tpu.dma_semaphore, #tpu.memory_space<semaphore_mem>>) src(%arg13 : memref<10240xf32, #tpu.memory_space<vmem_shared>>) dst(%arg9 : memref<10240xf32, #tpu.memory_space<vmem>>)
      tpu.yield
    }) : () -> ()
    %add3A_38 = arith.constant 0 : i32
    %add3A_39 = arith.addi %mul3A_2, %add3A_38 : i32
    "tpu.region"() ({
      %run_scoped3A = tpu.sem_alloc : memref<!tpu.dma_semaphore, #tpu.memory_space<semaphore_mem>>
      %dma_start3A = tpu.memref_slice %arg2[%add3A_39] : memref<640000xi32, #tpu.memory_space<hbm>> -> memref<2000xi32, #tpu.memory_space<hbm>>
      %dma_start3A_924 = tpu.memref_slice %arg2[%add3A_39] : memref<640000xi32, #tpu.memory_space<hbm>> -> memref<2000xi32, #tpu.memory_space<hbm>>
      tpu.enqueue_dma source(%dma_start3A_924 : memref<2000xi32, #tpu.memory_space<hbm>>) target(%arg5 : memref<2000xi32, #tpu.memory_space<vmem>>) target_semaphore(%run_scoped3A : memref<!tpu.dma_semaphore, #tpu.memory_space<semaphore_mem>>)
      %dma_wait3A = tpu.memref_slice %arg2[%add3A_39] : memref<640000xi32, #tpu.memory_space<hbm>> -> memref<2000xi32, #tpu.memory_space<hbm>>
      %dma_wait3A_925 = tpu.memref_slice %arg2[%add3A_39] : memref<640000xi32, #tpu.memory_space<hbm>> -> memref<2000xi32, #tpu.memory_space<hbm>>
      tpu.wait_dma2 semaphore(%run_scoped3A : memref<!tpu.dma_semaphore, #tpu.memory_space<semaphore_mem>>) src(%dma_wait3A_925 : memref<2000xi32, #tpu.memory_space<hbm>>) dst(%arg5 : memref<2000xi32, #tpu.memory_space<vmem>>)
      tpu.yield
    }) : () -> ()
    %add3A_40 = arith.constant 320000 : i32
    %add3A_41 = arith.addi %add3A_40, %mul3A_2 : i32
    %add3A_42 = arith.constant 0 : i32
    %add3A_43 = arith.addi %add3A_41, %add3A_42 : i32
    "tpu.region"() ({
      %run_scoped3A = tpu.sem_alloc : memref<!tpu.dma_semaphore, #tpu.memory_space<semaphore_mem>>
      %dma_start3A = tpu.memref_slice %arg2[%add3A_43] : memref<640000xi32, #tpu.memory_space<hbm>> -> memref<2000xi32, #tpu.memory_space<hbm>>
      %dma_start3A_924 = tpu.memref_slice %arg2[%add3A_43] : memref<640000xi32, #tpu.memory_space<hbm>> -> memref<2000xi32, #tpu.memory_space<hbm>>
      tpu.enqueue_dma source(%dma_start3A_924 : memref<2000xi32, #tpu.memory_space<hbm>>) target(%arg6 : memref<2000xi32, #tpu.memory_space<vmem>>) target_semaphore(%run_scoped3A : memref<!tpu.dma_semaphore, #tpu.memory_space<semaphore_mem>>)
      %dma_wait3A = tpu.memref_slice %arg2[%add3A_43] : memref<640000xi32, #tpu.memory_space<hbm>> -> memref<2000xi32, #tpu.memory_space<hbm>>
      %dma_wait3A_925 = tpu.memref_slice %arg2[%add3A_43] : memref<640000xi32, #tpu.memory_space<hbm>> -> memref<2000xi32, #tpu.memory_space<hbm>>
      tpu.wait_dma2 semaphore(%run_scoped3A : memref<!tpu.dma_semaphore, #tpu.memory_space<semaphore_mem>>) src(%dma_wait3A_925 : memref<2000xi32, #tpu.memory_space<hbm>>) dst(%arg6 : memref<2000xi32, #tpu.memory_space<vmem>>)
      tpu.yield
    }) : () -> ()
    %scan3A_44 = arith.constant 0 : i32
    %scan3A_45 = arith.constant 0 : i32
    %scan3A_46 = arith.constant 25 : i32
    %scan3A_47 = arith.addi %scan3A_45, %scan3A_46 : i32
    %scan3A_48 = arith.constant 1 : i32
    %scan3A_49 = scf.for %scan3A_924 = %scan3A_45 to %scan3A_47 step %scan3A_48 iter_args(%scan3A_925 = %scan3A_44) -> (i32)  : i32 {
      %mul3A_926 = arith.constant 5 : i32
      %mul3A_927 = arith.muli %scan3A_924, %mul3A_926 : i32
      %add3A_928 = arith.constant 0 : i32
      %add3A_929 = arith.addi %mul3A_927, %add3A_928 : i32
      %add3A_930 = arith.constant 0 : i32
      %add3A_931 = arith.addi %add3A_930, %add3A_929 : i32
      %mul3A_932 = arith.constant 16 : i32
      %mul3A_933 = arith.muli %add3A_929, %mul3A_932 : i32
      %get3A = arith.index_cast %mul3A_933 : i32 to index
      %get3A_934 = tpu.vector_load %arg6[%get3A] {strides = array<i32>} : memref<2000xi32, #tpu.memory_space<vmem>>, vector<16xi32>,
      %mul3A_935 = arith.constant 16 : i32
      %mul3A_936 = arith.muli %add3A_929, %mul3A_935 : i32
      %get3A_937 = arith.index_cast %mul3A_936 : i32 to index
      %get3A_938 = tpu.vector_load %arg5[%get3A_937] {strides = array<i32>} : memref<2000xi32, #tpu.memory_space<vmem>>, vector<16xi32>,
      %mul3A_939 = arith.constant 5243 : i32
      %mul3A_940 = vector.broadcast %mul3A_939 : i32 to vector<16xi32>
      %mul3A_941 = arith.muli %get3A_934, %mul3A_940 : vector<16xi32>
      %shift_right_arithmetic3A_942 = arith.constant 19 : i32
      %shift_right_arithmetic3A_943 = vector.broadcast %shift_right_arithmetic3A_942 : i32 to vector<16xi32>
      %shift_right_arithmetic3A_944 = arith.shrsi %mul3A_941, %shift_right_arithmetic3A_943 : vector<16xi32>
      %shift_left3A_945 = arith.constant 7 : i32
      %shift_left3A_946 = vector.broadcast %shift_left3A_945 : i32 to vector<16xi32>
      %shift_left3A_947 = arith.shli %get3A_938, %shift_left3A_946 : vector<16xi32>
      %add3A_948 = arith.addi %shift_left3A_947, %shift_right_arithmetic3A_944 : vector<16xi32>
      %shift_right_arithmetic3A_949 = arith.constant 3 : i32
      %shift_right_arithmetic3A_950 = arith.shrsi %add3A_931, %shift_right_arithmetic3A_949 : i32
      %and3A = arith.constant 7 : i32
      %and3A_951 = arith.andi %add3A_931, %and3A : i32
      %mul3A_952 = arith.constant 16 : i32
      %mul3A_953 = arith.muli %and3A_951, %mul3A_952 : i32
      %swap3A_954 = arith.index_cast %shift_right_arithmetic3A_950 : i32 to index
      %swap3A_955 = arith.index_cast %mul3A_953 : i32 to index
      %swap3A_956 = tpu.vector_load %arg7[%swap3A_954, %swap3A_955] {strides = array<i32>} : memref<82x128xi32, #tpu.memory_space<vmem>>, vector<16xi32>,
      tpu.vector_store %arg7[%swap3A_954, %swap3A_955], %add3A_948 {strides = array<i32>} : memref<82x128xi32, #tpu.memory_space<vmem>>, vector<16xi32>,
      %gather3A_957 = tpu.vector_load_idx %arg9[%get3A_934] : memref<10240xf32, #tpu.memory_space<vmem>>[vector<16xi32>], vector<16xf32>,
      %gather3A_958 = tpu.vector_load_idx %arg9[%get3A_938] : memref<10240xf32, #tpu.memory_space<vmem>>[vector<16xi32>], vector<16xf32>,
      %mul3A_959 = arith.mulf %gather3A_957, %gather3A_958 : vector<16xf32>
      %shift_right_arithmetic3A_960 = arith.constant 3 : i32
      %shift_right_arithmetic3A_961 = arith.shrsi %add3A_931, %shift_right_arithmetic3A_960 : i32
      %and3A_962 = arith.constant 7 : i32
      %and3A_963 = arith.andi %add3A_931, %and3A_962 : i32
      %mul3A_964 = arith.constant 16 : i32
      %mul3A_965 = arith.muli %and3A_963, %mul3A_964 : i32
      %swap3A_966 = arith.index_cast %shift_right_arithmetic3A_961 : i32 to index
      %swap3A_967 = arith.index_cast %mul3A_965 : i32 to index
      %swap3A_968 = tpu.vector_load %arg8[%swap3A_966, %swap3A_967] {strides = array<i32>} : memref<82x128xf32, #tpu.memory_space<vmem>>, vector<16xf32>,
      tpu.vector_store %arg8[%swap3A_966, %swap3A_967], %mul3A_959 {strides = array<i32>} : memref<82x128xf32, #tpu.memory_space<vmem>>, vector<16xf32>,
      %mul3A_969 = arith.constant 5 : i32
      %mul3A_970 = arith.muli %scan3A_924, %mul3A_969 : i32
      %add3A_971 = arith.constant 1 : i32
      %add3A_972 = arith.addi %mul3A_970, %add3A_971 : i32
      %add3A_973 = arith.constant 0 : i32
      %add3A_974 = arith.addi %add3A_973, %add3A_972 : i32
      %mul3A_975 = arith.constant 16 : i32
      %mul3A_976 = arith.muli %add3A_972, %mul3A_975 : i32
      %get3A_977 = arith.index_cast %mul3A_976 : i32 to index
      %get3A_978 = tpu.vector_load %arg6[%get3A_977] {strides = array<i32>} : memref<2000xi32, #tpu.memory_space<vmem>>, vector<16xi32>,
      %mul3A_979 = arith.constant 16 : i32
      %mul3A_980 = arith.muli %add3A_972, %mul3A_979 : i32
      %get3A_981 = arith.index_cast %mul3A_980 : i32 to index
      %get3A_982 = tpu.vector_load %arg5[%get3A_981] {strides = array<i32>} : memref<2000xi32, #tpu.memory_space<vmem>>, vector<16xi32>,
      %mul3A_983 = arith.constant 5243 : i32
      %mul3A_984 = vector.broadcast %mul3A_983 : i32 to vector<16xi32>
      %mul3A_985 = arith.muli %get3A_978, %mul3A_984 : vector<16xi32>
      %shift_right_arithmetic3A_986 = arith.constant 19 : i32
      %shift_right_arithmetic3A_987 = vector.broadcast %shift_right_arithmetic3A_986 : i32 to vector<16xi32>
      %shift_right_arithmetic3A_988 = arith.shrsi %mul3A_985, %shift_right_arithmetic3A_987 : vector<16xi32>
      %shift_left3A_989 = arith.constant 7 : i32
      %shift_left3A_990 = vector.broadcast %shift_left3A_989 : i32 to vector<16xi32>
      %shift_left3A_991 = arith.shli %get3A_982, %shift_left3A_990 : vector<16xi32>
      %add3A_992 = arith.addi %shift_left3A_991, %shift_right_arithmetic3A_988 : vector<16xi32>
      %shift_right_arithmetic3A_993 = arith.constant 3 : i32
      %shift_right_arithmetic3A_994 = arith.shrsi %add3A_974, %shift_right_arithmetic3A_993 : i32
      %and3A_995 = arith.constant 7 : i32
      %and3A_996 = arith.andi %add3A_974, %and3A_995 : i32
      %mul3A_997 = arith.constant 16 : i32
      %mul3A_998 = arith.muli %and3A_996, %mul3A_997 : i32
      %swap3A_999 = arith.index_cast %shift_right_arithmetic3A_994 : i32 to index
      %swap3A_1000 = arith.index_cast %mul3A_998 : i32 to index
      %swap3A_1001 = tpu.vector_load %arg7[%swap3A_999, %swap3A_1000] {strides = array<i32>} : memref<82x128xi32, #tpu.memory_space<vmem>>, vector<16xi32>,
      tpu.vector_store %arg7[%swap3A_999, %swap3A_1000], %add3A_992 {strides = array<i32>} : memref<82x128xi32, #tpu.memory_space<vmem>>, vector<16xi32>,
      %gather3A_1002 = tpu.vector_load_idx %arg9[%get3A_978] : memref<10240xf32, #tpu.memory_space<vmem>>[vector<16xi32>], vector<16xf32>,
      %gather3A_1003 = tpu.vector_load_idx %arg9[%get3A_982] : memref<10240xf32, #tpu.memory_space<vmem>>[vector<16xi32>], vector<16xf32>,
      %mul3A_1004 = arith.mulf %gather3A_1002, %gather3A_1003 : vector<16xf32>
      %shift_right_arithmetic3A_1005 = arith.constant 3 : i32
      %shift_right_arithmetic3A_1006 = arith.shrsi %add3A_974, %shift_right_arithmetic3A_1005 : i32
      %and3A_1007 = arith.constant 7 : i32
      %and3A_1008 = arith.andi %add3A_974, %and3A_1007 : i32
      %mul3A_1009 = arith.constant 16 : i32
      %mul3A_1010 = arith.muli %and3A_1008, %mul3A_1009 : i32
      %swap3A_1011 = arith.index_cast %shift_right_arithmetic3A_1006 : i32 to index
      %swap3A_1012 = arith.index_cast %mul3A_1010 : i32 to index
      %swap3A_1013 = tpu.vector_load %arg8[%swap3A_1011, %swap3A_1012] {strides = array<i32>} : memref<82x128xf32, #tpu.memory_space<vmem>>, vector<16xf32>,
      tpu.vector_store %arg8[%swap3A_1011, %swap3A_1012], %mul3A_1004 {strides = array<i32>} : memref<82x128xf32, #tpu.memory_space<vmem>>, vector<16xf32>,
      %mul3A_1014 = arith.constant 5 : i32
      %mul3A_1015 = arith.muli %scan3A_924, %mul3A_1014 : i32
      %add3A_1016 = arith.constant 2 : i32
      %add3A_1017 = arith.addi %mul3A_1015, %add3A_1016 : i32
      %add3A_1018 = arith.constant 0 : i32
      %add3A_1019 = arith.addi %add3A_1018, %add3A_1017 : i32
      %mul3A_1020 = arith.constant 16 : i32
      %mul3A_1021 = arith.muli %add3A_1017, %mul3A_1020 : i32
      %get3A_1022 = arith.index_cast %mul3A_1021 : i32 to index
      %get3A_1023 = tpu.vector_load %arg6[%get3A_1022] {strides = array<i32>} : memref<2000xi32, #tpu.memory_space<vmem>>, vector<16xi32>,
      %mul3A_1024 = arith.constant 16 : i32
      %mul3A_1025 = arith.muli %add3A_1017, %mul3A_1024 : i32
      %get3A_1026 = arith.index_cast %mul3A_1025 : i32 to index
      %get3A_1027 = tpu.vector_load %arg5[%get3A_1026] {strides = array<i32>} : memref<2000xi32, #tpu.memory_space<vmem>>, vector<16xi32>,
      %mul3A_1028 = arith.constant 5243 : i32
      %mul3A_1029 = vector.broadcast %mul3A_1028 : i32 to vector<16xi32>
      %mul3A_1030 = arith.muli %get3A_1023, %mul3A_1029 : vector<16xi32>
      %shift_right_arithmetic3A_1031 = arith.constant 19 : i32
      %shift_right_arithmetic3A_1032 = vector.broadcast %shift_right_arithmetic3A_1031 : i32 to vector<16xi32>
      %shift_right_arithmetic3A_1033 = arith.shrsi %mul3A_1030, %shift_right_arithmetic3A_1032 : vector<16xi32>
      %shift_left3A_1034 = arith.constant 7 : i32
      %shift_left3A_1035 = vector.broadcast %shift_left3A_1034 : i32 to vector<16xi32>
      %shift_left3A_1036 = arith.shli %get3A_1027, %shift_left3A_1035 : vector<16xi32>
      %add3A_1037 = arith.addi %shift_left3A_1036, %shift_right_arithmetic3A_1033 : vector<16xi32>
      %shift_right_arithmetic3A_1038 = arith.constant 3 : i32
      %shift_right_arithmetic3A_1039 = arith.shrsi %add3A_1019, %shift_right_arithmetic3A_1038 : i32
      %and3A_1040 = arith.constant 7 : i32
      %and3A_1041 = arith.andi %add3A_1019, %and3A_1040 : i32
      %mul3A_1042 = arith.constant 16 : i32
      %mul3A_1043 = arith.muli %and3A_1041, %mul3A_1042 : i32
      %swap3A_1044 = arith.index_cast %shift_right_arithmetic3A_1039 : i32 to index
      %swap3A_1045 = arith.index_cast %mul3A_1043 : i32 to index
      %swap3A_1046 = tpu.vector_load %arg7[%swap3A_1044, %swap3A_1045] {strides = array<i32>} : memref<82x128xi32, #tpu.memory_space<vmem>>, vector<16xi32>,
      tpu.vector_store %arg7[%swap3A_1044, %swap3A_1045], %add3A_1037 {strides = array<i32>} : memref<82x128xi32, #tpu.memory_space<vmem>>, vector<16xi32>,
      %gather3A_1047 = tpu.vector_load_idx %arg9[%get3A_1023] : memref<10240xf32, #tpu.memory_space<vmem>>[vector<16xi32>], vector<16xf32>,
      %gather3A_1048 = tpu.vector_load_idx %arg9[%get3A_1027] : memref<10240xf32, #tpu.memory_space<vmem>>[vector<16xi32>], vector<16xf32>,
      %mul3A_1049 = arith.mulf %gather3A_1047, %gather3A_1048 : vector<16xf32>
      %shift_right_arithmetic3A_1050 = arith.constant 3 : i32
      %shift_right_arithmetic3A_1051 = arith.shrsi %add3A_1019, %shift_right_arithmetic3A_1050 : i32
      %and3A_1052 = arith.constant 7 : i32
      %and3A_1053 = arith.andi %add3A_1019, %and3A_1052 : i32
      %mul3A_1054 = arith.constant 16 : i32
      %mul3A_1055 = arith.muli %and3A_1053, %mul3A_1054 : i32
      %swap3A_1056 = arith.index_cast %shift_right_arithmetic3A_1051 : i32 to index
      %swap3A_1057 = arith.index_cast %mul3A_1055 : i32 to index
      %swap3A_1058 = tpu.vector_load %arg8[%swap3A_1056, %swap3A_1057] {strides = array<i32>} : memref<82x128xf32, #tpu.memory_space<vmem>>, vector<16xf32>,
      tpu.vector_store %arg8[%swap3A_1056, %swap3A_1057], %mul3A_1049 {strides = array<i32>} : memref<82x128xf32, #tpu.memory_space<vmem>>, vector<16xf32>,
      %mul3A_1059 = arith.constant 5 : i32
      %mul3A_1060 = arith.muli %scan3A_924, %mul3A_1059 : i32
      %add3A_1061 = arith.constant 3 : i32
      %add3A_1062 = arith.addi %mul3A_1060, %add3A_1061 : i32
      %add3A_1063 = arith.constant 0 : i32
      %add3A_1064 = arith.addi %add3A_1063, %add3A_1062 : i32
      %mul3A_1065 = arith.constant 16 : i32
      %mul3A_1066 = arith.muli %add3A_1062, %mul3A_1065 : i32
      %get3A_1067 = arith.index_cast %mul3A_1066 : i32 to index
      %get3A_1068 = tpu.vector_load %arg6[%get3A_1067] {strides = array<i32>} : memref<2000xi32, #tpu.memory_space<vmem>>, vector<16xi32>,
      %mul3A_1069 = arith.constant 16 : i32
      %mul3A_1070 = arith.muli %add3A_1062, %mul3A_1069 : i32
      %get3A_1071 = arith.index_cast %mul3A_1070 : i32 to index
      %get3A_1072 = tpu.vector_load %arg5[%get3A_1071] {strides = array<i32>} : memref<2000xi32, #tpu.memory_space<vmem>>, vector<16xi32>,
      %mul3A_1073 = arith.constant 5243 : i32
      %mul3A_1074 = vector.broadcast %mul3A_1073 : i32 to vector<16xi32>
      %mul3A_1075 = arith.muli %get3A_1068, %mul3A_1074 : vector<16xi32>
      %shift_right_arithmetic3A_1076 = arith.constant 19 : i32
      %shift_right_arithmetic3A_1077 = vector.broadcast %shift_right_arithmetic3A_1076 : i32 to vector<16xi32>
      %shift_right_arithmetic3A_1078 = arith.shrsi %mul3A_1075, %shift_right_arithmetic3A_1077 : vector<16xi32>
      %shift_left3A_1079 = arith.constant 7 : i32
      %shift_left3A_1080 = vector.broadcast %shift_left3A_1079 : i32 to vector<16xi32>
      %shift_left3A_1081 = arith.shli %get3A_1072, %shift_left3A_1080 : vector<16xi32>
      %add3A_1082 = arith.addi %shift_left3A_1081, %shift_right_arithmetic3A_1078 : vector<16xi32>
      %shift_right_arithmetic3A_1083 = arith.constant 3 : i32
      %shift_right_arithmetic3A_1084 = arith.shrsi %add3A_1064, %shift_right_arithmetic3A_1083 : i32
      %and3A_1085 = arith.constant 7 : i32
      %and3A_1086 = arith.andi %add3A_1064, %and3A_1085 : i32
      %mul3A_1087 = arith.constant 16 : i32
      %mul3A_1088 = arith.muli %and3A_1086, %mul3A_1087 : i32
      %swap3A_1089 = arith.index_cast %shift_right_arithmetic3A_1084 : i32 to index
      %swap3A_1090 = arith.index_cast %mul3A_1088 : i32 to index
      %swap3A_1091 = tpu.vector_load %arg7[%swap3A_1089, %swap3A_1090] {strides = array<i32>} : memref<82x128xi32, #tpu.memory_space<vmem>>, vector<16xi32>,
      tpu.vector_store %arg7[%swap3A_1089, %swap3A_1090], %add3A_1082 {strides = array<i32>} : memref<82x128xi32, #tpu.memory_space<vmem>>, vector<16xi32>,
      %gather3A_1092 = tpu.vector_load_idx %arg9[%get3A_1068] : memref<10240xf32, #tpu.memory_space<vmem>>[vector<16xi32>], vector<16xf32>,
      %gather3A_1093 = tpu.vector_load_idx %arg9[%get3A_1072] : memref<10240xf32, #tpu.memory_space<vmem>>[vector<16xi32>], vector<16xf32>,
      %mul3A_1094 = arith.mulf %gather3A_1092, %gather3A_1093 : vector<16xf32>
      %shift_right_arithmetic3A_1095 = arith.constant 3 : i32
      %shift_right_arithmetic3A_1096 = arith.shrsi %add3A_1064, %shift_right_arithmetic3A_1095 : i32
      %and3A_1097 = arith.constant 7 : i32
      %and3A_1098 = arith.andi %add3A_1064, %and3A_1097 : i32
      %mul3A_1099 = arith.constant 16 : i32
      %mul3A_1100 = arith.muli %and3A_1098, %mul3A_1099 : i32
      %swap3A_1101 = arith.index_cast %shift_right_arithmetic3A_1096 : i32 to index
      %swap3A_1102 = arith.index_cast %mul3A_1100 : i32 to index
      %swap3A_1103 = tpu.vector_load %arg8[%swap3A_1101, %swap3A_1102] {strides = array<i32>} : memref<82x128xf32, #tpu.memory_space<vmem>>, vector<16xf32>,
      tpu.vector_store %arg8[%swap3A_1101, %swap3A_1102], %mul3A_1094 {strides = array<i32>} : memref<82x128xf32, #tpu.memory_space<vmem>>, vector<16xf32>,
      %mul3A_1104 = arith.constant 5 : i32
      %mul3A_1105 = arith.muli %scan3A_924, %mul3A_1104 : i32
      %add3A_1106 = arith.constant 4 : i32
      %add3A_1107 = arith.addi %mul3A_1105, %add3A_1106 : i32
      %add3A_1108 = arith.constant 0 : i32
      %add3A_1109 = arith.addi %add3A_1108, %add3A_1107 : i32
      %mul3A_1110 = arith.constant 16 : i32
      %mul3A_1111 = arith.muli %add3A_1107, %mul3A_1110 : i32
      %get3A_1112 = arith.index_cast %mul3A_1111 : i32 to index
      %get3A_1113 = tpu.vector_load %arg6[%get3A_1112] {strides = array<i32>} : memref<2000xi32, #tpu.memory_space<vmem>>, vector<16xi32>,
      %mul3A_1114 = arith.constant 16 : i32
      %mul3A_1115 = arith.muli %add3A_1107, %mul3A_1114 : i32
      %get3A_1116 = arith.index_cast %mul3A_1115 : i32 to index
      %get3A_1117 = tpu.vector_load %arg5[%get3A_1116] {strides = array<i32>} : memref<2000xi32, #tpu.memory_space<vmem>>, vector<16xi32>,
      %mul3A_1118 = arith.constant 5243 : i32
      %mul3A_1119 = vector.broadcast %mul3A_1118 : i32 to vector<16xi32>
      %mul3A_1120 = arith.muli %get3A_1113, %mul3A_1119 : vector<16xi32>
      %shift_right_arithmetic3A_1121 = arith.constant 19 : i32
      %shift_right_arithmetic3A_1122 = vector.broadcast %shift_right_arithmetic3A_1121 : i32 to vector<16xi32>
      %shift_right_arithmetic3A_1123 = arith.shrsi %mul3A_1120, %shift_right_arithmetic3A_1122 : vector<16xi32>
      %shift_left3A_1124 = arith.constant 7 : i32
      %shift_left3A_1125 = vector.broadcast %shift_left3A_1124 : i32 to vector<16xi32>
      %shift_left3A_1126 = arith.shli %get3A_1117, %shift_left3A_1125 : vector<16xi32>
      %add3A_1127 = arith.addi %shift_left3A_1126, %shift_right_arithmetic3A_1123 : vector<16xi32>
      %shift_right_arithmetic3A_1128 = arith.constant 3 : i32
      %shift_right_arithmetic3A_1129 = arith.shrsi %add3A_1109, %shift_right_arithmetic3A_1128 : i32
      %and3A_1130 = arith.constant 7 : i32
      %and3A_1131 = arith.andi %add3A_1109, %and3A_1130 : i32
      %mul3A_1132 = arith.constant 16 : i32
      %mul3A_1133 = arith.muli %and3A_1131, %mul3A_1132 : i32
      %swap3A_1134 = arith.index_cast %shift_right_arithmetic3A_1129 : i32 to index
      %swap3A_1135 = arith.index_cast %mul3A_1133 : i32 to index
      %swap3A_1136 = tpu.vector_load %arg7[%swap3A_1134, %swap3A_1135] {strides = array<i32>} : memref<82x128xi32, #tpu.memory_space<vmem>>, vector<16xi32>,
      tpu.vector_store %arg7[%swap3A_1134, %swap3A_1135], %add3A_1127 {strides = array<i32>} : memref<82x128xi32, #tpu.memory_space<vmem>>, vector<16xi32>,
      %gather3A_1137 = tpu.vector_load_idx %arg9[%get3A_1113] : memref<10240xf32, #tpu.memory_space<vmem>>[vector<16xi32>], vector<16xf32>,
      %gather3A_1138 = tpu.vector_load_idx %arg9[%get3A_1117] : memref<10240xf32, #tpu.memory_space<vmem>>[vector<16xi32>], vector<16xf32>,
      %mul3A_1139 = arith.mulf %gather3A_1137, %gather3A_1138 : vector<16xf32>
      %shift_right_arithmetic3A_1140 = arith.constant 3 : i32
      %shift_right_arithmetic3A_1141 = arith.shrsi %add3A_1109, %shift_right_arithmetic3A_1140 : i32
      %and3A_1142 = arith.constant 7 : i32
      %and3A_1143 = arith.andi %add3A_1109, %and3A_1142 : i32
      %mul3A_1144 = arith.constant 16 : i32
      %mul3A_1145 = arith.muli %and3A_1143, %mul3A_1144 : i32
      %swap3A_1146 = arith.index_cast %shift_right_arithmetic3A_1141 : i32 to index
      %swap3A_1147 = arith.index_cast %mul3A_1145 : i32 to index
      %swap3A_1148 = tpu.vector_load %arg8[%swap3A_1146, %swap3A_1147] {strides = array<i32>} : memref<82x128xf32, #tpu.memory_space<vmem>>, vector<16xf32>,
      tpu.vector_store %arg8[%swap3A_1146, %swap3A_1147], %mul3A_1139 {strides = array<i32>} : memref<82x128xf32, #tpu.memory_space<vmem>>, vector<16xf32>,
      %scan3A_1149 = arith.constant 0 : i32
      scf.yield %scan3A_1149 : i32
    }
    %scan3A_50 = arith.constant 25 : i32
    %scan3A_51 = arith.constant 0 : i32
    %scan3A_52 = arith.constant 0 : i32
    %scan3A_53 = arith.constant 15 : i32
    %scan3A_54 = arith.addi %scan3A_52, %scan3A_53 : i32
    %scan3A_55 = arith.constant 1 : i32
    %scan3A_56 = scf.for %scan3A_924 = %scan3A_52 to %scan3A_54 step %scan3A_55 iter_args(%scan3A_925 = %scan3A_51) -> (i32)  : i32 {
      %dma_start3A = arith.constant 0 : i32
      %dma_start3A_926 = tpu.memref_slice %arg8[%scan3A_924, %dma_start3A] : memref<82x128xf32, #tpu.memory_space<vmem>> -> memref<1x128xf32, #tpu.memory_space<vmem>>
      %dma_start3A_927 = tpu.memref_squeeze %dma_start3A_926 : memref<1x128xf32, #tpu.memory_space<vmem>> -> memref<128xf32, #tpu.memory_space<vmem>>
      %dma_start3A_928 = arith.constant 0 : i32
      %dma_start3A_929 = tpu.memref_slice %arg7[%scan3A_924, %dma_start3A_928] : memref<82x128xi32, #tpu.memory_space<vmem>> -> memref<1x128xi32, #tpu.memory_space<vmem>>
      %dma_start3A_930 = tpu.memref_squeeze %dma_start3A_929 : memref<1x128xi32, #tpu.memory_space<vmem>> -> memref<128xi32, #tpu.memory_space<vmem>>
      %dma_start3A_931 = arith.constant 0 : i32
      %dma_start3A_932 = tpu.memref_slice %arg12[%dma_start3A_931] : memref<1310720xf32, #tpu.memory_space<vmem_shared>> -> memref<1310720xf32, #tpu.memory_space<vmem_shared>>
      tpu.enqueue_indirect_dma source(%dma_start3A_927 : memref<128xf32, #tpu.memory_space<vmem>>) target(%dma_start3A_932 : memref<1310720xf32, #tpu.memory_space<vmem_shared>>) offsets(%dma_start3A_930 : memref<128xi32, #tpu.memory_space<vmem>>) semaphore(%arg14 : memref<!tpu.dma_semaphore, #tpu.memory_space<semaphore_mem>>) {add = true}
      %scan3A_933 = arith.constant 0 : i32
      scf.yield %scan3A_933 : i32
    }
    %scan3A_57 = arith.constant 15 : i32
    %add3A_58 = arith.constant 2000 : i32
    %add3A_59 = arith.addi %mul3A_2, %add3A_58 : i32
    "tpu.region"() ({
      %run_scoped3A = tpu.sem_alloc : memref<!tpu.dma_semaphore, #tpu.memory_space<semaphore_mem>>
      %dma_start3A = tpu.memref_slice %arg2[%add3A_59] : memref<640000xi32, #tpu.memory_space<hbm>> -> memref<2000xi32, #tpu.memory_space<hbm>>
      %dma_start3A_924 = tpu.memref_slice %arg2[%add3A_59] : memref<640000xi32, #tpu.memory_space<hbm>> -> memref<2000xi32, #tpu.memory_space<hbm>>
      tpu.enqueue_dma source(%dma_start3A_924 : memref<2000xi32, #tpu.memory_space<hbm>>) target(%arg5 : memref<2000xi32, #tpu.memory_space<vmem>>) target_semaphore(%run_scoped3A : memref<!tpu.dma_semaphore, #tpu.memory_space<semaphore_mem>>)
      %dma_wait3A = tpu.memref_slice %arg2[%add3A_59] : memref<640000xi32, #tpu.memory_space<hbm>> -> memref<2000xi32, #tpu.memory_space<hbm>>
      %dma_wait3A_925 = tpu.memref_slice %arg2[%add3A_59] : memref<640000xi32, #tpu.memory_space<hbm>> -> memref<2000xi32, #tpu.memory_space<hbm>>
      tpu.wait_dma2 semaphore(%run_scoped3A : memref<!tpu.dma_semaphore, #tpu.memory_space<semaphore_mem>>) src(%dma_wait3A_925 : memref<2000xi32, #tpu.memory_space<hbm>>) dst(%arg5 : memref<2000xi32, #tpu.memory_space<vmem>>)
      tpu.yield
    }) : () -> ()
    %add3A_60 = arith.constant 320000 : i32
    %add3A_61 = arith.addi %add3A_60, %mul3A_2 : i32
    %add3A_62 = arith.constant 2000 : i32
    %add3A_63 = arith.addi %add3A_61, %add3A_62 : i32
    "tpu.region"() ({
      %run_scoped3A = tpu.sem_alloc : memref<!tpu.dma_semaphore, #tpu.memory_space<semaphore_mem>>
      %dma_start3A = tpu.memref_slice %arg2[%add3A_63] : memref<640000xi32, #tpu.memory_space<hbm>> -> memref<2000xi32, #tpu.memory_space<hbm>>
      %dma_start3A_924 = tpu.memref_slice %arg2[%add3A_63] : memref<640000xi32, #tpu.memory_space<hbm>> -> memref<2000xi32, #tpu.memory_space<hbm>>
      tpu.enqueue_dma source(%dma_start3A_924 : memref<2000xi32, #tpu.memory_space<hbm>>) target(%arg6 : memref<2000xi32, #tpu.memory_space<vmem>>) target_semaphore(%run_scoped3A : memref<!tpu.dma_semaphore, #tpu.memory_space<semaphore_mem>>)
      %dma_wait3A = tpu.memref_slice %arg2[%add3A_63] : memref<640000xi32, #tpu.memory_space<hbm>> -> memref<2000xi32, #tpu.memory_space<hbm>>
      %dma_wait3A_925 = tpu.memref_slice %arg2[%add3A_63] : memref<640000xi32, #tpu.memory_space<hbm>> -> memref<2000xi32, #tpu.memory_space<hbm>>
      tpu.wait_dma2 semaphore(%run_scoped3A : memref<!tpu.dma_semaphore, #tpu.memory_space<semaphore_mem>>) src(%dma_wait3A_925 : memref<2000xi32, #tpu.memory_space<hbm>>) dst(%arg6 : memref<2000xi32, #tpu.memory_space<vmem>>)
      tpu.yield
    }) : () -> ()
    %scan3A_64 = arith.constant 0 : i32
    %scan3A_65 = arith.constant 0 : i32
    %scan3A_66 = arith.constant 25 : i32
    %scan3A_67 = arith.addi %scan3A_65, %scan3A_66 : i32
    %scan3A_68 = arith.constant 1 : i32
    %scan3A_69 = scf.for %scan3A_924 = %scan3A_65 to %scan3A_67 step %scan3A_68 iter_args(%scan3A_925 = %scan3A_64) -> (i32)  : i32 {
      %mul3A_926 = arith.constant 5 : i32
      %mul3A_927 = arith.muli %scan3A_924, %mul3A_926 : i32
      %add3A_928 = arith.constant 0 : i32
      %add3A_929 = arith.addi %mul3A_927, %add3A_928 : i32
      %add3A_930 = arith.constant 125 : i32
      %add3A_931 = arith.addi %add3A_930, %add3A_929 : i32
      %mul3A_932 = arith.constant 16 : i32
      %mul3A_933 = arith.muli %add3A_929, %mul3A_932 : i32
      %get3A = arith.index_cast %mul3A_933 : i32 to index
      %get3A_934 = tpu.vector_load %arg6[%get3A] {strides = array<i32>} : memref<2000xi32, #tpu.memory_space<vmem>>, vector<16xi32>,
      %mul3A_935 = arith.constant 16 : i32
      %mul3A_936 = arith.muli %add3A_929, %mul3A_935 : i32
      %get3A_937 = arith.index_cast %mul3A_936 : i32 to index
      %get3A_938 = tpu.vector_load %arg5[%get3A_937] {strides = array<i32>} : memref<2000xi32, #tpu.memory_space<vmem>>, vector<16xi32>,
      %mul3A_939 = arith.constant 5243 : i32
      %mul3A_940 = vector.broadcast %mul3A_939 : i32 to vector<16xi32>
      %mul3A_941 = arith.muli %get3A_934, %mul3A_940 : vector<16xi32>
      %shift_right_arithmetic3A_942 = arith.constant 19 : i32
      %shift_right_arithmetic3A_943 = vector.broadcast %shift_right_arithmetic3A_942 : i32 to vector<16xi32>
      %shift_right_arithmetic3A_944 = arith.shrsi %mul3A_941, %shift_right_arithmetic3A_943 : vector<16xi32>
      %shift_left3A_945 = arith.constant 7 : i32
      %shift_left3A_946 = vector.broadcast %shift_left3A_945 : i32 to vector<16xi32>
      %shift_left3A_947 = arith.shli %get3A_938, %shift_left3A_946 : vector<16xi32>
      %add3A_948 = arith.addi %shift_left3A_947, %shift_right_arithmetic3A_944 : vector<16xi32>
      %shift_right_arithmetic3A_949 = arith.constant 3 : i32
      %shift_right_arithmetic3A_950 = arith.shrsi %add3A_931, %shift_right_arithmetic3A_949 : i32
      %and3A = arith.constant 7 : i32
      %and3A_951 = arith.andi %add3A_931, %and3A : i32
      %mul3A_952 = arith.constant 16 : i32
      %mul3A_953 = arith.muli %and3A_951, %mul3A_952 : i32
      %swap3A_954 = arith.index_cast %shift_right_arithmetic3A_950 : i32 to index
      %swap3A_955 = arith.index_cast %mul3A_953 : i32 to index
      %swap3A_956 = tpu.vector_load %arg7[%swap3A_954, %swap3A_955] {strides = array<i32>} : memref<82x128xi32, #tpu.memory_space<vmem>>, vector<16xi32>,
      tpu.vector_store %arg7[%swap3A_954, %swap3A_955], %add3A_948 {strides = array<i32>} : memref<82x128xi32, #tpu.memory_space<vmem>>, vector<16xi32>,
      %gather3A_957 = tpu.vector_load_idx %arg9[%get3A_934] : memref<10240xf32, #tpu.memory_space<vmem>>[vector<16xi32>], vector<16xf32>,
      %gather3A_958 = tpu.vector_load_idx %arg9[%get3A_938] : memref<10240xf32, #tpu.memory_space<vmem>>[vector<16xi32>], vector<16xf32>,
      %mul3A_959 = arith.mulf %gather3A_957, %gather3A_958 : vector<16xf32>
      %shift_right_arithmetic3A_960 = arith.constant 3 : i32
      %shift_right_arithmetic3A_961 = arith.shrsi %add3A_931, %shift_right_arithmetic3A_960 : i32
      %and3A_962 = arith.constant 7 : i32
      %and3A_963 = arith.andi %add3A_931, %and3A_962 : i32
      %mul3A_964 = arith.constant 16 : i32
      %mul3A_965 = arith.muli %and3A_963, %mul3A_964 : i32
      %swap3A_966 = arith.index_cast %shift_right_arithmetic3A_961 : i32 to index
      %swap3A_967 = arith.index_cast %mul3A_965 : i32 to index
      %swap3A_968 = tpu.vector_load %arg8[%swap3A_966, %swap3A_967] {strides = array<i32>} : memref<82x128xf32, #tpu.memory_space<vmem>>, vector<16xf32>,
      tpu.vector_store %arg8[%swap3A_966, %swap3A_967], %mul3A_959 {strides = array<i32>} : memref<82x128xf32, #tpu.memory_space<vmem>>, vector<16xf32>,
      %mul3A_969 = arith.constant 5 : i32
      %mul3A_970 = arith.muli %scan3A_924, %mul3A_969 : i32
      %add3A_971 = arith.constant 1 : i32
      %add3A_972 = arith.addi %mul3A_970, %add3A_971 : i32
      %add3A_973 = arith.constant 125 : i32
      %add3A_974 = arith.addi %add3A_973, %add3A_972 : i32
      %mul3A_975 = arith.constant 16 : i32
      %mul3A_976 = arith.muli %add3A_972, %mul3A_975 : i32
      %get3A_977 = arith.index_cast %mul3A_976 : i32 to index
      %get3A_978 = tpu.vector_load %arg6[%get3A_977] {strides = array<i32>} : memref<2000xi32, #tpu.memory_space<vmem>>, vector<16xi32>,
      %mul3A_979 = arith.constant 16 : i32
      %mul3A_980 = arith.muli %add3A_972, %mul3A_979 : i32
      %get3A_981 = arith.index_cast %mul3A_980 : i32 to index
      %get3A_982 = tpu.vector_load %arg5[%get3A_981] {strides = array<i32>} : memref<2000xi32, #tpu.memory_space<vmem>>, vector<16xi32>,
      %mul3A_983 = arith.constant 5243 : i32
      %mul3A_984 = vector.broadcast %mul3A_983 : i32 to vector<16xi32>
      %mul3A_985 = arith.muli %get3A_978, %mul3A_984 : vector<16xi32>
      %shift_right_arithmetic3A_986 = arith.constant 19 : i32
      %shift_right_arithmetic3A_987 = vector.broadcast %shift_right_arithmetic3A_986 : i32 to vector<16xi32>
      %shift_right_arithmetic3A_988 = arith.shrsi %mul3A_985, %shift_right_arithmetic3A_987 : vector<16xi32>
      %shift_left3A_989 = arith.constant 7 : i32
      %shift_left3A_990 = vector.broadcast %shift_left3A_989 : i32 to vector<16xi32>
      %shift_left3A_991 = arith.shli %get3A_982, %shift_left3A_990 : vector<16xi32>
      %add3A_992 = arith.addi %shift_left3A_991, %shift_right_arithmetic3A_988 : vector<16xi32>
      %shift_right_arithmetic3A_993 = arith.constant 3 : i32
      %shift_right_arithmetic3A_994 = arith.shrsi %add3A_974, %shift_right_arithmetic3A_993 : i32
      %and3A_995 = arith.constant 7 : i32
      %and3A_996 = arith.andi %add3A_974, %and3A_995 : i32
      %mul3A_997 = arith.constant 16 : i32
      %mul3A_998 = arith.muli %and3A_996, %mul3A_997 : i32
      %swap3A_999 = arith.index_cast %shift_right_arithmetic3A_994 : i32 to index
      %swap3A_1000 = arith.index_cast %mul3A_998 : i32 to index
      %swap3A_1001 = tpu.vector_load %arg7[%swap3A_999, %swap3A_1000] {strides = array<i32>} : memref<82x128xi32, #tpu.memory_space<vmem>>, vector<16xi32>,
      tpu.vector_store %arg7[%swap3A_999, %swap3A_1000], %add3A_992 {strides = array<i32>} : memref<82x128xi32, #tpu.memory_space<vmem>>, vector<16xi32>,
      %gather3A_1002 = tpu.vector_load_idx %arg9[%get3A_978] : memref<10240xf32, #tpu.memory_space<vmem>>[vector<16xi32>], vector<16xf32>,
      %gather3A_1003 = tpu.vector_load_idx %arg9[%get3A_982] : memref<10240xf32, #tpu.memory_space<vmem>>[vector<16xi32>], vector<16xf32>,
      %mul3A_1004 = arith.mulf %gather3A_1002, %gather3A_1003 : vector<16xf32>
      %shift_right_arithmetic3A_1005 = arith.constant 3 : i32
      %shift_right_arithmetic3A_1006 = arith.shrsi %add3A_974, %shift_right_arithmetic3A_1005 : i32
      %and3A_1007 = arith.constant 7 : i32
      %and3A_1008 = arith.andi %add3A_974, %and3A_1007 : i32
      %mul3A_1009 = arith.constant 16 : i32
      %mul3A_1010 = arith.muli %and3A_1008, %mul3A_1009 : i32
      %swap3A_1011 = arith.index_cast %shift_right_arithmetic3A_1006 : i32 to index
      %swap3A_1012 = arith.index_cast %mul3A_1010 : i32 to index
      %swap3A_1013 = tpu.vector_load %arg8[%swap3A_1011, %swap3A_1012] {strides = array<i32>} : memref<82x128xf32, #tpu.memory_space<vmem>>, vector<16xf32>,
      tpu.vector_store %arg8[%swap3A_1011, %swap3A_1012], %mul3A_1004 {strides = array<i32>} : memref<82x128xf32, #tpu.memory_space<vmem>>, vector<16xf32>,
      %mul3A_1014 = arith.constant 5 : i32
      %mul3A_1015 = arith.muli %scan3A_924, %mul3A_1014 : i32
      %add3A_1016 = arith.constant 2 : i32
      %add3A_1017 = arith.addi %mul3A_1015, %add3A_1016 : i32
      %add3A_1018 = arith.constant 125 : i32
      %add3A_1019 = arith.addi %add3A_1018, %add3A_1017 : i32
      %mul3A_1020 = arith.constant 16 : i32
      %mul3A_1021 = arith.muli %add3A_1017, %mul3A_1020 : i32
      %get3A_1022 = arith.index_cast %mul3A_1021 : i32 to index
      %get3A_1023 = tpu.vector_load %arg6[%get3A_1022] {strides = array<i32>} : memref<2000xi32, #tpu.memory_space<vmem>>, vector<16xi32>,
      %mul3A_1024 = arith.constant 16 : i32
      %mul3A_1025 = arith.muli %add3A_1017, %mul3A_1024 : i32
      %get3A_1026 = arith.index_cast %mul3A_1025 : i32 to index
      %get3A_1027 = tpu.vector_load %arg5[%get3A_1026] {strides = array<i32>} : memref<2000xi32, #tpu.memory_space<vmem>>, vector<16xi32>,
      %mul3A_1028 = arith.constant 5243 : i32
      %mul3A_1029 = vector.broadcast %mul3A_1028 : i32 to vector<16xi32>
      %mul3A_1030 = arith.muli %get3A_1023, %mul3A_1029 : vector<16xi32>
      %shift_right_arithmetic3A_1031 = arith.constant 19 : i32
      %shift_right_arithmetic3A_1032 = vector.broadcast %shift_right_arithmetic3A_1031 : i32 to vector<16xi32>
      %shift_right_arithmetic3A_1033 = arith.shrsi %mul3A_1030, %shift_right_arithmetic3A_1032 : vector<16xi32>
      %shift_left3A_1034 = arith.constant 7 : i32
      %shift_left3A_1035 = vector.broadcast %shift_left3A_1034 : i32 to vector<16xi32>
      %shift_left3A_1036 = arith.shli %get3A_1027, %shift_left3A_1035 : vector<16xi32>
      %add3A_1037 = arith.addi %shift_left3A_1036, %shift_right_arithmetic3A_1033 : vector<16xi32>
      %shift_right_arithmetic3A_1038 = arith.constant 3 : i32
      %shift_right_arithmetic3A_1039 = arith.shrsi %add3A_1019, %shift_right_arithmetic3A_1038 : i32
      %and3A_1040 = arith.constant 7 : i32
      %and3A_1041 = arith.andi %add3A_1019, %and3A_1040 : i32
      %mul3A_1042 = arith.constant 16 : i32
      %mul3A_1043 = arith.muli %and3A_1041, %mul3A_1042 : i32
      %swap3A_1044 = arith.index_cast %shift_right_arithmetic3A_1039 : i32 to index
      %swap3A_1045 = arith.index_cast %mul3A_1043 : i32 to index
      %swap3A_1046 = tpu.vector_load %arg7[%swap3A_1044, %swap3A_1045] {strides = array<i32>} : memref<82x128xi32, #tpu.memory_space<vmem>>, vector<16xi32>,
      tpu.vector_store %arg7[%swap3A_1044, %swap3A_1045], %add3A_1037 {strides = array<i32>} : memref<82x128xi32, #tpu.memory_space<vmem>>, vector<16xi32>,
      %gather3A_1047 = tpu.vector_load_idx %arg9[%get3A_1023] : memref<10240xf32, #tpu.memory_space<vmem>>[vector<16xi32>], vector<16xf32>,
      %gather3A_1048 = tpu.vector_load_idx %arg9[%get3A_1027] : memref<10240xf32, #tpu.memory_space<vmem>>[vector<16xi32>], vector<16xf32>,
      %mul3A_1049 = arith.mulf %gather3A_1047, %gather3A_1048 : vector<16xf32>
      %shift_right_arithmetic3A_1050 = arith.constant 3 : i32
      %shift_right_arithmetic3A_1051 = arith.shrsi %add3A_1019, %shift_right_arithmetic3A_1050 : i32
      %and3A_1052 = arith.constant 7 : i32
      %and3A_1053 = arith.andi %add3A_1019, %and3A_1052 : i32
      %mul3A_1054 = arith.constant 16 : i32
      %mul3A_1055 = arith.muli %and3A_1053, %mul3A_1054 : i32
      %swap3A_1056 = arith.index_cast %shift_right_arithmetic3A_1051 : i32 to index
      %swap3A_1057 = arith.index_cast %mul3A_1055 : i32 to index
      %swap3A_1058 = tpu.vector_load %arg8[%swap3A_1056, %swap3A_1057] {strides = array<i32>} : memref<82x128xf32, #tpu.memory_space<vmem>>, vector<16xf32>,
      tpu.vector_store %arg8[%swap3A_1056, %swap3A_1057], %mul3A_1049 {strides = array<i32>} : memref<82x128xf32, #tpu.memory_space<vmem>>, vector<16xf32>,
      %mul3A_1059 = arith.constant 5 : i32
      %mul3A_1060 = arith.muli %scan3A_924, %mul3A_1059 : i32
      %add3A_1061 = arith.constant 3 : i32
      %add3A_1062 = arith.addi %mul3A_1060, %add3A_1061 : i32
      %add3A_1063 = arith.constant 125 : i32
      %add3A_1064 = arith.addi %add3A_1063, %add3A_1062 : i32
      %mul3A_1065 = arith.constant 16 : i32
      %mul3A_1066 = arith.muli %add3A_1062, %mul3A_1065 : i32
      %get3A_1067 = arith.index_cast %mul3A_1066 : i32 to index
      %get3A_1068 = tpu.vector_load %arg6[%get3A_1067] {strides = array<i32>} : memref<2000xi32, #tpu.memory_space<vmem>>, vector<16xi32>,
      %mul3A_1069 = arith.constant 16 : i32
      %mul3A_1070 = arith.muli %add3A_1062, %mul3A_1069 : i32
      %get3A_1071 = arith.index_cast %mul3A_1070 : i32 to index
      %get3A_1072 = tpu.vector_load %arg5[%get3A_1071] {strides = array<i32>} : memref<2000xi32, #tpu.memory_space<vmem>>, vector<16xi32>,
      %mul3A_1073 = arith.constant 5243 : i32
      %mul3A_1074 = vector.broadcast %mul3A_1073 : i32 to vector<16xi32>
      %mul3A_1075 = arith.muli %get3A_1068, %mul3A_1074 : vector<16xi32>
      %shift_right_arithmetic3A_1076 = arith.constant 19 : i32
      %shift_right_arithmetic3A_1077 = vector.broadcast %shift_right_arithmetic3A_1076 : i32 to vector<16xi32>
      %shift_right_arithmetic3A_1078 = arith.shrsi %mul3A_1075, %shift_right_arithmetic3A_1077 : vector<16xi32>
      %shift_left3A_1079 = arith.constant 7 : i32
      %shift_left3A_1080 = vector.broadcast %shift_left3A_1079 : i32 to vector<16xi32>
      %shift_left3A_1081 = arith.shli %get3A_1072, %shift_left3A_1080 : vector<16xi32>
      %add3A_1082 = arith.addi %shift_left3A_1081, %shift_right_arithmetic3A_1078 : vector<16xi32>
      %shift_right_arithmetic3A_1083 = arith.constant 3 : i32
      %shift_right_arithmetic3A_1084 = arith.shrsi %add3A_1064, %shift_right_arithmetic3A_1083 : i32
      %and3A_1085 = arith.constant 7 : i32
      %and3A_1086 = arith.andi %add3A_1064, %and3A_1085 : i32
      %mul3A_1087 = arith.constant 16 : i32
      %mul3A_1088 = arith.muli %and3A_1086, %mul3A_1087 : i32
      %swap3A_1089 = arith.index_cast %shift_right_arithmetic3A_1084 : i32 to index
      %swap3A_1090 = arith.index_cast %mul3A_1088 : i32 to index
      %swap3A_1091 = tpu.vector_load %arg7[%swap3A_1089, %swap3A_1090] {strides = array<i32>} : memref<82x128xi32, #tpu.memory_space<vmem>>, vector<16xi32>,
      tpu.vector_store %arg7[%swap3A_1089, %swap3A_1090], %add3A_1082 {strides = array<i32>} : memref<82x128xi32, #tpu.memory_space<vmem>>, vector<16xi32>,
      %gather3A_1092 = tpu.vector_load_idx %arg9[%get3A_1068] : memref<10240xf32, #tpu.memory_space<vmem>>[vector<16xi32>], vector<16xf32>,
      %gather3A_1093 = tpu.vector_load_idx %arg9[%get3A_1072] : memref<10240xf32, #tpu.memory_space<vmem>>[vector<16xi32>], vector<16xf32>,
      %mul3A_1094 = arith.mulf %gather3A_1092, %gather3A_1093 : vector<16xf32>
      %shift_right_arithmetic3A_1095 = arith.constant 3 : i32
      %shift_right_arithmetic3A_1096 = arith.shrsi %add3A_1064, %shift_right_arithmetic3A_1095 : i32
      %and3A_1097 = arith.constant 7 : i32
      %and3A_1098 = arith.andi %add3A_1064, %and3A_1097 : i32
      %mul3A_1099 = arith.constant 16 : i32
      %mul3A_1100 = arith.muli %and3A_1098, %mul3A_1099 : i32
      %swap3A_1101 = arith.index_cast %shift_right_arithmetic3A_1096 : i32 to index
      %swap3A_1102 = arith.index_cast %mul3A_1100 : i32 to index
      %swap3A_1103 = tpu.vector_load %arg8[%swap3A_1101, %swap3A_1102] {strides = array<i32>} : memref<82x128xf32, #tpu.memory_space<vmem>>, vector<16xf32>,
      tpu.vector_store %arg8[%swap3A_1101, %swap3A_1102], %mul3A_1094 {strides = array<i32>} : memref<82x128xf32, #tpu.memory_space<vmem>>, vector<16xf32>,
      %mul3A_1104 = arith.constant 5 : i32
      %mul3A_1105 = arith.muli %scan3A_924, %mul3A_1104 : i32
      %add3A_1106 = arith.constant 4 : i32
      %add3A_1107 = arith.addi %mul3A_1105, %add3A_1106 : i32
      %add3A_1108 = arith.constant 125 : i32
      %add3A_1109 = arith.addi %add3A_1108, %add3A_1107 : i32
      %mul3A_1110 = arith.constant 16 : i32
      %mul3A_1111 = arith.muli %add3A_1107, %mul3A_1110 : i32
      %get3A_1112 = arith.index_cast %mul3A_1111 : i32 to index
      %get3A_1113 = tpu.vector_load %arg6[%get3A_1112] {strides = array<i32>} : memref<2000xi32, #tpu.memory_space<vmem>>, vector<16xi32>,
      %mul3A_1114 = arith.constant 16 : i32
      %mul3A_1115 = arith.muli %add3A_1107, %mul3A_1114 : i32
      %get3A_1116 = arith.index_cast %mul3A_1115 : i32 to index
      %get3A_1117 = tpu.vector_load %arg5[%get3A_1116] {strides = array<i32>} : memref<2000xi32, #tpu.memory_space<vmem>>, vector<16xi32>,
      %mul3A_1118 = arith.constant 5243 : i32
      %mul3A_1119 = vector.broadcast %mul3A_1118 : i32 to vector<16xi32>
      %mul3A_1120 = arith.muli %get3A_1113, %mul3A_1119 : vector<16xi32>
      %shift_right_arithmetic3A_1121 = arith.constant 19 : i32
      %shift_right_arithmetic3A_1122 = vector.broadcast %shift_right_arithmetic3A_1121 : i32 to vector<16xi32>
      %shift_right_arithmetic3A_1123 = arith.shrsi %mul3A_1120, %shift_right_arithmetic3A_1122 : vector<16xi32>
      %shift_left3A_1124 = arith.constant 7 : i32
      %shift_left3A_1125 = vector.broadcast %shift_left3A_1124 : i32 to vector<16xi32>
      %shift_left3A_1126 = arith.shli %get3A_1117, %shift_left3A_1125 : vector<16xi32>
      %add3A_1127 = arith.addi %shift_left3A_1126, %shift_right_arithmetic3A_1123 : vector<16xi32>
      %shift_right_arithmetic3A_1128 = arith.constant 3 : i32
      %shift_right_arithmetic3A_1129 = arith.shrsi %add3A_1109, %shift_right_arithmetic3A_1128 : i32
      %and3A_1130 = arith.constant 7 : i32
      %and3A_1131 = arith.andi %add3A_1109, %and3A_1130 : i32
      %mul3A_1132 = arith.constant 16 : i32
      %mul3A_1133 = arith.muli %and3A_1131, %mul3A_1132 : i32
      %swap3A_1134 = arith.index_cast %shift_right_arithmetic3A_1129 : i32 to index
      %swap3A_1135 = arith.index_cast %mul3A_1133 : i32 to index
      %swap3A_1136 = tpu.vector_load %arg7[%swap3A_1134, %swap3A_1135] {strides = array<i32>} : memref<82x128xi32, #tpu.memory_space<vmem>>, vector<16xi32>,
      tpu.vector_store %arg7[%swap3A_1134, %swap3A_1135], %add3A_1127 {strides = array<i32>} : memref<82x128xi32, #tpu.memory_space<vmem>>, vector<16xi32>,
      %gather3A_1137 = tpu.vector_load_idx %arg9[%get3A_1113] : memref<10240xf32, #tpu.memory_space<vmem>>[vector<16xi32>], vector<16xf32>,
      %gather3A_1138 = tpu.vector_load_idx %arg9[%get3A_1117] : memref<10240xf32, #tpu.memory_space<vmem>>[vector<16xi32>], vector<16xf32>,
      %mul3A_1139 = arith.mulf %gather3A_1137, %gather3A_1138 : vector<16xf32>
      %shift_right_arithmetic3A_1140 = arith.constant 3 : i32
      %shift_right_arithmetic3A_1141 = arith.shrsi %add3A_1109, %shift_right_arithmetic3A_1140 : i32
      %and3A_1142 = arith.constant 7 : i32
      %and3A_1143 = arith.andi %add3A_1109, %and3A_1142 : i32
      %mul3A_1144 = arith.constant 16 : i32
      %mul3A_1145 = arith.muli %and3A_1143, %mul3A_1144 : i32
      %swap3A_1146 = arith.index_cast %shift_right_arithmetic3A_1141 : i32 to index
      %swap3A_1147 = arith.index_cast %mul3A_1145 : i32 to index
      %swap3A_1148 = tpu.vector_load %arg8[%swap3A_1146, %swap3A_1147] {strides = array<i32>} : memref<82x128xf32, #tpu.memory_space<vmem>>, vector<16xf32>,
      tpu.vector_store %arg8[%swap3A_1146, %swap3A_1147], %mul3A_1139 {strides = array<i32>} : memref<82x128xf32, #tpu.memory_space<vmem>>, vector<16xf32>,
      %scan3A_1149 = arith.constant 0 : i32
      scf.yield %scan3A_1149 : i32
    }
    %scan3A_70 = arith.constant 25 : i32
    %scan3A_71 = arith.constant 0 : i32
    %scan3A_72 = arith.constant 15 : i32
    %scan3A_73 = arith.constant 16 : i32
    %scan3A_74 = arith.addi %scan3A_72, %scan3A_73 : i32
    %scan3A_75 = arith.constant 1 : i32
    %scan3A_76 = scf.for %scan3A_924 = %scan3A_72 to %scan3A_74 step %scan3A_75 iter_args(%scan3A_925 = %scan3A_71) -> (i32)  : i32 {
      %dma_start3A = arith.constant 0 : i32
      %dma_start3A_926 = tpu.memref_slice %arg8[%scan3A_924, %dma_start3A] : memref<82x128xf32, #tpu.memory_space<vmem>> -> memref<1x128xf32, #tpu.memory_space<vmem>>
      %dma_start3A_927 = tpu.memref_squeeze %dma_start3A_926 : memref<1x128xf32, #tpu.memory_space<vmem>> -> memref<128xf32, #tpu.memory_space<vmem>>
      %dma_start3A_928 = arith.constant 0 : i32
      %dma_start3A_929 = tpu.memref_slice %arg7[%scan3A_924, %dma_start3A_928] : memref<82x128xi32, #tpu.memory_space<vmem>> -> memref<1x128xi32, #tpu.memory_space<vmem>>
      %dma_start3A_930 = tpu.memref_squeeze %dma_start3A_929 : memref<1x128xi32, #tpu.memory_space<vmem>> -> memref<128xi32, #tpu.memory_space<vmem>>
      %dma_start3A_931 = arith.constant 0 : i32
      %dma_start3A_932 = tpu.memref_slice %arg12[%dma_start3A_931] : memref<1310720xf32, #tpu.memory_space<vmem_shared>> -> memref<1310720xf32, #tpu.memory_space<vmem_shared>>
      tpu.enqueue_indirect_dma source(%dma_start3A_927 : memref<128xf32, #tpu.memory_space<vmem>>) target(%dma_start3A_932 : memref<1310720xf32, #tpu.memory_space<vmem_shared>>) offsets(%dma_start3A_930 : memref<128xi32, #tpu.memory_space<vmem>>) semaphore(%arg14 : memref<!tpu.dma_semaphore, #tpu.memory_space<semaphore_mem>>) {add = true}
      %scan3A_933 = arith.constant 0 : i32
      scf.yield %scan3A_933 : i32
    }
    %scan3A_77 = arith.constant 16 : i32
    %add3A_78 = arith.constant 4000 : i32
    %add3A_79 = arith.addi %mul3A_2, %add3A_78 : i32
    "tpu.region"() ({
      %run_scoped3A = tpu.sem_alloc : memref<!tpu.dma_semaphore, #tpu.memory_space<semaphore_mem>>
      %dma_start3A = tpu.memref_slice %arg2[%add3A_79] : memref<640000xi32, #tpu.memory_space<hbm>> -> memref<2000xi32, #tpu.memory_space<hbm>>
      %dma_start3A_924 = tpu.memref_slice %arg2[%add3A_79] : memref<640000xi32, #tpu.memory_space<hbm>> -> memref<2000xi32, #tpu.memory_space<hbm>>
      tpu.enqueue_dma source(%dma_start3A_924 : memref<2000xi32, #tpu.memory_space<hbm>>) target(%arg5 : memref<2000xi32, #tpu.memory_space<vmem>>) target_semaphore(%run_scoped3A : memref<!tpu.dma_semaphore, #tpu.memory_space<semaphore_mem>>)
      %dma_wait3A = tpu.memref_slice %arg2[%add3A_79] : memref<640000xi32, #tpu.memory_space<hbm>> -> memref<2000xi32, #tpu.memory_space<hbm>>
      %dma_wait3A_925 = tpu.memref_slice %arg2[%add3A_79] : memref<640000xi32, #tpu.memory_space<hbm>> -> memref<2000xi32, #tpu.memory_space<hbm>>
      tpu.wait_dma2 semaphore(%run_scoped3A : memref<!tpu.dma_semaphore, #tpu.memory_space<semaphore_mem>>) src(%dma_wait3A_925 : memref<2000xi32, #tpu.memory_space<hbm>>) dst(%arg5 : memref<2000xi32, #tpu.memory_space<vmem>>)
      tpu.yield
    }) : () -> ()
    %add3A_80 = arith.constant 320000 : i32
    %add3A_81 = arith.addi %add3A_80, %mul3A_2 : i32
    %add3A_82 = arith.constant 4000 : i32
    %add3A_83 = arith.addi %add3A_81, %add3A_82 : i32
    "tpu.region"() ({
      %run_scoped3A = tpu.sem_alloc : memref<!tpu.dma_semaphore, #tpu.memory_space<semaphore_mem>>
      %dma_start3A = tpu.memref_slice %arg2[%add3A_83] : memref<640000xi32, #tpu.memory_space<hbm>> -> memref<2000xi32, #tpu.memory_space<hbm>>
      %dma_start3A_924 = tpu.memref_slice %arg2[%add3A_83] : memref<640000xi32, #tpu.memory_space<hbm>> -> memref<2000xi32, #tpu.memory_space<hbm>>
      tpu.enqueue_dma source(%dma_start3A_924 : memref<2000xi32, #tpu.memory_space<hbm>>) target(%arg6 : memref<2000xi32, #tpu.memory_space<vmem>>) target_semaphore(%run_scoped3A : memref<!tpu.dma_semaphore, #tpu.memory_space<semaphore_mem>>)
      %dma_wait3A = tpu.memref_slice %arg2[%add3A_83] : memref<640000xi32, #tpu.memory_space<hbm>> -> memref<2000xi32, #tpu.memory_space<hbm>>
      %dma_wait3A_925 = tpu.memref_slice %arg2[%add3A_83] : memref<640000xi32, #tpu.memory_space<hbm>> -> memref<2000xi32, #tpu.memory_space<hbm>>
      tpu.wait_dma2 semaphore(%run_scoped3A : memref<!tpu.dma_semaphore, #tpu.memory_space<semaphore_mem>>) src(%dma_wait3A_925 : memref<2000xi32, #tpu.memory_space<hbm>>) dst(%arg6 : memref<2000xi32, #tpu.memory_space<vmem>>)
      tpu.yield
    }) : () -> ()
    %scan3A_84 = arith.constant 0 : i32
    %scan3A_85 = arith.constant 0 : i32
    %scan3A_86 = arith.constant 25 : i32
    %scan3A_87 = arith.addi %scan3A_85, %scan3A_86 : i32
    %scan3A_88 = arith.constant 1 : i32
    %scan3A_89 = scf.for %scan3A_924 = %scan3A_85 to %scan3A_87 step %scan3A_88 iter_args(%scan3A_925 = %scan3A_84) -> (i32)  : i32 {
      %mul3A_926 = arith.constant 5 : i32
      %mul3A_927 = arith.muli %scan3A_924, %mul3A_926 : i32
      %add3A_928 = arith.constant 0 : i32
      %add3A_929 = arith.addi %mul3A_927, %add3A_928 : i32
      %add3A_930 = arith.constant 250 : i32
      %add3A_931 = arith.addi %add3A_930, %add3A_929 : i32
      %mul3A_932 = arith.constant 16 : i32
      %mul3A_933 = arith.muli %add3A_929, %mul3A_932 : i32
      %get3A = arith.index_cast %mul3A_933 : i32 to index
      %get3A_934 = tpu.vector_load %arg6[%get3A] {strides = array<i32>} : memref<2000xi32, #tpu.memory_space<vmem>>, vector<16xi32>,
      %mul3A_935 = arith.constant 16 : i32
      %mul3A_936 = arith.muli %add3A_929, %mul3A_935 : i32
      %get3A_937 = arith.index_cast %mul3A_936 : i32 to index
      %get3A_938 = tpu.vector_load %arg5[%get3A_937] {strides = array<i32>} : memref<2000xi32, #tpu.memory_space<vmem>>, vector<16xi32>,
      %mul3A_939 = arith.constant 5243 : i32
      %mul3A_940 = vector.broadcast %mul3A_939 : i32 to vector<16xi32>
      %mul3A_941 = arith.muli %get3A_934, %mul3A_940 : vector<16xi32>
      %shift_right_arithmetic3A_942 = arith.constant 19 : i32
      %shift_right_arithmetic3A_943 = vector.broadcast %shift_right_arithmetic3A_942 : i32 to vector<16xi32>
      %shift_right_arithmetic3A_944 = arith.shrsi %mul3A_941, %shift_right_arithmetic3A_943 : vector<16xi32>
      %shift_left3A_945 = arith.constant 7 : i32
      %shift_left3A_946 = vector.broadcast %shift_left3A_945 : i32 to vector<16xi32>
      %shift_left3A_947 = arith.shli %get3A_938, %shift_left3A_946 : vector<16xi32>
      %add3A_948 = arith.addi %shift_left3A_947, %shift_right_arithmetic3A_944 : vector<16xi32>
      %shift_right_arithmetic3A_949 = arith.constant 3 : i32
      %shift_right_arithmetic3A_950 = arith.shrsi %add3A_931, %shift_right_arithmetic3A_949 : i32
      %and3A = arith.constant 7 : i32
      %and3A_951 = arith.andi %add3A_931, %and3A : i32
      %mul3A_952 = arith.constant 16 : i32
      %mul3A_953 = arith.muli %and3A_951, %mul3A_952 : i32
      %swap3A_954 = arith.index_cast %shift_right_arithmetic3A_950 : i32 to index
      %swap3A_955 = arith.index_cast %mul3A_953 : i32 to index
      %swap3A_956 = tpu.vector_load %arg7[%swap3A_954, %swap3A_955] {strides = array<i32>} : memref<82x128xi32, #tpu.memory_space<vmem>>, vector<16xi32>,
      tpu.vector_store %arg7[%swap3A_954, %swap3A_955], %add3A_948 {strides = array<i32>} : memref<82x128xi32, #tpu.memory_space<vmem>>, vector<16xi32>,
      %gather3A_957 = tpu.vector_load_idx %arg9[%get3A_934] : memref<10240xf32, #tpu.memory_space<vmem>>[vector<16xi32>], vector<16xf32>,
      %gather3A_958 = tpu.vector_load_idx %arg9[%get3A_938] : memref<10240xf32, #tpu.memory_space<vmem>>[vector<16xi32>], vector<16xf32>,
      %mul3A_959 = arith.mulf %gather3A_957, %gather3A_958 : vector<16xf32>
      %shift_right_arithmetic3A_960 = arith.constant 3 : i32
      %shift_right_arithmetic3A_961 = arith.shrsi %add3A_931, %shift_right_arithmetic3A_960 : i32
      %and3A_962 = arith.constant 7 : i32
      %and3A_963 = arith.andi %add3A_931, %and3A_962 : i32
      %mul3A_964 = arith.constant 16 : i32
      %mul3A_965 = arith.muli %and3A_963, %mul3A_964 : i32
      %swap3A_966 = arith.index_cast %shift_right_arithmetic3A_961 : i32 to index
      %swap3A_967 = arith.index_cast %mul3A_965 : i32 to index
      %swap3A_968 = tpu.vector_load %arg8[%swap3A_966, %swap3A_967] {strides = array<i32>} : memref<82x128xf32, #tpu.memory_space<vmem>>, vector<16xf32>,
      tpu.vector_store %arg8[%swap3A_966, %swap3A_967], %mul3A_959 {strides = array<i32>} : memref<82x128xf32, #tpu.memory_space<vmem>>, vector<16xf32>,
      %mul3A_969 = arith.constant 5 : i32
      %mul3A_970 = arith.muli %scan3A_924, %mul3A_969 : i32
      %add3A_971 = arith.constant 1 : i32
      %add3A_972 = arith.addi %mul3A_970, %add3A_971 : i32
      %add3A_973 = arith.constant 250 : i32
      %add3A_974 = arith.addi %add3A_973, %add3A_972 : i32
      %mul3A_975 = arith.constant 16 : i32
      %mul3A_976 = arith.muli %add3A_972, %mul3A_975 : i32
      %get3A_977 = arith.index_cast %mul3A_976 : i32 to index
      %get3A_978 = tpu.vector_load %arg6[%get3A_977] {strides = array<i32>} : memref<2000xi32, #tpu.memory_space<vmem>>, vector<16xi32>,
      %mul3A_979 = arith.constant 16 : i32
      %mul3A_980 = arith.muli %add3A_972, %mul3A_979 : i32
      %get3A_981 = arith.index_cast %mul3A_980 : i32 to index
      %get3A_982 = tpu.vector_load %arg5[%get3A_981] {strides = array<i32>} : memref<2000xi32, #tpu.memory_space<vmem>>, vector<16xi32>,
      %mul3A_983 = arith.constant 5243 : i32
      %mul3A_984 = vector.broadcast %mul3A_983 : i32 to vector<16xi32>
      %mul3A_985 = arith.muli %get3A_978, %mul3A_984 : vector<16xi32>
      %shift_right_arithmetic3A_986 = arith.constant 19 : i32
      %shift_right_arithmetic3A_987 = vector.broadcast %shift_right_arithmetic3A_986 : i32 to vector<16xi32>
      %shift_right_arithmetic3A_988 = arith.shrsi %mul3A_985, %shift_right_arithmetic3A_987 : vector<16xi32>
      %shift_left3A_989 = arith.constant 7 : i32
      %shift_left3A_990 = vector.broadcast %shift_left3A_989 : i32 to vector<16xi32>
      %shift_left3A_991 = arith.shli %get3A_982, %shift_left3A_990 : vector<16xi32>
      %add3A_992 = arith.addi %shift_left3A_991, %shift_right_arithmetic3A_988 : vector<16xi32>
      %shift_right_arithmetic3A_993 = arith.constant 3 : i32
      %shift_right_arithmetic3A_994 = arith.shrsi %add3A_974, %shift_right_arithmetic3A_993 : i32
      %and3A_995 = arith.constant 7 : i32
      %and3A_996 = arith.andi %add3A_974, %and3A_995 : i32
      %mul3A_997 = arith.constant 16 : i32
      %mul3A_998 = arith.muli %and3A_996, %mul3A_997 : i32
      %swap3A_999 = arith.index_cast %shift_right_arithmetic3A_994 : i32 to index
      %swap3A_1000 = arith.index_cast %mul3A_998 : i32 to index
      %swap3A_1001 = tpu.vector_load %arg7[%swap3A_999, %swap3A_1000] {strides = array<i32>} : memref<82x128xi32, #tpu.memory_space<vmem>>, vector<16xi32>,
      tpu.vector_store %arg7[%swap3A_999, %swap3A_1000], %add3A_992 {strides = array<i32>} : memref<82x128xi32, #tpu.memory_space<vmem>>, vector<16xi32>,
      %gather3A_1002 = tpu.vector_load_idx %arg9[%get3A_978] : memref<10240xf32, #tpu.memory_space<vmem>>[vector<16xi32>], vector<16xf32>,
      %gather3A_1003 = tpu.vector_load_idx %arg9[%get3A_982] : memref<10240xf32, #tpu.memory_space<vmem>>[vector<16xi32>], vector<16xf32>,
      %mul3A_1004 = arith.mulf %gather3A_1002, %gather3A_1003 : vector<16xf32>
      %shift_right_arithmetic3A_1005 = arith.constant 3 : i32
      %shift_right_arithmetic3A_1006 = arith.shrsi %add3A_974, %shift_right_arithmetic3A_1005 : i32
      %and3A_1007 = arith.constant 7 : i32
      %and3A_1008 = arith.andi %add3A_974, %and3A_1007 : i32
      %mul3A_1009 = arith.constant 16 : i32
      %mul3A_1010 = arith.muli %and3A_1008, %mul3A_1009 : i32
      %swap3A_1011 = arith.index_cast %shift_right_arithmetic3A_1006 : i32 to index
      %swap3A_1012 = arith.index_cast %mul3A_1010 : i32 to index
      %swap3A_1013 = tpu.vector_load %arg8[%swap3A_1011, %swap3A_1012] {strides = array<i32>} : memref<82x128xf32, #tpu.memory_space<vmem>>, vector<16xf32>,
      tpu.vector_store %arg8[%swap3A_1011, %swap3A_1012], %mul3A_1004 {strides = array<i32>} : memref<82x128xf32, #tpu.memory_space<vmem>>, vector<16xf32>,
      %mul3A_1014 = arith.constant 5 : i32
      %mul3A_1015 = arith.muli %scan3A_924, %mul3A_1014 : i32
      %add3A_1016 = arith.constant 2 : i32
      %add3A_1017 = arith.addi %mul3A_1015, %add3A_1016 : i32
      %add3A_1018 = arith.constant 250 : i32
      %add3A_1019 = arith.addi %add3A_1018, %add3A_1017 : i32
      %mul3A_1020 = arith.constant 16 : i32
      %mul3A_1021 = arith.muli %add3A_1017, %mul3A_1020 : i32
      %get3A_1022 = arith.index_cast %mul3A_1021 : i32 to index
      %get3A_1023 = tpu.vector_load %arg6[%get3A_1022] {strides = array<i32>} : memref<2000xi32, #tpu.memory_space<vmem>>, vector<16xi32>,
      %mul3A_1024 = arith.constant 16 : i32
      %mul3A_1025 = arith.muli %add3A_1017, %mul3A_1024 : i32
      %get3A_1026 = arith.index_cast %mul3A_1025 : i32 to index
      %get3A_1027 = tpu.vector_load %arg5[%get3A_1026] {strides = array<i32>} : memref<2000xi32, #tpu.memory_space<vmem>>, vector<16xi32>,
      %mul3A_1028 = arith.constant 5243 : i32
      %mul3A_1029 = vector.broadcast %mul3A_1028 : i32 to vector<16xi32>
      %mul3A_1030 = arith.muli %get3A_1023, %mul3A_1029 : vector<16xi32>
      %shift_right_arithmetic3A_1031 = arith.constant 19 : i32
      %shift_right_arithmetic3A_1032 = vector.broadcast %shift_right_arithmetic3A_1031 : i32 to vector<16xi32>
      %shift_right_arithmetic3A_1033 = arith.shrsi %mul3A_1030, %shift_right_arithmetic3A_1032 : vector<16xi32>
      %shift_left3A_1034 = arith.constant 7 : i32
      %shift_left3A_1035 = vector.broadcast %shift_left3A_1034 : i32 to vector<16xi32>
      %shift_left3A_1036 = arith.shli %get3A_1027, %shift_left3A_1035 : vector<16xi32>
      %add3A_1037 = arith.addi %shift_left3A_1036, %shift_right_arithmetic3A_1033 : vector<16xi32>
      %shift_right_arithmetic3A_1038 = arith.constant 3 : i32
      %shift_right_arithmetic3A_1039 = arith.shrsi %add3A_1019, %shift_right_arithmetic3A_1038 : i32
      %and3A_1040 = arith.constant 7 : i32
      %and3A_1041 = arith.andi %add3A_1019, %and3A_1040 : i32
      %mul3A_1042 = arith.constant 16 : i32
      %mul3A_1043 = arith.muli %and3A_1041, %mul3A_1042 : i32
      %swap3A_1044 = arith.index_cast %shift_right_arithmetic3A_1039 : i32 to index
      %swap3A_1045 = arith.index_cast %mul3A_1043 : i32 to index
      %swap3A_1046 = tpu.vector_load %arg7[%swap3A_1044, %swap3A_1045] {strides = array<i32>} : memref<82x128xi32, #tpu.memory_space<vmem>>, vector<16xi32>,
      tpu.vector_store %arg7[%swap3A_1044, %swap3A_1045], %add3A_1037 {strides = array<i32>} : memref<82x128xi32, #tpu.memory_space<vmem>>, vector<16xi32>,
      %gather3A_1047 = tpu.vector_load_idx %arg9[%get3A_1023] : memref<10240xf32, #tpu.memory_space<vmem>>[vector<16xi32>], vector<16xf32>,
      %gather3A_1048 = tpu.vector_load_idx %arg9[%get3A_1027] : memref<10240xf32, #tpu.memory_space<vmem>>[vector<16xi32>], vector<16xf32>,
      %mul3A_1049 = arith.mulf %gather3A_1047, %gather3A_1048 : vector<16xf32>
      %shift_right_arithmetic3A_1050 = arith.constant 3 : i32
      %shift_right_arithmetic3A_1051 = arith.shrsi %add3A_1019, %shift_right_arithmetic3A_1050 : i32
      %and3A_1052 = arith.constant 7 : i32
      %and3A_1053 = arith.andi %add3A_1019, %and3A_1052 : i32
      %mul3A_1054 = arith.constant 16 : i32
      %mul3A_1055 = arith.muli %and3A_1053, %mul3A_1054 : i32
      %swap3A_1056 = arith.index_cast %shift_right_arithmetic3A_1051 : i32 to index
      %swap3A_1057 = arith.index_cast %mul3A_1055 : i32 to index
      %swap3A_1058 = tpu.vector_load %arg8[%swap3A_1056, %swap3A_1057] {strides = array<i32>} : memref<82x128xf32, #tpu.memory_space<vmem>>, vector<16xf32>,
      tpu.vector_store %arg8[%swap3A_1056, %swap3A_1057], %mul3A_1049 {strides = array<i32>} : memref<82x128xf32, #tpu.memory_space<vmem>>, vector<16xf32>,
      %mul3A_1059 = arith.constant 5 : i32
      %mul3A_1060 = arith.muli %scan3A_924, %mul3A_1059 : i32
      %add3A_1061 = arith.constant 3 : i32
      %add3A_1062 = arith.addi %mul3A_1060, %add3A_1061 : i32
      %add3A_1063 = arith.constant 250 : i32
      %add3A_1064 = arith.addi %add3A_1063, %add3A_1062 : i32
      %mul3A_1065 = arith.constant 16 : i32
      %mul3A_1066 = arith.muli %add3A_1062, %mul3A_1065 : i32
      %get3A_1067 = arith.index_cast %mul3A_1066 : i32 to index
      %get3A_1068 = tpu.vector_load %arg6[%get3A_1067] {strides = array<i32>} : memref<2000xi32, #tpu.memory_space<vmem>>, vector<16xi32>,
      %mul3A_1069 = arith.constant 16 : i32
      %mul3A_1070 = arith.muli %add3A_1062, %mul3A_1069 : i32
      %get3A_1071 = arith.index_cast %mul3A_1070 : i32 to index
      %get3A_1072 = tpu.vector_load %arg5[%get3A_1071] {strides = array<i32>} : memref<2000xi32, #tpu.memory_space<vmem>>, vector<16xi32>,
      %mul3A_1073 = arith.constant 5243 : i32
      %mul3A_1074 = vector.broadcast %mul3A_1073 : i32 to vector<16xi32>
      %mul3A_1075 = arith.muli %get3A_1068, %mul3A_1074 : vector<16xi32>
      %shift_right_arithmetic3A_1076 = arith.constant 19 : i32
      %shift_right_arithmetic3A_1077 = vector.broadcast %shift_right_arithmetic3A_1076 : i32 to vector<16xi32>
      %shift_right_arithmetic3A_1078 = arith.shrsi %mul3A_1075, %shift_right_arithmetic3A_1077 : vector<16xi32>
      %shift_left3A_1079 = arith.constant 7 : i32
      %shift_left3A_1080 = vector.broadcast %shift_left3A_1079 : i32 to vector<16xi32>
      %shift_left3A_1081 = arith.shli %get3A_1072, %shift_left3A_1080 : vector<16xi32>
      %add3A_1082 = arith.addi %shift_left3A_1081, %shift_right_arithmetic3A_1078 : vector<16xi32>
      %shift_right_arithmetic3A_1083 = arith.constant 3 : i32
      %shift_right_arithmetic3A_1084 = arith.shrsi %add3A_1064, %shift_right_arithmetic3A_1083 : i32
      %and3A_1085 = arith.constant 7 : i32
      %and3A_1086 = arith.andi %add3A_1064, %and3A_1085 : i32
      %mul3A_1087 = arith.constant 16 : i32
      %mul3A_1088 = arith.muli %and3A_1086, %mul3A_1087 : i32
      %swap3A_1089 = arith.index_cast %shift_right_arithmetic3A_1084 : i32 to index
      %swap3A_1090 = arith.index_cast %mul3A_1088 : i32 to index
      %swap3A_1091 = tpu.vector_load %arg7[%swap3A_1089, %swap3A_1090] {strides = array<i32>} : memref<82x128xi32, #tpu.memory_space<vmem>>, vector<16xi32>,
      tpu.vector_store %arg7[%swap3A_1089, %swap3A_1090], %add3A_1082 {strides = array<i32>} : memref<82x128xi32, #tpu.memory_space<vmem>>, vector<16xi32>,
      %gather3A_1092 = tpu.vector_load_idx %arg9[%get3A_1068] : memref<10240xf32, #tpu.memory_space<vmem>>[vector<16xi32>], vector<16xf32>,
      %gather3A_1093 = tpu.vector_load_idx %arg9[%get3A_1072] : memref<10240xf32, #tpu.memory_space<vmem>>[vector<16xi32>], vector<16xf32>,
      %mul3A_1094 = arith.mulf %gather3A_1092, %gather3A_1093 : vector<16xf32>
      %shift_right_arithmetic3A_1095 = arith.constant 3 : i32
      %shift_right_arithmetic3A_1096 = arith.shrsi %add3A_1064, %shift_right_arithmetic3A_1095 : i32
      %and3A_1097 = arith.constant 7 : i32
      %and3A_1098 = arith.andi %add3A_1064, %and3A_1097 : i32
      %mul3A_1099 = arith.constant 16 : i32
      %mul3A_1100 = arith.muli %and3A_1098, %mul3A_1099 : i32
      %swap3A_1101 = arith.index_cast %shift_right_arithmetic3A_1096 : i32 to index
      %swap3A_1102 = arith.index_cast %mul3A_1100 : i32 to index
      %swap3A_1103 = tpu.vector_load %arg8[%swap3A_1101, %swap3A_1102] {strides = array<i32>} : memref<82x128xf32, #tpu.memory_space<vmem>>, vector<16xf32>,
      tpu.vector_store %arg8[%swap3A_1101, %swap3A_1102], %mul3A_1094 {strides = array<i32>} : memref<82x128xf32, #tpu.memory_space<vmem>>, vector<16xf32>,
      %mul3A_1104 = arith.constant 5 : i32
      %mul3A_1105 = arith.muli %scan3A_924, %mul3A_1104 : i32
      %add3A_1106 = arith.constant 4 : i32
      %add3A_1107 = arith.addi %mul3A_1105, %add3A_1106 : i32
      %add3A_1108 = arith.constant 250 : i32
      %add3A_1109 = arith.addi %add3A_1108, %add3A_1107 : i32
      %mul3A_1110 = arith.constant 16 : i32
      %mul3A_1111 = arith.muli %add3A_1107, %mul3A_1110 : i32
      %get3A_1112 = arith.index_cast %mul3A_1111 : i32 to index
      %get3A_1113 = tpu.vector_load %arg6[%get3A_1112] {strides = array<i32>} : memref<2000xi32, #tpu.memory_space<vmem>>, vector<16xi32>,
      %mul3A_1114 = arith.constant 16 : i32
      %mul3A_1115 = arith.muli %add3A_1107, %mul3A_1114 : i32
      %get3A_1116 = arith.index_cast %mul3A_1115 : i32 to index
      %get3A_1117 = tpu.vector_load %arg5[%get3A_1116] {strides = array<i32>} : memref<2000xi32, #tpu.memory_space<vmem>>, vector<16xi32>,
      %mul3A_1118 = arith.constant 5243 : i32
      %mul3A_1119 = vector.broadcast %mul3A_1118 : i32 to vector<16xi32>
      %mul3A_1120 = arith.muli %get3A_1113, %mul3A_1119 : vector<16xi32>
      %shift_right_arithmetic3A_1121 = arith.constant 19 : i32
      %shift_right_arithmetic3A_1122 = vector.broadcast %shift_right_arithmetic3A_1121 : i32 to vector<16xi32>
      %shift_right_arithmetic3A_1123 = arith.shrsi %mul3A_1120, %shift_right_arithmetic3A_1122 : vector<16xi32>
      %shift_left3A_1124 = arith.constant 7 : i32
      %shift_left3A_1125 = vector.broadcast %shift_left3A_1124 : i32 to vector<16xi32>
      %shift_left3A_1126 = arith.shli %get3A_1117, %shift_left3A_1125 : vector<16xi32>
      %add3A_1127 = arith.addi %shift_left3A_1126, %shift_right_arithmetic3A_1123 : vector<16xi32>
      %shift_right_arithmetic3A_1128 = arith.constant 3 : i32
      %shift_right_arithmetic3A_1129 = arith.shrsi %add3A_1109, %shift_right_arithmetic3A_1128 : i32
      %and3A_1130 = arith.constant 7 : i32
      %and3A_1131 = arith.andi %add3A_1109, %and3A_1130 : i32
      %mul3A_1132 = arith.constant 16 : i32
      %mul3A_1133 = arith.muli %and3A_1131, %mul3A_1132 : i32
      %swap3A_1134 = arith.index_cast %shift_right_arithmetic3A_1129 : i32 to index
      %swap3A_1135 = arith.index_cast %mul3A_1133 : i32 to index
      %swap3A_1136 = tpu.vector_load %arg7[%swap3A_1134, %swap3A_1135] {strides = array<i32>} : memref<82x128xi32, #tpu.memory_space<vmem>>, vector<16xi32>,
      tpu.vector_store %arg7[%swap3A_1134, %swap3A_1135], %add3A_1127 {strides = array<i32>} : memref<82x128xi32, #tpu.memory_space<vmem>>, vector<16xi32>,
      %gather3A_1137 = tpu.vector_load_idx %arg9[%get3A_1113] : memref<10240xf32, #tpu.memory_space<vmem>>[vector<16xi32>], vector<16xf32>,
      %gather3A_1138 = tpu.vector_load_idx %arg9[%get3A_1117] : memref<10240xf32, #tpu.memory_space<vmem>>[vector<16xi32>], vector<16xf32>,
      %mul3A_1139 = arith.mulf %gather3A_1137, %gather3A_1138 : vector<16xf32>
      %shift_right_arithmetic3A_1140 = arith.constant 3 : i32
      %shift_right_arithmetic3A_1141 = arith.shrsi %add3A_1109, %shift_right_arithmetic3A_1140 : i32
      %and3A_1142 = arith.constant 7 : i32
      %and3A_1143 = arith.andi %add3A_1109, %and3A_1142 : i32
      %mul3A_1144 = arith.constant 16 : i32
      %mul3A_1145 = arith.muli %and3A_1143, %mul3A_1144 : i32
      %swap3A_1146 = arith.index_cast %shift_right_arithmetic3A_1141 : i32 to index
      %swap3A_1147 = arith.index_cast %mul3A_1145 : i32 to index
      %swap3A_1148 = tpu.vector_load %arg8[%swap3A_1146, %swap3A_1147] {strides = array<i32>} : memref<82x128xf32, #tpu.memory_space<vmem>>, vector<16xf32>,
      tpu.vector_store %arg8[%swap3A_1146, %swap3A_1147], %mul3A_1139 {strides = array<i32>} : memref<82x128xf32, #tpu.memory_space<vmem>>, vector<16xf32>,
      %scan3A_1149 = arith.constant 0 : i32
      scf.yield %scan3A_1149 : i32
    }
    %scan3A_90 = arith.constant 25 : i32
    %scan3A_91 = arith.constant 0 : i32
    %scan3A_92 = arith.constant 31 : i32
    %scan3A_93 = arith.constant 15 : i32
    %scan3A_94 = arith.addi %scan3A_92, %scan3A_93 : i32
    %scan3A_95 = arith.constant 1 : i32
    %scan3A_96 = scf.for %scan3A_924 = %scan3A_92 to %scan3A_94 step %scan3A_95 iter_args(%scan3A_925 = %scan3A_91) -> (i32)  : i32 {
      %dma_start3A = arith.constant 0 : i32
      %dma_start3A_926 = tpu.memref_slice %arg8[%scan3A_924, %dma_start3A] : memref<82x128xf32, #tpu.memory_space<vmem>> -> memref<1x128xf32, #tpu.memory_space<vmem>>
      %dma_start3A_927 = tpu.memref_squeeze %dma_start3A_926 : memref<1x128xf32, #tpu.memory_space<vmem>> -> memref<128xf32, #tpu.memory_space<vmem>>
      %dma_start3A_928 = arith.constant 0 : i32
      %dma_start3A_929 = tpu.memref_slice %arg7[%scan3A_924, %dma_start3A_928] : memref<82x128xi32, #tpu.memory_space<vmem>> -> memref<1x128xi32, #tpu.memory_space<vmem>>
      %dma_start3A_930 = tpu.memref_squeeze %dma_start3A_929 : memref<1x128xi32, #tpu.memory_space<vmem>> -> memref<128xi32, #tpu.memory_space<vmem>>
      %dma_start3A_931 = arith.constant 0 : i32
      %dma_start3A_932 = tpu.memref_slice %arg12[%dma_start3A_931] : memref<1310720xf32, #tpu.memory_space<vmem_shared>> -> memref<1310720xf32, #tpu.memory_space<vmem_shared>>
      tpu.enqueue_indirect_dma source(%dma_start3A_927 : memref<128xf32, #tpu.memory_space<vmem>>) target(%dma_start3A_932 : memref<1310720xf32, #tpu.memory_space<vmem_shared>>) offsets(%dma_start3A_930 : memref<128xi32, #tpu.memory_space<vmem>>) semaphore(%arg14 : memref<!tpu.dma_semaphore, #tpu.memory_space<semaphore_mem>>) {add = true}
      %scan3A_933 = arith.constant 0 : i32
      scf.yield %scan3A_933 : i32
    }
    %scan3A_97 = arith.constant 15 : i32
    %add3A_98 = arith.constant 6000 : i32
    %add3A_99 = arith.addi %mul3A_2, %add3A_98 : i32
    "tpu.region"() ({
      %run_scoped3A = tpu.sem_alloc : memref<!tpu.dma_semaphore, #tpu.memory_space<semaphore_mem>>
      %dma_start3A = tpu.memref_slice %arg2[%add3A_99] : memref<640000xi32, #tpu.memory_space<hbm>> -> memref<2000xi32, #tpu.memory_space<hbm>>
      %dma_start3A_924 = tpu.memref_slice %arg2[%add3A_99] : memref<640000xi32, #tpu.memory_space<hbm>> -> memref<2000xi32, #tpu.memory_space<hbm>>
      tpu.enqueue_dma source(%dma_start3A_924 : memref<2000xi32, #tpu.memory_space<hbm>>) target(%arg5 : memref<2000xi32, #tpu.memory_space<vmem>>) target_semaphore(%run_scoped3A : memref<!tpu.dma_semaphore, #tpu.memory_space<semaphore_mem>>)
      %dma_wait3A = tpu.memref_slice %arg2[%add3A_99] : memref<640000xi32, #tpu.memory_space<hbm>> -> memref<2000xi32, #tpu.memory_space<hbm>>
      %dma_wait3A_925 = tpu.memref_slice %arg2[%add3A_99] : memref<640000xi32, #tpu.memory_space<hbm>> -> memref<2000xi32, #tpu.memory_space<hbm>>
      tpu.wait_dma2 semaphore(%run_scoped3A : memref<!tpu.dma_semaphore, #tpu.memory_space<semaphore_mem>>) src(%dma_wait3A_925 : memref<2000xi32, #tpu.memory_space<hbm>>) dst(%arg5 : memref<2000xi32, #tpu.memory_space<vmem>>)
      tpu.yield
    }) : () -> ()
    %add3A_100 = arith.constant 320000 : i32
    %add3A_101 = arith.addi %add3A_100, %mul3A_2 : i32
    %add3A_102 = arith.constant 6000 : i32
    %add3A_103 = arith.addi %add3A_101, %add3A_102 : i32
    "tpu.region"() ({
      %run_scoped3A = tpu.sem_alloc : memref<!tpu.dma_semaphore, #tpu.memory_space<semaphore_mem>>
      %dma_start3A = tpu.memref_slice %arg2[%add3A_103] : memref<640000xi32, #tpu.memory_space<hbm>> -> memref<2000xi32, #tpu.memory_space<hbm>>
      %dma_start3A_924 = tpu.memref_slice %arg2[%add3A_103] : memref<640000xi32, #tpu.memory_space<hbm>> -> memref<2000xi32, #tpu.memory_space<hbm>>
      tpu.enqueue_dma source(%dma_start3A_924 : memref<2000xi32, #tpu.memory_space<hbm>>) target(%arg6 : memref<2000xi32, #tpu.memory_space<vmem>>) target_semaphore(%run_scoped3A : memref<!tpu.dma_semaphore, #tpu.memory_space<semaphore_mem>>)
      %dma_wait3A = tpu.memref_slice %arg2[%add3A_103] : memref<640000xi32, #tpu.memory_space<hbm>> -> memref<2000xi32, #tpu.memory_space<hbm>>
      %dma_wait3A_925 = tpu.memref_slice %arg2[%add3A_103] : memref<640000xi32, #tpu.memory_space<hbm>> -> memref<2000xi32, #tpu.memory_space<hbm>>
      tpu.wait_dma2 semaphore(%run_scoped3A : memref<!tpu.dma_semaphore, #tpu.memory_space<semaphore_mem>>) src(%dma_wait3A_925 : memref<2000xi32, #tpu.memory_space<hbm>>) dst(%arg6 : memref<2000xi32, #tpu.memory_space<vmem>>)
      tpu.yield
    }) : () -> ()
    %scan3A_104 = arith.constant 0 : i32
    %scan3A_105 = arith.constant 0 : i32
    %scan3A_106 = arith.constant 25 : i32
    %scan3A_107 = arith.addi %scan3A_105, %scan3A_106 : i32
    %scan3A_108 = arith.constant 1 : i32
    %scan3A_109 = scf.for %scan3A_924 = %scan3A_105 to %scan3A_107 step %scan3A_108 iter_args(%scan3A_925 = %scan3A_104) -> (i32)  : i32 {
      %mul3A_926 = arith.constant 5 : i32
      %mul3A_927 = arith.muli %scan3A_924, %mul3A_926 : i32
      %add3A_928 = arith.constant 0 : i32
      %add3A_929 = arith.addi %mul3A_927, %add3A_928 : i32
      %add3A_930 = arith.constant 375 : i32
      %add3A_931 = arith.addi %add3A_930, %add3A_929 : i32
      %mul3A_932 = arith.constant 16 : i32
      %mul3A_933 = arith.muli %add3A_929, %mul3A_932 : i32
      %get3A = arith.index_cast %mul3A_933 : i32 to index
      %get3A_934 = tpu.vector_load %arg6[%get3A] {strides = array<i32>} : memref<2000xi32, #tpu.memory_space<vmem>>, vector<16xi32>,
      %mul3A_935 = arith.constant 16 : i32
      %mul3A_936 = arith.muli %add3A_929, %mul3A_935 : i32
      %get3A_937 = arith.index_cast %mul3A_936 : i32 to index
      %get3A_938 = tpu.vector_load %arg5[%get3A_937] {strides = array<i32>} : memref<2000xi32, #tpu.memory_space<vmem>>, vector<16xi32>,
      %mul3A_939 = arith.constant 5243 : i32
      %mul3A_940 = vector.broadcast %mul3A_939 : i32 to vector<16xi32>
      %mul3A_941 = arith.muli %get3A_934, %mul3A_940 : vector<16xi32>
      %shift_right_arithmetic3A_942 = arith.constant 19 : i32
      %shift_right_arithmetic3A_943 = vector.broadcast %shift_right_arithmetic3A_942 : i32 to vector<16xi32>
      %shift_right_arithmetic3A_944 = arith.shrsi %mul3A_941, %shift_right_arithmetic3A_943 : vector<16xi32>
      %shift_left3A_945 = arith.constant 7 : i32
      %shift_left3A_946 = vector.broadcast %shift_left3A_945 : i32 to vector<16xi32>
      %shift_left3A_947 = arith.shli %get3A_938, %shift_left3A_946 : vector<16xi32>
      %add3A_948 = arith.addi %shift_left3A_947, %shift_right_arithmetic3A_944 : vector<16xi32>
      %shift_right_arithmetic3A_949 = arith.constant 3 : i32
      %shift_right_arithmetic3A_950 = arith.shrsi %add3A_931, %shift_right_arithmetic3A_949 : i32
      %and3A = arith.constant 7 : i32
      %and3A_951 = arith.andi %add3A_931, %and3A : i32
      %mul3A_952 = arith.constant 16 : i32
      %mul3A_953 = arith.muli %and3A_951, %mul3A_952 : i32
      %swap3A_954 = arith.index_cast %shift_right_arithmetic3A_950 : i32 to index
      %swap3A_955 = arith.index_cast %mul3A_953 : i32 to index
      %swap3A_956 = tpu.vector_load %arg7[%swap3A_954, %swap3A_955] {strides = array<i32>} : memref<82x128xi32, #tpu.memory_space<vmem>>, vector<16xi32>,
      tpu.vector_store %arg7[%swap3A_954, %swap3A_955], %add3A_948 {strides = array<i32>} : memref<82x128xi32, #tpu.memory_space<vmem>>, vector<16xi32>,
      %gather3A_957 = tpu.vector_load_idx %arg9[%get3A_934] : memref<10240xf32, #tpu.memory_space<vmem>>[vector<16xi32>], vector<16xf32>,
      %gather3A_958 = tpu.vector_load_idx %arg9[%get3A_938] : memref<10240xf32, #tpu.memory_space<vmem>>[vector<16xi32>], vector<16xf32>,
      %mul3A_959 = arith.mulf %gather3A_957, %gather3A_958 : vector<16xf32>
      %shift_right_arithmetic3A_960 = arith.constant 3 : i32
      %shift_right_arithmetic3A_961 = arith.shrsi %add3A_931, %shift_right_arithmetic3A_960 : i32
      %and3A_962 = arith.constant 7 : i32
      %and3A_963 = arith.andi %add3A_931, %and3A_962 : i32
      %mul3A_964 = arith.constant 16 : i32
      %mul3A_965 = arith.muli %and3A_963, %mul3A_964 : i32
      %swap3A_966 = arith.index_cast %shift_right_arithmetic3A_961 : i32 to index
      %swap3A_967 = arith.index_cast %mul3A_965 : i32 to index
      %swap3A_968 = tpu.vector_load %arg8[%swap3A_966, %swap3A_967] {strides = array<i32>} : memref<82x128xf32, #tpu.memory_space<vmem>>, vector<16xf32>,
      tpu.vector_store %arg8[%swap3A_966, %swap3A_967], %mul3A_959 {strides = array<i32>} : memref<82x128xf32, #tpu.memory_space<vmem>>, vector<16xf32>,
      %mul3A_969 = arith.constant 5 : i32
      %mul3A_970 = arith.muli %scan3A_924, %mul3A_969 : i32
      %add3A_971 = arith.constant 1 : i32
      %add3A_972 = arith.addi %mul3A_970, %add3A_971 : i32
      %add3A_973 = arith.constant 375 : i32
      %add3A_974 = arith.addi %add3A_973, %add3A_972 : i32
      %mul3A_975 = arith.constant 16 : i32
      %mul3A_976 = arith.muli %add3A_972, %mul3A_975 : i32
      %get3A_977 = arith.index_cast %mul3A_976 : i32 to index
      %get3A_978 = tpu.vector_load %arg6[%get3A_977] {strides = array<i32>} : memref<2000xi32, #tpu.memory_space<vmem>>, vector<16xi32>,
      %mul3A_979 = arith.constant 16 : i32
      %mul3A_980 = arith.muli %add3A_972, %mul3A_979 : i32
      %get3A_981 = arith.index_cast %mul3A_980 : i32 to index
      %get3A_982 = tpu.vector_load %arg5[%get3A_981] {strides = array<i32>} : memref<2000xi32, #tpu.memory_space<vmem>>, vector<16xi32>,
      %mul3A_983 = arith.constant 5243 : i32
      %mul3A_984 = vector.broadcast %mul3A_983 : i32 to vector<16xi32>
      %mul3A_985 = arith.muli %get3A_978, %mul3A_984 : vector<16xi32>
      %shift_right_arithmetic3A_986 = arith.constant 19 : i32
      %shift_right_arithmetic3A_987 = vector.broadcast %shift_right_arithmetic3A_986 : i32 to vector<16xi32>
      %shift_right_arithmetic3A_988 = arith.shrsi %mul3A_985, %shift_right_arithmetic3A_987 : vector<16xi32>
      %shift_left3A_989 = arith.constant 7 : i32
      %shift_left3A_990 = vector.broadcast %shift_left3A_989 : i32 to vector<16xi32>
      %shift_left3A_991 = arith.shli %get3A_982, %shift_left3A_990 : vector<16xi32>
      %add3A_992 = arith.addi %shift_left3A_991, %shift_right_arithmetic3A_988 : vector<16xi32>
      %shift_right_arithmetic3A_993 = arith.constant 3 : i32
      %shift_right_arithmetic3A_994 = arith.shrsi %add3A_974, %shift_right_arithmetic3A_993 : i32
      %and3A_995 = arith.constant 7 : i32
      %and3A_996 = arith.andi %add3A_974, %and3A_995 : i32
      %mul3A_997 = arith.constant 16 : i32
      %mul3A_998 = arith.muli %and3A_996, %mul3A_997 : i32
      %swap3A_999 = arith.index_cast %shift_right_arithmetic3A_994 : i32 to index
      %swap3A_1000 = arith.index_cast %mul3A_998 : i32 to index
      %swap3A_1001 = tpu.vector_load %arg7[%swap3A_999, %swap3A_1000] {strides = array<i32>} : memref<82x128xi32, #tpu.memory_space<vmem>>, vector<16xi32>,
      tpu.vector_store %arg7[%swap3A_999, %swap3A_1000], %add3A_992 {strides = array<i32>} : memref<82x128xi32, #tpu.memory_space<vmem>>, vector<16xi32>,
      %gather3A_1002 = tpu.vector_load_idx %arg9[%get3A_978] : memref<10240xf32, #tpu.memory_space<vmem>>[vector<16xi32>], vector<16xf32>,
      %gather3A_1003 = tpu.vector_load_idx %arg9[%get3A_982] : memref<10240xf32, #tpu.memory_space<vmem>>[vector<16xi32>], vector<16xf32>,
      %mul3A_1004 = arith.mulf %gather3A_1002, %gather3A_1003 : vector<16xf32>
      %shift_right_arithmetic3A_1005 = arith.constant 3 : i32
      %shift_right_arithmetic3A_1006 = arith.shrsi %add3A_974, %shift_right_arithmetic3A_1005 : i32
      %and3A_1007 = arith.constant 7 : i32
      %and3A_1008 = arith.andi %add3A_974, %and3A_1007 : i32
      %mul3A_1009 = arith.constant 16 : i32
      %mul3A_1010 = arith.muli %and3A_1008, %mul3A_1009 : i32
      %swap3A_1011 = arith.index_cast %shift_right_arithmetic3A_1006 : i32 to index
      %swap3A_1012 = arith.index_cast %mul3A_1010 : i32 to index
      %swap3A_1013 = tpu.vector_load %arg8[%swap3A_1011, %swap3A_1012] {strides = array<i32>} : memref<82x128xf32, #tpu.memory_space<vmem>>, vector<16xf32>,
      tpu.vector_store %arg8[%swap3A_1011, %swap3A_1012], %mul3A_1004 {strides = array<i32>} : memref<82x128xf32, #tpu.memory_space<vmem>>, vector<16xf32>,
      %mul3A_1014 = arith.constant 5 : i32
      %mul3A_1015 = arith.muli %scan3A_924, %mul3A_1014 : i32
      %add3A_1016 = arith.constant 2 : i32
      %add3A_1017 = arith.addi %mul3A_1015, %add3A_1016 : i32
      %add3A_1018 = arith.constant 375 : i32
      %add3A_1019 = arith.addi %add3A_1018, %add3A_1017 : i32
      %mul3A_1020 = arith.constant 16 : i32
      %mul3A_1021 = arith.muli %add3A_1017, %mul3A_1020 : i32
      %get3A_1022 = arith.index_cast %mul3A_1021 : i32 to index
      %get3A_1023 = tpu.vector_load %arg6[%get3A_1022] {strides = array<i32>} : memref<2000xi32, #tpu.memory_space<vmem>>, vector<16xi32>,
      %mul3A_1024 = arith.constant 16 : i32
      %mul3A_1025 = arith.muli %add3A_1017, %mul3A_1024 : i32
      %get3A_1026 = arith.index_cast %mul3A_1025 : i32 to index
      %get3A_1027 = tpu.vector_load %arg5[%get3A_1026] {strides = array<i32>} : memref<2000xi32, #tpu.memory_space<vmem>>, vector<16xi32>,
      %mul3A_1028 = arith.constant 5243 : i32
      %mul3A_1029 = vector.broadcast %mul3A_1028 : i32 to vector<16xi32>
      %mul3A_1030 = arith.muli %get3A_1023, %mul3A_1029 : vector<16xi32>
      %shift_right_arithmetic3A_1031 = arith.constant 19 : i32
      %shift_right_arithmetic3A_1032 = vector.broadcast %shift_right_arithmetic3A_1031 : i32 to vector<16xi32>
      %shift_right_arithmetic3A_1033 = arith.shrsi %mul3A_1030, %shift_right_arithmetic3A_1032 : vector<16xi32>
      %shift_left3A_1034 = arith.constant 7 : i32
      %shift_left3A_1035 = vector.broadcast %shift_left3A_1034 : i32 to vector<16xi32>
      %shift_left3A_1036 = arith.shli %get3A_1027, %shift_left3A_1035 : vector<16xi32>
      %add3A_1037 = arith.addi %shift_left3A_1036, %shift_right_arithmetic3A_1033 : vector<16xi32>
      %shift_right_arithmetic3A_1038 = arith.constant 3 : i32
      %shift_right_arithmetic3A_1039 = arith.shrsi %add3A_1019, %shift_right_arithmetic3A_1038 : i32
      %and3A_1040 = arith.constant 7 : i32
      %and3A_1041 = arith.andi %add3A_1019, %and3A_1040 : i32
      %mul3A_1042 = arith.constant 16 : i32
      %mul3A_1043 = arith.muli %and3A_1041, %mul3A_1042 : i32
      %swap3A_1044 = arith.index_cast %shift_right_arithmetic3A_1039 : i32 to index
      %swap3A_1045 = arith.index_cast %mul3A_1043 : i32 to index
      %swap3A_1046 = tpu.vector_load %arg7[%swap3A_1044, %swap3A_1045] {strides = array<i32>} : memref<82x128xi32, #tpu.memory_space<vmem>>, vector<16xi32>,
      tpu.vector_store %arg7[%swap3A_1044, %swap3A_1045], %add3A_1037 {strides = array<i32>} : memref<82x128xi32, #tpu.memory_space<vmem>>, vector<16xi32>,
      %gather3A_1047 = tpu.vector_load_idx %arg9[%get3A_1023] : memref<10240xf32, #tpu.memory_space<vmem>>[vector<16xi32>], vector<16xf32>,
      %gather3A_1048 = tpu.vector_load_idx %arg9[%get3A_1027] : memref<10240xf32, #tpu.memory_space<vmem>>[vector<16xi32>], vector<16xf32>,
      %mul3A_1049 = arith.mulf %gather3A_1047, %gather3A_1048 : vector<16xf32>
      %shift_right_arithmetic3A_1050 = arith.constant 3 : i32
      %shift_right_arithmetic3A_1051 = arith.shrsi %add3A_1019, %shift_right_arithmetic3A_1050 : i32
      %and3A_1052 = arith.constant 7 : i32
      %and3A_1053 = arith.andi %add3A_1019, %and3A_1052 : i32
      %mul3A_1054 = arith.constant 16 : i32
      %mul3A_1055 = arith.muli %and3A_1053, %mul3A_1054 : i32
      %swap3A_1056 = arith.index_cast %shift_right_arithmetic3A_1051 : i32 to index
      %swap3A_1057 = arith.index_cast %mul3A_1055 : i32 to index
      %swap3A_1058 = tpu.vector_load %arg8[%swap3A_1056, %swap3A_1057] {strides = array<i32>} : memref<82x128xf32, #tpu.memory_space<vmem>>, vector<16xf32>,
      tpu.vector_store %arg8[%swap3A_1056, %swap3A_1057], %mul3A_1049 {strides = array<i32>} : memref<82x128xf32, #tpu.memory_space<vmem>>, vector<16xf32>,
      %mul3A_1059 = arith.constant 5 : i32
      %mul3A_1060 = arith.muli %scan3A_924, %mul3A_1059 : i32
      %add3A_1061 = arith.constant 3 : i32
      %add3A_1062 = arith.addi %mul3A_1060, %add3A_1061 : i32
      %add3A_1063 = arith.constant 375 : i32
      %add3A_1064 = arith.addi %add3A_1063, %add3A_1062 : i32
      %mul3A_1065 = arith.constant 16 : i32
      %mul3A_1066 = arith.muli %add3A_1062, %mul3A_1065 : i32
      %get3A_1067 = arith.index_cast %mul3A_1066 : i32 to index
      %get3A_1068 = tpu.vector_load %arg6[%get3A_1067] {strides = array<i32>} : memref<2000xi32, #tpu.memory_space<vmem>>, vector<16xi32>,
      %mul3A_1069 = arith.constant 16 : i32
      %mul3A_1070 = arith.muli %add3A_1062, %mul3A_1069 : i32
      %get3A_1071 = arith.index_cast %mul3A_1070 : i32 to index
      %get3A_1072 = tpu.vector_load %arg5[%get3A_1071] {strides = array<i32>} : memref<2000xi32, #tpu.memory_space<vmem>>, vector<16xi32>,
      %mul3A_1073 = arith.constant 5243 : i32
      %mul3A_1074 = vector.broadcast %mul3A_1073 : i32 to vector<16xi32>
      %mul3A_1075 = arith.muli %get3A_1068, %mul3A_1074 : vector<16xi32>
      %shift_right_arithmetic3A_1076 = arith.constant 19 : i32
      %shift_right_arithmetic3A_1077 = vector.broadcast %shift_right_arithmetic3A_1076 : i32 to vector<16xi32>
      %shift_right_arithmetic3A_1078 = arith.shrsi %mul3A_1075, %shift_right_arithmetic3A_1077 : vector<16xi32>
      %shift_left3A_1079 = arith.constant 7 : i32
      %shift_left3A_1080 = vector.broadcast %shift_left3A_1079 : i32 to vector<16xi32>
      %shift_left3A_1081 = arith.shli %get3A_1072, %shift_left3A_1080 : vector<16xi32>
      %add3A_1082 = arith.addi %shift_left3A_1081, %shift_right_arithmetic3A_1078 : vector<16xi32>
      %shift_right_arithmetic3A_1083 = arith.constant 3 : i32
      %shift_right_arithmetic3A_1084 = arith.shrsi %add3A_1064, %shift_right_arithmetic3A_1083 : i32
      %and3A_1085 = arith.constant 7 : i32
      %and3A_1086 = arith.andi %add3A_1064, %and3A_1085 : i32
      %mul3A_1087 = arith.constant 16 : i32
      %mul3A_1088 = arith.muli %and3A_1086, %mul3A_1087 : i32
      %swap3A_1089 = arith.index_cast %shift_right_arithmetic3A_1084 : i32 to index
      %swap3A_1090 = arith.index_cast %mul3A_1088 : i32 to index
      %swap3A_1091 = tpu.vector_load %arg7[%swap3A_1089, %swap3A_1090] {strides = array<i32>} : memref<82x128xi32, #tpu.memory_space<vmem>>, vector<16xi32>,
      tpu.vector_store %arg7[%swap3A_1089, %swap3A_1090], %add3A_1082 {strides = array<i32>} : memref<82x128xi32, #tpu.memory_space<vmem>>, vector<16xi32>,
      %gather3A_1092 = tpu.vector_load_idx %arg9[%get3A_1068] : memref<10240xf32, #tpu.memory_space<vmem>>[vector<16xi32>], vector<16xf32>,
      %gather3A_1093 = tpu.vector_load_idx %arg9[%get3A_1072] : memref<10240xf32, #tpu.memory_space<vmem>>[vector<16xi32>], vector<16xf32>,
      %mul3A_1094 = arith.mulf %gather3A_1092, %gather3A_1093 : vector<16xf32>
      %shift_right_arithmetic3A_1095 = arith.constant 3 : i32
      %shift_right_arithmetic3A_1096 = arith.shrsi %add3A_1064, %shift_right_arithmetic3A_1095 : i32
      %and3A_1097 = arith.constant 7 : i32
      %and3A_1098 = arith.andi %add3A_1064, %and3A_1097 : i32
      %mul3A_1099 = arith.constant 16 : i32
      %mul3A_1100 = arith.muli %and3A_1098, %mul3A_1099 : i32
      %swap3A_1101 = arith.index_cast %shift_right_arithmetic3A_1096 : i32 to index
      %swap3A_1102 = arith.index_cast %mul3A_1100 : i32 to index
      %swap3A_1103 = tpu.vector_load %arg8[%swap3A_1101, %swap3A_1102] {strides = array<i32>} : memref<82x128xf32, #tpu.memory_space<vmem>>, vector<16xf32>,
      tpu.vector_store %arg8[%swap3A_1101, %swap3A_1102], %mul3A_1094 {strides = array<i32>} : memref<82x128xf32, #tpu.memory_space<vmem>>, vector<16xf32>,
      %mul3A_1104 = arith.constant 5 : i32
      %mul3A_1105 = arith.muli %scan3A_924, %mul3A_1104 : i32
      %add3A_1106 = arith.constant 4 : i32
      %add3A_1107 = arith.addi %mul3A_1105, %add3A_1106 : i32
      %add3A_1108 = arith.constant 375 : i32
      %add3A_1109 = arith.addi %add3A_1108, %add3A_1107 : i32
      %mul3A_1110 = arith.constant 16 : i32
      %mul3A_1111 = arith.muli %add3A_1107, %mul3A_1110 : i32
      %get3A_1112 = arith.index_cast %mul3A_1111 : i32 to index
      %get3A_1113 = tpu.vector_load %arg6[%get3A_1112] {strides = array<i32>} : memref<2000xi32, #tpu.memory_space<vmem>>, vector<16xi32>,
      %mul3A_1114 = arith.constant 16 : i32
      %mul3A_1115 = arith.muli %add3A_1107, %mul3A_1114 : i32
      %get3A_1116 = arith.index_cast %mul3A_1115 : i32 to index
      %get3A_1117 = tpu.vector_load %arg5[%get3A_1116] {strides = array<i32>} : memref<2000xi32, #tpu.memory_space<vmem>>, vector<16xi32>,
      %mul3A_1118 = arith.constant 5243 : i32
      %mul3A_1119 = vector.broadcast %mul3A_1118 : i32 to vector<16xi32>
      %mul3A_1120 = arith.muli %get3A_1113, %mul3A_1119 : vector<16xi32>
      %shift_right_arithmetic3A_1121 = arith.constant 19 : i32
      %shift_right_arithmetic3A_1122 = vector.broadcast %shift_right_arithmetic3A_1121 : i32 to vector<16xi32>
      %shift_right_arithmetic3A_1123 = arith.shrsi %mul3A_1120, %shift_right_arithmetic3A_1122 : vector<16xi32>
      %shift_left3A_1124 = arith.constant 7 : i32
      %shift_left3A_1125 = vector.broadcast %shift_left3A_1124 : i32 to vector<16xi32>
      %shift_left3A_1126 = arith.shli %get3A_1117, %shift_left3A_1125 : vector<16xi32>
      %add3A_1127 = arith.addi %shift_left3A_1126, %shift_right_arithmetic3A_1123 : vector<16xi32>
      %shift_right_arithmetic3A_1128 = arith.constant 3 : i32
      %shift_right_arithmetic3A_1129 = arith.shrsi %add3A_1109, %shift_right_arithmetic3A_1128 : i32
      %and3A_1130 = arith.constant 7 : i32
      %and3A_1131 = arith.andi %add3A_1109, %and3A_1130 : i32
      %mul3A_1132 = arith.constant 16 : i32
      %mul3A_1133 = arith.muli %and3A_1131, %mul3A_1132 : i32
      %swap3A_1134 = arith.index_cast %shift_right_arithmetic3A_1129 : i32 to index
      %swap3A_1135 = arith.index_cast %mul3A_1133 : i32 to index
      %swap3A_1136 = tpu.vector_load %arg7[%swap3A_1134, %swap3A_1135] {strides = array<i32>} : memref<82x128xi32, #tpu.memory_space<vmem>>, vector<16xi32>,
      tpu.vector_store %arg7[%swap3A_1134, %swap3A_1135], %add3A_1127 {strides = array<i32>} : memref<82x128xi32, #tpu.memory_space<vmem>>, vector<16xi32>,
      %gather3A_1137 = tpu.vector_load_idx %arg9[%get3A_1113] : memref<10240xf32, #tpu.memory_space<vmem>>[vector<16xi32>], vector<16xf32>,
      %gather3A_1138 = tpu.vector_load_idx %arg9[%get3A_1117] : memref<10240xf32, #tpu.memory_space<vmem>>[vector<16xi32>], vector<16xf32>,
      %mul3A_1139 = arith.mulf %gather3A_1137, %gather3A_1138 : vector<16xf32>
      %shift_right_arithmetic3A_1140 = arith.constant 3 : i32
      %shift_right_arithmetic3A_1141 = arith.shrsi %add3A_1109, %shift_right_arithmetic3A_1140 : i32
      %and3A_1142 = arith.constant 7 : i32
      %and3A_1143 = arith.andi %add3A_1109, %and3A_1142 : i32
      %mul3A_1144 = arith.constant 16 : i32
      %mul3A_1145 = arith.muli %and3A_1143, %mul3A_1144 : i32
      %swap3A_1146 = arith.index_cast %shift_right_arithmetic3A_1141 : i32 to index
      %swap3A_1147 = arith.index_cast %mul3A_1145 : i32 to index
      %swap3A_1148 = tpu.vector_load %arg8[%swap3A_1146, %swap3A_1147] {strides = array<i32>} : memref<82x128xf32, #tpu.memory_space<vmem>>, vector<16xf32>,
      tpu.vector_store %arg8[%swap3A_1146, %swap3A_1147], %mul3A_1139 {strides = array<i32>} : memref<82x128xf32, #tpu.memory_space<vmem>>, vector<16xf32>,
      %scan3A_1149 = arith.constant 0 : i32
      scf.yield %scan3A_1149 : i32
    }
    %scan3A_110 = arith.constant 25 : i32
    %scan3A_111 = arith.constant 0 : i32
    %scan3A_112 = arith.constant 46 : i32
    %scan3A_113 = arith.constant 16 : i32
    %scan3A_114 = arith.addi %scan3A_112, %scan3A_113 : i32
    %scan3A_115 = arith.constant 1 : i32
    %scan3A_116 = scf.for %scan3A_924 = %scan3A_112 to %scan3A_114 step %scan3A_115 iter_args(%scan3A_925 = %scan3A_111) -> (i32)  : i32 {
      %dma_start3A = arith.constant 0 : i32
      %dma_start3A_926 = tpu.memref_slice %arg8[%scan3A_924, %dma_start3A] : memref<82x128xf32, #tpu.memory_space<vmem>> -> memref<1x128xf32, #tpu.memory_space<vmem>>
      %dma_start3A_927 = tpu.memref_squeeze %dma_start3A_926 : memref<1x128xf32, #tpu.memory_space<vmem>> -> memref<128xf32, #tpu.memory_space<vmem>>
      %dma_start3A_928 = arith.constant 0 : i32
      %dma_start3A_929 = tpu.memref_slice %arg7[%scan3A_924, %dma_start3A_928] : memref<82x128xi32, #tpu.memory_space<vmem>> -> memref<1x128xi32, #tpu.memory_space<vmem>>
      %dma_start3A_930 = tpu.memref_squeeze %dma_start3A_929 : memref<1x128xi32, #tpu.memory_space<vmem>> -> memref<128xi32, #tpu.memory_space<vmem>>
      %dma_start3A_931 = arith.constant 0 : i32
      %dma_start3A_932 = tpu.memref_slice %arg12[%dma_start3A_931] : memref<1310720xf32, #tpu.memory_space<vmem_shared>> -> memref<1310720xf32, #tpu.memory_space<vmem_shared>>
      tpu.enqueue_indirect_dma source(%dma_start3A_927 : memref<128xf32, #tpu.memory_space<vmem>>) target(%dma_start3A_932 : memref<1310720xf32, #tpu.memory_space<vmem_shared>>) offsets(%dma_start3A_930 : memref<128xi32, #tpu.memory_space<vmem>>) semaphore(%arg14 : memref<!tpu.dma_semaphore, #tpu.memory_space<semaphore_mem>>) {add = true}
      %scan3A_933 = arith.constant 0 : i32
      scf.yield %scan3A_933 : i32
    }
    %scan3A_117 = arith.constant 16 : i32
    %add3A_118 = arith.constant 8000 : i32
    %add3A_119 = arith.addi %mul3A_2, %add3A_118 : i32
    "tpu.region"() ({
      %run_scoped3A = tpu.sem_alloc : memref<!tpu.dma_semaphore, #tpu.memory_space<semaphore_mem>>
      %dma_start3A = tpu.memref_slice %arg2[%add3A_119] : memref<640000xi32, #tpu.memory_space<hbm>> -> memref<2000xi32, #tpu.memory_space<hbm>>
      %dma_start3A_924 = tpu.memref_slice %arg2[%add3A_119] : memref<640000xi32, #tpu.memory_space<hbm>> -> memref<2000xi32, #tpu.memory_space<hbm>>
      tpu.enqueue_dma source(%dma_start3A_924 : memref<2000xi32, #tpu.memory_space<hbm>>) target(%arg5 : memref<2000xi32, #tpu.memory_space<vmem>>) target_semaphore(%run_scoped3A : memref<!tpu.dma_semaphore, #tpu.memory_space<semaphore_mem>>)
      %dma_wait3A = tpu.memref_slice %arg2[%add3A_119] : memref<640000xi32, #tpu.memory_space<hbm>> -> memref<2000xi32, #tpu.memory_space<hbm>>
      %dma_wait3A_925 = tpu.memref_slice %arg2[%add3A_119] : memref<640000xi32, #tpu.memory_space<hbm>> -> memref<2000xi32, #tpu.memory_space<hbm>>
      tpu.wait_dma2 semaphore(%run_scoped3A : memref<!tpu.dma_semaphore, #tpu.memory_space<semaphore_mem>>) src(%dma_wait3A_925 : memref<2000xi32, #tpu.memory_space<hbm>>) dst(%arg5 : memref<2000xi32, #tpu.memory_space<vmem>>)
      tpu.yield
    }) : () -> ()
    %add3A_120 = arith.constant 320000 : i32
    %add3A_121 = arith.addi %add3A_120, %mul3A_2 : i32
    %add3A_122 = arith.constant 8000 : i32
    %add3A_123 = arith.addi %add3A_121, %add3A_122 : i32
    "tpu.region"() ({
      %run_scoped3A = tpu.sem_alloc : memref<!tpu.dma_semaphore, #tpu.memory_space<semaphore_mem>>
      %dma_start3A = tpu.memref_slice %arg2[%add3A_123] : memref<640000xi32, #tpu.memory_space<hbm>> -> memref<2000xi32, #tpu.memory_space<hbm>>
      %dma_start3A_924 = tpu.memref_slice %arg2[%add3A_123] : memref<640000xi32, #tpu.memory_space<hbm>> -> memref<2000xi32, #tpu.memory_space<hbm>>
      tpu.enqueue_dma source(%dma_start3A_924 : memref<2000xi32, #tpu.memory_space<hbm>>) target(%arg6 : memref<2000xi32, #tpu.memory_space<vmem>>) target_semaphore(%run_scoped3A : memref<!tpu.dma_semaphore, #tpu.memory_space<semaphore_mem>>)
      %dma_wait3A = tpu.memref_slice %arg2[%add3A_123] : memref<640000xi32, #tpu.memory_space<hbm>> -> memref<2000xi32, #tpu.memory_space<hbm>>
      %dma_wait3A_925 = tpu.memref_slice %arg2[%add3A_123] : memref<640000xi32, #tpu.memory_space<hbm>> -> memref<2000xi32, #tpu.memory_space<hbm>>
      tpu.wait_dma2 semaphore(%run_scoped3A : memref<!tpu.dma_semaphore, #tpu.memory_space<semaphore_mem>>) src(%dma_wait3A_925 : memref<2000xi32, #tpu.memory_space<hbm>>) dst(%arg6 : memref<2000xi32, #tpu.memory_space<vmem>>)
      tpu.yield
    }) : () -> ()
    %scan3A_124 = arith.constant 0 : i32
    %scan3A_125 = arith.constant 0 : i32
    %scan3A_126 = arith.constant 25 : i32
    %scan3A_127 = arith.addi %scan3A_125, %scan3A_126 : i32
    %scan3A_128 = arith.constant 1 : i32
    %scan3A_129 = scf.for %scan3A_924 = %scan3A_125 to %scan3A_127 step %scan3A_128 iter_args(%scan3A_925 = %scan3A_124) -> (i32)  : i32 {
      %mul3A_926 = arith.constant 5 : i32
      %mul3A_927 = arith.muli %scan3A_924, %mul3A_926 : i32
      %add3A_928 = arith.constant 0 : i32
      %add3A_929 = arith.addi %mul3A_927, %add3A_928 : i32
      %add3A_930 = arith.constant 500 : i32
      %add3A_931 = arith.addi %add3A_930, %add3A_929 : i32
      %mul3A_932 = arith.constant 16 : i32
      %mul3A_933 = arith.muli %add3A_929, %mul3A_932 : i32
      %get3A = arith.index_cast %mul3A_933 : i32 to index
      %get3A_934 = tpu.vector_load %arg6[%get3A] {strides = array<i32>} : memref<2000xi32, #tpu.memory_space<vmem>>, vector<16xi32>,
      %mul3A_935 = arith.constant 16 : i32
      %mul3A_936 = arith.muli %add3A_929, %mul3A_935 : i32
      %get3A_937 = arith.index_cast %mul3A_936 : i32 to index
      %get3A_938 = tpu.vector_load %arg5[%get3A_937] {strides = array<i32>} : memref<2000xi32, #tpu.memory_space<vmem>>, vector<16xi32>,
      %mul3A_939 = arith.constant 5243 : i32
      %mul3A_940 = vector.broadcast %mul3A_939 : i32 to vector<16xi32>
      %mul3A_941 = arith.muli %get3A_934, %mul3A_940 : vector<16xi32>
      %shift_right_arithmetic3A_942 = arith.constant 19 : i32
      %shift_right_arithmetic3A_943 = vector.broadcast %shift_right_arithmetic3A_942 : i32 to vector<16xi32>
      %shift_right_arithmetic3A_944 = arith.shrsi %mul3A_941, %shift_right_arithmetic3A_943 : vector<16xi32>
      %shift_left3A_945 = arith.constant 7 : i32
      %shift_left3A_946 = vector.broadcast %shift_left3A_945 : i32 to vector<16xi32>
      %shift_left3A_947 = arith.shli %get3A_938, %shift_left3A_946 : vector<16xi32>
      %add3A_948 = arith.addi %shift_left3A_947, %shift_right_arithmetic3A_944 : vector<16xi32>
      %shift_right_arithmetic3A_949 = arith.constant 3 : i32
      %shift_right_arithmetic3A_950 = arith.shrsi %add3A_931, %shift_right_arithmetic3A_949 : i32
      %and3A = arith.constant 7 : i32
      %and3A_951 = arith.andi %add3A_931, %and3A : i32
      %mul3A_952 = arith.constant 16 : i32
      %mul3A_953 = arith.muli %and3A_951, %mul3A_952 : i32
      %swap3A_954 = arith.index_cast %shift_right_arithmetic3A_950 : i32 to index
      %swap3A_955 = arith.index_cast %mul3A_953 : i32 to index
      %swap3A_956 = tpu.vector_load %arg7[%swap3A_954, %swap3A_955] {strides = array<i32>} : memref<82x128xi32, #tpu.memory_space<vmem>>, vector<16xi32>,
      tpu.vector_store %arg7[%swap3A_954, %swap3A_955], %add3A_948 {strides = array<i32>} : memref<82x128xi32, #tpu.memory_space<vmem>>, vector<16xi32>,
      %gather3A_957 = tpu.vector_load_idx %arg9[%get3A_934] : memref<10240xf32, #tpu.memory_space<vmem>>[vector<16xi32>], vector<16xf32>,
      %gather3A_958 = tpu.vector_load_idx %arg9[%get3A_938] : memref<10240xf32, #tpu.memory_space<vmem>>[vector<16xi32>], vector<16xf32>,
      %mul3A_959 = arith.mulf %gather3A_957, %gather3A_958 : vector<16xf32>
      %shift_right_arithmetic3A_960 = arith.constant 3 : i32
      %shift_right_arithmetic3A_961 = arith.shrsi %add3A_931, %shift_right_arithmetic3A_960 : i32
      %and3A_962 = arith.constant 7 : i32
      %and3A_963 = arith.andi %add3A_931, %and3A_962 : i32
      %mul3A_964 = arith.constant 16 : i32
      %mul3A_965 = arith.muli %and3A_963, %mul3A_964 : i32
      %swap3A_966 = arith.index_cast %shift_right_arithmetic3A_961 : i32 to index
      %swap3A_967 = arith.index_cast %mul3A_965 : i32 to index
      %swap3A_968 = tpu.vector_load %arg8[%swap3A_966, %swap3A_967] {strides = array<i32>} : memref<82x128xf32, #tpu.memory_space<vmem>>, vector<16xf32>,
      tpu.vector_store %arg8[%swap3A_966, %swap3A_967], %mul3A_959 {strides = array<i32>} : memref<82x128xf32, #tpu.memory_space<vmem>>, vector<16xf32>,
      %mul3A_969 = arith.constant 5 : i32
      %mul3A_970 = arith.muli %scan3A_924, %mul3A_969 : i32
      %add3A_971 = arith.constant 1 : i32
      %add3A_972 = arith.addi %mul3A_970, %add3A_971 : i32
      %add3A_973 = arith.constant 500 : i32
      %add3A_974 = arith.addi %add3A_973, %add3A_972 : i32
      %mul3A_975 = arith.constant 16 : i32
      %mul3A_976 = arith.muli %add3A_972, %mul3A_975 : i32
      %get3A_977 = arith.index_cast %mul3A_976 : i32 to index
      %get3A_978 = tpu.vector_load %arg6[%get3A_977] {strides = array<i32>} : memref<2000xi32, #tpu.memory_space<vmem>>, vector<16xi32>,
      %mul3A_979 = arith.constant 16 : i32
      %mul3A_980 = arith.muli %add3A_972, %mul3A_979 : i32
      %get3A_981 = arith.index_cast %mul3A_980 : i32 to index
      %get3A_982 = tpu.vector_load %arg5[%get3A_981] {strides = array<i32>} : memref<2000xi32, #tpu.memory_space<vmem>>, vector<16xi32>,
      %mul3A_983 = arith.constant 5243 : i32
      %mul3A_984 = vector.broadcast %mul3A_983 : i32 to vector<16xi32>
      %mul3A_985 = arith.muli %get3A_978, %mul3A_984 : vector<16xi32>
      %shift_right_arithmetic3A_986 = arith.constant 19 : i32
      %shift_right_arithmetic3A_987 = vector.broadcast %shift_right_arithmetic3A_986 : i32 to vector<16xi32>
      %shift_right_arithmetic3A_988 = arith.shrsi %mul3A_985, %shift_right_arithmetic3A_987 : vector<16xi32>
      %shift_left3A_989 = arith.constant 7 : i32
      %shift_left3A_990 = vector.broadcast %shift_left3A_989 : i32 to vector<16xi32>
      %shift_left3A_991 = arith.shli %get3A_982, %shift_left3A_990 : vector<16xi32>
      %add3A_992 = arith.addi %shift_left3A_991, %shift_right_arithmetic3A_988 : vector<16xi32>
      %shift_right_arithmetic3A_993 = arith.constant 3 : i32
      %shift_right_arithmetic3A_994 = arith.shrsi %add3A_974, %shift_right_arithmetic3A_993 : i32
      %and3A_995 = arith.constant 7 : i32
      %and3A_996 = arith.andi %add3A_974, %and3A_995 : i32
      %mul3A_997 = arith.constant 16 : i32
      %mul3A_998 = arith.muli %and3A_996, %mul3A_997 : i32
      %swap3A_999 = arith.index_cast %shift_right_arithmetic3A_994 : i32 to index
      %swap3A_1000 = arith.index_cast %mul3A_998 : i32 to index
      %swap3A_1001 = tpu.vector_load %arg7[%swap3A_999, %swap3A_1000] {strides = array<i32>} : memref<82x128xi32, #tpu.memory_space<vmem>>, vector<16xi32>,
      tpu.vector_store %arg7[%swap3A_999, %swap3A_1000], %add3A_992 {strides = array<i32>} : memref<82x128xi32, #tpu.memory_space<vmem>>, vector<16xi32>,
      %gather3A_1002 = tpu.vector_load_idx %arg9[%get3A_978] : memref<10240xf32, #tpu.memory_space<vmem>>[vector<16xi32>], vector<16xf32>,
      %gather3A_1003 = tpu.vector_load_idx %arg9[%get3A_982] : memref<10240xf32, #tpu.memory_space<vmem>>[vector<16xi32>], vector<16xf32>,
      %mul3A_1004 = arith.mulf %gather3A_1002, %gather3A_1003 : vector<16xf32>
      %shift_right_arithmetic3A_1005 = arith.constant 3 : i32
      %shift_right_arithmetic3A_1006 = arith.shrsi %add3A_974, %shift_right_arithmetic3A_1005 : i32
      %and3A_1007 = arith.constant 7 : i32
      %and3A_1008 = arith.andi %add3A_974, %and3A_1007 : i32
      %mul3A_1009 = arith.constant 16 : i32
      %mul3A_1010 = arith.muli %and3A_1008, %mul3A_1009 : i32
      %swap3A_1011 = arith.index_cast %shift_right_arithmetic3A_1006 : i32 to index
      %swap3A_1012 = arith.index_cast %mul3A_1010 : i32 to index
      %swap3A_1013 = tpu.vector_load %arg8[%swap3A_1011, %swap3A_1012] {strides = array<i32>} : memref<82x128xf32, #tpu.memory_space<vmem>>, vector<16xf32>,
      tpu.vector_store %arg8[%swap3A_1011, %swap3A_1012], %mul3A_1004 {strides = array<i32>} : memref<82x128xf32, #tpu.memory_space<vmem>>, vector<16xf32>,
      %mul3A_1014 = arith.constant 5 : i32
      %mul3A_1015 = arith.muli %scan3A_924, %mul3A_1014 : i32
      %add3A_1016 = arith.constant 2 : i32
      %add3A_1017 = arith.addi %mul3A_1015, %add3A_1016 : i32
      %add3A_1018 = arith.constant 500 : i32
      %add3A_1019 = arith.addi %add3A_1018, %add3A_1017 : i32
      %mul3A_1020 = arith.constant 16 : i32
      %mul3A_1021 = arith.muli %add3A_1017, %mul3A_1020 : i32
      %get3A_1022 = arith.index_cast %mul3A_1021 : i32 to index
      %get3A_1023 = tpu.vector_load %arg6[%get3A_1022] {strides = array<i32>} : memref<2000xi32, #tpu.memory_space<vmem>>, vector<16xi32>,
      %mul3A_1024 = arith.constant 16 : i32
      %mul3A_1025 = arith.muli %add3A_1017, %mul3A_1024 : i32
      %get3A_1026 = arith.index_cast %mul3A_1025 : i32 to index
      %get3A_1027 = tpu.vector_load %arg5[%get3A_1026] {strides = array<i32>} : memref<2000xi32, #tpu.memory_space<vmem>>, vector<16xi32>,
      %mul3A_1028 = arith.constant 5243 : i32
      %mul3A_1029 = vector.broadcast %mul3A_1028 : i32 to vector<16xi32>
      %mul3A_1030 = arith.muli %get3A_1023, %mul3A_1029 : vector<16xi32>
      %shift_right_arithmetic3A_1031 = arith.constant 19 : i32
      %shift_right_arithmetic3A_1032 = vector.broadcast %shift_right_arithmetic3A_1031 : i32 to vector<16xi32>
      %shift_right_arithmetic3A_1033 = arith.shrsi %mul3A_1030, %shift_right_arithmetic3A_1032 : vector<16xi32>
      %shift_left3A_1034 = arith.constant 7 : i32
      %shift_left3A_1035 = vector.broadcast %shift_left3A_1034 : i32 to vector<16xi32>
      %shift_left3A_1036 = arith.shli %get3A_1027, %shift_left3A_1035 : vector<16xi32>
      %add3A_1037 = arith.addi %shift_left3A_1036, %shift_right_arithmetic3A_1033 : vector<16xi32>
      %shift_right_arithmetic3A_1038 = arith.constant 3 : i32
      %shift_right_arithmetic3A_1039 = arith.shrsi %add3A_1019, %shift_right_arithmetic3A_1038 : i32
      %and3A_1040 = arith.constant 7 : i32
      %and3A_1041 = arith.andi %add3A_1019, %and3A_1040 : i32
      %mul3A_1042 = arith.constant 16 : i32
      %mul3A_1043 = arith.muli %and3A_1041, %mul3A_1042 : i32
      %swap3A_1044 = arith.index_cast %shift_right_arithmetic3A_1039 : i32 to index
      %swap3A_1045 = arith.index_cast %mul3A_1043 : i32 to index
      %swap3A_1046 = tpu.vector_load %arg7[%swap3A_1044, %swap3A_1045] {strides = array<i32>} : memref<82x128xi32, #tpu.memory_space<vmem>>, vector<16xi32>,
      tpu.vector_store %arg7[%swap3A_1044, %swap3A_1045], %add3A_1037 {strides = array<i32>} : memref<82x128xi32, #tpu.memory_space<vmem>>, vector<16xi32>,
      %gather3A_1047 = tpu.vector_load_idx %arg9[%get3A_1023] : memref<10240xf32, #tpu.memory_space<vmem>>[vector<16xi32>], vector<16xf32>,
      %gather3A_1048 = tpu.vector_load_idx %arg9[%get3A_1027] : memref<10240xf32, #tpu.memory_space<vmem>>[vector<16xi32>], vector<16xf32>,
      %mul3A_1049 = arith.mulf %gather3A_1047, %gather3A_1048 : vector<16xf32>
      %shift_right_arithmetic3A_1050 = arith.constant 3 : i32
      %shift_right_arithmetic3A_1051 = arith.shrsi %add3A_1019, %shift_right_arithmetic3A_1050 : i32
      %and3A_1052 = arith.constant 7 : i32
      %and3A_1053 = arith.andi %add3A_1019, %and3A_1052 : i32
      %mul3A_1054 = arith.constant 16 : i32
      %mul3A_1055 = arith.muli %and3A_1053, %mul3A_1054 : i32
      %swap3A_1056 = arith.index_cast %shift_right_arithmetic3A_1051 : i32 to index
      %swap3A_1057 = arith.index_cast %mul3A_1055 : i32 to index
      %swap3A_1058 = tpu.vector_load %arg8[%swap3A_1056, %swap3A_1057] {strides = array<i32>} : memref<82x128xf32, #tpu.memory_space<vmem>>, vector<16xf32>,
      tpu.vector_store %arg8[%swap3A_1056, %swap3A_1057], %mul3A_1049 {strides = array<i32>} : memref<82x128xf32, #tpu.memory_space<vmem>>, vector<16xf32>,
      %mul3A_1059 = arith.constant 5 : i32
      %mul3A_1060 = arith.muli %scan3A_924, %mul3A_1059 : i32
      %add3A_1061 = arith.constant 3 : i32
      %add3A_1062 = arith.addi %mul3A_1060, %add3A_1061 : i32
      %add3A_1063 = arith.constant 500 : i32
      %add3A_1064 = arith.addi %add3A_1063, %add3A_1062 : i32
      %mul3A_1065 = arith.constant 16 : i32
      %mul3A_1066 = arith.muli %add3A_1062, %mul3A_1065 : i32
      %get3A_1067 = arith.index_cast %mul3A_1066 : i32 to index
      %get3A_1068 = tpu.vector_load %arg6[%get3A_1067] {strides = array<i32>} : memref<2000xi32, #tpu.memory_space<vmem>>, vector<16xi32>,
      %mul3A_1069 = arith.constant 16 : i32
      %mul3A_1070 = arith.muli %add3A_1062, %mul3A_1069 : i32
      %get3A_1071 = arith.index_cast %mul3A_1070 : i32 to index
      %get3A_1072 = tpu.vector_load %arg5[%get3A_1071] {strides = array<i32>} : memref<2000xi32, #tpu.memory_space<vmem>>, vector<16xi32>,
      %mul3A_1073 = arith.constant 5243 : i32
      %mul3A_1074 = vector.broadcast %mul3A_1073 : i32 to vector<16xi32>
      %mul3A_1075 = arith.muli %get3A_1068, %mul3A_1074 : vector<16xi32>
      %shift_right_arithmetic3A_1076 = arith.constant 19 : i32
      %shift_right_arithmetic3A_1077 = vector.broadcast %shift_right_arithmetic3A_1076 : i32 to vector<16xi32>
      %shift_right_arithmetic3A_1078 = arith.shrsi %mul3A_1075, %shift_right_arithmetic3A_1077 : vector<16xi32>
      %shift_left3A_1079 = arith.constant 7 : i32
      %shift_left3A_1080 = vector.broadcast %shift_left3A_1079 : i32 to vector<16xi32>
      %shift_left3A_1081 = arith.shli %get3A_1072, %shift_left3A_1080 : vector<16xi32>
      %add3A_1082 = arith.addi %shift_left3A_1081, %shift_right_arithmetic3A_1078 : vector<16xi32>
      %shift_right_arithmetic3A_1083 = arith.constant 3 : i32
      %shift_right_arithmetic3A_1084 = arith.shrsi %add3A_1064, %shift_right_arithmetic3A_1083 : i32
      %and3A_1085 = arith.constant 7 : i32
      %and3A_1086 = arith.andi %add3A_1064, %and3A_1085 : i32
      %mul3A_1087 = arith.constant 16 : i32
      %mul3A_1088 = arith.muli %and3A_1086, %mul3A_1087 : i32
      %swap3A_1089 = arith.index_cast %shift_right_arithmetic3A_1084 : i32 to index
      %swap3A_1090 = arith.index_cast %mul3A_1088 : i32 to index
      %swap3A_1091 = tpu.vector_load %arg7[%swap3A_1089, %swap3A_1090] {strides = array<i32>} : memref<82x128xi32, #tpu.memory_space<vmem>>, vector<16xi32>,
      tpu.vector_store %arg7[%swap3A_1089, %swap3A_1090], %add3A_1082 {strides = array<i32>} : memref<82x128xi32, #tpu.memory_space<vmem>>, vector<16xi32>,
      %gather3A_1092 = tpu.vector_load_idx %arg9[%get3A_1068] : memref<10240xf32, #tpu.memory_space<vmem>>[vector<16xi32>], vector<16xf32>,
      %gather3A_1093 = tpu.vector_load_idx %arg9[%get3A_1072] : memref<10240xf32, #tpu.memory_space<vmem>>[vector<16xi32>], vector<16xf32>,
      %mul3A_1094 = arith.mulf %gather3A_1092, %gather3A_1093 : vector<16xf32>
      %shift_right_arithmetic3A_1095 = arith.constant 3 : i32
      %shift_right_arithmetic3A_1096 = arith.shrsi %add3A_1064, %shift_right_arithmetic3A_1095 : i32
      %and3A_1097 = arith.constant 7 : i32
      %and3A_1098 = arith.andi %add3A_1064, %and3A_1097 : i32
      %mul3A_1099 = arith.constant 16 : i32
      %mul3A_1100 = arith.muli %and3A_1098, %mul3A_1099 : i32
      %swap3A_1101 = arith.index_cast %shift_right_arithmetic3A_1096 : i32 to index
      %swap3A_1102 = arith.index_cast %mul3A_1100 : i32 to index
      %swap3A_1103 = tpu.vector_load %arg8[%swap3A_1101, %swap3A_1102] {strides = array<i32>} : memref<82x128xf32, #tpu.memory_space<vmem>>, vector<16xf32>,
      tpu.vector_store %arg8[%swap3A_1101, %swap3A_1102], %mul3A_1094 {strides = array<i32>} : memref<82x128xf32, #tpu.memory_space<vmem>>, vector<16xf32>,
      %mul3A_1104 = arith.constant 5 : i32
      %mul3A_1105 = arith.muli %scan3A_924, %mul3A_1104 : i32
      %add3A_1106 = arith.constant 4 : i32
      %add3A_1107 = arith.addi %mul3A_1105, %add3A_1106 : i32
      %add3A_1108 = arith.constant 500 : i32
      %add3A_1109 = arith.addi %add3A_1108, %add3A_1107 : i32
      %mul3A_1110 = arith.constant 16 : i32
      %mul3A_1111 = arith.muli %add3A_1107, %mul3A_1110 : i32
      %get3A_1112 = arith.index_cast %mul3A_1111 : i32 to index
      %get3A_1113 = tpu.vector_load %arg6[%get3A_1112] {strides = array<i32>} : memref<2000xi32, #tpu.memory_space<vmem>>, vector<16xi32>,
      %mul3A_1114 = arith.constant 16 : i32
      %mul3A_1115 = arith.muli %add3A_1107, %mul3A_1114 : i32
      %get3A_1116 = arith.index_cast %mul3A_1115 : i32 to index
      %get3A_1117 = tpu.vector_load %arg5[%get3A_1116] {strides = array<i32>} : memref<2000xi32, #tpu.memory_space<vmem>>, vector<16xi32>,
      %mul3A_1118 = arith.constant 5243 : i32
      %mul3A_1119 = vector.broadcast %mul3A_1118 : i32 to vector<16xi32>
      %mul3A_1120 = arith.muli %get3A_1113, %mul3A_1119 : vector<16xi32>
      %shift_right_arithmetic3A_1121 = arith.constant 19 : i32
      %shift_right_arithmetic3A_1122 = vector.broadcast %shift_right_arithmetic3A_1121 : i32 to vector<16xi32>
      %shift_right_arithmetic3A_1123 = arith.shrsi %mul3A_1120, %shift_right_arithmetic3A_1122 : vector<16xi32>
      %shift_left3A_1124 = arith.constant 7 : i32
      %shift_left3A_1125 = vector.broadcast %shift_left3A_1124 : i32 to vector<16xi32>
      %shift_left3A_1126 = arith.shli %get3A_1117, %shift_left3A_1125 : vector<16xi32>
      %add3A_1127 = arith.addi %shift_left3A_1126, %shift_right_arithmetic3A_1123 : vector<16xi32>
      %shift_right_arithmetic3A_1128 = arith.constant 3 : i32
      %shift_right_arithmetic3A_1129 = arith.shrsi %add3A_1109, %shift_right_arithmetic3A_1128 : i32
      %and3A_1130 = arith.constant 7 : i32
      %and3A_1131 = arith.andi %add3A_1109, %and3A_1130 : i32
      %mul3A_1132 = arith.constant 16 : i32
      %mul3A_1133 = arith.muli %and3A_1131, %mul3A_1132 : i32
      %swap3A_1134 = arith.index_cast %shift_right_arithmetic3A_1129 : i32 to index
      %swap3A_1135 = arith.index_cast %mul3A_1133 : i32 to index
      %swap3A_1136 = tpu.vector_load %arg7[%swap3A_1134, %swap3A_1135] {strides = array<i32>} : memref<82x128xi32, #tpu.memory_space<vmem>>, vector<16xi32>,
      tpu.vector_store %arg7[%swap3A_1134, %swap3A_1135], %add3A_1127 {strides = array<i32>} : memref<82x128xi32, #tpu.memory_space<vmem>>, vector<16xi32>,
      %gather3A_1137 = tpu.vector_load_idx %arg9[%get3A_1113] : memref<10240xf32, #tpu.memory_space<vmem>>[vector<16xi32>], vector<16xf32>,
      %gather3A_1138 = tpu.vector_load_idx %arg9[%get3A_1117] : memref<10240xf32, #tpu.memory_space<vmem>>[vector<16xi32>], vector<16xf32>,
      %mul3A_1139 = arith.mulf %gather3A_1137, %gather3A_1138 : vector<16xf32>
      %shift_right_arithmetic3A_1140 = arith.constant 3 : i32
      %shift_right_arithmetic3A_1141 = arith.shrsi %add3A_1109, %shift_right_arithmetic3A_1140 : i32
      %and3A_1142 = arith.constant 7 : i32
      %and3A_1143 = arith.andi %add3A_1109, %and3A_1142 : i32
      %mul3A_1144 = arith.constant 16 : i32
      %mul3A_1145 = arith.muli %and3A_1143, %mul3A_1144 : i32
      %swap3A_1146 = arith.index_cast %shift_right_arithmetic3A_1141 : i32 to index
      %swap3A_1147 = arith.index_cast %mul3A_1145 : i32 to index
      %swap3A_1148 = tpu.vector_load %arg8[%swap3A_1146, %swap3A_1147] {strides = array<i32>} : memref<82x128xf32, #tpu.memory_space<vmem>>, vector<16xf32>,
      tpu.vector_store %arg8[%swap3A_1146, %swap3A_1147], %mul3A_1139 {strides = array<i32>} : memref<82x128xf32, #tpu.memory_space<vmem>>, vector<16xf32>,
      %scan3A_1149 = arith.constant 0 : i32
      scf.yield %scan3A_1149 : i32
    }
    %scan3A_130 = arith.constant 25 : i32
    %scan3A_131 = arith.constant 0 : i32
    %scan3A_132 = arith.constant 62 : i32
    %scan3A_133 = arith.constant 16 : i32
    %scan3A_134 = arith.addi %scan3A_132, %scan3A_133 : i32
    %scan3A_135 = arith.constant 1 : i32
    %scan3A_136 = scf.for %scan3A_924 = %scan3A_132 to %scan3A_134 step %scan3A_135 iter_args(%scan3A_925 = %scan3A_131) -> (i32)  : i32 {
      %dma_start3A = arith.constant 0 : i32
      %dma_start3A_926 = tpu.memref_slice %arg8[%scan3A_924, %dma_start3A] : memref<82x128xf32, #tpu.memory_space<vmem>> -> memref<1x128xf32, #tpu.memory_space<vmem>>
      %dma_start3A_927 = tpu.memref_squeeze %dma_start3A_926 : memref<1x128xf32, #tpu.memory_space<vmem>> -> memref<128xf32, #tpu.memory_space<vmem>>
      %dma_start3A_928 = arith.constant 0 : i32
      %dma_start3A_929 = tpu.memref_slice %arg7[%scan3A_924, %dma_start3A_928] : memref<82x128xi32, #tpu.memory_space<vmem>> -> memref<1x128xi32, #tpu.memory_space<vmem>>
      %dma_start3A_930 = tpu.memref_squeeze %dma_start3A_929 : memref<1x128xi32, #tpu.memory_space<vmem>> -> memref<128xi32, #tpu.memory_space<vmem>>
      %dma_start3A_931 = arith.constant 0 : i32
      %dma_start3A_932 = tpu.memref_slice %arg12[%dma_start3A_931] : memref<1310720xf32, #tpu.memory_space<vmem_shared>> -> memref<1310720xf32, #tpu.memory_space<vmem_shared>>
      tpu.enqueue_indirect_dma source(%dma_start3A_927 : memref<128xf32, #tpu.memory_space<vmem>>) target(%dma_start3A_932 : memref<1310720xf32, #tpu.memory_space<vmem_shared>>) offsets(%dma_start3A_930 : memref<128xi32, #tpu.memory_space<vmem>>) semaphore(%arg14 : memref<!tpu.dma_semaphore, #tpu.memory_space<semaphore_mem>>) {add = true}
      %scan3A_933 = arith.constant 0 : i32
      scf.yield %scan3A_933 : i32
    }
    %scan3A_137 = arith.constant 16 : i32
    %broadcast_in_dim3A = arith.constant 0 : i32
    %broadcast_in_dim3A_138 = vector.broadcast %broadcast_in_dim3A : i32 to vector<16xi32>
    %swap3A = arith.constant 78 : i32
    %swap3A_139 = arith.index_cast %swap3A : i32 to index
    %swap3A_140 = arith.constant 16 : index
    %swap3A_141 = tpu.vector_load %arg7[%swap3A_139, %swap3A_140] {strides = array<i32>} : memref<82x128xi32, #tpu.memory_space<vmem>>, vector<16xi32>,
    tpu.vector_store %arg7[%swap3A_139, %swap3A_140], %broadcast_in_dim3A_138 {strides = array<i32>} : memref<82x128xi32, #tpu.memory_space<vmem>>, vector<16xi32>,
    %broadcast_in_dim3A_142 = arith.constant 0.000000e+00 : f32
    %broadcast_in_dim3A_143 = vector.broadcast %broadcast_in_dim3A_142 : f32 to vector<16xf32>
    %swap3A_144 = arith.constant 78 : i32
    %swap3A_145 = arith.index_cast %swap3A_144 : i32 to index
    %swap3A_146 = arith.constant 16 : index
    %swap3A_147 = tpu.vector_load %arg8[%swap3A_145, %swap3A_146] {strides = array<i32>} : memref<82x128xf32, #tpu.memory_space<vmem>>, vector<16xf32>,
    tpu.vector_store %arg8[%swap3A_145, %swap3A_146], %broadcast_in_dim3A_143 {strides = array<i32>} : memref<82x128xf32, #tpu.memory_space<vmem>>, vector<16xf32>,
    %broadcast_in_dim3A_148 = arith.constant 0 : i32
    %broadcast_in_dim3A_149 = vector.broadcast %broadcast_in_dim3A_148 : i32 to vector<16xi32>
    %swap3A_150 = arith.constant 78 : i32
    %swap3A_151 = arith.index_cast %swap3A_150 : i32 to index
    %swap3A_152 = arith.constant 32 : index
    %swap3A_153 = tpu.vector_load %arg7[%swap3A_151, %swap3A_152] {strides = array<i32>} : memref<82x128xi32, #tpu.memory_space<vmem>>, vector<16xi32>,
    tpu.vector_store %arg7[%swap3A_151, %swap3A_152], %broadcast_in_dim3A_149 {strides = array<i32>} : memref<82x128xi32, #tpu.memory_space<vmem>>, vector<16xi32>,
    %broadcast_in_dim3A_154 = arith.constant 0.000000e+00 : f32
    %broadcast_in_dim3A_155 = vector.broadcast %broadcast_in_dim3A_154 : f32 to vector<16xf32>
    %swap3A_156 = arith.constant 78 : i32
    %swap3A_157 = arith.index_cast %swap3A_156 : i32 to index
    %swap3A_158 = arith.constant 32 : index
    %swap3A_159 = tpu.vector_load %arg8[%swap3A_157, %swap3A_158] {strides = array<i32>} : memref<82x128xf32, #tpu.memory_space<vmem>>, vector<16xf32>,
    tpu.vector_store %arg8[%swap3A_157, %swap3A_158], %broadcast_in_dim3A_155 {strides = array<i32>} : memref<82x128xf32, #tpu.memory_space<vmem>>, vector<16xf32>,
    %broadcast_in_dim3A_160 = arith.constant 0 : i32
    %broadcast_in_dim3A_161 = vector.broadcast %broadcast_in_dim3A_160 : i32 to vector<16xi32>
    %swap3A_162 = arith.constant 78 : i32
    %swap3A_163 = arith.index_cast %swap3A_162 : i32 to index
    %swap3A_164 = arith.constant 48 : index
    %swap3A_165 = tpu.vector_load %arg7[%swap3A_163, %swap3A_164] {strides = array<i32>} : memref<82x128xi32, #tpu.memory_space<vmem>>, vector<16xi32>,
    tpu.vector_store %arg7[%swap3A_163, %swap3A_164], %broadcast_in_dim3A_161 {strides = array<i32>} : memref<82x128xi32, #tpu.memory_space<vmem>>, vector<16xi32>,
    %broadcast_in_dim3A_166 = arith.constant 0.000000e+00 : f32
    %broadcast_in_dim3A_167 = vector.broadcast %broadcast_in_dim3A_166 : f32 to vector<16xf32>
    %swap3A_168 = arith.constant 78 : i32
    %swap3A_169 = arith.index_cast %swap3A_168 : i32 to index
    %swap3A_170 = arith.constant 48 : index
    %swap3A_171 = tpu.vector_load %arg8[%swap3A_169, %swap3A_170] {strides = array<i32>} : memref<82x128xf32, #tpu.memory_space<vmem>>, vector<16xf32>,
    tpu.vector_store %arg8[%swap3A_169, %swap3A_170], %broadcast_in_dim3A_167 {strides = array<i32>} : memref<82x128xf32, #tpu.memory_space<vmem>>, vector<16xf32>,
    %broadcast_in_dim3A_172 = arith.constant 0 : i32
    %broadcast_in_dim3A_173 = vector.broadcast %broadcast_in_dim3A_172 : i32 to vector<16xi32>
    %swap3A_174 = arith.constant 78 : i32
    %swap3A_175 = arith.index_cast %swap3A_174 : i32 to index
    %swap3A_176 = arith.constant 64 : index
    %swap3A_177 = tpu.vector_load %arg7[%swap3A_175, %swap3A_176] {strides = array<i32>} : memref<82x128xi32, #tpu.memory_space<vmem>>, vector<16xi32>,
    tpu.vector_store %arg7[%swap3A_175, %swap3A_176], %broadcast_in_dim3A_173 {strides = array<i32>} : memref<82x128xi32, #tpu.memory_space<vmem>>, vector<16xi32>,
    %broadcast_in_dim3A_178 = arith.constant 0.000000e+00 : f32
    %broadcast_in_dim3A_179 = vector.broadcast %broadcast_in_dim3A_178 : f32 to vector<16xf32>
    %swap3A_180 = arith.constant 78 : i32
    %swap3A_181 = arith.index_cast %swap3A_180 : i32 to index
    %swap3A_182 = arith.constant 64 : index
    %swap3A_183 = tpu.vector_load %arg8[%swap3A_181, %swap3A_182] {strides = array<i32>} : memref<82x128xf32, #tpu.memory_space<vmem>>, vector<16xf32>,
    tpu.vector_store %arg8[%swap3A_181, %swap3A_182], %broadcast_in_dim3A_179 {strides = array<i32>} : memref<82x128xf32, #tpu.memory_space<vmem>>, vector<16xf32>,
    %broadcast_in_dim3A_184 = arith.constant 0 : i32
    %broadcast_in_dim3A_185 = vector.broadcast %broadcast_in_dim3A_184 : i32 to vector<16xi32>
    %swap3A_186 = arith.constant 78 : i32
    %swap3A_187 = arith.index_cast %swap3A_186 : i32 to index
    %swap3A_188 = arith.constant 80 : index
    %swap3A_189 = tpu.vector_load %arg7[%swap3A_187, %swap3A_188] {strides = array<i32>} : memref<82x128xi32, #tpu.memory_space<vmem>>, vector<16xi32>,
    tpu.vector_store %arg7[%swap3A_187, %swap3A_188], %broadcast_in_dim3A_185 {strides = array<i32>} : memref<82x128xi32, #tpu.memory_space<vmem>>, vector<16xi32>,
    %broadcast_in_dim3A_190 = arith.constant 0.000000e+00 : f32
    %broadcast_in_dim3A_191 = vector.broadcast %broadcast_in_dim3A_190 : f32 to vector<16xf32>
    %swap3A_192 = arith.constant 78 : i32
    %swap3A_193 = arith.index_cast %swap3A_192 : i32 to index
    %swap3A_194 = arith.constant 80 : index
    %swap3A_195 = tpu.vector_load %arg8[%swap3A_193, %swap3A_194] {strides = array<i32>} : memref<82x128xf32, #tpu.memory_space<vmem>>, vector<16xf32>,
    tpu.vector_store %arg8[%swap3A_193, %swap3A_194], %broadcast_in_dim3A_191 {strides = array<i32>} : memref<82x128xf32, #tpu.memory_space<vmem>>, vector<16xf32>,
    %broadcast_in_dim3A_196 = arith.constant 0 : i32
    %broadcast_in_dim3A_197 = vector.broadcast %broadcast_in_dim3A_196 : i32 to vector<16xi32>
    %swap3A_198 = arith.constant 78 : i32
    %swap3A_199 = arith.index_cast %swap3A_198 : i32 to index
    %swap3A_200 = arith.constant 96 : index
    %swap3A_201 = tpu.vector_load %arg7[%swap3A_199, %swap3A_200] {strides = array<i32>} : memref<82x128xi32, #tpu.memory_space<vmem>>, vector<16xi32>,
    tpu.vector_store %arg7[%swap3A_199, %swap3A_200], %broadcast_in_dim3A_197 {strides = array<i32>} : memref<82x128xi32, #tpu.memory_space<vmem>>, vector<16xi32>,
    %broadcast_in_dim3A_202 = arith.constant 0.000000e+00 : f32
    %broadcast_in_dim3A_203 = vector.broadcast %broadcast_in_dim3A_202 : f32 to vector<16xf32>
    %swap3A_204 = arith.constant 78 : i32
    %swap3A_205 = arith.index_cast %swap3A_204 : i32 to index
    %swap3A_206 = arith.constant 96 : index
    %swap3A_207 = tpu.vector_load %arg8[%swap3A_205, %swap3A_206] {strides = array<i32>} : memref<82x128xf32, #tpu.memory_space<vmem>>, vector<16xf32>,
    tpu.vector_store %arg8[%swap3A_205, %swap3A_206], %broadcast_in_dim3A_203 {strides = array<i32>} : memref<82x128xf32, #tpu.memory_space<vmem>>, vector<16xf32>,
    %broadcast_in_dim3A_208 = arith.constant 0 : i32
    %broadcast_in_dim3A_209 = vector.broadcast %broadcast_in_dim3A_208 : i32 to vector<16xi32>
    %swap3A_210 = arith.constant 78 : i32
    %swap3A_211 = arith.index_cast %swap3A_210 : i32 to index
    %swap3A_212 = arith.constant 112 : index
    %swap3A_213 = tpu.vector_load %arg7[%swap3A_211, %swap3A_212] {strides = array<i32>} : memref<82x128xi32, #tpu.memory_space<vmem>>, vector<16xi32>,
    tpu.vector_store %arg7[%swap3A_211, %swap3A_212], %broadcast_in_dim3A_209 {strides = array<i32>} : memref<82x128xi32, #tpu.memory_space<vmem>>, vector<16xi32>,
    %broadcast_in_dim3A_214 = arith.constant 0.000000e+00 : f32
    %broadcast_in_dim3A_215 = vector.broadcast %broadcast_in_dim3A_214 : f32 to vector<16xf32>
    %swap3A_216 = arith.constant 78 : i32
    %swap3A_217 = arith.index_cast %swap3A_216 : i32 to index
    %swap3A_218 = arith.constant 112 : index
    %swap3A_219 = tpu.vector_load %arg8[%swap3A_217, %swap3A_218] {strides = array<i32>} : memref<82x128xf32, #tpu.memory_space<vmem>>, vector<16xf32>,
    tpu.vector_store %arg8[%swap3A_217, %swap3A_218], %broadcast_in_dim3A_215 {strides = array<i32>} : memref<82x128xf32, #tpu.memory_space<vmem>>, vector<16xf32>,
    %mul3A_220 = arith.constant 320 : i32
    %mul3A_221 = arith.muli %add3A, %mul3A_220 : i32
    %add3A_222 = arith.constant 0 : i32
    %add3A_223 = arith.addi %mul3A_221, %add3A_222 : i32
    %add3A_224 = vector.broadcast %add3A_223 : i32 to vector<16xi32>
    %add3A_225 = arith.addi %add3A_224, %iota3A : vector<16xi32>
    %gather3A = tpu.vector_load_idx %arg9[%add3A_225] : memref<10240xf32, #tpu.memory_space<vmem>>[vector<16xi32>], vector<16xf32>,
    %mul3A_226 = arith.constant 5243 : i32
    %mul3A_227 = vector.broadcast %mul3A_226 : i32 to vector<16xi32>
    %mul3A_228 = arith.muli %add3A_225, %mul3A_227 : vector<16xi32>
    %shift_right_arithmetic3A = arith.constant 19 : i32
    %shift_right_arithmetic3A_229 = vector.broadcast %shift_right_arithmetic3A : i32 to vector<16xi32>
    %shift_right_arithmetic3A_230 = arith.shrsi %mul3A_228, %shift_right_arithmetic3A_229 : vector<16xi32>
    %shift_left3A = arith.constant 7 : i32
    %shift_left3A_231 = vector.broadcast %shift_left3A : i32 to vector<16xi32>
    %shift_left3A_232 = arith.shli %add3A_225, %shift_left3A_231 : vector<16xi32>
    %add3A_233 = arith.addi %shift_left3A_232, %shift_right_arithmetic3A_230 : vector<16xi32>
    %swap3A_234 = arith.constant 79 : i32
    %swap3A_235 = arith.index_cast %swap3A_234 : i32 to index
    %swap3A_236 = arith.constant 0 : index
    %swap3A_237 = tpu.vector_load %arg7[%swap3A_235, %swap3A_236] {strides = array<i32>} : memref<82x128xi32, #tpu.memory_space<vmem>>, vector<16xi32>,
    tpu.vector_store %arg7[%swap3A_235, %swap3A_236], %add3A_233 {strides = array<i32>} : memref<82x128xi32, #tpu.memory_space<vmem>>, vector<16xi32>,
    %lt3A = arith.constant 10000 : i32
    %lt3A_238 = vector.broadcast %lt3A : i32 to vector<16xi32>
    %lt3A_239 = arith.cmpi slt, %add3A_225, %lt3A_238 : vector<16xi32>
    %mul3A_240 = arith.mulf %gather3A, %gather3A : vector<16xf32>
    %jit3A = arith.constant 0.000000e+00 : f32
    %broadcast_in_dim3A_241 = vector.broadcast %jit3A : f32 to vector<16xf32>
    %select_n3A = arith.select %lt3A_239, %mul3A_240, %broadcast_in_dim3A_241 : vector<16xi1>, vector<16xf32>
    %swap3A_242 = arith.constant 79 : i32
    %swap3A_243 = arith.index_cast %swap3A_242 : i32 to index
    %swap3A_244 = arith.constant 0 : index
    %swap3A_245 = tpu.vector_load %arg8[%swap3A_243, %swap3A_244] {strides = array<i32>} : memref<82x128xf32, #tpu.memory_space<vmem>>, vector<16xf32>,
    tpu.vector_store %arg8[%swap3A_243, %swap3A_244], %select_n3A {strides = array<i32>} : memref<82x128xf32, #tpu.memory_space<vmem>>, vector<16xf32>,
    %mul3A_246 = arith.constant 320 : i32
    %mul3A_247 = arith.muli %add3A, %mul3A_246 : i32
    %add3A_248 = arith.constant 16 : i32
    %add3A_249 = arith.addi %mul3A_247, %add3A_248 : i32
    %add3A_250 = vector.broadcast %add3A_249 : i32 to vector<16xi32>
    %add3A_251 = arith.addi %add3A_250, %iota3A : vector<16xi32>
    %gather3A_252 = tpu.vector_load_idx %arg9[%add3A_251] : memref<10240xf32, #tpu.memory_space<vmem>>[vector<16xi32>], vector<16xf32>,
    %mul3A_253 = arith.constant 5243 : i32
    %mul3A_254 = vector.broadcast %mul3A_253 : i32 to vector<16xi32>
    %mul3A_255 = arith.muli %add3A_251, %mul3A_254 : vector<16xi32>
    %shift_right_arithmetic3A_256 = arith.constant 19 : i32
    %shift_right_arithmetic3A_257 = vector.broadcast %shift_right_arithmetic3A_256 : i32 to vector<16xi32>
    %shift_right_arithmetic3A_258 = arith.shrsi %mul3A_255, %shift_right_arithmetic3A_257 : vector<16xi32>
    %shift_left3A_259 = arith.constant 7 : i32
    %shift_left3A_260 = vector.broadcast %shift_left3A_259 : i32 to vector<16xi32>
    %shift_left3A_261 = arith.shli %add3A_251, %shift_left3A_260 : vector<16xi32>
    %add3A_262 = arith.addi %shift_left3A_261, %shift_right_arithmetic3A_258 : vector<16xi32>
    %swap3A_263 = arith.constant 79 : i32
    %swap3A_264 = arith.index_cast %swap3A_263 : i32 to index
    %swap3A_265 = arith.constant 16 : index
    %swap3A_266 = tpu.vector_load %arg7[%swap3A_264, %swap3A_265] {strides = array<i32>} : memref<82x128xi32, #tpu.memory_space<vmem>>, vector<16xi32>,
    tpu.vector_store %arg7[%swap3A_264, %swap3A_265], %add3A_262 {strides = array<i32>} : memref<82x128xi32, #tpu.memory_space<vmem>>, vector<16xi32>,
    %lt3A_267 = arith.constant 10000 : i32
    %lt3A_268 = vector.broadcast %lt3A_267 : i32 to vector<16xi32>
    %lt3A_269 = arith.cmpi slt, %add3A_251, %lt3A_268 : vector<16xi32>
    %mul3A_270 = arith.mulf %gather3A_252, %gather3A_252 : vector<16xf32>
    %jit3A_271 = arith.constant 0.000000e+00 : f32
    %broadcast_in_dim3A_272 = vector.broadcast %jit3A_271 : f32 to vector<16xf32>
    %select_n3A_273 = arith.select %lt3A_269, %mul3A_270, %broadcast_in_dim3A_272 : vector<16xi1>, vector<16xf32>
    %swap3A_274 = arith.constant 79 : i32
    %swap3A_275 = arith.index_cast %swap3A_274 : i32 to index
    %swap3A_276 = arith.constant 16 : index
    %swap3A_277 = tpu.vector_load %arg8[%swap3A_275, %swap3A_276] {strides = array<i32>} : memref<82x128xf32, #tpu.memory_space<vmem>>, vector<16xf32>,
    tpu.vector_store %arg8[%swap3A_275, %swap3A_276], %select_n3A_273 {strides = array<i32>} : memref<82x128xf32, #tpu.memory_space<vmem>>, vector<16xf32>,
    %mul3A_278 = arith.constant 320 : i32
    %mul3A_279 = arith.muli %add3A, %mul3A_278 : i32
    %add3A_280 = arith.constant 32 : i32
    %add3A_281 = arith.addi %mul3A_279, %add3A_280 : i32
    %add3A_282 = vector.broadcast %add3A_281 : i32 to vector<16xi32>
    %add3A_283 = arith.addi %add3A_282, %iota3A : vector<16xi32>
    %gather3A_284 = tpu.vector_load_idx %arg9[%add3A_283] : memref<10240xf32, #tpu.memory_space<vmem>>[vector<16xi32>], vector<16xf32>,
    %mul3A_285 = arith.constant 5243 : i32
    %mul3A_286 = vector.broadcast %mul3A_285 : i32 to vector<16xi32>
    %mul3A_287 = arith.muli %add3A_283, %mul3A_286 : vector<16xi32>
    %shift_right_arithmetic3A_288 = arith.constant 19 : i32
    %shift_right_arithmetic3A_289 = vector.broadcast %shift_right_arithmetic3A_288 : i32 to vector<16xi32>
    %shift_right_arithmetic3A_290 = arith.shrsi %mul3A_287, %shift_right_arithmetic3A_289 : vector<16xi32>
    %shift_left3A_291 = arith.constant 7 : i32
    %shift_left3A_292 = vector.broadcast %shift_left3A_291 : i32 to vector<16xi32>
    %shift_left3A_293 = arith.shli %add3A_283, %shift_left3A_292 : vector<16xi32>
    %add3A_294 = arith.addi %shift_left3A_293, %shift_right_arithmetic3A_290 : vector<16xi32>
    %swap3A_295 = arith.constant 79 : i32
    %swap3A_296 = arith.index_cast %swap3A_295 : i32 to index
    %swap3A_297 = arith.constant 32 : index
    %swap3A_298 = tpu.vector_load %arg7[%swap3A_296, %swap3A_297] {strides = array<i32>} : memref<82x128xi32, #tpu.memory_space<vmem>>, vector<16xi32>,
    tpu.vector_store %arg7[%swap3A_296, %swap3A_297], %add3A_294 {strides = array<i32>} : memref<82x128xi32, #tpu.memory_space<vmem>>, vector<16xi32>,
    %lt3A_299 = arith.constant 10000 : i32
    %lt3A_300 = vector.broadcast %lt3A_299 : i32 to vector<16xi32>
    %lt3A_301 = arith.cmpi slt, %add3A_283, %lt3A_300 : vector<16xi32>
    %mul3A_302 = arith.mulf %gather3A_284, %gather3A_284 : vector<16xf32>
    %jit3A_303 = arith.constant 0.000000e+00 : f32
    %broadcast_in_dim3A_304 = vector.broadcast %jit3A_303 : f32 to vector<16xf32>
    %select_n3A_305 = arith.select %lt3A_301, %mul3A_302, %broadcast_in_dim3A_304 : vector<16xi1>, vector<16xf32>
    %swap3A_306 = arith.constant 79 : i32
    %swap3A_307 = arith.index_cast %swap3A_306 : i32 to index
    %swap3A_308 = arith.constant 32 : index
    %swap3A_309 = tpu.vector_load %arg8[%swap3A_307, %swap3A_308] {strides = array<i32>} : memref<82x128xf32, #tpu.memory_space<vmem>>, vector<16xf32>,
    tpu.vector_store %arg8[%swap3A_307, %swap3A_308], %select_n3A_305 {strides = array<i32>} : memref<82x128xf32, #tpu.memory_space<vmem>>, vector<16xf32>,
    %mul3A_310 = arith.constant 320 : i32
    %mul3A_311 = arith.muli %add3A, %mul3A_310 : i32
    %add3A_312 = arith.constant 48 : i32
    %add3A_313 = arith.addi %mul3A_311, %add3A_312 : i32
    %add3A_314 = vector.broadcast %add3A_313 : i32 to vector<16xi32>
    %add3A_315 = arith.addi %add3A_314, %iota3A : vector<16xi32>
    %gather3A_316 = tpu.vector_load_idx %arg9[%add3A_315] : memref<10240xf32, #tpu.memory_space<vmem>>[vector<16xi32>], vector<16xf32>,
    %mul3A_317 = arith.constant 5243 : i32
    %mul3A_318 = vector.broadcast %mul3A_317 : i32 to vector<16xi32>
    %mul3A_319 = arith.muli %add3A_315, %mul3A_318 : vector<16xi32>
    %shift_right_arithmetic3A_320 = arith.constant 19 : i32
    %shift_right_arithmetic3A_321 = vector.broadcast %shift_right_arithmetic3A_320 : i32 to vector<16xi32>
    %shift_right_arithmetic3A_322 = arith.shrsi %mul3A_319, %shift_right_arithmetic3A_321 : vector<16xi32>
    %shift_left3A_323 = arith.constant 7 : i32
    %shift_left3A_324 = vector.broadcast %shift_left3A_323 : i32 to vector<16xi32>
    %shift_left3A_325 = arith.shli %add3A_315, %shift_left3A_324 : vector<16xi32>
    %add3A_326 = arith.addi %shift_left3A_325, %shift_right_arithmetic3A_322 : vector<16xi32>
    %swap3A_327 = arith.constant 79 : i32
    %swap3A_328 = arith.index_cast %swap3A_327 : i32 to index
    %swap3A_329 = arith.constant 48 : index
    %swap3A_330 = tpu.vector_load %arg7[%swap3A_328, %swap3A_329] {strides = array<i32>} : memref<82x128xi32, #tpu.memory_space<vmem>>, vector<16xi32>,
    tpu.vector_store %arg7[%swap3A_328, %swap3A_329], %add3A_326 {strides = array<i32>} : memref<82x128xi32, #tpu.memory_space<vmem>>, vector<16xi32>,
    %lt3A_331 = arith.constant 10000 : i32
    %lt3A_332 = vector.broadcast %lt3A_331 : i32 to vector<16xi32>
    %lt3A_333 = arith.cmpi slt, %add3A_315, %lt3A_332 : vector<16xi32>
    %mul3A_334 = arith.mulf %gather3A_316, %gather3A_316 : vector<16xf32>
    %jit3A_335 = arith.constant 0.000000e+00 : f32
    %broadcast_in_dim3A_336 = vector.broadcast %jit3A_335 : f32 to vector<16xf32>
    %select_n3A_337 = arith.select %lt3A_333, %mul3A_334, %broadcast_in_dim3A_336 : vector<16xi1>, vector<16xf32>
    %swap3A_338 = arith.constant 79 : i32
    %swap3A_339 = arith.index_cast %swap3A_338 : i32 to index
    %swap3A_340 = arith.constant 48 : index
    %swap3A_341 = tpu.vector_load %arg8[%swap3A_339, %swap3A_340] {strides = array<i32>} : memref<82x128xf32, #tpu.memory_space<vmem>>, vector<16xf32>,
    tpu.vector_store %arg8[%swap3A_339, %swap3A_340], %select_n3A_337 {strides = array<i32>} : memref<82x128xf32, #tpu.memory_space<vmem>>, vector<16xf32>,
    %mul3A_342 = arith.constant 320 : i32
    %mul3A_343 = arith.muli %add3A, %mul3A_342 : i32
    %add3A_344 = arith.constant 64 : i32
    %add3A_345 = arith.addi %mul3A_343, %add3A_344 : i32
    %add3A_346 = vector.broadcast %add3A_345 : i32 to vector<16xi32>
    %add3A_347 = arith.addi %add3A_346, %iota3A : vector<16xi32>
    %gather3A_348 = tpu.vector_load_idx %arg9[%add3A_347] : memref<10240xf32, #tpu.memory_space<vmem>>[vector<16xi32>], vector<16xf32>,
    %mul3A_349 = arith.constant 5243 : i32
    %mul3A_350 = vector.broadcast %mul3A_349 : i32 to vector<16xi32>
    %mul3A_351 = arith.muli %add3A_347, %mul3A_350 : vector<16xi32>
    %shift_right_arithmetic3A_352 = arith.constant 19 : i32
    %shift_right_arithmetic3A_353 = vector.broadcast %shift_right_arithmetic3A_352 : i32 to vector<16xi32>
    %shift_right_arithmetic3A_354 = arith.shrsi %mul3A_351, %shift_right_arithmetic3A_353 : vector<16xi32>
    %shift_left3A_355 = arith.constant 7 : i32
    %shift_left3A_356 = vector.broadcast %shift_left3A_355 : i32 to vector<16xi32>
    %shift_left3A_357 = arith.shli %add3A_347, %shift_left3A_356 : vector<16xi32>
    %add3A_358 = arith.addi %shift_left3A_357, %shift_right_arithmetic3A_354 : vector<16xi32>
    %swap3A_359 = arith.constant 79 : i32
    %swap3A_360 = arith.index_cast %swap3A_359 : i32 to index
    %swap3A_361 = arith.constant 64 : index
    %swap3A_362 = tpu.vector_load %arg7[%swap3A_360, %swap3A_361] {strides = array<i32>} : memref<82x128xi32, #tpu.memory_space<vmem>>, vector<16xi32>,
    tpu.vector_store %arg7[%swap3A_360, %swap3A_361], %add3A_358 {strides = array<i32>} : memref<82x128xi32, #tpu.memory_space<vmem>>, vector<16xi32>,
    %lt3A_363 = arith.constant 10000 : i32
    %lt3A_364 = vector.broadcast %lt3A_363 : i32 to vector<16xi32>
    %lt3A_365 = arith.cmpi slt, %add3A_347, %lt3A_364 : vector<16xi32>
    %mul3A_366 = arith.mulf %gather3A_348, %gather3A_348 : vector<16xf32>
    %jit3A_367 = arith.constant 0.000000e+00 : f32
    %broadcast_in_dim3A_368 = vector.broadcast %jit3A_367 : f32 to vector<16xf32>
    %select_n3A_369 = arith.select %lt3A_365, %mul3A_366, %broadcast_in_dim3A_368 : vector<16xi1>, vector<16xf32>
    %swap3A_370 = arith.constant 79 : i32
    %swap3A_371 = arith.index_cast %swap3A_370 : i32 to index
    %swap3A_372 = arith.constant 64 : index
    %swap3A_373 = tpu.vector_load %arg8[%swap3A_371, %swap3A_372] {strides = array<i32>} : memref<82x128xf32, #tpu.memory_space<vmem>>, vector<16xf32>,
    tpu.vector_store %arg8[%swap3A_371, %swap3A_372], %select_n3A_369 {strides = array<i32>} : memref<82x128xf32, #tpu.memory_space<vmem>>, vector<16xf32>,
    %mul3A_374 = arith.constant 320 : i32
    %mul3A_375 = arith.muli %add3A, %mul3A_374 : i32
    %add3A_376 = arith.constant 80 : i32
    %add3A_377 = arith.addi %mul3A_375, %add3A_376 : i32
    %add3A_378 = vector.broadcast %add3A_377 : i32 to vector<16xi32>
    %add3A_379 = arith.addi %add3A_378, %iota3A : vector<16xi32>
    %gather3A_380 = tpu.vector_load_idx %arg9[%add3A_379] : memref<10240xf32, #tpu.memory_space<vmem>>[vector<16xi32>], vector<16xf32>,
    %mul3A_381 = arith.constant 5243 : i32
    %mul3A_382 = vector.broadcast %mul3A_381 : i32 to vector<16xi32>
    %mul3A_383 = arith.muli %add3A_379, %mul3A_382 : vector<16xi32>
    %shift_right_arithmetic3A_384 = arith.constant 19 : i32
    %shift_right_arithmetic3A_385 = vector.broadcast %shift_right_arithmetic3A_384 : i32 to vector<16xi32>
    %shift_right_arithmetic3A_386 = arith.shrsi %mul3A_383, %shift_right_arithmetic3A_385 : vector<16xi32>
    %shift_left3A_387 = arith.constant 7 : i32
    %shift_left3A_388 = vector.broadcast %shift_left3A_387 : i32 to vector<16xi32>
    %shift_left3A_389 = arith.shli %add3A_379, %shift_left3A_388 : vector<16xi32>
    %add3A_390 = arith.addi %shift_left3A_389, %shift_right_arithmetic3A_386 : vector<16xi32>
    %swap3A_391 = arith.constant 79 : i32
    %swap3A_392 = arith.index_cast %swap3A_391 : i32 to index
    %swap3A_393 = arith.constant 80 : index
    %swap3A_394 = tpu.vector_load %arg7[%swap3A_392, %swap3A_393] {strides = array<i32>} : memref<82x128xi32, #tpu.memory_space<vmem>>, vector<16xi32>,
    tpu.vector_store %arg7[%swap3A_392, %swap3A_393], %add3A_390 {strides = array<i32>} : memref<82x128xi32, #tpu.memory_space<vmem>>, vector<16xi32>,
    %lt3A_395 = arith.constant 10000 : i32
    %lt3A_396 = vector.broadcast %lt3A_395 : i32 to vector<16xi32>
    %lt3A_397 = arith.cmpi slt, %add3A_379, %lt3A_396 : vector<16xi32>
    %mul3A_398 = arith.mulf %gather3A_380, %gather3A_380 : vector<16xf32>
    %jit3A_399 = arith.constant 0.000000e+00 : f32
    %broadcast_in_dim3A_400 = vector.broadcast %jit3A_399 : f32 to vector<16xf32>
    %select_n3A_401 = arith.select %lt3A_397, %mul3A_398, %broadcast_in_dim3A_400 : vector<16xi1>, vector<16xf32>
    %swap3A_402 = arith.constant 79 : i32
    %swap3A_403 = arith.index_cast %swap3A_402 : i32 to index
    %swap3A_404 = arith.constant 80 : index
    %swap3A_405 = tpu.vector_load %arg8[%swap3A_403, %swap3A_404] {strides = array<i32>} : memref<82x128xf32, #tpu.memory_space<vmem>>, vector<16xf32>,
    tpu.vector_store %arg8[%swap3A_403, %swap3A_404], %select_n3A_401 {strides = array<i32>} : memref<82x128xf32, #tpu.memory_space<vmem>>, vector<16xf32>,
    %mul3A_406 = arith.constant 320 : i32
    %mul3A_407 = arith.muli %add3A, %mul3A_406 : i32
    %add3A_408 = arith.constant 96 : i32
    %add3A_409 = arith.addi %mul3A_407, %add3A_408 : i32
    %add3A_410 = vector.broadcast %add3A_409 : i32 to vector<16xi32>
    %add3A_411 = arith.addi %add3A_410, %iota3A : vector<16xi32>
    %gather3A_412 = tpu.vector_load_idx %arg9[%add3A_411] : memref<10240xf32, #tpu.memory_space<vmem>>[vector<16xi32>], vector<16xf32>,
    %mul3A_413 = arith.constant 5243 : i32
    %mul3A_414 = vector.broadcast %mul3A_413 : i32 to vector<16xi32>
    %mul3A_415 = arith.muli %add3A_411, %mul3A_414 : vector<16xi32>
    %shift_right_arithmetic3A_416 = arith.constant 19 : i32
    %shift_right_arithmetic3A_417 = vector.broadcast %shift_right_arithmetic3A_416 : i32 to vector<16xi32>
    %shift_right_arithmetic3A_418 = arith.shrsi %mul3A_415, %shift_right_arithmetic3A_417 : vector<16xi32>
    %shift_left3A_419 = arith.constant 7 : i32
    %shift_left3A_420 = vector.broadcast %shift_left3A_419 : i32 to vector<16xi32>
    %shift_left3A_421 = arith.shli %add3A_411, %shift_left3A_420 : vector<16xi32>
    %add3A_422 = arith.addi %shift_left3A_421, %shift_right_arithmetic3A_418 : vector<16xi32>
    %swap3A_423 = arith.constant 79 : i32
    %swap3A_424 = arith.index_cast %swap3A_423 : i32 to index
    %swap3A_425 = arith.constant 96 : index
    %swap3A_426 = tpu.vector_load %arg7[%swap3A_424, %swap3A_425] {strides = array<i32>} : memref<82x128xi32, #tpu.memory_space<vmem>>, vector<16xi32>,
    tpu.vector_store %arg7[%swap3A_424, %swap3A_425], %add3A_422 {strides = array<i32>} : memref<82x128xi32, #tpu.memory_space<vmem>>, vector<16xi32>,
    %lt3A_427 = arith.constant 10000 : i32
    %lt3A_428 = vector.broadcast %lt3A_427 : i32 to vector<16xi32>
    %lt3A_429 = arith.cmpi slt, %add3A_411, %lt3A_428 : vector<16xi32>
    %mul3A_430 = arith.mulf %gather3A_412, %gather3A_412 : vector<16xf32>
    %jit3A_431 = arith.constant 0.000000e+00 : f32
    %broadcast_in_dim3A_432 = vector.broadcast %jit3A_431 : f32 to vector<16xf32>
    %select_n3A_433 = arith.select %lt3A_429, %mul3A_430, %broadcast_in_dim3A_432 : vector<16xi1>, vector<16xf32>
    %swap3A_434 = arith.constant 79 : i32
    %swap3A_435 = arith.index_cast %swap3A_434 : i32 to index
    %swap3A_436 = arith.constant 96 : index
    %swap3A_437 = tpu.vector_load %arg8[%swap3A_435, %swap3A_436] {strides = array<i32>} : memref<82x128xf32, #tpu.memory_space<vmem>>, vector<16xf32>,
    tpu.vector_store %arg8[%swap3A_435, %swap3A_436], %select_n3A_433 {strides = array<i32>} : memref<82x128xf32, #tpu.memory_space<vmem>>, vector<16xf32>,
    %mul3A_438 = arith.constant 320 : i32
    %mul3A_439 = arith.muli %add3A, %mul3A_438 : i32
    %add3A_440 = arith.constant 112 : i32
    %add3A_441 = arith.addi %mul3A_439, %add3A_440 : i32
    %add3A_442 = vector.broadcast %add3A_441 : i32 to vector<16xi32>
    %add3A_443 = arith.addi %add3A_442, %iota3A : vector<16xi32>
    %gather3A_444 = tpu.vector_load_idx %arg9[%add3A_443] : memref<10240xf32, #tpu.memory_space<vmem>>[vector<16xi32>], vector<16xf32>,
    %mul3A_445 = arith.constant 5243 : i32
    %mul3A_446 = vector.broadcast %mul3A_445 : i32 to vector<16xi32>
    %mul3A_447 = arith.muli %add3A_443, %mul3A_446 : vector<16xi32>
    %shift_right_arithmetic3A_448 = arith.constant 19 : i32
    %shift_right_arithmetic3A_449 = vector.broadcast %shift_right_arithmetic3A_448 : i32 to vector<16xi32>
    %shift_right_arithmetic3A_450 = arith.shrsi %mul3A_447, %shift_right_arithmetic3A_449 : vector<16xi32>
    %shift_left3A_451 = arith.constant 7 : i32
    %shift_left3A_452 = vector.broadcast %shift_left3A_451 : i32 to vector<16xi32>
    %shift_left3A_453 = arith.shli %add3A_443, %shift_left3A_452 : vector<16xi32>
    %add3A_454 = arith.addi %shift_left3A_453, %shift_right_arithmetic3A_450 : vector<16xi32>
    %swap3A_455 = arith.constant 79 : i32
    %swap3A_456 = arith.index_cast %swap3A_455 : i32 to index
    %swap3A_457 = arith.constant 112 : index
    %swap3A_458 = tpu.vector_load %arg7[%swap3A_456, %swap3A_457] {strides = array<i32>} : memref<82x128xi32, #tpu.memory_space<vmem>>, vector<16xi32>,
    tpu.vector_store %arg7[%swap3A_456, %swap3A_457], %add3A_454 {strides = array<i32>} : memref<82x128xi32, #tpu.memory_space<vmem>>, vector<16xi32>,
    %lt3A_459 = arith.constant 10000 : i32
    %lt3A_460 = vector.broadcast %lt3A_459 : i32 to vector<16xi32>
    %lt3A_461 = arith.cmpi slt, %add3A_443, %lt3A_460 : vector<16xi32>
    %mul3A_462 = arith.mulf %gather3A_444, %gather3A_444 : vector<16xf32>
    %jit3A_463 = arith.constant 0.000000e+00 : f32
    %broadcast_in_dim3A_464 = vector.broadcast %jit3A_463 : f32 to vector<16xf32>
    %select_n3A_465 = arith.select %lt3A_461, %mul3A_462, %broadcast_in_dim3A_464 : vector<16xi1>, vector<16xf32>
    %swap3A_466 = arith.constant 79 : i32
    %swap3A_467 = arith.index_cast %swap3A_466 : i32 to index
    %swap3A_468 = arith.constant 112 : index
    %swap3A_469 = tpu.vector_load %arg8[%swap3A_467, %swap3A_468] {strides = array<i32>} : memref<82x128xf32, #tpu.memory_space<vmem>>, vector<16xf32>,
    tpu.vector_store %arg8[%swap3A_467, %swap3A_468], %select_n3A_465 {strides = array<i32>} : memref<82x128xf32, #tpu.memory_space<vmem>>, vector<16xf32>,
    %mul3A_470 = arith.constant 320 : i32
    %mul3A_471 = arith.muli %add3A, %mul3A_470 : i32
    %add3A_472 = arith.constant 128 : i32
    %add3A_473 = arith.addi %mul3A_471, %add3A_472 : i32
    %add3A_474 = vector.broadcast %add3A_473 : i32 to vector<16xi32>
    %add3A_475 = arith.addi %add3A_474, %iota3A : vector<16xi32>
    %gather3A_476 = tpu.vector_load_idx %arg9[%add3A_475] : memref<10240xf32, #tpu.memory_space<vmem>>[vector<16xi32>], vector<16xf32>,
    %mul3A_477 = arith.constant 5243 : i32
    %mul3A_478 = vector.broadcast %mul3A_477 : i32 to vector<16xi32>
    %mul3A_479 = arith.muli %add3A_475, %mul3A_478 : vector<16xi32>
    %shift_right_arithmetic3A_480 = arith.constant 19 : i32
    %shift_right_arithmetic3A_481 = vector.broadcast %shift_right_arithmetic3A_480 : i32 to vector<16xi32>
    %shift_right_arithmetic3A_482 = arith.shrsi %mul3A_479, %shift_right_arithmetic3A_481 : vector<16xi32>
    %shift_left3A_483 = arith.constant 7 : i32
    %shift_left3A_484 = vector.broadcast %shift_left3A_483 : i32 to vector<16xi32>
    %shift_left3A_485 = arith.shli %add3A_475, %shift_left3A_484 : vector<16xi32>
    %add3A_486 = arith.addi %shift_left3A_485, %shift_right_arithmetic3A_482 : vector<16xi32>
    %swap3A_487 = arith.constant 80 : i32
    %swap3A_488 = arith.index_cast %swap3A_487 : i32 to index
    %swap3A_489 = arith.constant 0 : index
    %swap3A_490 = tpu.vector_load %arg7[%swap3A_488, %swap3A_489] {strides = array<i32>} : memref<82x128xi32, #tpu.memory_space<vmem>>, vector<16xi32>,
    tpu.vector_store %arg7[%swap3A_488, %swap3A_489], %add3A_486 {strides = array<i32>} : memref<82x128xi32, #tpu.memory_space<vmem>>, vector<16xi32>,
    %lt3A_491 = arith.constant 10000 : i32
    %lt3A_492 = vector.broadcast %lt3A_491 : i32 to vector<16xi32>
    %lt3A_493 = arith.cmpi slt, %add3A_475, %lt3A_492 : vector<16xi32>
    %mul3A_494 = arith.mulf %gather3A_476, %gather3A_476 : vector<16xf32>
    %jit3A_495 = arith.constant 0.000000e+00 : f32
    %broadcast_in_dim3A_496 = vector.broadcast %jit3A_495 : f32 to vector<16xf32>
    %select_n3A_497 = arith.select %lt3A_493, %mul3A_494, %broadcast_in_dim3A_496 : vector<16xi1>, vector<16xf32>
    %swap3A_498 = arith.constant 80 : i32
    %swap3A_499 = arith.index_cast %swap3A_498 : i32 to index
    %swap3A_500 = arith.constant 0 : index
    %swap3A_501 = tpu.vector_load %arg8[%swap3A_499, %swap3A_500] {strides = array<i32>} : memref<82x128xf32, #tpu.memory_space<vmem>>, vector<16xf32>,
    tpu.vector_store %arg8[%swap3A_499, %swap3A_500], %select_n3A_497 {strides = array<i32>} : memref<82x128xf32, #tpu.memory_space<vmem>>, vector<16xf32>,
    %mul3A_502 = arith.constant 320 : i32
    %mul3A_503 = arith.muli %add3A, %mul3A_502 : i32
    %add3A_504 = arith.constant 144 : i32
    %add3A_505 = arith.addi %mul3A_503, %add3A_504 : i32
    %add3A_506 = vector.broadcast %add3A_505 : i32 to vector<16xi32>
    %add3A_507 = arith.addi %add3A_506, %iota3A : vector<16xi32>
    %gather3A_508 = tpu.vector_load_idx %arg9[%add3A_507] : memref<10240xf32, #tpu.memory_space<vmem>>[vector<16xi32>], vector<16xf32>,
    %mul3A_509 = arith.constant 5243 : i32
    %mul3A_510 = vector.broadcast %mul3A_509 : i32 to vector<16xi32>
    %mul3A_511 = arith.muli %add3A_507, %mul3A_510 : vector<16xi32>
    %shift_right_arithmetic3A_512 = arith.constant 19 : i32
    %shift_right_arithmetic3A_513 = vector.broadcast %shift_right_arithmetic3A_512 : i32 to vector<16xi32>
    %shift_right_arithmetic3A_514 = arith.shrsi %mul3A_511, %shift_right_arithmetic3A_513 : vector<16xi32>
    %shift_left3A_515 = arith.constant 7 : i32
    %shift_left3A_516 = vector.broadcast %shift_left3A_515 : i32 to vector<16xi32>
    %shift_left3A_517 = arith.shli %add3A_507, %shift_left3A_516 : vector<16xi32>
    %add3A_518 = arith.addi %shift_left3A_517, %shift_right_arithmetic3A_514 : vector<16xi32>
    %swap3A_519 = arith.constant 80 : i32
    %swap3A_520 = arith.index_cast %swap3A_519 : i32 to index
    %swap3A_521 = arith.constant 16 : index
    %swap3A_522 = tpu.vector_load %arg7[%swap3A_520, %swap3A_521] {strides = array<i32>} : memref<82x128xi32, #tpu.memory_space<vmem>>, vector<16xi32>,
    tpu.vector_store %arg7[%swap3A_520, %swap3A_521], %add3A_518 {strides = array<i32>} : memref<82x128xi32, #tpu.memory_space<vmem>>, vector<16xi32>,
    %lt3A_523 = arith.constant 10000 : i32
    %lt3A_524 = vector.broadcast %lt3A_523 : i32 to vector<16xi32>
    %lt3A_525 = arith.cmpi slt, %add3A_507, %lt3A_524 : vector<16xi32>
    %mul3A_526 = arith.mulf %gather3A_508, %gather3A_508 : vector<16xf32>
    %jit3A_527 = arith.constant 0.000000e+00 : f32
    %broadcast_in_dim3A_528 = vector.broadcast %jit3A_527 : f32 to vector<16xf32>
    %select_n3A_529 = arith.select %lt3A_525, %mul3A_526, %broadcast_in_dim3A_528 : vector<16xi1>, vector<16xf32>
    %swap3A_530 = arith.constant 80 : i32
    %swap3A_531 = arith.index_cast %swap3A_530 : i32 to index
    %swap3A_532 = arith.constant 16 : index
    %swap3A_533 = tpu.vector_load %arg8[%swap3A_531, %swap3A_532] {strides = array<i32>} : memref<82x128xf32, #tpu.memory_space<vmem>>, vector<16xf32>,
    tpu.vector_store %arg8[%swap3A_531, %swap3A_532], %select_n3A_529 {strides = array<i32>} : memref<82x128xf32, #tpu.memory_space<vmem>>, vector<16xf32>,
    %mul3A_534 = arith.constant 320 : i32
    %mul3A_535 = arith.muli %add3A, %mul3A_534 : i32
    %add3A_536 = arith.constant 160 : i32
    %add3A_537 = arith.addi %mul3A_535, %add3A_536 : i32
    %add3A_538 = vector.broadcast %add3A_537 : i32 to vector<16xi32>
    %add3A_539 = arith.addi %add3A_538, %iota3A : vector<16xi32>
    %gather3A_540 = tpu.vector_load_idx %arg9[%add3A_539] : memref<10240xf32, #tpu.memory_space<vmem>>[vector<16xi32>], vector<16xf32>,
    %mul3A_541 = arith.constant 5243 : i32
    %mul3A_542 = vector.broadcast %mul3A_541 : i32 to vector<16xi32>
    %mul3A_543 = arith.muli %add3A_539, %mul3A_542 : vector<16xi32>
    %shift_right_arithmetic3A_544 = arith.constant 19 : i32
    %shift_right_arithmetic3A_545 = vector.broadcast %shift_right_arithmetic3A_544 : i32 to vector<16xi32>
    %shift_right_arithmetic3A_546 = arith.shrsi %mul3A_543, %shift_right_arithmetic3A_545 : vector<16xi32>
    %shift_left3A_547 = arith.constant 7 : i32
    %shift_left3A_548 = vector.broadcast %shift_left3A_547 : i32 to vector<16xi32>
    %shift_left3A_549 = arith.shli %add3A_539, %shift_left3A_548 : vector<16xi32>
    %add3A_550 = arith.addi %shift_left3A_549, %shift_right_arithmetic3A_546 : vector<16xi32>
    %swap3A_551 = arith.constant 80 : i32
    %swap3A_552 = arith.index_cast %swap3A_551 : i32 to index
    %swap3A_553 = arith.constant 32 : index
    %swap3A_554 = tpu.vector_load %arg7[%swap3A_552, %swap3A_553] {strides = array<i32>} : memref<82x128xi32, #tpu.memory_space<vmem>>, vector<16xi32>,
    tpu.vector_store %arg7[%swap3A_552, %swap3A_553], %add3A_550 {strides = array<i32>} : memref<82x128xi32, #tpu.memory_space<vmem>>, vector<16xi32>,
    %lt3A_555 = arith.constant 10000 : i32
    %lt3A_556 = vector.broadcast %lt3A_555 : i32 to vector<16xi32>
    %lt3A_557 = arith.cmpi slt, %add3A_539, %lt3A_556 : vector<16xi32>
    %mul3A_558 = arith.mulf %gather3A_540, %gather3A_540 : vector<16xf32>
    %jit3A_559 = arith.constant 0.000000e+00 : f32
    %broadcast_in_dim3A_560 = vector.broadcast %jit3A_559 : f32 to vector<16xf32>
    %select_n3A_561 = arith.select %lt3A_557, %mul3A_558, %broadcast_in_dim3A_560 : vector<16xi1>, vector<16xf32>
    %swap3A_562 = arith.constant 80 : i32
    %swap3A_563 = arith.index_cast %swap3A_562 : i32 to index
    %swap3A_564 = arith.constant 32 : index
    %swap3A_565 = tpu.vector_load %arg8[%swap3A_563, %swap3A_564] {strides = array<i32>} : memref<82x128xf32, #tpu.memory_space<vmem>>, vector<16xf32>,
    tpu.vector_store %arg8[%swap3A_563, %swap3A_564], %select_n3A_561 {strides = array<i32>} : memref<82x128xf32, #tpu.memory_space<vmem>>, vector<16xf32>,
    %mul3A_566 = arith.constant 320 : i32
    %mul3A_567 = arith.muli %add3A, %mul3A_566 : i32
    %add3A_568 = arith.constant 176 : i32
    %add3A_569 = arith.addi %mul3A_567, %add3A_568 : i32
    %add3A_570 = vector.broadcast %add3A_569 : i32 to vector<16xi32>
    %add3A_571 = arith.addi %add3A_570, %iota3A : vector<16xi32>
    %gather3A_572 = tpu.vector_load_idx %arg9[%add3A_571] : memref<10240xf32, #tpu.memory_space<vmem>>[vector<16xi32>], vector<16xf32>,
    %mul3A_573 = arith.constant 5243 : i32
    %mul3A_574 = vector.broadcast %mul3A_573 : i32 to vector<16xi32>
    %mul3A_575 = arith.muli %add3A_571, %mul3A_574 : vector<16xi32>
    %shift_right_arithmetic3A_576 = arith.constant 19 : i32
    %shift_right_arithmetic3A_577 = vector.broadcast %shift_right_arithmetic3A_576 : i32 to vector<16xi32>
    %shift_right_arithmetic3A_578 = arith.shrsi %mul3A_575, %shift_right_arithmetic3A_577 : vector<16xi32>
    %shift_left3A_579 = arith.constant 7 : i32
    %shift_left3A_580 = vector.broadcast %shift_left3A_579 : i32 to vector<16xi32>
    %shift_left3A_581 = arith.shli %add3A_571, %shift_left3A_580 : vector<16xi32>
    %add3A_582 = arith.addi %shift_left3A_581, %shift_right_arithmetic3A_578 : vector<16xi32>
    %swap3A_583 = arith.constant 80 : i32
    %swap3A_584 = arith.index_cast %swap3A_583 : i32 to index
    %swap3A_585 = arith.constant 48 : index
    %swap3A_586 = tpu.vector_load %arg7[%swap3A_584, %swap3A_585] {strides = array<i32>} : memref<82x128xi32, #tpu.memory_space<vmem>>, vector<16xi32>,
    tpu.vector_store %arg7[%swap3A_584, %swap3A_585], %add3A_582 {strides = array<i32>} : memref<82x128xi32, #tpu.memory_space<vmem>>, vector<16xi32>,
    %lt3A_587 = arith.constant 10000 : i32
    %lt3A_588 = vector.broadcast %lt3A_587 : i32 to vector<16xi32>
    %lt3A_589 = arith.cmpi slt, %add3A_571, %lt3A_588 : vector<16xi32>
    %mul3A_590 = arith.mulf %gather3A_572, %gather3A_572 : vector<16xf32>
    %jit3A_591 = arith.constant 0.000000e+00 : f32
    %broadcast_in_dim3A_592 = vector.broadcast %jit3A_591 : f32 to vector<16xf32>
    %select_n3A_593 = arith.select %lt3A_589, %mul3A_590, %broadcast_in_dim3A_592 : vector<16xi1>, vector<16xf32>
    %swap3A_594 = arith.constant 80 : i32
    %swap3A_595 = arith.index_cast %swap3A_594 : i32 to index
    %swap3A_596 = arith.constant 48 : index
    %swap3A_597 = tpu.vector_load %arg8[%swap3A_595, %swap3A_596] {strides = array<i32>} : memref<82x128xf32, #tpu.memory_space<vmem>>, vector<16xf32>,
    tpu.vector_store %arg8[%swap3A_595, %swap3A_596], %select_n3A_593 {strides = array<i32>} : memref<82x128xf32, #tpu.memory_space<vmem>>, vector<16xf32>,
    %mul3A_598 = arith.constant 320 : i32
    %mul3A_599 = arith.muli %add3A, %mul3A_598 : i32
    %add3A_600 = arith.constant 192 : i32
    %add3A_601 = arith.addi %mul3A_599, %add3A_600 : i32
    %add3A_602 = vector.broadcast %add3A_601 : i32 to vector<16xi32>
    %add3A_603 = arith.addi %add3A_602, %iota3A : vector<16xi32>
    %gather3A_604 = tpu.vector_load_idx %arg9[%add3A_603] : memref<10240xf32, #tpu.memory_space<vmem>>[vector<16xi32>], vector<16xf32>,
    %mul3A_605 = arith.constant 5243 : i32
    %mul3A_606 = vector.broadcast %mul3A_605 : i32 to vector<16xi32>
    %mul3A_607 = arith.muli %add3A_603, %mul3A_606 : vector<16xi32>
    %shift_right_arithmetic3A_608 = arith.constant 19 : i32
    %shift_right_arithmetic3A_609 = vector.broadcast %shift_right_arithmetic3A_608 : i32 to vector<16xi32>
    %shift_right_arithmetic3A_610 = arith.shrsi %mul3A_607, %shift_right_arithmetic3A_609 : vector<16xi32>
    %shift_left3A_611 = arith.constant 7 : i32
    %shift_left3A_612 = vector.broadcast %shift_left3A_611 : i32 to vector<16xi32>
    %shift_left3A_613 = arith.shli %add3A_603, %shift_left3A_612 : vector<16xi32>
    %add3A_614 = arith.addi %shift_left3A_613, %shift_right_arithmetic3A_610 : vector<16xi32>
    %swap3A_615 = arith.constant 80 : i32
    %swap3A_616 = arith.index_cast %swap3A_615 : i32 to index
    %swap3A_617 = arith.constant 64 : index
    %swap3A_618 = tpu.vector_load %arg7[%swap3A_616, %swap3A_617] {strides = array<i32>} : memref<82x128xi32, #tpu.memory_space<vmem>>, vector<16xi32>,
    tpu.vector_store %arg7[%swap3A_616, %swap3A_617], %add3A_614 {strides = array<i32>} : memref<82x128xi32, #tpu.memory_space<vmem>>, vector<16xi32>,
    %lt3A_619 = arith.constant 10000 : i32
    %lt3A_620 = vector.broadcast %lt3A_619 : i32 to vector<16xi32>
    %lt3A_621 = arith.cmpi slt, %add3A_603, %lt3A_620 : vector<16xi32>
    %mul3A_622 = arith.mulf %gather3A_604, %gather3A_604 : vector<16xf32>
    %jit3A_623 = arith.constant 0.000000e+00 : f32
    %broadcast_in_dim3A_624 = vector.broadcast %jit3A_623 : f32 to vector<16xf32>
    %select_n3A_625 = arith.select %lt3A_621, %mul3A_622, %broadcast_in_dim3A_624 : vector<16xi1>, vector<16xf32>
    %swap3A_626 = arith.constant 80 : i32
    %swap3A_627 = arith.index_cast %swap3A_626 : i32 to index
    %swap3A_628 = arith.constant 64 : index
    %swap3A_629 = tpu.vector_load %arg8[%swap3A_627, %swap3A_628] {strides = array<i32>} : memref<82x128xf32, #tpu.memory_space<vmem>>, vector<16xf32>,
    tpu.vector_store %arg8[%swap3A_627, %swap3A_628], %select_n3A_625 {strides = array<i32>} : memref<82x128xf32, #tpu.memory_space<vmem>>, vector<16xf32>,
    %mul3A_630 = arith.constant 320 : i32
    %mul3A_631 = arith.muli %add3A, %mul3A_630 : i32
    %add3A_632 = arith.constant 208 : i32
    %add3A_633 = arith.addi %mul3A_631, %add3A_632 : i32
    %add3A_634 = vector.broadcast %add3A_633 : i32 to vector<16xi32>
    %add3A_635 = arith.addi %add3A_634, %iota3A : vector<16xi32>
    %gather3A_636 = tpu.vector_load_idx %arg9[%add3A_635] : memref<10240xf32, #tpu.memory_space<vmem>>[vector<16xi32>], vector<16xf32>,
    %mul3A_637 = arith.constant 5243 : i32
    %mul3A_638 = vector.broadcast %mul3A_637 : i32 to vector<16xi32>
    %mul3A_639 = arith.muli %add3A_635, %mul3A_638 : vector<16xi32>
    %shift_right_arithmetic3A_640 = arith.constant 19 : i32
    %shift_right_arithmetic3A_641 = vector.broadcast %shift_right_arithmetic3A_640 : i32 to vector<16xi32>
    %shift_right_arithmetic3A_642 = arith.shrsi %mul3A_639, %shift_right_arithmetic3A_641 : vector<16xi32>
    %shift_left3A_643 = arith.constant 7 : i32
    %shift_left3A_644 = vector.broadcast %shift_left3A_643 : i32 to vector<16xi32>
    %shift_left3A_645 = arith.shli %add3A_635, %shift_left3A_644 : vector<16xi32>
    %add3A_646 = arith.addi %shift_left3A_645, %shift_right_arithmetic3A_642 : vector<16xi32>
    %swap3A_647 = arith.constant 80 : i32
    %swap3A_648 = arith.index_cast %swap3A_647 : i32 to index
    %swap3A_649 = arith.constant 80 : index
    %swap3A_650 = tpu.vector_load %arg7[%swap3A_648, %swap3A_649] {strides = array<i32>} : memref<82x128xi32, #tpu.memory_space<vmem>>, vector<16xi32>,
    tpu.vector_store %arg7[%swap3A_648, %swap3A_649], %add3A_646 {strides = array<i32>} : memref<82x128xi32, #tpu.memory_space<vmem>>, vector<16xi32>,
    %lt3A_651 = arith.constant 10000 : i32
    %lt3A_652 = vector.broadcast %lt3A_651 : i32 to vector<16xi32>
    %lt3A_653 = arith.cmpi slt, %add3A_635, %lt3A_652 : vector<16xi32>
    %mul3A_654 = arith.mulf %gather3A_636, %gather3A_636 : vector<16xf32>
    %jit3A_655 = arith.constant 0.000000e+00 : f32
    %broadcast_in_dim3A_656 = vector.broadcast %jit3A_655 : f32 to vector<16xf32>
    %select_n3A_657 = arith.select %lt3A_653, %mul3A_654, %broadcast_in_dim3A_656 : vector<16xi1>, vector<16xf32>
    %swap3A_658 = arith.constant 80 : i32
    %swap3A_659 = arith.index_cast %swap3A_658 : i32 to index
    %swap3A_660 = arith.constant 80 : index
    %swap3A_661 = tpu.vector_load %arg8[%swap3A_659, %swap3A_660] {strides = array<i32>} : memref<82x128xf32, #tpu.memory_space<vmem>>, vector<16xf32>,
    tpu.vector_store %arg8[%swap3A_659, %swap3A_660], %select_n3A_657 {strides = array<i32>} : memref<82x128xf32, #tpu.memory_space<vmem>>, vector<16xf32>,
    %mul3A_662 = arith.constant 320 : i32
    %mul3A_663 = arith.muli %add3A, %mul3A_662 : i32
    %add3A_664 = arith.constant 224 : i32
    %add3A_665 = arith.addi %mul3A_663, %add3A_664 : i32
    %add3A_666 = vector.broadcast %add3A_665 : i32 to vector<16xi32>
    %add3A_667 = arith.addi %add3A_666, %iota3A : vector<16xi32>
    %gather3A_668 = tpu.vector_load_idx %arg9[%add3A_667] : memref<10240xf32, #tpu.memory_space<vmem>>[vector<16xi32>], vector<16xf32>,
    %mul3A_669 = arith.constant 5243 : i32
    %mul3A_670 = vector.broadcast %mul3A_669 : i32 to vector<16xi32>
    %mul3A_671 = arith.muli %add3A_667, %mul3A_670 : vector<16xi32>
    %shift_right_arithmetic3A_672 = arith.constant 19 : i32
    %shift_right_arithmetic3A_673 = vector.broadcast %shift_right_arithmetic3A_672 : i32 to vector<16xi32>
    %shift_right_arithmetic3A_674 = arith.shrsi %mul3A_671, %shift_right_arithmetic3A_673 : vector<16xi32>
    %shift_left3A_675 = arith.constant 7 : i32
    %shift_left3A_676 = vector.broadcast %shift_left3A_675 : i32 to vector<16xi32>
    %shift_left3A_677 = arith.shli %add3A_667, %shift_left3A_676 : vector<16xi32>
    %add3A_678 = arith.addi %shift_left3A_677, %shift_right_arithmetic3A_674 : vector<16xi32>
    %swap3A_679 = arith.constant 80 : i32
    %swap3A_680 = arith.index_cast %swap3A_679 : i32 to index
    %swap3A_681 = arith.constant 96 : index
    %swap3A_682 = tpu.vector_load %arg7[%swap3A_680, %swap3A_681] {strides = array<i32>} : memref<82x128xi32, #tpu.memory_space<vmem>>, vector<16xi32>,
    tpu.vector_store %arg7[%swap3A_680, %swap3A_681], %add3A_678 {strides = array<i32>} : memref<82x128xi32, #tpu.memory_space<vmem>>, vector<16xi32>,
    %lt3A_683 = arith.constant 10000 : i32
    %lt3A_684 = vector.broadcast %lt3A_683 : i32 to vector<16xi32>
    %lt3A_685 = arith.cmpi slt, %add3A_667, %lt3A_684 : vector<16xi32>
    %mul3A_686 = arith.mulf %gather3A_668, %gather3A_668 : vector<16xf32>
    %jit3A_687 = arith.constant 0.000000e+00 : f32
    %broadcast_in_dim3A_688 = vector.broadcast %jit3A_687 : f32 to vector<16xf32>
    %select_n3A_689 = arith.select %lt3A_685, %mul3A_686, %broadcast_in_dim3A_688 : vector<16xi1>, vector<16xf32>
    %swap3A_690 = arith.constant 80 : i32
    %swap3A_691 = arith.index_cast %swap3A_690 : i32 to index
    %swap3A_692 = arith.constant 96 : index
    %swap3A_693 = tpu.vector_load %arg8[%swap3A_691, %swap3A_692] {strides = array<i32>} : memref<82x128xf32, #tpu.memory_space<vmem>>, vector<16xf32>,
    tpu.vector_store %arg8[%swap3A_691, %swap3A_692], %select_n3A_689 {strides = array<i32>} : memref<82x128xf32, #tpu.memory_space<vmem>>, vector<16xf32>,
    %mul3A_694 = arith.constant 320 : i32
    %mul3A_695 = arith.muli %add3A, %mul3A_694 : i32
    %add3A_696 = arith.constant 240 : i32
    %add3A_697 = arith.addi %mul3A_695, %add3A_696 : i32
    %add3A_698 = vector.broadcast %add3A_697 : i32 to vector<16xi32>
    %add3A_699 = arith.addi %add3A_698, %iota3A : vector<16xi32>
    %gather3A_700 = tpu.vector_load_idx %arg9[%add3A_699] : memref<10240xf32, #tpu.memory_space<vmem>>[vector<16xi32>], vector<16xf32>,
    %mul3A_701 = arith.constant 5243 : i32
    %mul3A_702 = vector.broadcast %mul3A_701 : i32 to vector<16xi32>
    %mul3A_703 = arith.muli %add3A_699, %mul3A_702 : vector<16xi32>
    %shift_right_arithmetic3A_704 = arith.constant 19 : i32
    %shift_right_arithmetic3A_705 = vector.broadcast %shift_right_arithmetic3A_704 : i32 to vector<16xi32>
    %shift_right_arithmetic3A_706 = arith.shrsi %mul3A_703, %shift_right_arithmetic3A_705 : vector<16xi32>
    %shift_left3A_707 = arith.constant 7 : i32
    %shift_left3A_708 = vector.broadcast %shift_left3A_707 : i32 to vector<16xi32>
    %shift_left3A_709 = arith.shli %add3A_699, %shift_left3A_708 : vector<16xi32>
    %add3A_710 = arith.addi %shift_left3A_709, %shift_right_arithmetic3A_706 : vector<16xi32>
    %swap3A_711 = arith.constant 80 : i32
    %swap3A_712 = arith.index_cast %swap3A_711 : i32 to index
    %swap3A_713 = arith.constant 112 : index
    %swap3A_714 = tpu.vector_load %arg7[%swap3A_712, %swap3A_713] {strides = array<i32>} : memref<82x128xi32, #tpu.memory_space<vmem>>, vector<16xi32>,
    tpu.vector_store %arg7[%swap3A_712, %swap3A_713], %add3A_710 {strides = array<i32>} : memref<82x128xi32, #tpu.memory_space<vmem>>, vector<16xi32>,
    %lt3A_715 = arith.constant 10000 : i32
    %lt3A_716 = vector.broadcast %lt3A_715 : i32 to vector<16xi32>
    %lt3A_717 = arith.cmpi slt, %add3A_699, %lt3A_716 : vector<16xi32>
    %mul3A_718 = arith.mulf %gather3A_700, %gather3A_700 : vector<16xf32>
    %jit3A_719 = arith.constant 0.000000e+00 : f32
    %broadcast_in_dim3A_720 = vector.broadcast %jit3A_719 : f32 to vector<16xf32>
    %select_n3A_721 = arith.select %lt3A_717, %mul3A_718, %broadcast_in_dim3A_720 : vector<16xi1>, vector<16xf32>
    %swap3A_722 = arith.constant 80 : i32
    %swap3A_723 = arith.index_cast %swap3A_722 : i32 to index
    %swap3A_724 = arith.constant 112 : index
    %swap3A_725 = tpu.vector_load %arg8[%swap3A_723, %swap3A_724] {strides = array<i32>} : memref<82x128xf32, #tpu.memory_space<vmem>>, vector<16xf32>,
    tpu.vector_store %arg8[%swap3A_723, %swap3A_724], %select_n3A_721 {strides = array<i32>} : memref<82x128xf32, #tpu.memory_space<vmem>>, vector<16xf32>,
    %mul3A_726 = arith.constant 320 : i32
    %mul3A_727 = arith.muli %add3A, %mul3A_726 : i32
    %add3A_728 = arith.constant 256 : i32
    %add3A_729 = arith.addi %mul3A_727, %add3A_728 : i32
    %add3A_730 = vector.broadcast %add3A_729 : i32 to vector<16xi32>
    %add3A_731 = arith.addi %add3A_730, %iota3A : vector<16xi32>
    %gather3A_732 = tpu.vector_load_idx %arg9[%add3A_731] : memref<10240xf32, #tpu.memory_space<vmem>>[vector<16xi32>], vector<16xf32>,
    %mul3A_733 = arith.constant 5243 : i32
    %mul3A_734 = vector.broadcast %mul3A_733 : i32 to vector<16xi32>
    %mul3A_735 = arith.muli %add3A_731, %mul3A_734 : vector<16xi32>
    %shift_right_arithmetic3A_736 = arith.constant 19 : i32
    %shift_right_arithmetic3A_737 = vector.broadcast %shift_right_arithmetic3A_736 : i32 to vector<16xi32>
    %shift_right_arithmetic3A_738 = arith.shrsi %mul3A_735, %shift_right_arithmetic3A_737 : vector<16xi32>
    %shift_left3A_739 = arith.constant 7 : i32
    %shift_left3A_740 = vector.broadcast %shift_left3A_739 : i32 to vector<16xi32>
    %shift_left3A_741 = arith.shli %add3A_731, %shift_left3A_740 : vector<16xi32>
    %add3A_742 = arith.addi %shift_left3A_741, %shift_right_arithmetic3A_738 : vector<16xi32>
    %swap3A_743 = arith.constant 81 : i32
    %swap3A_744 = arith.index_cast %swap3A_743 : i32 to index
    %swap3A_745 = arith.constant 0 : index
    %swap3A_746 = tpu.vector_load %arg7[%swap3A_744, %swap3A_745] {strides = array<i32>} : memref<82x128xi32, #tpu.memory_space<vmem>>, vector<16xi32>,
    tpu.vector_store %arg7[%swap3A_744, %swap3A_745], %add3A_742 {strides = array<i32>} : memref<82x128xi32, #tpu.memory_space<vmem>>, vector<16xi32>,
    %lt3A_747 = arith.constant 10000 : i32
    %lt3A_748 = vector.broadcast %lt3A_747 : i32 to vector<16xi32>
    %lt3A_749 = arith.cmpi slt, %add3A_731, %lt3A_748 : vector<16xi32>
    %mul3A_750 = arith.mulf %gather3A_732, %gather3A_732 : vector<16xf32>
    %jit3A_751 = arith.constant 0.000000e+00 : f32
    %broadcast_in_dim3A_752 = vector.broadcast %jit3A_751 : f32 to vector<16xf32>
    %select_n3A_753 = arith.select %lt3A_749, %mul3A_750, %broadcast_in_dim3A_752 : vector<16xi1>, vector<16xf32>
    %swap3A_754 = arith.constant 81 : i32
    %swap3A_755 = arith.index_cast %swap3A_754 : i32 to index
    %swap3A_756 = arith.constant 0 : index
    %swap3A_757 = tpu.vector_load %arg8[%swap3A_755, %swap3A_756] {strides = array<i32>} : memref<82x128xf32, #tpu.memory_space<vmem>>, vector<16xf32>,
    tpu.vector_store %arg8[%swap3A_755, %swap3A_756], %select_n3A_753 {strides = array<i32>} : memref<82x128xf32, #tpu.memory_space<vmem>>, vector<16xf32>,
    %mul3A_758 = arith.constant 320 : i32
    %mul3A_759 = arith.muli %add3A, %mul3A_758 : i32
    %add3A_760 = arith.constant 272 : i32
    %add3A_761 = arith.addi %mul3A_759, %add3A_760 : i32
    %add3A_762 = vector.broadcast %add3A_761 : i32 to vector<16xi32>
    %add3A_763 = arith.addi %add3A_762, %iota3A : vector<16xi32>
    %gather3A_764 = tpu.vector_load_idx %arg9[%add3A_763] : memref<10240xf32, #tpu.memory_space<vmem>>[vector<16xi32>], vector<16xf32>,
    %mul3A_765 = arith.constant 5243 : i32
    %mul3A_766 = vector.broadcast %mul3A_765 : i32 to vector<16xi32>
    %mul3A_767 = arith.muli %add3A_763, %mul3A_766 : vector<16xi32>
    %shift_right_arithmetic3A_768 = arith.constant 19 : i32
    %shift_right_arithmetic3A_769 = vector.broadcast %shift_right_arithmetic3A_768 : i32 to vector<16xi32>
    %shift_right_arithmetic3A_770 = arith.shrsi %mul3A_767, %shift_right_arithmetic3A_769 : vector<16xi32>
    %shift_left3A_771 = arith.constant 7 : i32
    %shift_left3A_772 = vector.broadcast %shift_left3A_771 : i32 to vector<16xi32>
    %shift_left3A_773 = arith.shli %add3A_763, %shift_left3A_772 : vector<16xi32>
    %add3A_774 = arith.addi %shift_left3A_773, %shift_right_arithmetic3A_770 : vector<16xi32>
    %swap3A_775 = arith.constant 81 : i32
    %swap3A_776 = arith.index_cast %swap3A_775 : i32 to index
    %swap3A_777 = arith.constant 16 : index
    %swap3A_778 = tpu.vector_load %arg7[%swap3A_776, %swap3A_777] {strides = array<i32>} : memref<82x128xi32, #tpu.memory_space<vmem>>, vector<16xi32>,
    tpu.vector_store %arg7[%swap3A_776, %swap3A_777], %add3A_774 {strides = array<i32>} : memref<82x128xi32, #tpu.memory_space<vmem>>, vector<16xi32>,
    %lt3A_779 = arith.constant 10000 : i32
    %lt3A_780 = vector.broadcast %lt3A_779 : i32 to vector<16xi32>
    %lt3A_781 = arith.cmpi slt, %add3A_763, %lt3A_780 : vector<16xi32>
    %mul3A_782 = arith.mulf %gather3A_764, %gather3A_764 : vector<16xf32>
    %jit3A_783 = arith.constant 0.000000e+00 : f32
    %broadcast_in_dim3A_784 = vector.broadcast %jit3A_783 : f32 to vector<16xf32>
    %select_n3A_785 = arith.select %lt3A_781, %mul3A_782, %broadcast_in_dim3A_784 : vector<16xi1>, vector<16xf32>
    %swap3A_786 = arith.constant 81 : i32
    %swap3A_787 = arith.index_cast %swap3A_786 : i32 to index
    %swap3A_788 = arith.constant 16 : index
    %swap3A_789 = tpu.vector_load %arg8[%swap3A_787, %swap3A_788] {strides = array<i32>} : memref<82x128xf32, #tpu.memory_space<vmem>>, vector<16xf32>,
    tpu.vector_store %arg8[%swap3A_787, %swap3A_788], %select_n3A_785 {strides = array<i32>} : memref<82x128xf32, #tpu.memory_space<vmem>>, vector<16xf32>,
    %mul3A_790 = arith.constant 320 : i32
    %mul3A_791 = arith.muli %add3A, %mul3A_790 : i32
    %add3A_792 = arith.constant 288 : i32
    %add3A_793 = arith.addi %mul3A_791, %add3A_792 : i32
    %add3A_794 = vector.broadcast %add3A_793 : i32 to vector<16xi32>
    %add3A_795 = arith.addi %add3A_794, %iota3A : vector<16xi32>
    %gather3A_796 = tpu.vector_load_idx %arg9[%add3A_795] : memref<10240xf32, #tpu.memory_space<vmem>>[vector<16xi32>], vector<16xf32>,
    %mul3A_797 = arith.constant 5243 : i32
    %mul3A_798 = vector.broadcast %mul3A_797 : i32 to vector<16xi32>
    %mul3A_799 = arith.muli %add3A_795, %mul3A_798 : vector<16xi32>
    %shift_right_arithmetic3A_800 = arith.constant 19 : i32
    %shift_right_arithmetic3A_801 = vector.broadcast %shift_right_arithmetic3A_800 : i32 to vector<16xi32>
    %shift_right_arithmetic3A_802 = arith.shrsi %mul3A_799, %shift_right_arithmetic3A_801 : vector<16xi32>
    %shift_left3A_803 = arith.constant 7 : i32
    %shift_left3A_804 = vector.broadcast %shift_left3A_803 : i32 to vector<16xi32>
    %shift_left3A_805 = arith.shli %add3A_795, %shift_left3A_804 : vector<16xi32>
    %add3A_806 = arith.addi %shift_left3A_805, %shift_right_arithmetic3A_802 : vector<16xi32>
    %swap3A_807 = arith.constant 81 : i32
    %swap3A_808 = arith.index_cast %swap3A_807 : i32 to index
    %swap3A_809 = arith.constant 32 : index
    %swap3A_810 = tpu.vector_load %arg7[%swap3A_808, %swap3A_809] {strides = array<i32>} : memref<82x128xi32, #tpu.memory_space<vmem>>, vector<16xi32>,
    tpu.vector_store %arg7[%swap3A_808, %swap3A_809], %add3A_806 {strides = array<i32>} : memref<82x128xi32, #tpu.memory_space<vmem>>, vector<16xi32>,
    %lt3A_811 = arith.constant 10000 : i32
    %lt3A_812 = vector.broadcast %lt3A_811 : i32 to vector<16xi32>
    %lt3A_813 = arith.cmpi slt, %add3A_795, %lt3A_812 : vector<16xi32>
    %mul3A_814 = arith.mulf %gather3A_796, %gather3A_796 : vector<16xf32>
    %jit3A_815 = arith.constant 0.000000e+00 : f32
    %broadcast_in_dim3A_816 = vector.broadcast %jit3A_815 : f32 to vector<16xf32>
    %select_n3A_817 = arith.select %lt3A_813, %mul3A_814, %broadcast_in_dim3A_816 : vector<16xi1>, vector<16xf32>
    %swap3A_818 = arith.constant 81 : i32
    %swap3A_819 = arith.index_cast %swap3A_818 : i32 to index
    %swap3A_820 = arith.constant 32 : index
    %swap3A_821 = tpu.vector_load %arg8[%swap3A_819, %swap3A_820] {strides = array<i32>} : memref<82x128xf32, #tpu.memory_space<vmem>>, vector<16xf32>,
    tpu.vector_store %arg8[%swap3A_819, %swap3A_820], %select_n3A_817 {strides = array<i32>} : memref<82x128xf32, #tpu.memory_space<vmem>>, vector<16xf32>,
    %mul3A_822 = arith.constant 320 : i32
    %mul3A_823 = arith.muli %add3A, %mul3A_822 : i32
    %add3A_824 = arith.constant 304 : i32
    %add3A_825 = arith.addi %mul3A_823, %add3A_824 : i32
    %add3A_826 = vector.broadcast %add3A_825 : i32 to vector<16xi32>
    %add3A_827 = arith.addi %add3A_826, %iota3A : vector<16xi32>
    %gather3A_828 = tpu.vector_load_idx %arg9[%add3A_827] : memref<10240xf32, #tpu.memory_space<vmem>>[vector<16xi32>], vector<16xf32>,
    %mul3A_829 = arith.constant 5243 : i32
    %mul3A_830 = vector.broadcast %mul3A_829 : i32 to vector<16xi32>
    %mul3A_831 = arith.muli %add3A_827, %mul3A_830 : vector<16xi32>
    %shift_right_arithmetic3A_832 = arith.constant 19 : i32
    %shift_right_arithmetic3A_833 = vector.broadcast %shift_right_arithmetic3A_832 : i32 to vector<16xi32>
    %shift_right_arithmetic3A_834 = arith.shrsi %mul3A_831, %shift_right_arithmetic3A_833 : vector<16xi32>
    %shift_left3A_835 = arith.constant 7 : i32
    %shift_left3A_836 = vector.broadcast %shift_left3A_835 : i32 to vector<16xi32>
    %shift_left3A_837 = arith.shli %add3A_827, %shift_left3A_836 : vector<16xi32>
    %add3A_838 = arith.addi %shift_left3A_837, %shift_right_arithmetic3A_834 : vector<16xi32>
    %swap3A_839 = arith.constant 81 : i32
    %swap3A_840 = arith.index_cast %swap3A_839 : i32 to index
    %swap3A_841 = arith.constant 48 : index
    %swap3A_842 = tpu.vector_load %arg7[%swap3A_840, %swap3A_841] {strides = array<i32>} : memref<82x128xi32, #tpu.memory_space<vmem>>, vector<16xi32>,
    tpu.vector_store %arg7[%swap3A_840, %swap3A_841], %add3A_838 {strides = array<i32>} : memref<82x128xi32, #tpu.memory_space<vmem>>, vector<16xi32>,
    %lt3A_843 = arith.constant 10000 : i32
    %lt3A_844 = vector.broadcast %lt3A_843 : i32 to vector<16xi32>
    %lt3A_845 = arith.cmpi slt, %add3A_827, %lt3A_844 : vector<16xi32>
    %mul3A_846 = arith.mulf %gather3A_828, %gather3A_828 : vector<16xf32>
    %jit3A_847 = arith.constant 0.000000e+00 : f32
    %broadcast_in_dim3A_848 = vector.broadcast %jit3A_847 : f32 to vector<16xf32>
    %select_n3A_849 = arith.select %lt3A_845, %mul3A_846, %broadcast_in_dim3A_848 : vector<16xi1>, vector<16xf32>
    %swap3A_850 = arith.constant 81 : i32
    %swap3A_851 = arith.index_cast %swap3A_850 : i32 to index
    %swap3A_852 = arith.constant 48 : index
    %swap3A_853 = tpu.vector_load %arg8[%swap3A_851, %swap3A_852] {strides = array<i32>} : memref<82x128xf32, #tpu.memory_space<vmem>>, vector<16xf32>,
    tpu.vector_store %arg8[%swap3A_851, %swap3A_852], %select_n3A_849 {strides = array<i32>} : memref<82x128xf32, #tpu.memory_space<vmem>>, vector<16xf32>,
    %broadcast_in_dim3A_854 = arith.constant 0 : i32
    %broadcast_in_dim3A_855 = vector.broadcast %broadcast_in_dim3A_854 : i32 to vector<16xi32>
    %swap3A_856 = arith.constant 81 : i32
    %swap3A_857 = arith.index_cast %swap3A_856 : i32 to index
    %swap3A_858 = arith.constant 64 : index
    %swap3A_859 = tpu.vector_load %arg7[%swap3A_857, %swap3A_858] {strides = array<i32>} : memref<82x128xi32, #tpu.memory_space<vmem>>, vector<16xi32>,
    tpu.vector_store %arg7[%swap3A_857, %swap3A_858], %broadcast_in_dim3A_855 {strides = array<i32>} : memref<82x128xi32, #tpu.memory_space<vmem>>, vector<16xi32>,
    %broadcast_in_dim3A_860 = arith.constant 0.000000e+00 : f32
    %broadcast_in_dim3A_861 = vector.broadcast %broadcast_in_dim3A_860 : f32 to vector<16xf32>
    %swap3A_862 = arith.constant 81 : i32
    %swap3A_863 = arith.index_cast %swap3A_862 : i32 to index
    %swap3A_864 = arith.constant 64 : index
    %swap3A_865 = tpu.vector_load %arg8[%swap3A_863, %swap3A_864] {strides = array<i32>} : memref<82x128xf32, #tpu.memory_space<vmem>>, vector<16xf32>,
    tpu.vector_store %arg8[%swap3A_863, %swap3A_864], %broadcast_in_dim3A_861 {strides = array<i32>} : memref<82x128xf32, #tpu.memory_space<vmem>>, vector<16xf32>,
    %broadcast_in_dim3A_866 = arith.constant 0 : i32
    %broadcast_in_dim3A_867 = vector.broadcast %broadcast_in_dim3A_866 : i32 to vector<16xi32>
    %swap3A_868 = arith.constant 81 : i32
    %swap3A_869 = arith.index_cast %swap3A_868 : i32 to index
    %swap3A_870 = arith.constant 80 : index
    %swap3A_871 = tpu.vector_load %arg7[%swap3A_869, %swap3A_870] {strides = array<i32>} : memref<82x128xi32, #tpu.memory_space<vmem>>, vector<16xi32>,
    tpu.vector_store %arg7[%swap3A_869, %swap3A_870], %broadcast_in_dim3A_867 {strides = array<i32>} : memref<82x128xi32, #tpu.memory_space<vmem>>, vector<16xi32>,
    %broadcast_in_dim3A_872 = arith.constant 0.000000e+00 : f32
    %broadcast_in_dim3A_873 = vector.broadcast %broadcast_in_dim3A_872 : f32 to vector<16xf32>
    %swap3A_874 = arith.constant 81 : i32
    %swap3A_875 = arith.index_cast %swap3A_874 : i32 to index
    %swap3A_876 = arith.constant 80 : index
    %swap3A_877 = tpu.vector_load %arg8[%swap3A_875, %swap3A_876] {strides = array<i32>} : memref<82x128xf32, #tpu.memory_space<vmem>>, vector<16xf32>,
    tpu.vector_store %arg8[%swap3A_875, %swap3A_876], %broadcast_in_dim3A_873 {strides = array<i32>} : memref<82x128xf32, #tpu.memory_space<vmem>>, vector<16xf32>,
    %broadcast_in_dim3A_878 = arith.constant 0 : i32
    %broadcast_in_dim3A_879 = vector.broadcast %broadcast_in_dim3A_878 : i32 to vector<16xi32>
    %swap3A_880 = arith.constant 81 : i32
    %swap3A_881 = arith.index_cast %swap3A_880 : i32 to index
    %swap3A_882 = arith.constant 96 : index
    %swap3A_883 = tpu.vector_load %arg7[%swap3A_881, %swap3A_882] {strides = array<i32>} : memref<82x128xi32, #tpu.memory_space<vmem>>, vector<16xi32>,
    tpu.vector_store %arg7[%swap3A_881, %swap3A_882], %broadcast_in_dim3A_879 {strides = array<i32>} : memref<82x128xi32, #tpu.memory_space<vmem>>, vector<16xi32>,
    %broadcast_in_dim3A_884 = arith.constant 0.000000e+00 : f32
    %broadcast_in_dim3A_885 = vector.broadcast %broadcast_in_dim3A_884 : f32 to vector<16xf32>
    %swap3A_886 = arith.constant 81 : i32
    %swap3A_887 = arith.index_cast %swap3A_886 : i32 to index
    %swap3A_888 = arith.constant 96 : index
    %swap3A_889 = tpu.vector_load %arg8[%swap3A_887, %swap3A_888] {strides = array<i32>} : memref<82x128xf32, #tpu.memory_space<vmem>>, vector<16xf32>,
    tpu.vector_store %arg8[%swap3A_887, %swap3A_888], %broadcast_in_dim3A_885 {strides = array<i32>} : memref<82x128xf32, #tpu.memory_space<vmem>>, vector<16xf32>,
    %broadcast_in_dim3A_890 = arith.constant 0 : i32
    %broadcast_in_dim3A_891 = vector.broadcast %broadcast_in_dim3A_890 : i32 to vector<16xi32>
    %swap3A_892 = arith.constant 81 : i32
    %swap3A_893 = arith.index_cast %swap3A_892 : i32 to index
    %swap3A_894 = arith.constant 112 : index
    %swap3A_895 = tpu.vector_load %arg7[%swap3A_893, %swap3A_894] {strides = array<i32>} : memref<82x128xi32, #tpu.memory_space<vmem>>, vector<16xi32>,
    tpu.vector_store %arg7[%swap3A_893, %swap3A_894], %broadcast_in_dim3A_891 {strides = array<i32>} : memref<82x128xi32, #tpu.memory_space<vmem>>, vector<16xi32>,
    %broadcast_in_dim3A_896 = arith.constant 0.000000e+00 : f32
    %broadcast_in_dim3A_897 = vector.broadcast %broadcast_in_dim3A_896 : f32 to vector<16xf32>
    %swap3A_898 = arith.constant 81 : i32
    %swap3A_899 = arith.index_cast %swap3A_898 : i32 to index
    %swap3A_900 = arith.constant 112 : index
    %swap3A_901 = tpu.vector_load %arg8[%swap3A_899, %swap3A_900] {strides = array<i32>} : memref<82x128xf32, #tpu.memory_space<vmem>>, vector<16xf32>,
    tpu.vector_store %arg8[%swap3A_899, %swap3A_900], %broadcast_in_dim3A_897 {strides = array<i32>} : memref<82x128xf32, #tpu.memory_space<vmem>>, vector<16xf32>,
    %scan3A_902 = arith.constant 0 : i32
    %scan3A_903 = arith.constant 78 : i32
    %scan3A_904 = arith.constant 4 : i32
    %scan3A_905 = arith.addi %scan3A_903, %scan3A_904 : i32
    %scan3A_906 = arith.constant 1 : i32
    %scan3A_907 = scf.for %scan3A_924 = %scan3A_903 to %scan3A_905 step %scan3A_906 iter_args(%scan3A_925 = %scan3A_902) -> (i32)  : i32 {
      %dma_start3A = arith.constant 0 : i32
      %dma_start3A_926 = tpu.memref_slice %arg8[%scan3A_924, %dma_start3A] : memref<82x128xf32, #tpu.memory_space<vmem>> -> memref<1x128xf32, #tpu.memory_space<vmem>>
      %dma_start3A_927 = tpu.memref_squeeze %dma_start3A_926 : memref<1x128xf32, #tpu.memory_space<vmem>> -> memref<128xf32, #tpu.memory_space<vmem>>
      %dma_start3A_928 = arith.constant 0 : i32
      %dma_start3A_929 = tpu.memref_slice %arg7[%scan3A_924, %dma_start3A_928] : memref<82x128xi32, #tpu.memory_space<vmem>> -> memref<1x128xi32, #tpu.memory_space<vmem>>
      %dma_start3A_930 = tpu.memref_squeeze %dma_start3A_929 : memref<1x128xi32, #tpu.memory_space<vmem>> -> memref<128xi32, #tpu.memory_space<vmem>>
      %dma_start3A_931 = arith.constant 0 : i32
      %dma_start3A_932 = tpu.memref_slice %arg12[%dma_start3A_931] : memref<1310720xf32, #tpu.memory_space<vmem_shared>> -> memref<1310720xf32, #tpu.memory_space<vmem_shared>>
      tpu.enqueue_indirect_dma source(%dma_start3A_927 : memref<128xf32, #tpu.memory_space<vmem>>) target(%dma_start3A_932 : memref<1310720xf32, #tpu.memory_space<vmem_shared>>) offsets(%dma_start3A_930 : memref<128xi32, #tpu.memory_space<vmem>>) semaphore(%arg14 : memref<!tpu.dma_semaphore, #tpu.memory_space<semaphore_mem>>) {add = true}
      %scan3A_933 = arith.constant 0 : i32
      scf.yield %scan3A_933 : i32
    }
    %scan3A_908 = arith.constant 4 : i32
    %scan3A_909 = arith.constant 0 : i32
    %scan3A_910 = arith.constant 0 : i32
    %scan3A_911 = arith.constant 82 : i32
    %scan3A_912 = arith.addi %scan3A_910, %scan3A_911 : i32
    %scan3A_913 = arith.constant 1 : i32
    %scan3A_914 = scf.for %scan3A_924 = %scan3A_910 to %scan3A_912 step %scan3A_913 iter_args(%scan3A_925 = %scan3A_909) -> (i32)  : i32 {
      %dma_wait3A = arith.constant 0 : i32
      %dma_wait3A_926 = tpu.memref_slice %arg8[%scan3A_924, %dma_wait3A] : memref<82x128xf32, #tpu.memory_space<vmem>> -> memref<1x128xf32, #tpu.memory_space<vmem>>
      %dma_wait3A_927 = tpu.memref_squeeze %dma_wait3A_926 : memref<1x128xf32, #tpu.memory_space<vmem>> -> memref<128xf32, #tpu.memory_space<vmem>>
      %dma_wait3A_928 = arith.constant 0 : i32
      %dma_wait3A_929 = tpu.memref_slice %arg7[%scan3A_924, %dma_wait3A_928] : memref<82x128xi32, #tpu.memory_space<vmem>> -> memref<1x128xi32, #tpu.memory_space<vmem>>
      %dma_wait3A_930 = tpu.memref_squeeze %dma_wait3A_929 : memref<1x128xi32, #tpu.memory_space<vmem>> -> memref<128xi32, #tpu.memory_space<vmem>>
      %dma_wait3A_931 = arith.constant 0 : i32
      %dma_wait3A_932 = tpu.memref_slice %arg12[%dma_wait3A_931] : memref<1310720xf32, #tpu.memory_space<vmem_shared>> -> memref<1310720xf32, #tpu.memory_space<vmem_shared>>
      tpu.wait_indirect_dma semaphore(%arg14 : memref<!tpu.dma_semaphore, #tpu.memory_space<semaphore_mem>>) src(%dma_wait3A_927 : memref<128xf32, #tpu.memory_space<vmem>>) dst(%dma_wait3A_932 : memref<1310720xf32, #tpu.memory_space<vmem_shared>>)
      %scan3A_933 = arith.constant 0 : i32
      scf.yield %scan3A_933 : i32
    }
    %scan3A_915 = arith.constant 82 : i32
    %barrier3A_916 = arith.constant 0 : index
    tpu.barrier barrier_id(%barrier3A_916)
    %mul3A_917 = arith.constant 80000 : i32
    %mul3A_918 = arith.muli %arg1, %mul3A_917 : i32
    %mul3A_919 = arith.constant 1280000 : i32
    %mul3A_920 = arith.muli %arg0, %mul3A_919 : i32
    %mul3A_921 = arith.constant 80000 : i32
    %mul3A_922 = arith.muli %arg1, %mul3A_921 : i32
    %add3A_923 = arith.addi %mul3A_920, %mul3A_922 : i32
    "tpu.region"() ({
      %run_scoped3A = tpu.sem_alloc : memref<!tpu.dma_semaphore, #tpu.memory_space<semaphore_mem>>
      %dma_start3A = tpu.memref_slice %arg4[%add3A_923] : memref<2560000xf32, #tpu.memory_space<hbm>> -> memref<80000xf32, #tpu.memory_space<hbm>>
      %dma_start3A_924 = tpu.memref_slice %arg12[%mul3A_918] : memref<1310720xf32, #tpu.memory_space<vmem_shared>> -> memref<80000xf32, #tpu.memory_space<vmem_shared>>
      tpu.enqueue_dma source(%dma_start3A_924 : memref<80000xf32, #tpu.memory_space<vmem_shared>>) target(%dma_start3A : memref<80000xf32, #tpu.memory_space<hbm>>) target_semaphore(%run_scoped3A : memref<!tpu.dma_semaphore, #tpu.memory_space<semaphore_mem>>)
      %dma_wait3A = tpu.memref_slice %arg4[%add3A_923] : memref<2560000xf32, #tpu.memory_space<hbm>> -> memref<80000xf32, #tpu.memory_space<hbm>>
      %dma_wait3A_925 = tpu.memref_slice %arg12[%mul3A_918] : memref<1310720xf32, #tpu.memory_space<vmem_shared>> -> memref<80000xf32, #tpu.memory_space<vmem_shared>>
      tpu.wait_dma2 semaphore(%run_scoped3A : memref<!tpu.dma_semaphore, #tpu.memory_space<semaphore_mem>>) src(%dma_wait3A_925 : memref<80000xf32, #tpu.memory_space<vmem_shared>>) dst(%dma_wait3A : memref<80000xf32, #tpu.memory_space<hbm>>)
      tpu.yield
    }) : () -> ()
    return
  }
}

module attributes {stable_mosaic.version = 14 : i64} {
  func.func @_tc_body(%arg0: i32, %arg1: memref<2000x128xf32, #tpu.memory_space<vmem>>, %arg2: memref<2x2000x128xf32, #tpu.memory_space<vmem>>, %arg3: memref<128x128xf32, #tpu.memory_space<vmem>>, %arg4: memref<256x128xf32, #tpu.memory_space<vmem>>, %arg5: memref<1x128xf32, #tpu.memory_space<vmem>>, %arg6: memref<1x128xf32, #tpu.memory_space<vmem>>, %arg7: memref<128x1xf32, #tpu.memory_space<vmem>>, %arg8: memref<1x1xf32, #tpu.memory_space<vmem>>, %arg9: memref<128x1xf32, #tpu.memory_space<vmem>>, %arg10: memref<128x128xf32, #tpu.memory_space<vmem>>, %arg11: memref<128x128xf32, #tpu.memory_space<vmem>>) attributes {dimension_semantics = [#tpu.dimension_semantics<arbitrary>], iteration_bounds = array<i64: 5>, scalar_prefetch = 0 : i64, scratch_operands = 2 : i64, tpu.core_type = #tpu.core_type<tc>, window_params = [{transform_indices = @transform_0, window_bounds = array<i64: 2000, 128>}, {transform_indices = @transform_1, window_bounds = array<i64: 2, 2000, 128>}, {pipeline_mode = #tpu.pipeline_mode<synchronous>, transform_indices = @transform_2, window_bounds = array<i64: 128, 128>}, {pipeline_mode = #tpu.pipeline_mode<synchronous>, transform_indices = @transform_3, window_bounds = array<i64: 256, 128>}, {pipeline_mode = #tpu.pipeline_mode<synchronous>, transform_indices = @transform_4, window_bounds = array<i64: 1, 128>}, {pipeline_mode = #tpu.pipeline_mode<synchronous>, transform_indices = @transform_5, window_bounds = array<i64: 1, 128>}, {pipeline_mode = #tpu.pipeline_mode<synchronous>, transform_indices = @transform_6, window_bounds = array<i64: 128, 1>}, {pipeline_mode = #tpu.pipeline_mode<synchronous>, transform_indices = @transform_7, window_bounds = array<i64: 1, 1>}, {pipeline_mode = #tpu.pipeline_mode<synchronous>, transform_indices = @transform_8, window_bounds = array<i64: 128, 1>}]} {
    %eq3A = arith.constant 0 : i32
    %eq3A_0 = arith.cmpi eq, %arg0, %eq3A : i32
    %convert_element_type3A = arith.extui %eq3A_0 : i1 to i32
    %cond3A = arith.constant 0 : i32
    %cond3A_1 = arith.cmpi ne, %convert_element_type3A, %cond3A : i32
    scf.if %cond3A_1 {
      %broadcast_in_dim3A_48 = arith.constant 0.000000e+00 : f32
      %broadcast_in_dim3A_49 = vector.broadcast %broadcast_in_dim3A_48 : f32 to vector<128x128xf32>
      %swap3A_50 = arith.constant 0 : index
      %swap3A_51 = arith.constant 0 : index
      %swap3A_52 = vector.load %arg10[%swap3A_50, %swap3A_51] : memref<128x128xf32, #tpu.memory_space<vmem>>, vector<128x128xf32>
      tpu.vector_store %arg10[%swap3A_50, %swap3A_51], %broadcast_in_dim3A_49 {strides = array<i32>} : memref<128x128xf32, #tpu.memory_space<vmem>>, vector<128x128xf32>,
      %broadcast_in_dim3A_53 = arith.constant 0.000000e+00 : f32
      %broadcast_in_dim3A_54 = vector.broadcast %broadcast_in_dim3A_53 : f32 to vector<128x128xf32>
      %swap3A_55 = arith.constant 0 : index
      %swap3A_56 = arith.constant 0 : index
      %swap3A_57 = vector.load %arg11[%swap3A_55, %swap3A_56] : memref<128x128xf32, #tpu.memory_space<vmem>>, vector<128x128xf32>
      tpu.vector_store %arg11[%swap3A_55, %swap3A_56], %broadcast_in_dim3A_54 {strides = array<i32>} : memref<128x128xf32, #tpu.memory_space<vmem>>, vector<128x128xf32>,
    } else {
    }
    %get3A = arith.constant 0 : index
    %get3A_2 = arith.constant 0 : index
    %get3A_3 = vector.load %arg1[%get3A, %get3A_2] : memref<2000x128xf32, #tpu.memory_space<vmem>>, vector<2000x128xf32>
    %get3A_4 = arith.constant 0 : index
    %get3A_5 = arith.constant 0 : index
    %get3A_6 = vector.load %arg3[%get3A_4, %get3A_5] : memref<128x128xf32, #tpu.memory_space<vmem>>, vector<128x128xf32>
    %dot_general3A = arith.constant dense<0.000000e+00> : vector<2000x128xf32>
    %dot_general3A_7 = tpu.matmul %get3A_3, %get3A_6, %dot_general3A {dimension_numbers = #tpu.dot_dimension_numbers<[1], [0], [0], [1], [0, 0, 1, 1], [], []>, transpose_lhs_hint = false} : vector<2000x128xf32>, vector<128x128xf32>, vector<2000x128xf32> -> vector<2000x128xf32>
    %get3A_8 = arith.constant 0 : index
    %get3A_9 = arith.constant 0 : index
    %get3A_10 = arith.constant 0 : index
    %get3A_11 = vector.load %arg2[%get3A_8, %get3A_9, %get3A_10] : memref<2x2000x128xf32, #tpu.memory_space<vmem>>, vector<2x2000x128xf32>
    %slice3A = vector.extract_strided_slice %get3A_11 {offsets = [0, 0, 0], sizes = [1, 2000, 128], strides = [1, 1, 1]} : vector<2x2000x128xf32> to vector<1x2000x128xf32>
    %squeeze3A = vector.shape_cast %slice3A : vector<1x2000x128xf32> to vector<2000x128xf32>
    %slice3A_12 = vector.extract_strided_slice %get3A_11 {offsets = [1, 0, 0], sizes = [1, 2000, 128], strides = [1, 1, 1]} : vector<2x2000x128xf32> to vector<1x2000x128xf32>
    %squeeze3A_13 = vector.shape_cast %slice3A_12 : vector<1x2000x128xf32> to vector<2000x128xf32>
    %add3A = arith.addf %squeeze3A, %squeeze3A_13 : vector<2000x128xf32>
    %get3A_14 = arith.constant 0 : index
    %get3A_15 = arith.constant 0 : index
    %get3A_16 = vector.load %arg10[%get3A_14, %get3A_15] : memref<128x128xf32, #tpu.memory_space<vmem>>, vector<128x128xf32>
    %dot_general3A_17 = arith.constant dense<0.000000e+00> : vector<128x128xf32>
    %dot_general3A_18 = tpu.matmul %add3A, %dot_general3A_7, %dot_general3A_17 {dimension_numbers = #tpu.dot_dimension_numbers<[0], [0], [1], [1], [0, 1, 1, 1], [], []>, transpose_lhs_hint = false} : vector<2000x128xf32>, vector<2000x128xf32>, vector<128x128xf32> -> vector<128x128xf32>
    %add3A_19 = arith.addf %get3A_16, %dot_general3A_18 : vector<128x128xf32>
    %swap3A = arith.constant 0 : index
    %swap3A_20 = arith.constant 0 : index
    %swap3A_21 = vector.load %arg10[%swap3A, %swap3A_20] : memref<128x128xf32, #tpu.memory_space<vmem>>, vector<128x128xf32>
    tpu.vector_store %arg10[%swap3A, %swap3A_20], %add3A_19 {strides = array<i32>} : memref<128x128xf32, #tpu.memory_space<vmem>>, vector<128x128xf32>,
    %iota3A = tpu.iota {dimensions = array<i32: 1>} : vector<128x2000xi32>
    %mul3A = arith.constant 2000 : i32
    %mul3A_22 = arith.muli %arg0, %mul3A : i32
    %add3A_23 = vector.broadcast %mul3A_22 : i32 to vector<128x2000xi32>
    %add3A_24 = arith.addi %iota3A, %add3A_23 : vector<128x2000xi32>
    %mul3A_25 = arith.constant 5243 : i32
    %mul3A_26 = vector.broadcast %mul3A_25 : i32 to vector<128x2000xi32>
    %mul3A_27 = arith.muli %add3A_24, %mul3A_26 : vector<128x2000xi32>
    %shift_right_arithmetic3A = arith.constant 19 : i32
    %shift_right_arithmetic3A_28 = vector.broadcast %shift_right_arithmetic3A : i32 to vector<128x2000xi32>
    %shift_right_arithmetic3A_29 = arith.shrsi %mul3A_27, %shift_right_arithmetic3A_28 : vector<128x2000xi32>
    %iota3A_30 = tpu.iota {dimensions = array<i32: 0>} : vector<128x2000xi32>
    %eq3A_31 = arith.cmpi eq, %shift_right_arithmetic3A_29, %iota3A_30 : vector<128x2000xi32>
    %jit3A = arith.constant 1.000000e+00 : f32
    %jit3A_32 = arith.constant 0.000000e+00 : f32
    %broadcast_in_dim3A = vector.broadcast %jit3A : f32 to vector<128x2000xf32>
    %broadcast_in_dim3A_33 = vector.broadcast %jit3A_32 : f32 to vector<128x2000xf32>
    %select_n3A = arith.select %eq3A_31, %broadcast_in_dim3A, %broadcast_in_dim3A_33 : vector<128x2000xi1>, vector<128x2000xf32>
    %get3A_34 = arith.constant 0 : index
    %get3A_35 = arith.constant 0 : index
    %get3A_36 = vector.load %arg11[%get3A_34, %get3A_35] : memref<128x128xf32, #tpu.memory_space<vmem>>, vector<128x128xf32>
    %dot_general3A_37 = arith.constant dense<0.000000e+00> : vector<128x128xf32>
    %dot_general3A_38 = tpu.matmul %select_n3A, %get3A_3, %dot_general3A_37 {dimension_numbers = #tpu.dot_dimension_numbers<[1], [0], [0], [1], [0, 0, 1, 1], [], []>, transpose_lhs_hint = false} : vector<128x2000xf32>, vector<2000x128xf32>, vector<128x128xf32> -> vector<128x128xf32>
    %add3A_39 = arith.addf %get3A_36, %dot_general3A_38 : vector<128x128xf32>
    %swap3A_40 = arith.constant 0 : index
    %swap3A_41 = arith.constant 0 : index
    %swap3A_42 = vector.load %arg11[%swap3A_40, %swap3A_41] : memref<128x128xf32, #tpu.memory_space<vmem>>, vector<128x128xf32>
    tpu.vector_store %arg11[%swap3A_40, %swap3A_41], %add3A_39 {strides = array<i32>} : memref<128x128xf32, #tpu.memory_space<vmem>>, vector<128x128xf32>,
    %eq3A_43 = arith.constant 4 : i32
    %eq3A_44 = arith.cmpi eq, %arg0, %eq3A_43 : i32
    %convert_element_type3A_45 = arith.extui %eq3A_44 : i1 to i32
    %cond3A_46 = arith.constant 0 : i32
    %cond3A_47 = arith.cmpi ne, %convert_element_type3A_45, %cond3A_46 : i32
    scf.if %cond3A_47 {
      %get3A_48 = arith.constant 0 : index
      %get3A_49 = arith.constant 0 : index
      %get3A_50 = vector.load %arg4[%get3A_48, %get3A_49] : memref<256x128xf32, #tpu.memory_space<vmem>>, vector<128x128xf32>
      %get3A_51 = arith.constant 128 : index
      %get3A_52 = arith.constant 0 : index
      %get3A_53 = vector.load %arg4[%get3A_51, %get3A_52] : memref<256x128xf32, #tpu.memory_space<vmem>>, vector<128x128xf32>
      %get3A_54 = arith.constant 0 : index
      %get3A_55 = arith.constant 0 : index
      %get3A_56 = vector.load %arg6[%get3A_54, %get3A_55] : memref<1x128xf32, #tpu.memory_space<vmem>>, vector<1x128xf32>
      %dot_general3A_57 = arith.constant dense<0.000000e+00> : vector<1x128xf32>
      %dot_general3A_58 = tpu.matmul %get3A_56, %get3A_53, %dot_general3A_57 {dimension_numbers = #tpu.dot_dimension_numbers<[1], [0], [0], [1], [0, 0, 1, 1], [], []>, transpose_lhs_hint = false} : vector<1x128xf32>, vector<128x128xf32>, vector<1x128xf32> -> vector<1x128xf32>
      %get3A_59 = arith.constant 0 : index
      %get3A_60 = arith.constant 0 : index
      %get3A_61 = vector.load %arg11[%get3A_59, %get3A_60] : memref<128x128xf32, #tpu.memory_space<vmem>>, vector<128x128xf32>
      %dot_general3A_62 = arith.constant dense<0.000000e+00> : vector<128x128xf32>
      %dot_general3A_63 = tpu.matmul %get3A_61, %get3A_50, %dot_general3A_62 {dimension_numbers = #tpu.dot_dimension_numbers<[1], [0], [0], [1], [0, 0, 1, 1], [], []>, transpose_lhs_hint = false} : vector<128x128xf32>, vector<128x128xf32>, vector<128x128xf32> -> vector<128x128xf32>
      %get3A_64 = arith.constant 0 : index
      %get3A_65 = arith.constant 0 : index
      %get3A_66 = vector.load %arg10[%get3A_64, %get3A_65] : memref<128x128xf32, #tpu.memory_space<vmem>>, vector<128x128xf32>
      %dot_general3A_67 = arith.constant dense<0.000000e+00> : vector<128x128xf32>
      %dot_general3A_68 = tpu.matmul %get3A_66, %get3A_53, %dot_general3A_67 {dimension_numbers = #tpu.dot_dimension_numbers<[1], [0], [0], [1], [0, 0, 1, 1], [], []>, transpose_lhs_hint = false} : vector<128x128xf32>, vector<128x128xf32>, vector<128x128xf32> -> vector<128x128xf32>
      %add3A_69 = arith.addf %dot_general3A_63, %dot_general3A_68 : vector<128x128xf32>
      %get3A_70 = arith.constant 0 : index
      %get3A_71 = arith.constant 0 : index
      %get3A_72 = vector.load %arg5[%get3A_70, %get3A_71] : memref<1x128xf32, #tpu.memory_space<vmem>>, vector<1x128xf32>
      %add3A_73 = vector.broadcast %get3A_72 : vector<1x128xf32> to vector<128x128xf32>
      %add3A_74 = arith.addf %add3A_69, %add3A_73 : vector<128x128xf32>
      %mul3A_75 = arith.constant 1.000000e+02 : f32
      %mul3A_76 = vector.broadcast %mul3A_75 : f32 to vector<1x128xf32>
      %mul3A_77 = arith.mulf %mul3A_76, %dot_general3A_58 : vector<1x128xf32>
      %add3A_78 = vector.broadcast %mul3A_77 : vector<1x128xf32> to vector<128x128xf32>
      %add3A_79 = arith.addf %add3A_74, %add3A_78 : vector<128x128xf32>
      %max3A = arith.constant 0.000000e+00 : f32
      %max3A_80 = vector.broadcast %max3A : f32 to vector<128x128xf32>
      %max3A_81 = arith.maximumf %add3A_79, %max3A_80 : vector<128x128xf32>
      %get3A_82 = arith.constant 0 : index
      %get3A_83 = arith.constant 0 : index
      %get3A_84 = vector.load %arg7[%get3A_82, %get3A_83] : memref<128x1xf32, #tpu.memory_space<vmem>>, vector<128x1xf32>
      %dot_general3A_85 = arith.constant dense<0.000000e+00> : vector<128x1xf32>
      %dot_general3A_86 = tpu.matmul %max3A_81, %get3A_84, %dot_general3A_85 {dimension_numbers = #tpu.dot_dimension_numbers<[1], [0], [0], [1], [0, 0, 1, 1], [], []>, transpose_lhs_hint = false} : vector<128x128xf32>, vector<128x1xf32>, vector<128x1xf32> -> vector<128x1xf32>
      %get3A_87 = arith.constant 0 : index
      %get3A_88 = arith.constant 0 : index
      %get3A_89 = vector.load %arg8[%get3A_87, %get3A_88] : memref<1x1xf32, #tpu.memory_space<vmem>>, vector<1x1xf32>
      %add3A_90 = vector.broadcast %get3A_89 : vector<1x1xf32> to vector<128x1xf32>
      %add3A_91 = arith.addf %dot_general3A_86, %add3A_90 : vector<128x1xf32>
      %swap3A_92 = arith.constant 0 : index
      %swap3A_93 = arith.constant 0 : index
      %swap3A_94 = vector.load %arg9[%swap3A_92, %swap3A_93] : memref<128x1xf32, #tpu.memory_space<vmem>>, vector<128x1xf32>
      tpu.vector_store %arg9[%swap3A_92, %swap3A_93], %add3A_91 {strides = array<i32>} : memref<128x1xf32, #tpu.memory_space<vmem>>, vector<128x1xf32>,
    } else {
    }
    return
  }
  func.func @transform_0(%arg0: i32) -> (i32, i32) {
    %c0_i32 = arith.constant 0 : i32
    %c0_i32_0 = arith.constant 0 : i32
    return %arg0, %c0_i32 : i32, i32
  }
  func.func @transform_1(%arg0: i32) -> (i32, i32, i32) {
    %c0_i32 = arith.constant 0 : i32
    %c0_i32_0 = arith.constant 0 : i32
    %c0_i32_1 = arith.constant 0 : i32
    return %c0_i32, %arg0, %c0_i32_0 : i32, i32, i32
  }
  func.func @transform_2(%arg0: i32) -> (i32, i32) {
    %c0_i32 = arith.constant 0 : i32
    %c0_i32_0 = arith.constant 0 : i32
    %c0_i32_1 = arith.constant 0 : i32
    return %c0_i32, %c0_i32_0 : i32, i32
  }
  func.func @transform_3(%arg0: i32) -> (i32, i32) {
    %c0_i32 = arith.constant 0 : i32
    %c0_i32_0 = arith.constant 0 : i32
    %c0_i32_1 = arith.constant 0 : i32
    return %c0_i32, %c0_i32_0 : i32, i32
  }
  func.func @transform_4(%arg0: i32) -> (i32, i32) {
    %c0_i32 = arith.constant 0 : i32
    %c0_i32_0 = arith.constant 0 : i32
    %c0_i32_1 = arith.constant 0 : i32
    return %c0_i32, %c0_i32_0 : i32, i32
  }
  func.func @transform_5(%arg0: i32) -> (i32, i32) {
    %c0_i32 = arith.constant 0 : i32
    %c0_i32_0 = arith.constant 0 : i32
    %c0_i32_1 = arith.constant 0 : i32
    return %c0_i32, %c0_i32_0 : i32, i32
  }
  func.func @transform_6(%arg0: i32) -> (i32, i32) {
    %c0_i32 = arith.constant 0 : i32
    %c0_i32_0 = arith.constant 0 : i32
    %c0_i32_1 = arith.constant 0 : i32
    return %c0_i32, %c0_i32_0 : i32, i32
  }
  func.func @transform_7(%arg0: i32) -> (i32, i32) {
    %c0_i32 = arith.constant 0 : i32
    %c0_i32_0 = arith.constant 0 : i32
    %c0_i32_1 = arith.constant 0 : i32
    return %c0_i32, %c0_i32_0 : i32, i32
  }
  func.func @transform_8(%arg0: i32) -> (i32, i32) {
    %c0_i32 = arith.constant 0 : i32
    %c0_i32_0 = arith.constant 0 : i32
    %c0_i32_1 = arith.constant 0 : i32
    return %c0_i32, %c0_i32_0 : i32, i32
  }
}

</mosaic_0001>

<sc_bundles>
// kernel: kernel.5.cloned.1.call-start
scs
__scs_entry_jumppad:
0x0: {  	(pc) =	sbr.rel $0x88, $3  }
0x1: {  	(tag) =	ssettag $0x0;
	lr =	simm.s32 $0x1  }
0x2: {  	[smem:$0x3F99] =	sst lr;
	_ =	strace $0xD0000000  }
0x3: {  	_ = 	snop  }
0x4: {  	_ = 	snop  }
0x5: {  	_ = 	snop  }
0x6: {  	_ = 	snop  }
0x7: {  	_ = 	snop  }
__scs_overlays_trampoline_lowered:
0x8: {  	[smem:$0x3FA8] =	sst s0  }
0x9: {  	[smem:$0x3FA9] =	sst s1  }
0xa: {  	[smem:$0x3FAA] =	sst s2  }
0xb: {  	[smem:$0x3FAB] =	sst s3  }
0xc: {  	[smem:$0x3FAC] =	sst s4  }
0xd: {  	[smem:$0x3FAD] =	sst s5  }
0xe: {  	[smem:$0x3FAE] =	sst s6  }
0xf: {  	[smem:$0x3FAF] =	sst s7  }
0x10: {  	[smem:$0x3FB0] =	sst s8  }
0x11: {  	[smem:$0x3FB1] =	sst s9;
	s0 =	simm.s32 @!p0 $0x0  }
0x12: {  	s1 =	sld [smem:$0x3F97];
	s0 =	simm.s32 @p0 $0x1  }
0x13: {  	[smem:$0x3FB2] =	sst s0;
	s0 =	simm.s32 @!p1 $0x0  }
0x14: {  	s2 =	sld [smem:$0x3F96];
	s0 =	simm.s32 @p1 $0x1  }
0x15: {  	[smem:$0x3FB3] =	sst s0;
	s0 =	simm.s32 @!p2 $0x0  }
0x16: {  	s3 =	sld [smem:$0x3FDB];
	s0 =	simm.s32 @p2 $0x1  }
0x17: {  	s4 =	simm.s32 $0x1BF5;
	[smem:$0x3FB5] =	sst s0  }
0x18: {  	s0 =	sld [smem:$0x3F98];
	_ =	swait.ge [sflag:s4], $0x0  }
0x19: {  	s7 =	sld [smem:$0x3F99]  }
0x1a: {  	s8 =	sadd.s32 $0xFFFFE003, lr  }
0x1b: {  	s9 =	sadd.s32 $0xFFFFFEF7, lr;
	s5 =	simm.s32 $0xFFFFFFFF;
	p2 =	slt.u32 s8, $0xFFFFF086  }
0x1c: {  	p1 =	slt.u32 s9, $0xF7A;
	s5 =	simm.s32 @!p2 $0x0  }
0x1d: {  	s5 =	simm.s32 @p1 $0x1;
	p0 =	seq.s32 s7, s2  }
0x1e: {  	s7 =	smul.u32 @!p0 $0xF7A, s2;
	p2 =	seq.s32 @!p0 s5, $0x0  }
0x1f: {  	s9 =	smul.u32 $0xF7A, s1;
	s8 =	simm.s32 @!p0 $0x1BF5;
	p2 =	por !p2, p0  }
0x20: {  	[sflag:s8] =	ssyncset.s32 @!p0 $0xFFFFF086;
	s6 =	sadd.s32 @!p0 s3, s7;
	s7 =	simm.s32 @!p0 $0x108  }
0x21: {  	s3 =	sadd.s32 s3, s9;
	s6 =	sadd.s32 @!p0 $0x88, s6;
	s7 =	simm.s32 @p2 $0x1082  }
0x22: {  	[simem:s7], [sflag:s8] =	dma.local @!p0 [hbm:s6], $0xF7A  }
0x23: {  	s9 =	sor.u32 $0xD0000000, s2;
	s6 =	simm.s32 $0x108;
	_ =	swait.ge @!p0 [sflag:s8], $0x0  }
0x24: {  	s3 =	sadd.s32 $0x88, s3;
	s6 =	simm.s32 @!p1 $0x1082;
	[sflag:s4] =	ssyncset.s32 $0xFFFFF086  }
0x25: {  	[simem:s6], [sflag:s4] =	dma.local [hbm:s3], $0xF7A  }
0x26: {  	[smem:$0x3F99] =	sst s1;
	(tag) =	ssettag s2;
	_ =	strace s9  }
0x27: {  	s1 =	sld [smem:$0x3FA9]  }
0x28: {  	s2 =	sld [smem:$0x3FAA]  }
0x29: {  	s4 =	sld [smem:$0x3FAC]  }
0x2a: {  	p0 =	seq.s32 s5, $0x0;
	s5 =	sld [smem:$0x3FAD]  }
0x2b: {  	s6 =	sld [smem:$0x3FAE]  }
0x2c: {  	s7 =	sld [smem:$0x3FAF]  }
0x2d: {  	s3 =	simm.s32 $0x108;
	s8 =	sld [smem:$0x3FB0]  }
0x2e: {  	s3 =	simm.s32 @!p0 $0x1082;
	s9 =	sld [smem:$0x3FB1]  }
0x2f: {  	lr =	sadd.s32 s0, s3;
	s0 =	sld [smem:$0x3FA8]  }
0x30: {  	s3 =	sld [smem:$0x3FAB]  }
0x31: {  	[smem:$0x3FB4] =	sst s10  }
0x32: {  	s10 =	sld [smem:$0x3FB2];
	_ =	sdelay $0x3  }
0x33: {  	p0 =	seq.s32 s10, $0x1;
	s10 =	sld [smem:$0x3FB4];
	_ =	sdelay $0x3  }
0x34: {  	[smem:$0x3FB4] =	sst s10  }
0x35: {  	s10 =	sld [smem:$0x3FB3];
	_ =	sdelay $0x3  }
0x36: {  	p1 =	seq.s32 s10, $0x1;
	s10 =	sld [smem:$0x3FB4];
	_ =	sdelay $0x3  }
0x37: {  	[smem:$0x3FB4] =	sst s10  }
0x38: {  	s10 =	sld [smem:$0x3FB5]  }
0x39: {  	_ = 	snop;
	(pc) =	sbr.ind lr, $3  }
0x3a: {  	_ = 	snop  }
0x3b: {  	_ = 	snop  }
0x3c: {  	p2 =	seq.s32 s10, $0x1;
	s10 =	sld [smem:$0x3FB4]  }
0x3d: {  	_ =	shalt  }
0x3e: {  	_ =	shalt  }
0x3f: {  	_ =	shalt  }
0x40: {  	_ =	shalt  }
0x41: {  	_ =	shalt  }
0x42: {  	_ =	shalt  }
0x43: {  	_ =	shalt  }
0x44: {  	_ =	shalt  }
0x45: {  	_ =	shalt  }
0x46: {  	_ =	shalt  }
0x47: {  	_ =	shalt  }
0x48: {  	_ =	shalt  }
0x49: {  	_ =	shalt  }
0x4a: {  	_ =	shalt  }
0x4b: {  	_ =	shalt  }
0x4c: {  	_ =	shalt  }
0x4d: {  	_ =	shalt  }
0x4e: {  	_ =	shalt  }
0x4f: {  	_ =	shalt  }
0x50: {  	_ =	shalt  }
0x51: {  	_ =	shalt  }
0x52: {  	_ =	shalt  }
0x53: {  	_ =	shalt  }
0x54: {  	_ =	shalt  }
0x55: {  	_ =	shalt  }
0x56: {  	_ =	shalt  }
0x57: {  	_ =	shalt  }
0x58: {  	_ =	shalt  }
0x59: {  	_ =	shalt  }
0x5a: {  	_ =	shalt  }
0x5b: {  	_ =	shalt  }
0x5c: {  	_ =	shalt  }
0x5d: {  	_ =	shalt  }
0x5e: {  	_ =	shalt  }
0x5f: {  	_ =	shalt  }
0x60: {  	_ =	shalt  }
0x61: {  	_ =	shalt  }
0x62: {  	_ =	shalt  }
0x63: {  	_ =	shalt  }
0x64: {  	_ =	shalt  }
0x65: {  	_ =	shalt  }
0x66: {  	_ =	shalt  }
0x67: {  	_ =	shalt  }
0x68: {  	_ =	shalt  }
0x69: {  	_ =	shalt  }
0x6a: {  	_ =	shalt  }
0x6b: {  	_ =	shalt  }
0x6c: {  	_ =	shalt  }
0x6d: {  	_ =	shalt  }
0x6e: {  	_ =	shalt  }
0x6f: {  	_ =	shalt  }
0x70: {  	_ =	shalt  }
0x71: {  	_ =	shalt  }
0x72: {  	_ =	shalt  }
0x73: {  	_ =	shalt  }
0x74: {  	_ =	shalt  }
0x75: {  	_ =	shalt  }
0x76: {  	_ =	shalt  }
0x77: {  	_ =	shalt  }
0x78: {  	_ =	shalt  }
0x79: {  	_ =	shalt  }
0x7a: {  	_ =	shalt  }
0x7b: {  	_ =	shalt  }
0x7c: {  	_ =	shalt  }
0x7d: {  	_ =	shalt  }
0x7e: {  	_ =	shalt  }
0x7f: {  	_ =	shalt  }
0x80: {  	_ =	shalt  }
0x81: {  	_ =	shalt  }
0x82: {  	_ =	shalt  }
0x83: {  	_ =	shalt  }
0x84: {  	_ =	shalt  }
0x85: {  	_ =	shalt  }
0x86: {  	_ =	shalt  }
0x87: {  	_ =	shalt  }
.Lfunc_end0:
.L_simem_size_0:
called_computation_lowered:
.L_overlay_start_0:
0x88: {  	s2 =	sld [smem:$0x3FD9]  }
0x89: {  	s3 =	sld [smem:$0x3FFE];
	_ =	sdelay $0x1  }
0x8a: {  	s1 =	srdreg.scid  }
0x8b: {  	s0 =	sand.u32 $0x1, s1  }
0x8c: {  	s16 =	sshll.u32 s0, $0xA;
	s2 =	sadd.s32 s3, s2  }
0x8d: {  	s2 =	sadd.s32 s2, s16  }
0x8e: {  	[smem:$0x3FC0] =	sst s2  }
0x8f: {  	_ = 	snop  }
0x90: {  	(tm) =	ssettm $0x1  }
0x91: {  	s17 =	sld [smem:$0x3FFB];
	_ =	sdelay $0x3  }
0x92: {  	_ =	strace s17  }
0x93: {  	s2 =	sld [smem:$0x3FFC];
	_ =	sdelay $0x3  }
0x94: {  	_ =	strace s2  }
0x95: {  	s2 =	sld [smem:$0x3FFD];
	_ =	sdelay $0x3  }
0x96: {  	_ =	strace s2  }
0x97: {  	_ =	strace $0x8FFFFFFF  }
0x98: {  	s18 =	sld [smem:$0x3FDB];
	_ =	sdelay $0x1  }
0x99: {  	s19 =	simm.s32 $_scs_section_size  }
0x9a: {  	s4 =	simm.s32 $_size__tile_overlayer_lowered;
	s5 =	simm.s32 $_tile_overlayer_lowered  }
0x9b: {  	s22 =	simm.s32 $0x1BFF;
	s21 =	sshll.u32 s5, $0x1;
	s2 =	sadd.s32 s19, s18  }
0x9c: {  	s6 =	simm.s32 $0x0;
	s20 =	sshll.u32 s4, $0x1;
	s4 =	sadd.s32 s21, s2  }
0x9d: {  	[timem:s6], [sflag:s22] =	dma.local [hbm:s4], s20  }
0x9e: {  	_ =	swait.ge [sflag:s22], s20  }
0x9f: {  	s3 =	ssub.s32 $0x0, s20;
	[sflag:s22] =	ssyncset.done $0x0  }
0xa0: {  	[sflag:s22] =	ssyncadd.s32 s3;
	_ =	sdelay $0x1  }
0xa1: {  	s23 =	simm.s32 $0x1B8B  }
0xa2: {  	_ =	swait.ge [sflag:s23], $0x1  }
0xa3: {  	[sflag:s23] =	ssyncset.done $0x0  }
0xa4: {  	s25 =	simm.s32 $0x1B8E;
	s24 =	sld [smem:$0x3FFE];
	[sflag:s23] =	ssyncadd.s32 $0xFFFFFFFF  }
0xa5: {  	s26 =	simm.s32 $execute0_lowered;
	[smem:$0x3FD2] =	sst s25  }
0xa6: {  	s4 =	sshll.u32 s26, $0x1;
	_ =	strace $0x80000046;
	[dreg:$0x1] =	wrdreg $0xFFFFFFFF  }
0xa7: {  	s28 =	simm.s32 $_size_execute0_lowered;
	s2 =	sadd.s32 s2, s4;
	[dreg:$0x0] =	wrdreg $0x0  }
0xa8: {  	s4 =	sshll.u32 s28, $0x1;
	[dreg:$0x2] =	wrdreg s2  }
0xa9: {  	[dreg:$0x3] =	wrdreg s4  }
0xaa: {  	[dreg:$0x4] =	wrdreg $0xC0  }
0xab: {  	_ =	task [dreg:s6], $0x5FFFF  }
0xac: {  	[dreg:$0x1] =	wrdreg $0xFFFFFFFF  }
0xad: {  	[dreg:$0x0] =	wrdreg $0x60  }
0xae: {  	[dreg:$0x2] =	wrdreg s24  }
0xaf: {  	[dreg:$0x3] =	wrdreg $0x33800  }
0xb0: {  	[dreg:$0x4] =	wrdreg $0x9  }
0xb1: {  	_ =	task.clear_ibuf [dreg:s6], $0x5FFFF;
	_ =	strace $0x90000046  }
0xb2: {  	s29 =	simm.s32 $0x9;
	_ =	strace $0x80000048  }
0xb3: {  	_ =	swait.ge [sflag:s29], $0x1  }
0xb4: {  	[sflag:s29] =	ssyncadd.s32 $0xFFFFFFFF  }
0xb5: {  	_ =	strace $0x90000048  }
0xb6: {  	_ =	sfence  }
0xb7: {  	s30 =	sld [smem:$0x0];
	_ =	sdelay $0x2  }
0xb8: {  	s31 =	sshll.u32 s1, $0xD;
	s1 =	sshrl.u32 s1, $0x2  }
0xb9: {  	s3 =	sand.u32 $0x4000, s31;
	s1 =	sadd.s32 s1, s30  }
0xba: {  	s0 =	sor.u32 s3, s0;
	s1 =	sshll.u32 s1, $0x11  }
0xbb: {  	s0 =	sor.u32 s1, s0  }
0xbc: {  	s0 =	sadd.s32 $0x8F2B, s0  }
0xbd: {  	[sflag:s0] =	ssyncadd.remote.s32 $0x1  }
0xbe: {  	_ =	sfence.sel $0xFFFF  }
0xbf: {  	[dreg:$0x0] =	wrdreg $0xFFFFFFFF;
	(pc) =	sbr.abs _section_cstart, $3  }
0xc0: {  	[dreg:$0x1] =	wrdreg $0xFFFFFFFF  }
0xc1: {  	_ =	task.clear_ibuf [dreg:s6], $0x2FFFF;
	_ =	strace $0x9FFFFFFF  }
0xc2: {  	(tm) =	ssettm $0x7FFFFFFF  }
0xc3: {  	_ =	shalt  }
tec
execute0_lowered:
.L_overlay_start_1:
0x0: {  	(tag) =	ssettag $0x1  }
0x1: {  	s0 =	srdreg.scid;
	s4 =	rddreg [dreg:$0x0]  }
0x2: {  	s6 =	stileid.u32;
	s2 =	rddreg [dreg:$0x1]  }
0x3: {  	s3 =	simm.s32 $0x0;
	s13 =	simm.s32 $0x2;
	s14 =	simm.s32 $0x80  }
0x4: {  	s16 =	simm.s32 $0x3000;
	s19 =	simm.s32 $0x2A00;
	s20 =	simm.s32 $0x2A80  }
0x5: {  	s21 =	simm.s32 $0x2B00;
	s22 =	simm.s32 $0x2B80;
	s23 =	simm.s32 $0x2C00  }
0x6: {  	s28 =	simm.s32 $0x2E00;
	s29 =	simm.s32 $0x2E80;
	s30 =	simm.s32 $0x2F00  }
0x7: {  	s31 =	simm.s32 $0x1;
	s0 =	sand.u32 $0x1, s0;
	s11 =	smul.u32 $0x280, s6  }
0x8: {  	[smem:$0x7FF] =	sst s3;
	s1 =	sshll.u32 s0, $0x4;
	s5 =	smul.u32 $0x2800, s0  }
0x9: {  	_ =	strace $0x80000047;
	s0 =	ssub.s32 $0x2, s0;
	s1 =	sor.u32 s6, s1  }
0xa: {  	s6 =	smul.u32 $0xA20, s6;
	s24 =	sshrl.u32 s0, $0x1;
	s26 =	sadd.s32 s11, s2  }
0xb: {  	s1 =	smul.u32 $0x2710, s1;
	s5 =	sadd.s32 s11, s5;
	s0 =	ssub.s32 s0, s24  }
0xc: {  	s24 =	simm.s32 $0x2D00;
	s5 =	sshrl.u32 s5, $0x3;
	s25 =	sshrl.u32 s6, $0x2  }
0xd: {  	s11 =	smax.u32 s0, $0x1;
	s0 =	simm.s32 $0x2C80;
	s1 =	sshrl.u32 s1, $0x3  }
0xe: {  	s10 =	sadd.s32 s5, s4;
	s1 =	sadd.s32 s1, s4;
	s4 =	sadd.s32 s25, s2  }
0xf: {  	s10 =	sadd.s32 $0x15200, s10;
	s25 =	sshrl.u32 s26, $0x3;
	s26 =	simm.s32 $0x2D80  }
0x10: {  	s5 =	sadd.s32 $0xB440, s1;
	s6 =	sadd.s32 $0xB53A, s1;
	s7 =	sadd.s32 $0xB634, s1  }
0x11: {  	v0 =	vimm.f32 $0.0e+00;
	v1 =	vimm.f32 $1.000000000e+00;
	v2 =	vimm.s32 $0x2800;
	s8 =	sadd.s32 $0xB72E, s1;
	s9 =	sadd.s32 $0xB828, s1;
	s1 =	simm.s32 $0x0  }
.LBB2_1:
0x12: {  	[tilespmem:$0x3080] =	vst v0  }
0x13: {  	[tilespmem:$0x3090] =	vst v0  }
0x14: {  	[tilespmem:$0x30A0] =	vst v0  }
0x15: {  	[tilespmem:$0x30B0] =	vst v0  }
0x16: {  	[tilespmem:$0x30C0] =	vst v0  }
0x17: {  	[tilespmem:$0x30D0] =	vst v0  }
0x18: {  	[tilespmem:$0x30E0] =	vst v0  }
0x19: {  	[tilespmem:$0x30F0] =	vst v0  }
0x1a: {  	[tilespmem:$0x3100] =	vst v0  }
0x1b: {  	[tilespmem:$0x3110] =	vst v0  }
0x1c: {  	[tilespmem:$0x3120] =	vst v0  }
0x1d: {  	[tilespmem:$0x3130] =	vst v0  }
0x1e: {  	[tilespmem:$0x3140] =	vst v0  }
0x1f: {  	[tilespmem:$0x3150] =	vst v0  }
0x20: {  	[tilespmem:$0x3160] =	vst v0  }
0x21: {  	[tilespmem:$0x3170] =	vst v0  }
0x22: {  	[tilespmem:$0x3180] =	vst v0  }
0x23: {  	[tilespmem:$0x3190] =	vst v0  }
0x24: {  	[tilespmem:$0x31A0] =	vst v0  }
0x25: {  	[tilespmem:$0x31B0] =	vst v0  }
0x26: {  	[tilespmem:$0x31C0] =	vst v0  }
0x27: {  	[tilespmem:$0x31D0] =	vst v0  }
0x28: {  	[tilespmem:$0x31E0] =	vst v0  }
0x29: {  	[tilespmem:$0x31F0] =	vst v0  }
0x2a: {  	[tilespmem:$0x3200] =	vst v0  }
0x2b: {  	[tilespmem:$0x3210] =	vst v0  }
0x2c: {  	[tilespmem:$0x3220] =	vst v0  }
0x2d: {  	[tilespmem:$0x3230] =	vst v0  }
0x2e: {  	[tilespmem:$0x3240] =	vst v0  }
0x2f: {  	[tilespmem:$0x3250] =	vst v0  }
0x30: {  	[tilespmem:$0x3260] =	vst v0  }
0x31: {  	[tilespmem:$0x3270] =	vst v0  }
0x32: {  	[tilespmem:$0x3280] =	vst v0  }
0x33: {  	[tilespmem:$0x3290] =	vst v0  }
0x34: {  	[tilespmem:$0x32A0] =	vst v0  }
0x35: {  	[tilespmem:$0x32B0] =	vst v0  }
0x36: {  	[tilespmem:$0x32C0] =	vst v0  }
0x37: {  	[tilespmem:$0x32D0] =	vst v0  }
0x38: {  	[tilespmem:$0x32E0] =	vst v0  }
0x39: {  	[tilespmem:$0x32F0] =	vst v0  }
0x3a: {  	[tilespmem:$0x3300] =	vst v0;
	s12 =	simm.s32 $0x3080  }
0x3b: {  	[spmem:s4] =	stream.linear.scatter [tilespmem:s12], [sflag:$0x2], $0x288, $0x38;
	[tilespmem:$0x3608] =	vst v63  }
0x3c: {  	_ =	swait.ge [sflag:s13], $0x288  }
0x3d: {  	[sflag:s13] =	ssyncset.done $0x0  }
0x3e: {  	[sflag:s13] =	ssyncadd.s32 $0xFFFFFD78  }
0x3f: {  	[tilespmem:$0x3000] =	vst v1  }
0x40: {  	[tilespmem:$0x3010] =	vst v1  }
0x41: {  	[tilespmem:$0x3020] =	vst v1  }
0x42: {  	[tilespmem:$0x3030] =	vst v1  }
0x43: {  	[tilespmem:$0x3040] =	vst v1  }
0x44: {  	[tilespmem:$0x3050] =	vst v1  }
0x45: {  	[tilespmem:$0x3060] =	vst v1  }
0x46: {  	[tilespmem:$0x3070] =	vst v1  }
0x47: {  	[tilespmem:$0x2F10] =	vst v2  }
0x48: {  	[tilespmem:$0x2F20] =	vst v2  }
0x49: {  	[tilespmem:$0x2F30] =	vst v2  }
0x4a: {  	[tilespmem:$0x2F40] =	vst v2  }
0x4b: {  	[tilespmem:$0x2F50] =	vst v2  }
0x4c: {  	[tilespmem:$0x2F60] =	vst v2  }
0x4d: {  	[tilespmem:$0x2F70] =	vst v2  }
0x4e: {  	[bflag:$0x0] =	sbarrier.arrive $0xFFFF  }
0x4f: {  	[tilespmem:s3], [sflag:$0x2] =	stream.linear.gather [hbm4b:s5+s3], $0x7D0, $0x38;
	[tilespmem:$0x3608] =	vst v63  }
0x50: {  	_ =	swait.ge [sflag:s13], $0x7D0  }
0x51: {  	[sflag:s13] =	ssyncset.done $0x0  }
0x52: {  	s12 =	simm.s32 $0x20;
	[sflag:s13] =	ssyncadd.s32 $0xFFFFF830  }
0x53: {  	s17 =	simm.s32 $0x50;
	s15 =	simm.s32 $0x0;
	v3 =	vld [tilespmem:s12+$0xFFFFFFE0]  }
.LBB2_2:
0x54: {  	p0 =	sne.s32 s17, $0x780;
	_ =	sdelay $0x2  }
0x55: {  	s18 =	sand.u32 $0xFF0, s15  }
0x56: {  	[tilespmem:s18+$0x800] =	vst v3  }
0x57: {  	v3 =	vld [tilespmem:s12+$0xFFFFFFF0];
	_ =	sdelay $0x2  }
0x58: {  	s18 =	sadd.s32 $0x10, s15  }
0x59: {  	s18 =	sand.u32 $0x1FF0, s18  }
0x5a: {  	[tilespmem:s18+$0x800] =	vst v3  }
0x5b: {  	v3 =	vld [tilespmem:s12+$0x0];
	_ =	sdelay $0x2  }
0x5c: {  	s18 =	sadd.s32 $0x20, s15  }
0x5d: {  	s18 =	sand.u32 $0x1FF0, s18  }
0x5e: {  	[tilespmem:s18+$0x800] =	vst v3  }
0x5f: {  	v3 =	vld [tilespmem:s12+$0x10];
	_ =	sdelay $0x2  }
0x60: {  	s18 =	sadd.s32 $0x30, s15  }
0x61: {  	s18 =	sand.u32 $0x1FF0, s18  }
0x62: {  	[tilespmem:s18+$0x800] =	vst v3  }
0x63: {  	v3 =	vld [tilespmem:s12+$0x20];
	_ =	sdelay $0x1  }
.Ltmp0:
0x64: {  	(pc) =	sbr.rel @p0 .LBB2_2-.Ltmp0, $4  }
0x65: {  	s18 =	sadd.s32 $0x40, s15;
	s15 =	smov.u32 s17  }
0x66: {  	s18 =	sand.u32 $0x1FF0, s18  }
0x67: {  	s12 =	sadd.s32 $0x50, s12;
	[tilespmem:s18+$0x800] =	vst v3  }
0x68: {  	s17 =	sadd.s32 $0x50, s17;
	v3 =	vld [tilespmem:s12+$0xFFFFFFE0]  }
0x69: {  	_ =	sdelay $0x2  }
0x6a: {  	s17 =	sand.u32 $0xFF0, s15  }
0x6b: {  	[tilespmem:s17+$0x800] =	vst v3  }
0x6c: {  	v3 =	vld [tilespmem:s12+$0xFFFFFFF0];
	_ =	sdelay $0x2  }
0x6d: {  	s18 =	sadd.s32 $0x10, s15  }
0x6e: {  	s17 =	sand.u32 $0x1FF0, s18  }
0x6f: {  	[tilespmem:s17+$0x800] =	vst v3  }
0x70: {  	v3 =	vld [tilespmem:s12+$0x0];
	_ =	sdelay $0x2  }
0x71: {  	s18 =	sadd.s32 $0x20, s15  }
0x72: {  	s17 =	sand.u32 $0x1FF0, s18  }
0x73: {  	[tilespmem:s17+$0x800] =	vst v3  }
0x74: {  	v3 =	vld [tilespmem:s12+$0x10];
	_ =	sdelay $0x2  }
0x75: {  	s18 =	sadd.s32 $0x30, s15  }
0x76: {  	s17 =	sand.u32 $0x1FF0, s18  }
0x77: {  	[tilespmem:s17+$0x800] =	vst v3  }
0x78: {  	v3 =	vld [tilespmem:s12+$0x20];
	_ =	sdelay $0x2  }
0x79: {  	s18 =	sadd.s32 $0x40, s15  }
0x7a: {  	s12 =	sand.u32 $0x1FF0, s18  }
0x7b: {  	s15 =	simm.s32 $0x800;
	[tilespmem:s12+$0x800] =	vst v3  }
0x7c: {  	[spmem:s2] =	stream.indirect.scatter.add.f32 [tilespmem:s16], [sflag:$0x1], $0x1, s15, s14, $0xb8;
	[tilespmem:$0x3608] =	vst v63  }
0x7d: {  	s17 =	simm.s32 $0x880  }
0x7e: {  	[spmem:s2] =	stream.indirect.scatter.add.f32 [tilespmem:s16], [sflag:$0x1], $0x1, s17, s14, $0xb8;
	[tilespmem:$0x3608] =	vst v63  }
0x7f: {  	s18 =	simm.s32 $0x900  }
0x80: {  	[spmem:s2] =	stream.indirect.scatter.add.f32 [tilespmem:s16], [sflag:$0x1], $0x1, s18, s14, $0xb8;
	[tilespmem:$0x3608] =	vst v63  }
0x81: {  	s15 =	simm.s32 $0x980  }
0x82: {  	[spmem:s2] =	stream.indirect.scatter.add.f32 [tilespmem:s16], [sflag:$0x1], $0x1, s15, s14, $0xb8;
	[tilespmem:$0x3608] =	vst v63  }
0x83: {  	s17 =	simm.s32 $0xA00  }
0x84: {  	[spmem:s2] =	stream.indirect.scatter.add.f32 [tilespmem:s16], [sflag:$0x1], $0x1, s17, s14, $0xb8;
	[tilespmem:$0x3608] =	vst v63  }
0x85: {  	s18 =	simm.s32 $0xA80  }
0x86: {  	[spmem:s2] =	stream.indirect.scatter.add.f32 [tilespmem:s16], [sflag:$0x1], $0x1, s18, s14, $0xb8;
	[tilespmem:$0x3608] =	vst v63  }
0x87: {  	s15 =	simm.s32 $0xB00  }
0x88: {  	[spmem:s2] =	stream.indirect.scatter.add.f32 [tilespmem:s16], [sflag:$0x1], $0x1, s15, s14, $0xb8;
	[tilespmem:$0x3608] =	vst v63  }
0x89: {  	s17 =	simm.s32 $0xB80  }
0x8a: {  	[spmem:s2] =	stream.indirect.scatter.add.f32 [tilespmem:s16], [sflag:$0x1], $0x1, s17, s14, $0xb8;
	[tilespmem:$0x3608] =	vst v63  }
0x8b: {  	s18 =	simm.s32 $0xC00  }
0x8c: {  	[spmem:s2] =	stream.indirect.scatter.add.f32 [tilespmem:s16], [sflag:$0x1], $0x1, s18, s14, $0xb8;
	[tilespmem:$0x3608] =	vst v63  }
0x8d: {  	s15 =	simm.s32 $0xC80  }
0x8e: {  	[spmem:s2] =	stream.indirect.scatter.add.f32 [tilespmem:s16], [sflag:$0x1], $0x1, s15, s14, $0xb8;
	[tilespmem:$0x3608] =	vst v63  }
0x8f: {  	s17 =	simm.s32 $0xD00  }
0x90: {  	[spmem:s2] =	stream.indirect.scatter.add.f32 [tilespmem:s16], [sflag:$0x1], $0x1, s17, s14, $0xb8;
	[tilespmem:$0x3608] =	vst v63  }
0x91: {  	s18 =	simm.s32 $0xD80  }
0x92: {  	[spmem:s2] =	stream.indirect.scatter.add.f32 [tilespmem:s16], [sflag:$0x1], $0x1, s18, s14, $0xb8;
	[tilespmem:$0x3608] =	vst v63  }
0x93: {  	s15 =	simm.s32 $0xE00  }
0x94: {  	[spmem:s2] =	stream.indirect.scatter.add.f32 [tilespmem:s16], [sflag:$0x1], $0x1, s15, s14, $0xb8;
	[tilespmem:$0x3608] =	vst v63  }
0x95: {  	s17 =	simm.s32 $0xE80  }
0x96: {  	[spmem:s2] =	stream.indirect.scatter.add.f32 [tilespmem:s16], [sflag:$0x1], $0x1, s17, s14, $0xb8;
	[tilespmem:$0x3608] =	vst v63  }
0x97: {  	s18 =	simm.s32 $0xF00  }
0x98: {  	[spmem:s2] =	stream.indirect.scatter.add.f32 [tilespmem:s16], [sflag:$0x1], $0x1, s18, s14, $0xb8;
	[tilespmem:$0x3608] =	vst v63  }
0x99: {  	s12 =	simm.s32 $0x0  }
0x9a: {  	[tilespmem:s12], [sflag:$0x2] =	stream.linear.gather [hbm4b:s6+s12], $0x7D0, $0x38;
	[tilespmem:$0x3608] =	vst v63  }
0x9b: {  	_ =	swait.ge [sflag:s13], $0x7D0  }
0x9c: {  	[sflag:s13] =	ssyncset.done $0x0  }
0x9d: {  	s15 =	simm.s32 $0x20;
	[sflag:s13] =	ssyncadd.s32 $0xFFFFF830  }
0x9e: {  	s17 =	simm.s32 $0x50;
	v3 =	vld [tilespmem:s15+$0xFFFFFFE0]  }
.LBB2_4:
0x9f: {  	p0 =	sne.s32 s17, $0x780;
	_ =	sdelay $0x1  }
0xa0: {  	s18 =	sadd.s32 $0x7D0, s12  }
0xa1: {  	s18 =	sand.u32 $0x1FF0, s18  }
0xa2: {  	[tilespmem:s18+$0x800] =	vst v3  }
0xa3: {  	v3 =	vld [tilespmem:s15+$0xFFFFFFF0];
	_ =	sdelay $0x2  }
0xa4: {  	s18 =	sadd.s32 $0x7E0, s12  }
0xa5: {  	s18 =	sand.u32 $0x1FF0, s18  }
0xa6: {  	[tilespmem:s18+$0x800] =	vst v3  }
0xa7: {  	v3 =	vld [tilespmem:s15+$0x0];
	_ =	sdelay $0x2  }
0xa8: {  	s18 =	sadd.s32 $0x7F0, s12  }
0xa9: {  	s18 =	sand.u32 $0x1FF0, s18  }
0xaa: {  	[tilespmem:s18+$0x800] =	vst v3  }
0xab: {  	v3 =	vld [tilespmem:s15+$0x10];
	_ =	sdelay $0x3  }
0xac: {  	s18 =	sand.u32 $0xFF0, s12  }
0xad: {  	[tilespmem:s18+$0x1000] =	vst v3  }
0xae: {  	v3 =	vld [tilespmem:s15+$0x20];
	_ =	sdelay $0x1  }
.Ltmp1:
0xaf: {  	(pc) =	sbr.rel @p0 .LBB2_4-.Ltmp1, $4  }
0xb0: {  	s18 =	sadd.s32 $0x810, s12;
	s12 =	smov.u32 s17  }
0xb1: {  	s18 =	sand.u32 $0x1FF0, s18  }
0xb2: {  	s15 =	sadd.s32 $0x50, s15;
	[tilespmem:s18+$0x800] =	vst v3  }
0xb3: {  	s17 =	sadd.s32 $0x50, s17;
	v3 =	vld [tilespmem:s15+$0xFFFFFFE0]  }
0xb4: {  	_ =	sdelay $0x1  }
0xb5: {  	s17 =	sadd.s32 $0x7D0, s12  }
0xb6: {  	s17 =	sand.u32 $0x1FF0, s17  }
0xb7: {  	[tilespmem:s17+$0x800] =	vst v3  }
0xb8: {  	v3 =	vld [tilespmem:s15+$0xFFFFFFF0];
	_ =	sdelay $0x2  }
0xb9: {  	s18 =	sadd.s32 $0x7E0, s12  }
0xba: {  	s17 =	sand.u32 $0x1FF0, s18  }
0xbb: {  	[tilespmem:s17+$0x800] =	vst v3  }
0xbc: {  	v3 =	vld [tilespmem:s15+$0x0];
	_ =	sdelay $0x2  }
0xbd: {  	s18 =	sadd.s32 $0x7F0, s12  }
0xbe: {  	s17 =	sand.u32 $0x1FF0, s18  }
0xbf: {  	[tilespmem:s17+$0x800] =	vst v3  }
0xc0: {  	v3 =	vld [tilespmem:s15+$0x10];
	_ =	sdelay $0x3  }
0xc1: {  	s18 =	sand.u32 $0xFF0, s12  }
0xc2: {  	[tilespmem:s18+$0x1000] =	vst v3  }
0xc3: {  	v3 =	vld [tilespmem:s15+$0x20];
	_ =	sdelay $0x2  }
0xc4: {  	s17 =	sadd.s32 $0x810, s12  }
0xc5: {  	s12 =	sand.u32 $0x1FF0, s17  }
0xc6: {  	s18 =	simm.s32 $0xF80;
	[tilespmem:s12+$0x800] =	vst v3  }
0xc7: {  	[spmem:s2] =	stream.indirect.scatter.add.f32 [tilespmem:s16], [sflag:$0x1], $0x1, s18, s14, $0xb8;
	[tilespmem:$0x3608] =	vst v63  }
0xc8: {  	s15 =	simm.s32 $0x1000  }
0xc9: {  	[spmem:s2] =	stream.indirect.scatter.add.f32 [tilespmem:s16], [sflag:$0x1], $0x1, s15, s14, $0xb8;
	[tilespmem:$0x3608] =	vst v63  }
0xca: {  	s17 =	simm.s32 $0x1080  }
0xcb: {  	[spmem:s2] =	stream.indirect.scatter.add.f32 [tilespmem:s16], [sflag:$0x1], $0x1, s17, s14, $0xb8;
	[tilespmem:$0x3608] =	vst v63  }
0xcc: {  	s18 =	simm.s32 $0x1100  }
0xcd: {  	[spmem:s2] =	stream.indirect.scatter.add.f32 [tilespmem:s16], [sflag:$0x1], $0x1, s18, s14, $0xb8;
	[tilespmem:$0x3608] =	vst v63  }
0xce: {  	s15 =	simm.s32 $0x1180  }
0xcf: {  	[spmem:s2] =	stream.indirect.scatter.add.f32 [tilespmem:s16], [sflag:$0x1], $0x1, s15, s14, $0xb8;
	[tilespmem:$0x3608] =	vst v63  }
0xd0: {  	s17 =	simm.s32 $0x1200  }
0xd1: {  	[spmem:s2] =	stream.indirect.scatter.add.f32 [tilespmem:s16], [sflag:$0x1], $0x1, s17, s14, $0xb8;
	[tilespmem:$0x3608] =	vst v63  }
0xd2: {  	s18 =	simm.s32 $0x1280  }
0xd3: {  	[spmem:s2] =	stream.indirect.scatter.add.f32 [tilespmem:s16], [sflag:$0x1], $0x1, s18, s14, $0xb8;
	[tilespmem:$0x3608] =	vst v63  }
0xd4: {  	s15 =	simm.s32 $0x1300  }
0xd5: {  	[spmem:s2] =	stream.indirect.scatter.add.f32 [tilespmem:s16], [sflag:$0x1], $0x1, s15, s14, $0xb8;
	[tilespmem:$0x3608] =	vst v63  }
0xd6: {  	s17 =	simm.s32 $0x1380  }
0xd7: {  	[spmem:s2] =	stream.indirect.scatter.add.f32 [tilespmem:s16], [sflag:$0x1], $0x1, s17, s14, $0xb8;
	[tilespmem:$0x3608] =	vst v63  }
0xd8: {  	s18 =	simm.s32 $0x1400  }
0xd9: {  	[spmem:s2] =	stream.indirect.scatter.add.f32 [tilespmem:s16], [sflag:$0x1], $0x1, s18, s14, $0xb8;
	[tilespmem:$0x3608] =	vst v63  }
0xda: {  	s15 =	simm.s32 $0x1480  }
0xdb: {  	[spmem:s2] =	stream.indirect.scatter.add.f32 [tilespmem:s16], [sflag:$0x1], $0x1, s15, s14, $0xb8;
	[tilespmem:$0x3608] =	vst v63  }
0xdc: {  	s17 =	simm.s32 $0x1500  }
0xdd: {  	[spmem:s2] =	stream.indirect.scatter.add.f32 [tilespmem:s16], [sflag:$0x1], $0x1, s17, s14, $0xb8;
	[tilespmem:$0x3608] =	vst v63  }
0xde: {  	s18 =	simm.s32 $0x1580  }
0xdf: {  	[spmem:s2] =	stream.indirect.scatter.add.f32 [tilespmem:s16], [sflag:$0x1], $0x1, s18, s14, $0xb8;
	[tilespmem:$0x3608] =	vst v63  }
0xe0: {  	s15 =	simm.s32 $0x1600  }
0xe1: {  	[spmem:s2] =	stream.indirect.scatter.add.f32 [tilespmem:s16], [sflag:$0x1], $0x1, s15, s14, $0xb8;
	[tilespmem:$0x3608] =	vst v63  }
0xe2: {  	s17 =	simm.s32 $0x1680  }
0xe3: {  	[spmem:s2] =	stream.indirect.scatter.add.f32 [tilespmem:s16], [sflag:$0x1], $0x1, s17, s14, $0xb8;
	[tilespmem:$0x3608] =	vst v63  }
0xe4: {  	s18 =	simm.s32 $0x1700  }
0xe5: {  	[spmem:s2] =	stream.indirect.scatter.add.f32 [tilespmem:s16], [sflag:$0x1], $0x1, s18, s14, $0xb8;
	[tilespmem:$0x3608] =	vst v63  }
0xe6: {  	_ = 	snop  }
0xe7: {  	[tilespmem:s3], [sflag:$0x2] =	stream.linear.gather [hbm4b:s7+s3], $0x7D0, $0x38;
	[tilespmem:$0x3608] =	vst v63  }
0xe8: {  	_ =	swait.ge [sflag:s13], $0x7D0  }
0xe9: {  	[sflag:s13] =	ssyncset.done $0x0  }
0xea: {  	s12 =	simm.s32 $0x20;
	[sflag:s13] =	ssyncadd.s32 $0xFFFFF830  }
0xeb: {  	s15 =	simm.s32 $0xFA0;
	s17 =	simm.s32 $0xFF0;
	v3 =	vld [tilespmem:s12+$0xFFFFFFE0]  }
.LBB2_6:
0xec: {  	p0 =	sne.s32 s17, $0x1720;
	_ =	sdelay $0x2  }
0xed: {  	s18 =	sand.u32 $0x1FF0, s15  }
0xee: {  	[tilespmem:s18+$0x800] =	vst v3  }
0xef: {  	v3 =	vld [tilespmem:s12+$0xFFFFFFF0];
	_ =	sdelay $0x2  }
0xf0: {  	s18 =	sadd.s32 $0x10, s15  }
0xf1: {  	s18 =	sand.u32 $0x1FF0, s18  }
0xf2: {  	[tilespmem:s18+$0x800] =	vst v3  }
0xf3: {  	v3 =	vld [tilespmem:s12+$0x0];
	_ =	sdelay $0x2  }
0xf4: {  	s18 =	sadd.s32 $0x20, s15  }
0xf5: {  	s18 =	sand.u32 $0x1FF0, s18  }
0xf6: {  	[tilespmem:s18+$0x800] =	vst v3  }
0xf7: {  	v3 =	vld [tilespmem:s12+$0x10];
	_ =	sdelay $0x2  }
0xf8: {  	s18 =	sadd.s32 $0x30, s15  }
0xf9: {  	s18 =	sand.u32 $0x1FF0, s18  }
0xfa: {  	[tilespmem:s18+$0x800] =	vst v3  }
0xfb: {  	v3 =	vld [tilespmem:s12+$0x20];
	_ =	sdelay $0x1  }
.Ltmp2:
0xfc: {  	(pc) =	sbr.rel @p0 .LBB2_6-.Ltmp2, $4  }
0xfd: {  	s18 =	sadd.s32 $0x40, s15;
	s15 =	smov.u32 s17  }
0xfe: {  	s18 =	sand.u32 $0x1FF0, s18  }
0xff: {  	s12 =	sadd.s32 $0x50, s12;
	[tilespmem:s18+$0x800] =	vst v3  }
0x100: {  	s17 =	sadd.s32 $0x50, s17;
	v3 =	vld [tilespmem:s12+$0xFFFFFFE0]  }
0x101: {  	_ =	sdelay $0x2  }
0x102: {  	s17 =	sand.u32 $0x1FF0, s15  }
0x103: {  	[tilespmem:s17+$0x800] =	vst v3  }
0x104: {  	v3 =	vld [tilespmem:s12+$0xFFFFFFF0];
	_ =	sdelay $0x2  }
0x105: {  	s18 =	sadd.s32 $0x10, s15  }
0x106: {  	s17 =	sand.u32 $0x1FF0, s18  }
0x107: {  	[tilespmem:s17+$0x800] =	vst v3  }
0x108: {  	v3 =	vld [tilespmem:s12+$0x0];
	_ =	sdelay $0x2  }
0x109: {  	s18 =	sadd.s32 $0x20, s15  }
0x10a: {  	s17 =	sand.u32 $0x1FF0, s18  }
0x10b: {  	[tilespmem:s17+$0x800] =	vst v3  }
0x10c: {  	v3 =	vld [tilespmem:s12+$0x10];
	_ =	sdelay $0x2  }
0x10d: {  	s18 =	sadd.s32 $0x30, s15  }
0x10e: {  	s17 =	sand.u32 $0x1FF0, s18  }
0x10f: {  	[tilespmem:s17+$0x800] =	vst v3  }
0x110: {  	v3 =	vld [tilespmem:s12+$0x20];
	_ =	sdelay $0x2  }
0x111: {  	s18 =	sadd.s32 $0x40, s15  }
0x112: {  	s12 =	sand.u32 $0x1FF0, s18  }
0x113: {  	s15 =	simm.s32 $0x1780;
	[tilespmem:s12+$0x800] =	vst v3  }
0x114: {  	[spmem:s2] =	stream.indirect.scatter.add.f32 [tilespmem:s16], [sflag:$0x1], $0x1, s15, s14, $0xb8;
	[tilespmem:$0x3608] =	vst v63  }
0x115: {  	s17 =	simm.s32 $0x1800  }
0x116: {  	[spmem:s2] =	stream.indirect.scatter.add.f32 [tilespmem:s16], [sflag:$0x1], $0x1, s17, s14, $0xb8;
	[tilespmem:$0x3608] =	vst v63  }
0x117: {  	s18 =	simm.s32 $0x1880  }
0x118: {  	[spmem:s2] =	stream.indirect.scatter.add.f32 [tilespmem:s16], [sflag:$0x1], $0x1, s18, s14, $0xb8;
	[tilespmem:$0x3608] =	vst v63  }
0x119: {  	s15 =	simm.s32 $0x1900  }
0x11a: {  	[spmem:s2] =	stream.indirect.scatter.add.f32 [tilespmem:s16], [sflag:$0x1], $0x1, s15, s14, $0xb8;
	[tilespmem:$0x3608] =	vst v63  }
0x11b: {  	s17 =	simm.s32 $0x1980  }
0x11c: {  	[spmem:s2] =	stream.indirect.scatter.add.f32 [tilespmem:s16], [sflag:$0x1], $0x1, s17, s14, $0xb8;
	[tilespmem:$0x3608] =	vst v63  }
0x11d: {  	s18 =	simm.s32 $0x1A00  }
0x11e: {  	[spmem:s2] =	stream.indirect.scatter.add.f32 [tilespmem:s16], [sflag:$0x1], $0x1, s18, s14, $0xb8;
	[tilespmem:$0x3608] =	vst v63  }
0x11f: {  	s15 =	simm.s32 $0x1A80  }
0x120: {  	[spmem:s2] =	stream.indirect.scatter.add.f32 [tilespmem:s16], [sflag:$0x1], $0x1, s15, s14, $0xb8;
	[tilespmem:$0x3608] =	vst v63  }
0x121: {  	s17 =	simm.s32 $0x1B00  }
0x122: {  	[spmem:s2] =	stream.indirect.scatter.add.f32 [tilespmem:s16], [sflag:$0x1], $0x1, s17, s14, $0xb8;
	[tilespmem:$0x3608] =	vst v63  }
0x123: {  	s18 =	simm.s32 $0x1B80  }
0x124: {  	[spmem:s2] =	stream.indirect.scatter.add.f32 [tilespmem:s16], [sflag:$0x1], $0x1, s18, s14, $0xb8;
	[tilespmem:$0x3608] =	vst v63  }
0x125: {  	s15 =	simm.s32 $0x1C00  }
0x126: {  	[spmem:s2] =	stream.indirect.scatter.add.f32 [tilespmem:s16], [sflag:$0x1], $0x1, s15, s14, $0xb8;
	[tilespmem:$0x3608] =	vst v63  }
0x127: {  	s17 =	simm.s32 $0x1C80  }
0x128: {  	[spmem:s2] =	stream.indirect.scatter.add.f32 [tilespmem:s16], [sflag:$0x1], $0x1, s17, s14, $0xb8;
	[tilespmem:$0x3608] =	vst v63  }
0x129: {  	s18 =	simm.s32 $0x1D00  }
0x12a: {  	[spmem:s2] =	stream.indirect.scatter.add.f32 [tilespmem:s16], [sflag:$0x1], $0x1, s18, s14, $0xb8;
	[tilespmem:$0x3608] =	vst v63  }
0x12b: {  	s15 =	simm.s32 $0x1D80  }
0x12c: {  	[spmem:s2] =	stream.indirect.scatter.add.f32 [tilespmem:s16], [sflag:$0x1], $0x1, s15, s14, $0xb8;
	[tilespmem:$0x3608] =	vst v63  }
0x12d: {  	s17 =	simm.s32 $0x1E00  }
0x12e: {  	[spmem:s2] =	stream.indirect.scatter.add.f32 [tilespmem:s16], [sflag:$0x1], $0x1, s17, s14, $0xb8;
	[tilespmem:$0x3608] =	vst v63  }
0x12f: {  	s18 =	simm.s32 $0x1E80  }
0x130: {  	[spmem:s2] =	stream.indirect.scatter.add.f32 [tilespmem:s16], [sflag:$0x1], $0x1, s18, s14, $0xb8;
	[tilespmem:$0x3608] =	vst v63  }
0x131: {  	s12 =	simm.s32 $0x0  }
0x132: {  	[tilespmem:s12], [sflag:$0x2] =	stream.linear.gather [hbm4b:s8+s12], $0x7D0, $0x38;
	[tilespmem:$0x3608] =	vst v63  }
0x133: {  	_ =	swait.ge [sflag:s13], $0x7D0  }
0x134: {  	[sflag:s13] =	ssyncset.done $0x0  }
0x135: {  	s15 =	simm.s32 $0x20;
	[sflag:s13] =	ssyncadd.s32 $0xFFFFF830  }
0x136: {  	s17 =	simm.s32 $0x50;
	v3 =	vld [tilespmem:s15+$0xFFFFFFE0]  }
.LBB2_8:
0x137: {  	p0 =	sne.s32 s17, $0x780;
	_ =	sdelay $0x1  }
0x138: {  	s18 =	sadd.s32 $0x1770, s12  }
0x139: {  	s18 =	sand.u32 $0x3FF0, s18  }
0x13a: {  	[tilespmem:s18+$0x800] =	vst v3  }
0x13b: {  	v3 =	vld [tilespmem:s15+$0xFFFFFFF0];
	_ =	sdelay $0x3  }
0x13c: {  	s18 =	sand.u32 $0xFF0, s12  }
0x13d: {  	[tilespmem:s18+$0x1F80] =	vst v3  }
0x13e: {  	v3 =	vld [tilespmem:s15+$0x0];
	_ =	sdelay $0x2  }
0x13f: {  	s18 =	sadd.s32 $0x1790, s12  }
0x140: {  	s18 =	sand.u32 $0x3FF0, s18  }
0x141: {  	[tilespmem:s18+$0x800] =	vst v3  }
0x142: {  	v3 =	vld [tilespmem:s15+$0x10];
	_ =	sdelay $0x2  }
0x143: {  	s18 =	sadd.s32 $0x17A0, s12  }
0x144: {  	s18 =	sand.u32 $0x3FF0, s18  }
0x145: {  	[tilespmem:s18+$0x800] =	vst v3  }
0x146: {  	v3 =	vld [tilespmem:s15+$0x20];
	_ =	sdelay $0x1  }
.Ltmp3:
0x147: {  	(pc) =	sbr.rel @p0 .LBB2_8-.Ltmp3, $4  }
0x148: {  	s18 =	sadd.s32 $0x17B0, s12;
	s12 =	smov.u32 s17  }
0x149: {  	s18 =	sand.u32 $0x3FF0, s18  }
0x14a: {  	s15 =	sadd.s32 $0x50, s15;
	[tilespmem:s18+$0x800] =	vst v3  }
0x14b: {  	s17 =	sadd.s32 $0x50, s17;
	v3 =	vld [tilespmem:s15+$0xFFFFFFE0]  }
0x14c: {  	_ =	sdelay $0x1  }
0x14d: {  	s17 =	sadd.s32 $0x1770, s12  }
0x14e: {  	s17 =	sand.u32 $0x3FF0, s17  }
0x14f: {  	[tilespmem:s17+$0x800] =	vst v3  }
0x150: {  	v3 =	vld [tilespmem:s15+$0xFFFFFFF0];
	_ =	sdelay $0x3  }
0x151: {  	s18 =	sand.u32 $0xFF0, s12  }
0x152: {  	[tilespmem:s18+$0x1F80] =	vst v3  }
0x153: {  	v3 =	vld [tilespmem:s15+$0x0];
	_ =	sdelay $0x2  }
0x154: {  	s18 =	sadd.s32 $0x1790, s12  }
0x155: {  	s17 =	sand.u32 $0x3FF0, s18  }
0x156: {  	[tilespmem:s17+$0x800] =	vst v3  }
0x157: {  	v3 =	vld [tilespmem:s15+$0x10];
	_ =	sdelay $0x2  }
0x158: {  	s18 =	sadd.s32 $0x17A0, s12  }
0x159: {  	s17 =	sand.u32 $0x3FF0, s18  }
0x15a: {  	[tilespmem:s17+$0x800] =	vst v3  }
0x15b: {  	v3 =	vld [tilespmem:s15+$0x20];
	_ =	sdelay $0x2  }
0x15c: {  	s17 =	sadd.s32 $0x17B0, s12  }
0x15d: {  	s12 =	sand.u32 $0x3FF0, s17  }
0x15e: {  	s18 =	simm.s32 $0x1F00;
	[tilespmem:s12+$0x800] =	vst v3  }
0x15f: {  	[spmem:s2] =	stream.indirect.scatter.add.f32 [tilespmem:s16], [sflag:$0x1], $0x1, s18, s14, $0xb8;
	[tilespmem:$0x3608] =	vst v63  }
0x160: {  	s15 =	simm.s32 $0x1F80  }
0x161: {  	[spmem:s2] =	stream.indirect.scatter.add.f32 [tilespmem:s16], [sflag:$0x1], $0x1, s15, s14, $0xb8;
	[tilespmem:$0x3608] =	vst v63  }
0x162: {  	s17 =	simm.s32 $0x2000  }
0x163: {  	[spmem:s2] =	stream.indirect.scatter.add.f32 [tilespmem:s16], [sflag:$0x1], $0x1, s17, s14, $0xb8;
	[tilespmem:$0x3608] =	vst v63  }
0x164: {  	s18 =	simm.s32 $0x2080  }
0x165: {  	[spmem:s2] =	stream.indirect.scatter.add.f32 [tilespmem:s16], [sflag:$0x1], $0x1, s18, s14, $0xb8;
	[tilespmem:$0x3608] =	vst v63  }
0x166: {  	s15 =	simm.s32 $0x2100  }
0x167: {  	[spmem:s2] =	stream.indirect.scatter.add.f32 [tilespmem:s16], [sflag:$0x1], $0x1, s15, s14, $0xb8;
	[tilespmem:$0x3608] =	vst v63  }
0x168: {  	s17 =	simm.s32 $0x2180  }
0x169: {  	[spmem:s2] =	stream.indirect.scatter.add.f32 [tilespmem:s16], [sflag:$0x1], $0x1, s17, s14, $0xb8;
	[tilespmem:$0x3608] =	vst v63  }
0x16a: {  	s18 =	simm.s32 $0x2200  }
0x16b: {  	[spmem:s2] =	stream.indirect.scatter.add.f32 [tilespmem:s16], [sflag:$0x1], $0x1, s18, s14, $0xb8;
	[tilespmem:$0x3608] =	vst v63  }
0x16c: {  	s15 =	simm.s32 $0x2280  }
0x16d: {  	[spmem:s2] =	stream.indirect.scatter.add.f32 [tilespmem:s16], [sflag:$0x1], $0x1, s15, s14, $0xb8;
	[tilespmem:$0x3608] =	vst v63  }
0x16e: {  	s17 =	simm.s32 $0x2300  }
0x16f: {  	[spmem:s2] =	stream.indirect.scatter.add.f32 [tilespmem:s16], [sflag:$0x1], $0x1, s17, s14, $0xb8;
	[tilespmem:$0x3608] =	vst v63  }
0x170: {  	s18 =	simm.s32 $0x2380  }
0x171: {  	[spmem:s2] =	stream.indirect.scatter.add.f32 [tilespmem:s16], [sflag:$0x1], $0x1, s18, s14, $0xb8;
	[tilespmem:$0x3608] =	vst v63  }
0x172: {  	s15 =	simm.s32 $0x2400  }
0x173: {  	[spmem:s2] =	stream.indirect.scatter.add.f32 [tilespmem:s16], [sflag:$0x1], $0x1, s15, s14, $0xb8;
	[tilespmem:$0x3608] =	vst v63  }
0x174: {  	s17 =	simm.s32 $0x2480  }
0x175: {  	[spmem:s2] =	stream.indirect.scatter.add.f32 [tilespmem:s16], [sflag:$0x1], $0x1, s17, s14, $0xb8;
	[tilespmem:$0x3608] =	vst v63  }
0x176: {  	s18 =	simm.s32 $0x2500  }
0x177: {  	[spmem:s2] =	stream.indirect.scatter.add.f32 [tilespmem:s16], [sflag:$0x1], $0x1, s18, s14, $0xb8;
	[tilespmem:$0x3608] =	vst v63  }
0x178: {  	s15 =	simm.s32 $0x2580  }
0x179: {  	[spmem:s2] =	stream.indirect.scatter.add.f32 [tilespmem:s16], [sflag:$0x1], $0x1, s15, s14, $0xb8;
	[tilespmem:$0x3608] =	vst v63  }
0x17a: {  	s17 =	simm.s32 $0x2600  }
0x17b: {  	[spmem:s2] =	stream.indirect.scatter.add.f32 [tilespmem:s16], [sflag:$0x1], $0x1, s17, s14, $0xb8;
	[tilespmem:$0x3608] =	vst v63  }
0x17c: {  	s18 =	simm.s32 $0x2680  }
0x17d: {  	[spmem:s2] =	stream.indirect.scatter.add.f32 [tilespmem:s16], [sflag:$0x1], $0x1, s18, s14, $0xb8;
	[tilespmem:$0x3608] =	vst v63  }
0x17e: {  	s12 =	simm.s32 $0x0  }
0x17f: {  	[tilespmem:s12], [sflag:$0x2] =	stream.linear.gather [hbm4b:s9+s12], $0x7D0, $0x38;
	[tilespmem:$0x3608] =	vst v63  }
0x180: {  	_ =	swait.ge [sflag:s13], $0x7D0  }
0x181: {  	[sflag:s13] =	ssyncset.done $0x0  }
0x182: {  	s15 =	simm.s32 $0x20;
	[sflag:s13] =	ssyncadd.s32 $0xFFFFF830  }
0x183: {  	s17 =	simm.s32 $0x50;
	v3 =	vld [tilespmem:s15+$0xFFFFFFE0]  }
.LBB2_10:
0x184: {  	p0 =	sne.s32 s17, $0x780;
	_ =	sdelay $0x1  }
0x185: {  	s18 =	sadd.s32 $0x1F40, s12  }
0x186: {  	s18 =	sand.u32 $0x3FF0, s18  }
0x187: {  	[tilespmem:s18+$0x800] =	vst v3  }
0x188: {  	v3 =	vld [tilespmem:s15+$0xFFFFFFF0];
	_ =	sdelay $0x2  }
0x189: {  	s18 =	sadd.s32 $0x1F50, s12  }
0x18a: {  	s18 =	sand.u32 $0x3FF0, s18  }
0x18b: {  	[tilespmem:s18+$0x800] =	vst v3  }
0x18c: {  	v3 =	vld [tilespmem:s15+$0x0];
	_ =	sdelay $0x2  }
0x18d: {  	s18 =	sadd.s32 $0x1F60, s12  }
0x18e: {  	s18 =	sand.u32 $0x3FF0, s18  }
0x18f: {  	[tilespmem:s18+$0x800] =	vst v3  }
0x190: {  	v3 =	vld [tilespmem:s15+$0x10];
	_ =	sdelay $0x2  }
0x191: {  	s18 =	sadd.s32 $0x1F70, s12  }
0x192: {  	s18 =	sand.u32 $0x3FF0, s18  }
0x193: {  	[tilespmem:s18+$0x800] =	vst v3  }
0x194: {  	v3 =	vld [tilespmem:s15+$0x20];
	_ =	sdelay $0x1  }
.Ltmp4:
0x195: {  	(pc) =	sbr.rel @p0 .LBB2_10-.Ltmp4, $4  }
0x196: {  	_ = 	snop  }
0x197: {  	s18 =	sand.u32 $0xFF0, s12;
	s12 =	smov.u32 s17  }
0x198: {  	s15 =	sadd.s32 $0x50, s15;
	[tilespmem:s18+$0x2780] =	vst v3  }
0x199: {  	s17 =	sadd.s32 $0x50, s17;
	v3 =	vld [tilespmem:s15+$0xFFFFFFE0]  }
0x19a: {  	_ =	sdelay $0x1  }
0x19b: {  	s17 =	sadd.s32 $0x1F40, s12  }
0x19c: {  	s17 =	sand.u32 $0x3FF0, s17  }
0x19d: {  	[tilespmem:s17+$0x800] =	vst v3  }
0x19e: {  	v3 =	vld [tilespmem:s15+$0xFFFFFFF0];
	_ =	sdelay $0x2  }
0x19f: {  	s18 =	sadd.s32 $0x1F50, s12  }
0x1a0: {  	s17 =	sand.u32 $0x3FF0, s18  }
0x1a1: {  	[tilespmem:s17+$0x800] =	vst v3  }
0x1a2: {  	v3 =	vld [tilespmem:s15+$0x0];
	_ =	sdelay $0x2  }
0x1a3: {  	s18 =	sadd.s32 $0x1F60, s12  }
0x1a4: {  	s17 =	sand.u32 $0x3FF0, s18  }
0x1a5: {  	[tilespmem:s17+$0x800] =	vst v3  }
0x1a6: {  	v3 =	vld [tilespmem:s15+$0x10];
	_ =	sdelay $0x2  }
0x1a7: {  	s18 =	sadd.s32 $0x1F70, s12  }
0x1a8: {  	s17 =	sand.u32 $0x3FF0, s18  }
0x1a9: {  	[tilespmem:s17+$0x800] =	vst v3  }
0x1aa: {  	v3 =	vld [tilespmem:s15+$0x20];
	_ =	sdelay $0x3  }
0x1ab: {  	s18 =	sand.u32 $0xFF0, s12  }
0x1ac: {  	s15 =	simm.s32 $0x2700;
	[tilespmem:s18+$0x2780] =	vst v3  }
0x1ad: {  	[spmem:s2] =	stream.indirect.scatter.add.f32 [tilespmem:s16], [sflag:$0x1], $0x1, s15, s14, $0xb8;
	[tilespmem:$0x3608] =	vst v63  }
0x1ae: {  	s17 =	simm.s32 $0x2780  }
0x1af: {  	[spmem:s2] =	stream.indirect.scatter.add.f32 [tilespmem:s16], [sflag:$0x1], $0x1, s17, s14, $0xb8;
	[tilespmem:$0x3608] =	vst v63  }
0x1b0: {  	s18 =	simm.s32 $0x2800  }
0x1b1: {  	[spmem:s2] =	stream.indirect.scatter.add.f32 [tilespmem:s16], [sflag:$0x1], $0x1, s18, s14, $0xb8;
	[tilespmem:$0x3608] =	vst v63  }
0x1b2: {  	s15 =	simm.s32 $0x2880  }
0x1b3: {  	[spmem:s2] =	stream.indirect.scatter.add.f32 [tilespmem:s16], [sflag:$0x1], $0x1, s15, s14, $0xb8;
	[tilespmem:$0x3608] =	vst v63  }
0x1b4: {  	s17 =	simm.s32 $0x2900  }
0x1b5: {  	[spmem:s2] =	stream.indirect.scatter.add.f32 [tilespmem:s16], [sflag:$0x1], $0x1, s17, s14, $0xb8;
	[tilespmem:$0x3608] =	vst v63  }
0x1b6: {  	s18 =	simm.s32 $0x2980  }
0x1b7: {  	[spmem:s2] =	stream.indirect.scatter.add.f32 [tilespmem:s16], [sflag:$0x1], $0x1, s18, s14, $0xb8;
	[tilespmem:$0x3608] =	vst v63  }
0x1b8: {  	_ = 	snop  }
0x1b9: {  	[spmem:s2] =	stream.indirect.scatter.add.f32 [tilespmem:s16], [sflag:$0x1], $0x1, s19, s14, $0xb8;
	[tilespmem:$0x3608] =	vst v63  }
0x1ba: {  	_ = 	snop  }
0x1bb: {  	[spmem:s2] =	stream.indirect.scatter.add.f32 [tilespmem:s16], [sflag:$0x1], $0x1, s20, s14, $0xb8;
	[tilespmem:$0x3608] =	vst v63  }
0x1bc: {  	_ = 	snop  }
0x1bd: {  	[spmem:s2] =	stream.indirect.scatter.add.f32 [tilespmem:s16], [sflag:$0x1], $0x1, s21, s14, $0xb8;
	[tilespmem:$0x3608] =	vst v63  }
0x1be: {  	_ = 	snop  }
0x1bf: {  	[spmem:s2] =	stream.indirect.scatter.add.f32 [tilespmem:s16], [sflag:$0x1], $0x1, s22, s14, $0xb8;
	[tilespmem:$0x3608] =	vst v63  }
0x1c0: {  	_ = 	snop  }
0x1c1: {  	[spmem:s2] =	stream.indirect.scatter.add.f32 [tilespmem:s16], [sflag:$0x1], $0x1, s23, s14, $0xb8;
	[tilespmem:$0x3608] =	vst v63  }
0x1c2: {  	_ = 	snop  }
0x1c3: {  	[spmem:s2] =	stream.indirect.scatter.add.f32 [tilespmem:s16], [sflag:$0x1], $0x1, s0, s14, $0xb8;
	[tilespmem:$0x3608] =	vst v63  }
0x1c4: {  	_ = 	snop  }
0x1c5: {  	[spmem:s2] =	stream.indirect.scatter.add.f32 [tilespmem:s16], [sflag:$0x1], $0x1, s24, s14, $0xb8;
	[tilespmem:$0x3608] =	vst v63  }
0x1c6: {  	_ = 	snop  }
0x1c7: {  	[spmem:s2] =	stream.indirect.scatter.add.f32 [tilespmem:s16], [sflag:$0x1], $0x1, s26, s14, $0xb8;
	[tilespmem:$0x3608] =	vst v63  }
0x1c8: {  	_ = 	snop  }
0x1c9: {  	[spmem:s2] =	stream.indirect.scatter.add.f32 [tilespmem:s16], [sflag:$0x1], $0x1, s28, s14, $0xb8;
	[tilespmem:$0x3608] =	vst v63  }
0x1ca: {  	_ = 	snop  }
0x1cb: {  	[spmem:s2] =	stream.indirect.scatter.add.f32 [tilespmem:s16], [sflag:$0x1], $0x1, s29, s14, $0xb8;
	[tilespmem:$0x3608] =	vst v63  }
0x1cc: {  	_ = 	snop  }
0x1cd: {  	[spmem:s2] =	stream.indirect.scatter.add.f32 [tilespmem:s16], [sflag:$0x1], $0x1, s30, s14, $0xb8;
	[tilespmem:$0x3608] =	vst v63  }
0x1ce: {  	_ =	swait.ge [sflag:s31], $0x80  }
0x1cf: {  	s12 =	simm.s32 $0x4E;
	[sflag:s31] =	ssyncset.done $0x0  }
.LBB2_12:
0x1d0: {  	p0 =	sne.s32 s12, $0x1;
	s12 =	sadd.s32 $0xFFFFFFFF, s12;
	[sflag:s31] =	ssyncadd.s32 $0xFFFFFF80  }
.Ltmp5:
0x1d1: {  	(pc) =	sbr.rel @p0 .LBB2_12-.Ltmp5, $3  }
0x1d2: {  	_ =	sdelay $0x1  }
0x1d3: {  	_ =	swait.ge [sflag:s31], $0x80  }
0x1d4: {  	[sflag:s31] =	ssyncset.done $0x0  }
0x1d5: {  	s12 =	stileid.u32;
	s1 =	sadd.s32 $0x1, s1  }
0x1d6: {  	[sflag:s31] =	ssyncadd.s32 $0xFFFFFF80;
	s12 =	sshll.u32 s12, $0x6;
	p0 =	sne.s32 s1, s11  }
.Ltmp6:
0x1d7: {  	[bflag:$0x0] =	sbarrier.arrive $0xFFFF;
	s12 =	sor.u32 $0x1C02, s12;
	(pc) =	sbr.rel @p0 .LBB2_1-.Ltmp6, $4  }
0x1d8: {  	[hbm:s10], [sflag:s12] =	dma.local [spmem:s25], $0x50  }
0x1d9: {  	_ =	swait.ge [sflag:s13], $0x50  }
0x1da: {  	[sflag:s13] =	ssyncset.done $0x0  }
0x1db: {  	[sflag:s13] =	ssyncadd.s32 $0xFFFFFFB0  }
0x1dc: {  	_ =	sfence.sel $0x180000  }
0x1dd: {  	[bflag:$0x0] =	sbarrier.arrive $0xFFFF  }
0x1de: {  	_ =	strace $0x90000047  }
0x1df: {  	s0 =	stileid.u32;
	[bflag:$0x2] =	sbarrier.arrive $0xFFFF  }
0x1e0: {  	p0 =	sne.s32 s0, $0x0;
	s0 =	rddreg [dreg:$0x2]  }
0x1e1: {  	s0 =	sadd.s32 @!p0 $0x100000, s0  }
0x1e2: {  	[sflag:s0] =	ssyncadd.tile.s32 @!p0 $0x1;
	_ =	shalt  }
.Lfunc_end2:
_tile_overlayer_lowered:
.L_overlay_start_2:
0x1e3: {  	(tag) =	ssettag $0x2  }
0x1e4: {  	s0 =	rddreg [dreg:$0x0];
	s2 =	stileid.u32  }
0x1e5: {  	s1 =	rddreg [dreg:$0x1];
	p0 =	sne.s32 s2, $0x0  }
0x1e6: {  	s3 =	rddreg [dreg:$0x2];
	[bflag:$0x3] =	sbarrier.arrive $0xFFFF;
	s2 =	simm.s32 @!p0 $0x1C02  }
0x1e7: {  	[timem:s3], [sflag:s2] =	dma.local @!p0 [hbm:s0], s1  }
0x1e8: {  	s0 =	simm.s32 @!p0 $0x2  }
0x1e9: {  	_ =	swait.ge @!p0 [sflag:s0], s1  }
0x1ea: {  	s1 =	ssub.s32 @!p0 $0x0, s1;
	[sflag:s0] =	ssyncset.done @!p0 $0x0  }
0x1eb: {  	[sflag:s0] =	ssyncadd.s32 @!p0 s1  }
0x1ec: {  	[bflag:$0x3] =	sbarrier.arrive $0xFFFF  }
0x1ed: {  	_ =	shalt  }

// kernel: kernel.8.cloned.1.call-start
scs
__scs_entry_jumppad:
0x0: {  	(pc) =	sbr.rel $0x88, $3  }
0x1: {  	(tag) =	ssettag $0x0;
	lr =	simm.s32 $0x1  }
0x2: {  	[smem:$0x3F99] =	sst lr;
	_ =	strace $0xD0000000  }
0x3: {  	_ = 	snop  }
0x4: {  	_ = 	snop  }
0x5: {  	_ = 	snop  }
0x6: {  	_ = 	snop  }
0x7: {  	_ = 	snop  }
__scs_overlays_trampoline_lowered:
0x8: {  	[smem:$0x3FA8] =	sst s0  }
0x9: {  	[smem:$0x3FA9] =	sst s1  }
0xa: {  	[smem:$0x3FAA] =	sst s2  }
0xb: {  	[smem:$0x3FAB] =	sst s3  }
0xc: {  	[smem:$0x3FAC] =	sst s4  }
0xd: {  	[smem:$0x3FAD] =	sst s5  }
0xe: {  	[smem:$0x3FAE] =	sst s6  }
0xf: {  	[smem:$0x3FAF] =	sst s7  }
0x10: {  	[smem:$0x3FB0] =	sst s8  }
0x11: {  	[smem:$0x3FB1] =	sst s9;
	s0 =	simm.s32 @!p0 $0x0  }
0x12: {  	s1 =	sld [smem:$0x3F97];
	s0 =	simm.s32 @p0 $0x1  }
0x13: {  	[smem:$0x3FB2] =	sst s0;
	s0 =	simm.s32 @!p1 $0x0  }
0x14: {  	s2 =	sld [smem:$0x3F96];
	s0 =	simm.s32 @p1 $0x1  }
0x15: {  	[smem:$0x3FB3] =	sst s0;
	s0 =	simm.s32 @!p2 $0x0  }
0x16: {  	s3 =	sld [smem:$0x3FDB];
	s0 =	simm.s32 @p2 $0x1  }
0x17: {  	s4 =	simm.s32 $0x1BF5;
	[smem:$0x3FB5] =	sst s0  }
0x18: {  	s0 =	sld [smem:$0x3F98];
	_ =	swait.ge [sflag:s4], $0x0  }
0x19: {  	s7 =	sld [smem:$0x3F99]  }
0x1a: {  	s8 =	sadd.s32 $0xFFFFE003, lr  }
0x1b: {  	s9 =	sadd.s32 $0xFFFFFEF7, lr;
	s5 =	simm.s32 $0xFFFFFFFF;
	p2 =	slt.u32 s8, $0xFFFFF086  }
0x1c: {  	p1 =	slt.u32 s9, $0xF7A;
	s5 =	simm.s32 @!p2 $0x0  }
0x1d: {  	s5 =	simm.s32 @p1 $0x1;
	p0 =	seq.s32 s7, s2  }
0x1e: {  	s7 =	smul.u32 @!p0 $0xF7A, s2;
	p2 =	seq.s32 @!p0 s5, $0x0  }
0x1f: {  	s9 =	smul.u32 $0xF7A, s1;
	s8 =	simm.s32 @!p0 $0x1BF5;
	p2 =	por !p2, p0  }
0x20: {  	[sflag:s8] =	ssyncset.s32 @!p0 $0xFFFFF086;
	s6 =	sadd.s32 @!p0 s3, s7;
	s7 =	simm.s32 @!p0 $0x108  }
0x21: {  	s3 =	sadd.s32 s3, s9;
	s6 =	sadd.s32 @!p0 $0x88, s6;
	s7 =	simm.s32 @p2 $0x1082  }
0x22: {  	[simem:s7], [sflag:s8] =	dma.local @!p0 [hbm:s6], $0xF7A  }
0x23: {  	s9 =	sor.u32 $0xD0000000, s2;
	s6 =	simm.s32 $0x108;
	_ =	swait.ge @!p0 [sflag:s8], $0x0  }
0x24: {  	s3 =	sadd.s32 $0x88, s3;
	s6 =	simm.s32 @!p1 $0x1082;
	[sflag:s4] =	ssyncset.s32 $0xFFFFF086  }
0x25: {  	[simem:s6], [sflag:s4] =	dma.local [hbm:s3], $0xF7A  }
0x26: {  	[smem:$0x3F99] =	sst s1;
	(tag) =	ssettag s2;
	_ =	strace s9  }
0x27: {  	s1 =	sld [smem:$0x3FA9]  }
0x28: {  	s2 =	sld [smem:$0x3FAA]  }
0x29: {  	s4 =	sld [smem:$0x3FAC]  }
0x2a: {  	p0 =	seq.s32 s5, $0x0;
	s5 =	sld [smem:$0x3FAD]  }
0x2b: {  	s6 =	sld [smem:$0x3FAE]  }
0x2c: {  	s7 =	sld [smem:$0x3FAF]  }
0x2d: {  	s3 =	simm.s32 $0x108;
	s8 =	sld [smem:$0x3FB0]  }
0x2e: {  	s3 =	simm.s32 @!p0 $0x1082;
	s9 =	sld [smem:$0x3FB1]  }
0x2f: {  	lr =	sadd.s32 s0, s3;
	s0 =	sld [smem:$0x3FA8]  }
0x30: {  	s3 =	sld [smem:$0x3FAB]  }
0x31: {  	[smem:$0x3FB4] =	sst s10  }
0x32: {  	s10 =	sld [smem:$0x3FB2];
	_ =	sdelay $0x3  }
0x33: {  	p0 =	seq.s32 s10, $0x1;
	s10 =	sld [smem:$0x3FB4];
	_ =	sdelay $0x3  }
0x34: {  	[smem:$0x3FB4] =	sst s10  }
0x35: {  	s10 =	sld [smem:$0x3FB3];
	_ =	sdelay $0x3  }
0x36: {  	p1 =	seq.s32 s10, $0x1;
	s10 =	sld [smem:$0x3FB4];
	_ =	sdelay $0x3  }
0x37: {  	[smem:$0x3FB4] =	sst s10  }
0x38: {  	s10 =	sld [smem:$0x3FB5]  }
0x39: {  	_ = 	snop;
	(pc) =	sbr.ind lr, $3  }
0x3a: {  	_ = 	snop  }
0x3b: {  	_ = 	snop  }
0x3c: {  	p2 =	seq.s32 s10, $0x1;
	s10 =	sld [smem:$0x3FB4]  }
0x3d: {  	_ =	shalt  }
0x3e: {  	_ =	shalt  }
0x3f: {  	_ =	shalt  }
0x40: {  	_ =	shalt  }
0x41: {  	_ =	shalt  }
0x42: {  	_ =	shalt  }
0x43: {  	_ =	shalt  }
0x44: {  	_ =	shalt  }
0x45: {  	_ =	shalt  }
0x46: {  	_ =	shalt  }
0x47: {  	_ =	shalt  }
0x48: {  	_ =	shalt  }
0x49: {  	_ =	shalt  }
0x4a: {  	_ =	shalt  }
0x4b: {  	_ =	shalt  }
0x4c: {  	_ =	shalt  }
0x4d: {  	_ =	shalt  }
0x4e: {  	_ =	shalt  }
0x4f: {  	_ =	shalt  }
0x50: {  	_ =	shalt  }
0x51: {  	_ =	shalt  }
0x52: {  	_ =	shalt  }
0x53: {  	_ =	shalt  }
0x54: {  	_ =	shalt  }
0x55: {  	_ =	shalt  }
0x56: {  	_ =	shalt  }
0x57: {  	_ =	shalt  }
0x58: {  	_ =	shalt  }
0x59: {  	_ =	shalt  }
0x5a: {  	_ =	shalt  }
0x5b: {  	_ =	shalt  }
0x5c: {  	_ =	shalt  }
0x5d: {  	_ =	shalt  }
0x5e: {  	_ =	shalt  }
0x5f: {  	_ =	shalt  }
0x60: {  	_ =	shalt  }
0x61: {  	_ =	shalt  }
0x62: {  	_ =	shalt  }
0x63: {  	_ =	shalt  }
0x64: {  	_ =	shalt  }
0x65: {  	_ =	shalt  }
0x66: {  	_ =	shalt  }
0x67: {  	_ =	shalt  }
0x68: {  	_ =	shalt  }
0x69: {  	_ =	shalt  }
0x6a: {  	_ =	shalt  }
0x6b: {  	_ =	shalt  }
0x6c: {  	_ =	shalt  }
0x6d: {  	_ =	shalt  }
0x6e: {  	_ =	shalt  }
0x6f: {  	_ =	shalt  }
0x70: {  	_ =	shalt  }
0x71: {  	_ =	shalt  }
0x72: {  	_ =	shalt  }
0x73: {  	_ =	shalt  }
0x74: {  	_ =	shalt  }
0x75: {  	_ =	shalt  }
0x76: {  	_ =	shalt  }
0x77: {  	_ =	shalt  }
0x78: {  	_ =	shalt  }
0x79: {  	_ =	shalt  }
0x7a: {  	_ =	shalt  }
0x7b: {  	_ =	shalt  }
0x7c: {  	_ =	shalt  }
0x7d: {  	_ =	shalt  }
0x7e: {  	_ =	shalt  }
0x7f: {  	_ =	shalt  }
0x80: {  	_ =	shalt  }
0x81: {  	_ =	shalt  }
0x82: {  	_ =	shalt  }
0x83: {  	_ =	shalt  }
0x84: {  	_ =	shalt  }
0x85: {  	_ =	shalt  }
0x86: {  	_ =	shalt  }
0x87: {  	_ =	shalt  }
.Lfunc_end0:
.L_simem_size_0:
called_computation.1_lowered:
.L_overlay_start_0:
0x88: {  	s2 =	sld [smem:$0x3FD9]  }
0x89: {  	s3 =	sld [smem:$0x3FFE];
	_ =	sdelay $0x1  }
0x8a: {  	s1 =	srdreg.scid  }
0x8b: {  	s0 =	sand.u32 $0x1, s1  }
0x8c: {  	s16 =	sshll.u32 s0, $0xA;
	s2 =	sadd.s32 s3, s2  }
0x8d: {  	s2 =	sadd.s32 s2, s16  }
0x8e: {  	[smem:$0x3FC0] =	sst s2  }
0x8f: {  	_ = 	snop  }
0x90: {  	(tm) =	ssettm $0x1  }
0x91: {  	s17 =	sld [smem:$0x3FFB];
	_ =	sdelay $0x3  }
0x92: {  	_ =	strace s17  }
0x93: {  	s2 =	sld [smem:$0x3FFC];
	_ =	sdelay $0x3  }
0x94: {  	_ =	strace s2  }
0x95: {  	s2 =	sld [smem:$0x3FFD];
	_ =	sdelay $0x3  }
0x96: {  	_ =	strace s2  }
0x97: {  	_ =	strace $0x8FFFFFFF  }
0x98: {  	s18 =	sld [smem:$0x3FDB];
	_ =	sdelay $0x1  }
0x99: {  	s19 =	simm.s32 $_scs_section_size  }
0x9a: {  	s4 =	simm.s32 $_size__tile_overlayer_lowered;
	s5 =	simm.s32 $_tile_overlayer_lowered  }
0x9b: {  	s22 =	simm.s32 $0x1BFF;
	s21 =	sshll.u32 s5, $0x1;
	s2 =	sadd.s32 s19, s18  }
0x9c: {  	s6 =	simm.s32 $0x0;
	s20 =	sshll.u32 s4, $0x1;
	s4 =	sadd.s32 s21, s2  }
0x9d: {  	[timem:s6], [sflag:s22] =	dma.local [hbm:s4], s20  }
0x9e: {  	_ =	swait.ge [sflag:s22], s20  }
0x9f: {  	s3 =	ssub.s32 $0x0, s20;
	[sflag:s22] =	ssyncset.done $0x0  }
0xa0: {  	[sflag:s22] =	ssyncadd.s32 s3;
	_ =	sdelay $0x1  }
0xa1: {  	s23 =	simm.s32 $0x1B8B  }
0xa2: {  	_ =	swait.ge [sflag:s23], $0x1  }
0xa3: {  	[sflag:s23] =	ssyncset.done $0x0  }
0xa4: {  	s25 =	simm.s32 $0x1B8E;
	s24 =	sld [smem:$0x3FFE];
	[sflag:s23] =	ssyncadd.s32 $0xFFFFFFFF  }
0xa5: {  	s26 =	simm.s32 $execute0_lowered;
	[smem:$0x3FD2] =	sst s25  }
0xa6: {  	s4 =	sshll.u32 s26, $0x1;
	_ =	strace $0x80000049;
	[dreg:$0x1] =	wrdreg $0xFFFFFFFF  }
0xa7: {  	s28 =	simm.s32 $_size_execute0_lowered;
	s2 =	sadd.s32 s2, s4;
	[dreg:$0x0] =	wrdreg $0x0  }
0xa8: {  	s4 =	sshll.u32 s28, $0x1;
	[dreg:$0x2] =	wrdreg s2  }
0xa9: {  	[dreg:$0x3] =	wrdreg s4  }
0xaa: {  	[dreg:$0x4] =	wrdreg $0xC0  }
0xab: {  	_ =	task [dreg:s6], $0x5FFFF  }
0xac: {  	[dreg:$0x1] =	wrdreg $0xFFFFFFFF  }
0xad: {  	[dreg:$0x0] =	wrdreg $0x60  }
0xae: {  	[dreg:$0x2] =	wrdreg s24  }
0xaf: {  	[dreg:$0x3] =	wrdreg $0x97800  }
0xb0: {  	[dreg:$0x4] =	wrdreg $0x1D7800  }
0xb1: {  	[dreg:$0x5] =	wrdreg $0x9  }
0xb2: {  	_ =	task.clear_ibuf [dreg:s6], $0x6FFFF;
	_ =	strace $0x90000049  }
0xb3: {  	s29 =	simm.s32 $0x9;
	_ =	strace $0x8000004B  }
0xb4: {  	_ =	swait.ge [sflag:s29], $0x1  }
0xb5: {  	[sflag:s29] =	ssyncadd.s32 $0xFFFFFFFF  }
0xb6: {  	_ =	strace $0x9000004B  }
0xb7: {  	_ =	sfence  }
0xb8: {  	s30 =	sld [smem:$0x0];
	_ =	sdelay $0x2  }
0xb9: {  	s31 =	sshll.u32 s1, $0xD;
	s1 =	sshrl.u32 s1, $0x2  }
0xba: {  	s3 =	sand.u32 $0x4000, s31;
	s1 =	sadd.s32 s1, s30  }
0xbb: {  	s0 =	sor.u32 s3, s0;
	s1 =	sshll.u32 s1, $0x11  }
0xbc: {  	s0 =	sor.u32 s1, s0  }
0xbd: {  	s0 =	sadd.s32 $0x8F2B, s0  }
0xbe: {  	[sflag:s0] =	ssyncadd.remote.s32 $0x1  }
0xbf: {  	_ =	sfence.sel $0xFFFF  }
0xc0: {  	[dreg:$0x0] =	wrdreg $0xFFFFFFFF;
	(pc) =	sbr.abs _section_cstart, $3  }
0xc1: {  	[dreg:$0x1] =	wrdreg $0xFFFFFFFF  }
0xc2: {  	_ =	task.clear_ibuf [dreg:s6], $0x2FFFF;
	_ =	strace $0x9FFFFFFF  }
0xc3: {  	(tm) =	ssettm $0x7FFFFFFF  }
tec
execute0_lowered:
.L_overlay_start_1:
0x0: {  	(tag) =	ssettag $0x1  }
0x1: {  	s0 =	srdreg.scid;
	s3 =	rddreg [dreg:$0x0]  }
0x2: {  	s11 =	stileid.u32;
	s2 =	rddreg [dreg:$0x1]  }
0x3: {  	s12 =	rddreg [dreg:$0x2];
	s6 =	smul.u32 $0x280, s11  }
0x4: {  	s4 =	simm.s32 $0x0;
	s0 =	sand.u32 $0x1, s0;
	s8 =	smul.u32 $0x13880, s11  }
0x5: {  	[smem:$0x7FF] =	sst s4;
	s24 =	smul.u32 $0x50000, s11;
	s1 =	sshll.u32 s0, $0x4  }
0x6: {  	s7 =	smul.u32 $0x138800, s0;
	_ =	strace $0x8000004A;
	s0 =	ssub.s32 $0x2, s0  }
0x7: {  	s1 =	sor.u32 s11, s1;
	s9 =	sshrl.u32 s6, $0x3;
	s10 =	sshrl.u32 s0, $0x1  }
0x8: {  	s6 =	sadd.s32 s6, s12;
	s9 =	sadd.s32 s9, s3;
	s23 =	smul.u32 $0x140, s1  }
0x9: {  	v19 =	vlaneseq.u32;
	s25 =	sadd.s32 s8, s2;
	s5 =	smul.u32 $0x2710, s1;
	s13 =	sadd.s32 $0x15700, s9  }
0xa: {  	[dreg:$0x9] =	wrdreg s13;
	s13 =	sadd.s32 $0x60, s23;
	s12 =	sadd.s32 $0x70, s23;
	v42 =	vmov s23;
	v0 =	vor.u32 s23, v19  }
0xb: {  	s0 =	ssub.s32 s0, s10;
	s10 =	sadd.s32 $0x15200, s9;
	s11 =	sadd.s32 $0x80, s23;
	v47 =	vmov s13;
	v6 =	vor.u32 s13, v19;
	v48 =	vmov s12  }
0xc: {  	[dreg:$0x8] =	wrdreg s10;
	s10 =	sadd.s32 $0x90, s23;
	s9 =	sadd.s32 $0xA0, s23;
	v7 =	vor.u32 s12, v19;
	v49 =	vmov s11;
	v8 =	vor.u32 s11, v19  }
0xd: {  	s7 =	sadd.s32 s8, s7;
	s30 =	sshrl.u32 s25, $0x3;
	s8 =	sadd.s32 $0xB0, s23;
	v50 =	vmov s10;
	v9 =	vor.u32 s10, v19;
	v51 =	vmov s9  }
0xe: {  	[dreg:$0x6] =	wrdreg s30;
	s31 =	sadd.s32 $0xD0, s23;
	s30 =	sadd.s32 $0xE0, s23;
	v10 =	vor.u32 s9, v19;
	v52 =	vmov s8;
	v11 =	vor.u32 s8, v19  }
0xf: {  	[dreg:$0xa] =	wrdreg s6;
	s6 =	sadd.s32 $0xF0, s23;
	v54 =	vmov s31;
	v13 =	vor.u32 s31, v19;
	v55 =	vmov s30  }
0x10: {  	s7 =	sshrl.u32 s7, $0x3;
	s5 =	sshrl.u32 s5, $0x3;
	s1 =	sadd.s32 $0x120, s23;
	v14 =	vor.u32 s30, v19;
	v56 =	vmov s6;
	v15 =	vor.u32 s6, v19  }
0x11: {  	s5 =	sadd.s32 s5, s3;
	s3 =	sadd.s32 s7, s3;
	s7 =	sadd.s32 $0xC0, s23;
	v20 =	vmul.u32 $0x147B, v0;
	v59 =	vmov s1;
	v18 =	vor.u32 s1, v19  }
0x12: {  	v21 =	vshll.u32 v0, $0x7;
	vm3 =	vlt.u32 v42, $0x2710;
	v53 =	vmov s7  }
0x13: {  	v12 =	vor.u32 s7, v19;
	v27 =	vmul.u32 $0x147B, v6;
	v28 =	vshll.u32 v6, $0x7  }
0x14: {  	v29 =	vmul.u32 $0x147B, v7;
	v30 =	vmul.u32 $0x147B, v9;
	v31 =	vshll.u32 v9, $0x7  }
0x15: {  	s14 =	sadd.s32 $0x1800, s5;
	v32 =	vmul.u32 $0x147B, v10;
	v61 =	vshll.u32 v10, $0x7;
	v62 =	vshll.u32 v11, $0x7  }
0x16: {  	s15 =	sadd.s32 $0xB440, s5;
	v35 =	vmul.u32 $0x147B, v13;
	v63 =	vmul.u32 $0x147B, v14;
	v36 =	vmul.u32 $0x147B, v15;
	[dreg:$0xb] =	wrdreg s14  }
0x17: {  	s16 =	sadd.s32 $0x18FA, s5;
	v37 =	vshll.u32 v15, $0x7;
	v39 =	vmul.u32 $0x147B, v18;
	vm5 =	vlt.u32 v55, $0x2710;
	[dreg:$0xc] =	wrdreg s15  }
0x18: {  	s17 =	sadd.s32 $0xB53A, s5;
	s18 =	sadd.s32 $0x19F4, s5;
	vm6 =	vlt.u32 v54, $0x2710;
	vm8 =	vlt.u32 v52, $0x2710;
	vm9 =	vlt.u32 v51, $0x2710;
	[dreg:$0x4] =	wrdreg s16  }
0x19: {  	s19 =	sadd.s32 $0xB634, s5;
	s20 =	sadd.s32 $0x1AEE, s5;
	vm10 =	vlt.u32 v50, $0x2710;
	vm11 =	vlt.u32 v49, $0x2710;
	vm12 =	vlt.u32 v48, $0x2710;
	[dreg:$0x5] =	wrdreg s17  }
0x1a: {  	s21 =	sadd.s32 $0xB72E, s5;
	vm13 =	vlt.u32 v47, $0x2710;
	[dreg:$0xe] =	wrdreg s18;
	s17 =	sor.u32 $0x10, s23;
	v20 =	vshrl.u32 v20, $0x13;
	v33 =	vmul.u32 $0x147B, v12  }
0x1b: {  	s22 =	sadd.s32 $0x1BE8, s5;
	[dreg:$0xd] =	wrdreg s19;
	s16 =	sor.u32 $0x20, s23;
	v34 =	vshll.u32 v12, $0x7;
	vm7 =	vlt.u32 v53, $0x2710;
	v43 =	vmov s17  }
0x1c: {  	[dreg:$0x11] =	wrdreg s21;
	s14 =	sor.u32 $0x30, s23;
	s18 =	sadd.s32 $0x40, s23;
	v1 =	vor.u32 s17, v19;
	v44 =	vmov s16;
	v2 =	vor.u32 s16, v19  }
0x1d: {  	s19 =	sadd.s32 $0xB828, s5;
	s21 =	sadd.s32 $0x15C00, s3;
	s15 =	sadd.s32 $0x50, s23;
	v45 =	vmov s14;
	v3 =	vor.u32 s14, v19;
	v41 =	vmov s18  }
0x1e: {  	s5 =	smax.u32 s0, $0x1;
	s0 =	sadd.s32 $0x100, s23;
	s3 =	sadd.s32 $0x110, s23;
	v4 =	vor.u32 s18, v19;
	v46 =	vmov s15;
	v5 =	vor.u32 s15, v19  }
0x1f: {  	v57 =	vmov s0;
	v16 =	vor.u32 s0, v19;
	v58 =	vmov s3  }
0x20: {  	v17 =	vor.u32 s3, v19;
	v20 =	vadd.s32 v21, v20;
	v27 =	vshra.s32 v27, $0x13  }
0x21: {  	v30 =	vshra.s32 v30, $0x13;
	v40 =	vshra.s32 v35, $0x13;
	v36 =	vshra.s32 v36, $0x13  }
0x22: {  	[dreg:$0xf] =	wrdreg s22;
	s22 =	sadd.s32 $0x130, s23;
	v22 =	vmul.u32 $0x147B, v1;
	v23 =	vmul.u32 $0x147B, v2;
	v24 =	vmul.u32 $0x147B, v3  }
0x23: {  	[dreg:$0x7] =	wrdreg s22;
	v25 =	vshll.u32 v3, $0x7;
	v26 =	vmul.u32 $0x147B, v4;
	v33 =	vshra.s32 v33, $0x13  }
0x24: {  	s31 =	rddreg [dreg:$0x7];
	v38 =	vmul.u32 $0x147B, v16;
	v35 =	vadd.s32 v37, v36;
	vm14 =	vlt.u32 v46, $0x2710  }
0x25: {  	vm15 =	vlt.u32 v41, $0x2710;
	v60 =	vmov s31;
	v19 =	vor.u32 s31, v19  }
0x26: {  	v21 =	vshra.s32 v22, $0x13;
	v22 =	vshll.u32 v1, $0x7;
	v24 =	vshra.s32 v24, $0x13  }
0x27: {  	v37 =	vshra.s32 v38, $0x13;
	v38 =	vshll.u32 v16, $0x7;
	vm0 =	vlt.u32 v60, $0x2710  }
0x28: {  	v60 =	vimm.s32 $0x0;
	v21 =	vadd.s32 v22, v21;
	v22 =	vshra.s32 v23, $0x13  }
0x29: {  	v23 =	vshll.u32 v2, $0x7;
	v36 =	vadd.s32 v38, v37;
	v38 =	vshra.s32 v39, $0x13  }
0x2a: {  	v39 =	vshll.u32 v18, $0x7;
	v60 =	vsel vm0, $0xFFFFFFFF, v60;
	vm0 =	vlt.u32 v59, $0x2710  }
0x2b: {  	v22 =	vadd.s32 v23, v22;
	v23 =	vadd.s32 v25, v24;
	v25 =	vmul.u32 $0x147B, v5  }
0x2c: {  	v24 =	vshra.s32 v26, $0x13;
	v26 =	vshll.u32 v4, $0x7;
	v38 =	vadd.s32 v39, v38  }
0x2d: {  	v24 =	vadd.s32 v26, v24;
	v26 =	vshll.u32 v5, $0x7;
	v25 =	vshra.s32 v25, $0x13  }
0x2e: {  	v25 =	vadd.s32 v26, v25;
	v26 =	vadd.s32 v28, v27;
	v28 =	vmul.u32 $0x147B, v8  }
0x2f: {  	[tilespmem:$0x1FFB0] =	vst v60;
	v60 =	vimm.s32 $0x0;
	v27 =	vshra.s32 v29, $0x13;
	v29 =	vshll.u32 v7, $0x7  }
0x30: {  	v27 =	vadd.s32 v29, v27;
	v29 =	vshll.u32 v8, $0x7;
	v28 =	vshra.s32 v28, $0x13  }
0x31: {  	s11 =	rddreg [dreg:$0xa];
	v28 =	vadd.s32 v29, v28;
	v29 =	vadd.s32 v31, v30;
	v31 =	vmul.u32 $0x147B, v11  }
0x32: {  	s10 =	rddreg [dreg:$0x9];
	v59 =	vsel vm0, $0xFFFFFFFF, v60;
	v30 =	vshra.s32 v32, $0x13;
	v32 =	vadd.s32 v34, v33  }
0x33: {  	s9 =	rddreg [dreg:$0x8];
	v34 =	vshra.s32 v63, $0x13;
	v63 =	vmul.u32 $0x147B, v17;
	v31 =	vshra.s32 v31, $0x13  }
0x34: {  	s8 =	rddreg [dreg:$0x2];
	v30 =	vadd.s32 v61, v30;
	v31 =	vadd.s32 v62, v31;
	v62 =	vshll.u32 v14, $0x7  }
0x35: {  	[dreg:$0x10] =	wrdreg s20;
	v61 =	vshll.u32 v13, $0x7;
	v34 =	vadd.s32 v62, v34;
	v62 =	vmul.u32 $0x147B, v19  }
0x36: {  	s17 =	rddreg [dreg:$0x11];
	v33 =	vadd.s32 v61, v40;
	v40 =	vshra.s32 v63, $0x13;
	v61 =	vshll.u32 v17, $0x7  }
0x37: {  	s16 =	rddreg [dreg:$0x10];
	v37 =	vadd.s32 v61, v40;
	v61 =	vshll.u32 v19, $0x7;
	v40 =	vshra.s32 v62, $0x13  }
0x38: {  	s28 =	simm.s32 $0x800;
	s29 =	simm.s32 $0x80;
	s14 =	rddreg [dreg:$0xe];
	vm0 =	vlt.u32 v58, $0x2710;
	v39 =	vadd.s32 v61, v40;
	v61 =	vimm.s32 $0x0  }
0x39: {  	s26 =	sshrl.u32 s24, $0x2;
	s24 =	simm.s32 $0x2;
	s18 =	rddreg [dreg:$0xf];
	[tilespmem:$0x1FFC0] =	vst v59;
	v62 =	vimm.s32 $0x0;
	v58 =	vsel vm0, $0xFFFFFFFF, v61;
	vm0 =	vlt.u32 v57, $0x2710  }
0x3a: {  	s25 =	simm.s32 $0x6800;
	s7 =	stileid.u32;
	s15 =	rddreg [dreg:$0xd];
	v63 =	vimm.s32 $0x0;
	[tilespmem:$0x1FFD0] =	vst v58;
	v57 =	vsel vm0, $0xFFFFFFFF, v62;
	vm0 =	vlt.u32 v56, $0x2710  }
0x3b: {  	s20 =	sadd.s32 s26, s2;
	s26 =	simm.s32 $0x1;
	s13 =	rddreg [dreg:$0xc];
	v41 =	vimm.s32 $0x0;
	vm1 =	vlt.u32 v44, $0x2710;
	[tilespmem:$0x1FFE0] =	vst v57;
	v56 =	vsel vm0, $0xFFFFFFFF, v63  }
0x3c: {  	s22 =	simm.s32 $0x9280;
	s23 =	smov.u32 s5;
	s12 =	rddreg [dreg:$0xb];
	vm2 =	vlt.u32 v43, $0x2710;
	v40 =	vimm.f32 $0.0e+00;
	vm0 =	vlt.u32 v45, $0x2710;
	[tilespmem:$0x1FFF0] =	vst v56  }
.LBB2_1:
0x3d: {  	s0 =	simm.s32 $0x0  }
.LBB2_2:
0x3e: {  	p0 =	sne.s32 s0, $0x13C0  }
.Ltmp0:
0x3f: {  	_ = 	snop;
	(pc) =	sbr.rel @p0 .LBB2_2-.Ltmp0, $3  }
0x40: {  	_ =	sdelay $0x1  }
0x41: {  	s1 =	sshra.s32 s0, $0x2  }
0x42: {  	s0 =	sadd.s32 $0x40, s0;
	[tilespmem:s1+$0x9280] =	vst v40  }
0x43: {  	s0 =	simm.s32 $0x1400;
	s1 =	sadd.s32 $0x0, s20  }
.LBB2_4:
0x44: {  	[spmem:s1] =	stream.linear.scatter [tilespmem:s22], [sflag:$0x1], $0x500, $0x38;
	[tilespmem:$0x1DA00] =	vst v63  }
0x45: {  	s1 =	smov.u32 s0;
	p0 =	sne.s32 s0, $0x4EC00  }
.Ltmp1:
0x46: {  	s0 =	sadd.s32 $0x1400, s0;
	(pc) =	sbr.rel @p0 .LBB2_4-.Ltmp1, $3  }
0x47: {  	_ =	sdelay $0x1  }
0x48: {  	s1 =	sshra.s32 s1, $0x2  }
0x49: {  	s1 =	sadd.s32 s1, s20  }
0x4a: {  	[spmem:s1] =	stream.linear.scatter [tilespmem:s22], [sflag:$0x1], $0x500, $0x38;
	[tilespmem:$0x1DA00] =	vst v63  }
0x4b: {  	s0 =	simm.s32 $0x0;
	s31 =	simm.s32 $0x9000  }
0x4c: {  	[tilespmem:s31], [sflag:$0x2] =	stream.linear.gather [hbm4b:s9+s0], $0x280, $0x38;
	[tilespmem:$0x1DA00] =	vst v63  }
0x4d: {  	_ =	swait.ge [sflag:s24], $0x280  }
0x4e: {  	[sflag:s24] =	ssyncset.done $0x0  }
0x4f: {  	[sflag:s24] =	ssyncadd.s32 $0xFFFFFD80  }
0x50: {  	[tilespmem:s25], [sflag:$0x2] =	stream.linear.gather [hbm4b:s10+s0], $0x280, $0x38;
	[tilespmem:$0x1DA00] =	vst v63  }
0x51: {  	_ =	swait.ge [sflag:s24], $0x280  }
0x52: {  	[sflag:s24] =	ssyncset.done $0x0  }
0x53: {  	s0 =	simm.s32 $0x0;
	[sflag:s24] =	ssyncadd.s32 $0xFFFFFD80  }
0x54: {  	s1 =	simm.s32 $0x40;
	v42 =	vld [tilespmem:s0+$0x6800]  }
.LBB2_6:
0x55: {  	p0 =	sne.s32 s1, $0x9C0;
	v43 =	vld [tilespmem:s0+$0x9000];
	_ =	sdelay $0x4  }
0x56: {  	v42 =	vadd.f32 v42, v43;
	_ =	sdelay $0x1  }
0x57: {  	v42 =	vadd.f32 $1.000000000e+00, v42;
	_ =	sdelay $0x1  }
0x58: {  	v43 =	vshra.s32 v42, $0x1;
	v42 =	vmul.f32 $5.000000000e-01, v42  }
0x59: {  	v43 =	vsub.s32 $0x5F3759DF, v43  }
0x5a: {  	v44 =	vmul.f32 v43, v42;
	_ =	sdelay $0x1  }
0x5b: {  	v44 =	vmul.f32 v43, v44;
	_ =	sdelay $0x1  }
0x5c: {  	v44 =	vsub.f32 $1.500000000e+00, v44;
	_ =	sdelay $0x1  }
0x5d: {  	v43 =	vmul.f32 v43, v44;
	_ =	sdelay $0x1  }
0x5e: {  	v44 =	vmul.f32 v43, v42;
	_ =	sdelay $0x1  }
0x5f: {  	v44 =	vmul.f32 v44, v43;
	_ =	sdelay $0x1  }
0x60: {  	v44 =	vsub.f32 $1.500000000e+00, v44;
	_ =	sdelay $0x1  }
0x61: {  	v43 =	vmul.f32 v44, v43;
	_ =	sdelay $0x1  }
0x62: {  	v42 =	vmul.f32 v43, v42;
	_ =	sdelay $0x1  }
0x63: {  	v42 =	vmul.f32 v42, v43;
	_ =	sdelay $0x1  }
.Ltmp2:
0x64: {  	v42 =	vsub.f32 $1.500000000e+00, v42;
	(pc) =	sbr.rel @p0 .LBB2_6-.Ltmp2, $4  }
0x65: {  	_ = 	snop  }
0x66: {  	v43 =	vmul.f32 v42, v43  }
0x67: {  	s3 =	sshra.s32 s1, $0x2  }
0x68: {  	s1 =	sadd.s32 $0x40, s1;
	v42 =	vld [tilespmem:s3+$0x6800];
	[tilespmem:s0+$0x9000] =	vst v43;
	s0 =	smov.u32 s3  }
0x69: {  	v43 =	vld [tilespmem:s0+$0x9000];
	_ =	sdelay $0x4  }
0x6a: {  	v42 =	vadd.f32 v42, v43;
	_ =	sdelay $0x1  }
0x6b: {  	v42 =	vadd.f32 $1.000000000e+00, v42;
	_ =	sdelay $0x1  }
0x6c: {  	v63 =	vshra.s32 v42, $0x1;
	v42 =	vmul.f32 $5.000000000e-01, v42  }
0x6d: {  	v43 =	vsub.s32 $0x5F3759DF, v63  }
0x6e: {  	v44 =	vmul.f32 v43, v42;
	_ =	sdelay $0x1  }
0x6f: {  	v44 =	vmul.f32 v43, v44;
	_ =	sdelay $0x1  }
0x70: {  	v44 =	vsub.f32 $1.500000000e+00, v44;
	_ =	sdelay $0x1  }
0x71: {  	v43 =	vmul.f32 v43, v44;
	_ =	sdelay $0x1  }
0x72: {  	v44 =	vmul.f32 v43, v42;
	_ =	sdelay $0x1  }
0x73: {  	v44 =	vmul.f32 v44, v43;
	_ =	sdelay $0x1  }
0x74: {  	v44 =	vsub.f32 $1.500000000e+00, v44;
	_ =	sdelay $0x1  }
0x75: {  	v43 =	vmul.f32 v44, v43;
	_ =	sdelay $0x1  }
0x76: {  	v42 =	vmul.f32 v43, v42;
	_ =	sdelay $0x1  }
0x77: {  	v42 =	vmul.f32 v42, v43;
	_ =	sdelay $0x1  }
0x78: {  	v42 =	vsub.f32 $1.500000000e+00, v42;
	_ =	sdelay $0x1  }
0x79: {  	v42 =	vmul.f32 v42, v43;
	_ =	sdelay $0x1  }
0x7a: {  	s31 =	simm.s32 $0x9000;
	[tilespmem:s0+$0x9000] =	vst v42  }
0x7b: {  	[spmem:s11] =	stream.linear.scatter [tilespmem:s31], [sflag:$0x2], $0x280, $0x38;
	[tilespmem:$0x1DA00] =	vst v63  }
0x7c: {  	_ =	swait.ge [sflag:s24], $0x280  }
0x7d: {  	[sflag:s24] =	ssyncset.done $0x0  }
0x7e: {  	[sflag:s24] =	ssyncadd.s32 $0xFFFFFD80  }
0x7f: {  	_ =	swait.ge [sflag:s26], $0x500  }
0x80: {  	s0 =	simm.s32 $0x3F;
	[sflag:s26] =	ssyncset.done $0x0  }
.LBB2_8:
0x81: {  	p0 =	sne.s32 s0, $0x1;
	s0 =	sadd.s32 $0xFFFFFFFF, s0;
	[sflag:s26] =	ssyncadd.s32 $0xFFFFFB00  }
.Ltmp3:
0x82: {  	(pc) =	sbr.rel @p0 .LBB2_8-.Ltmp3, $3  }
0x83: {  	_ =	sdelay $0x1  }
0x84: {  	_ =	swait.ge [sflag:s26], $0x500  }
0x85: {  	[sflag:s26] =	ssyncset.done $0x0  }
0x86: {  	[sflag:s26] =	ssyncadd.s32 $0xFFFFFB00  }
0x87: {  	[bflag:$0x0] =	sbarrier.arrive $0xFFFF  }
0x88: {  	[tilespmem:s25], [sflag:$0x2] =	stream.linear.gather [spmem:s8], $0x2800, $0x38;
	[tilespmem:$0x1DA00] =	vst v63  }
0x89: {  	_ =	swait.ge [sflag:s24], $0x2800  }
0x8a: {  	[sflag:s24] =	ssyncset.done $0x0  }
0x8b: {  	s0 =	simm.s32 $0x0;
	[sflag:s24] =	ssyncadd.s32 $0xFFFFD800  }
0x8c: {  	[tilespmem:s0], [sflag:$0x2] =	stream.linear.gather [hbm4b:s12+s0], $0x7D0, $0x38;
	[tilespmem:$0x1DA00] =	vst v63  }
0x8d: {  	_ =	swait.ge [sflag:s24], $0x7D0  }
0x8e: {  	[sflag:s24] =	ssyncset.done $0x0  }
0x8f: {  	[sflag:s24] =	ssyncadd.s32 $0xFFFFF830  }
0x90: {  	[tilespmem:s28], [sflag:$0x2] =	stream.linear.gather [hbm4b:s13+s0], $0x7D0, $0x38;
	[tilespmem:$0x1DA00] =	vst v63  }
0x91: {  	_ =	swait.ge [sflag:s24], $0x7D0  }
0x92: {  	[sflag:s24] =	ssyncset.done $0x0  }
0x93: {  	s1 =	simm.s32 $0x0;
	[sflag:s24] =	ssyncadd.s32 $0xFFFFF830  }
0x94: {  	v42 =	vld [tilespmem:s1+$0x800];
	_ =	sdelay $0x1  }
0x95: {  	v43 =	vld [tilespmem:s1+$0x0];
	_ =	sdelay $0x2  }
0x96: {  	v44 =	vmul.u32 $0x147B, v42;
	_ =	sdelay $0x1  }
0x97: {  	v45 =	vshll.u32 v43, $0x7;
	v44 =	vshra.s32 v44, $0x13  }
0x98: {  	v50 =	vld [tilespmem:s1+$0x810];
	v44 =	vadd.s32 v44, v45  }
0x99: {  	v51 =	vld [tilespmem:s1+$0x10];
	[tilespmem:s1+$0x1000] =	vst v44  }
0x9a: {  	v43 =	vld.idx.msk [tilespmem:v43+s25+$0x0], $0xffff  }
0x9b: {  	v42 =	vld.idx.msk [tilespmem:v42+s25+$0x0], $0xffff;
	_ =	sdelay $0x1  }
0x9c: {  	v46 =	vmul.u32 $0x147B, v50;
	_ =	sdelay $0x1  }
0x9d: {  	v47 =	vshll.u32 v51, $0x7;
	v46 =	vshra.s32 v46, $0x13  }
0x9e: {  	v46 =	vadd.s32 v46, v47;
	v42 =	vmul.f32 v43, v42  }
0x9f: {  	v53 =	vld [tilespmem:s1+$0x820];
	[tilespmem:s1+$0x1010] =	vst v46  }
0xa0: {  	v52 =	vld [tilespmem:s1+$0x20];
	[tilespmem:s1+$0x3C00] =	vst v42  }
0xa1: {  	v44 =	vld.idx.msk [tilespmem:v50+s25+$0x0], $0xffff  }
0xa2: {  	v45 =	vld.idx.msk [tilespmem:v51+s25+$0x0], $0xffff;
	_ =	sdelay $0x1  }
0xa3: {  	v54 =	vmul.u32 $0x147B, v53;
	_ =	sdelay $0x1  }
0xa4: {  	v48 =	vshll.u32 v52, $0x7;
	v46 =	vshra.s32 v54, $0x13  }
0xa5: {  	v56 =	vadd.s32 v46, v48;
	v44 =	vmul.f32 v45, v44  }
0xa6: {  	v55 =	vld [tilespmem:s1+$0x830];
	[tilespmem:s1+$0x1020] =	vst v56  }
0xa7: {  	v49 =	vld [tilespmem:s1+$0x30];
	[tilespmem:s1+$0x3C10] =	vst v44  }
0xa8: {  	v42 =	vld.idx.msk [tilespmem:v53+s25+$0x0], $0xffff  }
0xa9: {  	v43 =	vld.idx.msk [tilespmem:v52+s25+$0x0], $0xffff;
	_ =	sdelay $0x1  }
0xaa: {  	v57 =	vmul.u32 $0x147B, v55;
	_ =	sdelay $0x1  }
0xab: {  	v58 =	vshll.u32 v49, $0x7;
	v44 =	vshra.s32 v57, $0x13  }
0xac: {  	v59 =	vld [tilespmem:s1+$0x840];
	v44 =	vadd.s32 v44, v58;
	v42 =	vmul.f32 v43, v42  }
0xad: {  	[tilespmem:s1+$0x1030] =	vst v44  }
0xae: {  	v60 =	vld [tilespmem:s1+$0x40];
	[tilespmem:s1+$0x3C20] =	vst v42  }
0xaf: {  	v42 =	vld.idx.msk [tilespmem:v55+s25+$0x0], $0xffff  }
0xb0: {  	v62 =	vld.idx.msk [tilespmem:v49+s25+$0x0], $0xffff  }
0xb1: {  	v61 =	vmul.u32 $0x147B, v59;
	_ =	sdelay $0x1  }
0xb2: {  	v63 =	vshll.u32 v60, $0x7;
	v43 =	vshra.s32 v61, $0x13  }
0xb3: {  	v43 =	vadd.s32 v43, v63  }
0xb4: {  	s5 =	simm.s32 $0x50;
	[tilespmem:s1+$0x1040] =	vst v43;
	v46 =	vmul.f32 v62, v42  }
0xb5: {  	v43 =	vld [tilespmem:s5+$0x0]  }
0xb6: {  	v42 =	vld [tilespmem:s5+$0x800];
	[tilespmem:s1+$0x3C30] =	vst v46  }
0xb7: {  	v44 =	vld.idx.msk [tilespmem:v59+s25+$0x0], $0xffff  }
0xb8: {  	s0 =	simm.s32 $0x280;
	v45 =	vld.idx.msk [tilespmem:v60+s25+$0x0], $0xffff  }
.LBB2_10:
0xb9: {  	p0 =	sne.s32 s0, $0x1E00;
	s3 =	smov.u32 s0;
	s0 =	sadd.s32 $0x140, s0  }
0xba: {  	_ = 	snop  }
0xbb: {  	v46 =	vmul.u32 $0x147B, v42;
	_ =	sdelay $0x1  }
0xbc: {  	v47 =	vshll.u32 v43, $0x7;
	v46 =	vshra.s32 v46, $0x13  }
0xbd: {  	v44 =	vmul.f32 v45, v44;
	v46 =	vadd.s32 v46, v47  }
0xbe: {  	[tilespmem:s5+$0x1000] =	vst v46;
	v45 =	vld [tilespmem:s5+$0x10]  }
0xbf: {  	v46 =	vld [tilespmem:s5+$0x810];
	[tilespmem:s1+$0x3C40] =	vst v44;
	s1 =	smov.u32 s5  }
0xc0: {  	v43 =	vld.idx.msk [tilespmem:v43+s25+$0x0], $0xffff  }
0xc1: {  	v42 =	vld.idx.msk [tilespmem:v42+s25+$0x0], $0xffff;
	_ =	sdelay $0x2  }
0xc2: {  	v44 =	vmul.u32 $0x147B, v46;
	_ =	sdelay $0x1  }
0xc3: {  	v47 =	vshll.u32 v45, $0x7;
	v44 =	vshra.s32 v44, $0x13  }
0xc4: {  	v42 =	vmul.f32 v43, v42;
	v43 =	vadd.s32 v44, v47  }
0xc5: {  	[tilespmem:s1+$0x1010] =	vst v43;
	v43 =	vld [tilespmem:s1+$0x20]  }
0xc6: {  	[tilespmem:s1+$0x3C00] =	vst v42;
	v42 =	vld [tilespmem:s1+$0x820]  }
0xc7: {  	v44 =	vld.idx.msk [tilespmem:v46+s25+$0x0], $0xffff  }
0xc8: {  	v45 =	vld.idx.msk [tilespmem:v45+s25+$0x0], $0xffff;
	_ =	sdelay $0x1  }
0xc9: {  	v46 =	vld [tilespmem:s1+$0x830]  }
0xca: {  	v47 =	vmul.u32 $0x147B, v42  }
0xcb: {  	v48 =	vld [tilespmem:s1+$0x30]  }
0xcc: {  	v49 =	vshll.u32 v43, $0x7;
	v47 =	vshra.s32 v47, $0x13  }
0xcd: {  	v44 =	vmul.f32 v45, v44;
	v45 =	vadd.s32 v47, v49  }
0xce: {  	[tilespmem:s1+$0x1020] =	vst v45;
	v45 =	vmul.u32 $0x147B, v46  }
0xcf: {  	[tilespmem:s1+$0x3C10] =	vst v44  }
0xd0: {  	v42 =	vld.idx.msk [tilespmem:v42+s25+$0x0], $0xffff;
	v44 =	vshra.s32 v45, $0x13;
	v45 =	vshll.u32 v48, $0x7  }
0xd1: {  	v43 =	vld.idx.msk [tilespmem:v43+s25+$0x0], $0xffff;
	v44 =	vadd.s32 v44, v45  }
0xd2: {  	[tilespmem:s1+$0x1030] =	vst v44  }
0xd3: {  	v44 =	vld [tilespmem:s1+$0x840];
	_ =	sdelay $0x1  }
0xd4: {  	v45 =	vld [tilespmem:s1+$0x40];
	_ =	sdelay $0x1  }
0xd5: {  	v42 =	vmul.f32 v43, v42  }
0xd6: {  	v43 =	vmul.u32 $0x147B, v44  }
0xd7: {  	[tilespmem:s1+$0x3C20] =	vst v42  }
0xd8: {  	v42 =	vld.idx.msk [tilespmem:v46+s25+$0x0], $0xffff;
	v43 =	vshra.s32 v43, $0x13;
	v46 =	vshll.u32 v45, $0x7  }
0xd9: {  	v47 =	vld.idx.msk [tilespmem:v48+s25+$0x0], $0xffff;
	v43 =	vadd.s32 v43, v46  }
0xda: {  	[tilespmem:s1+$0x1040] =	vst v43;
	_ =	sdelay $0x4  }
.Ltmp4:
0xdb: {  	s5 =	sshra.s32 s3, $0x2;
	v46 =	vmul.f32 v47, v42;
	(pc) =	sbr.rel @p0 .LBB2_10-.Ltmp4, $4  }
0xdc: {  	v43 =	vld [tilespmem:s5+$0x0]  }
0xdd: {  	v42 =	vld [tilespmem:s5+$0x800];
	[tilespmem:s1+$0x3C30] =	vst v46  }
0xde: {  	v44 =	vld.idx.msk [tilespmem:v44+s25+$0x0], $0xffff  }
0xdf: {  	v45 =	vld.idx.msk [tilespmem:v45+s25+$0x0], $0xffff  }
0xe0: {  	_ =	sdelay $0x1  }
0xe1: {  	v46 =	vmul.u32 $0x147B, v42;
	_ =	sdelay $0x1  }
0xe2: {  	v47 =	vshll.u32 v43, $0x7;
	v46 =	vshra.s32 v46, $0x13  }
0xe3: {  	v44 =	vmul.f32 v45, v44;
	v46 =	vadd.s32 v46, v47  }
0xe4: {  	v57 =	vld [tilespmem:s5+$0x810];
	[tilespmem:s5+$0x1000] =	vst v46  }
0xe5: {  	v58 =	vld [tilespmem:s5+$0x10];
	[tilespmem:s1+$0x3C40] =	vst v44  }
0xe6: {  	v59 =	vld.idx.msk [tilespmem:v43+s25+$0x0], $0xffff  }
0xe7: {  	v60 =	vld.idx.msk [tilespmem:v42+s25+$0x0], $0xffff;
	_ =	sdelay $0x1  }
0xe8: {  	v61 =	vmul.u32 $0x147B, v57;
	_ =	sdelay $0x1  }
0xe9: {  	v62 =	vshll.u32 v58, $0x7;
	v44 =	vshra.s32 v61, $0x13  }
0xea: {  	v44 =	vadd.s32 v44, v62;
	v42 =	vmul.f32 v59, v60  }
0xeb: {  	v52 =	vld [tilespmem:s5+$0x820];
	[tilespmem:s5+$0x1010] =	vst v44  }
0xec: {  	v63 =	vld [tilespmem:s5+$0x20];
	[tilespmem:s5+$0x3C00] =	vst v42  }
0xed: {  	v44 =	vld.idx.msk [tilespmem:v57+s25+$0x0], $0xffff  }
0xee: {  	v53 =	vld.idx.msk [tilespmem:v58+s25+$0x0], $0xffff;
	_ =	sdelay $0x1  }
0xef: {  	v54 =	vmul.u32 $0x147B, v52;
	_ =	sdelay $0x1  }
0xf0: {  	v48 =	vshll.u32 v63, $0x7;
	v46 =	vshra.s32 v54, $0x13  }
0xf1: {  	v56 =	vadd.s32 v46, v48;
	v44 =	vmul.f32 v53, v44  }
0xf2: {  	v55 =	vld [tilespmem:s5+$0x830];
	[tilespmem:s5+$0x1020] =	vst v56  }
0xf3: {  	v49 =	vld [tilespmem:s5+$0x30];
	[tilespmem:s5+$0x3C10] =	vst v44  }
0xf4: {  	v42 =	vld.idx.msk [tilespmem:v52+s25+$0x0], $0xffff  }
0xf5: {  	v43 =	vld.idx.msk [tilespmem:v63+s25+$0x0], $0xffff;
	_ =	sdelay $0x1  }
0xf6: {  	v57 =	vmul.u32 $0x147B, v55;
	_ =	sdelay $0x1  }
0xf7: {  	v58 =	vshll.u32 v49, $0x7;
	v44 =	vshra.s32 v57, $0x13  }
0xf8: {  	v44 =	vadd.s32 v44, v58;
	v42 =	vmul.f32 v43, v42  }
0xf9: {  	v59 =	vld [tilespmem:s5+$0x840];
	[tilespmem:s5+$0x1030] =	vst v44  }
0xfa: {  	v60 =	vld [tilespmem:s5+$0x40];
	[tilespmem:s5+$0x3C20] =	vst v42  }
0xfb: {  	v42 =	vld.idx.msk [tilespmem:v55+s25+$0x0], $0xffff  }
0xfc: {  	v61 =	vld.idx.msk [tilespmem:v49+s25+$0x0], $0xffff;
	_ =	sdelay $0x1  }
0xfd: {  	v62 =	vmul.u32 $0x147B, v59;
	_ =	sdelay $0x1  }
0xfe: {  	v46 =	vshra.s32 v62, $0x13;
	v63 =	vshll.u32 v60, $0x7  }
0xff: {  	v46 =	vadd.s32 v46, v63;
	v42 =	vmul.f32 v61, v42  }
0x100: {  	[tilespmem:s5+$0x1040] =	vst v46  }
0x101: {  	[tilespmem:s5+$0x3C30] =	vst v42  }
0x102: {  	v42 =	vld.idx.msk [tilespmem:v59+s25+$0x0], $0xffff  }
0x103: {  	v43 =	vld.idx.msk [tilespmem:v60+s25+$0x0], $0xffff;
	_ =	sdelay $0x4  }
0x104: {  	v42 =	vmul.f32 v43, v42;
	_ =	sdelay $0x1  }
0x105: {  	s0 =	simm.s32 $0x1000;
	s3 =	simm.s32 $0x3C00;
	[tilespmem:s5+$0x3C40] =	vst v42  }
0x106: {  	[spmem:s2] =	stream.indirect.scatter.add.f32 [tilespmem:s3], [sflag:$0x1], $0x1, s0, s29, $0xb8;
	[tilespmem:$0x1DA00] =	vst v63  }
0x107: {  	s6 =	simm.s32 $0x3C80;
	s5 =	simm.s32 $0x1080  }
0x108: {  	[spmem:s2] =	stream.indirect.scatter.add.f32 [tilespmem:s6], [sflag:$0x1], $0x1, s5, s29, $0xb8;
	[tilespmem:$0x1DA00] =	vst v63  }
0x109: {  	s1 =	simm.s32 $0x1100;
	s3 =	simm.s32 $0x3D00  }
0x10a: {  	[spmem:s2] =	stream.indirect.scatter.add.f32 [tilespmem:s3], [sflag:$0x1], $0x1, s1, s29, $0xb8;
	[tilespmem:$0x1DA00] =	vst v63  }
0x10b: {  	s5 =	simm.s32 $0x1180;
	s6 =	simm.s32 $0x3D80  }
0x10c: {  	[spmem:s2] =	stream.indirect.scatter.add.f32 [tilespmem:s6], [sflag:$0x1], $0x1, s5, s29, $0xb8;
	[tilespmem:$0x1DA00] =	vst v63  }
0x10d: {  	s1 =	simm.s32 $0x1200;
	s3 =	simm.s32 $0x3E00  }
0x10e: {  	[spmem:s2] =	stream.indirect.scatter.add.f32 [tilespmem:s3], [sflag:$0x1], $0x1, s1, s29, $0xb8;
	[tilespmem:$0x1DA00] =	vst v63  }
0x10f: {  	s5 =	simm.s32 $0x1280;
	s6 =	simm.s32 $0x3E80  }
0x110: {  	[spmem:s2] =	stream.indirect.scatter.add.f32 [tilespmem:s6], [sflag:$0x1], $0x1, s5, s29, $0xb8;
	[tilespmem:$0x1DA00] =	vst v63  }
0x111: {  	s1 =	simm.s32 $0x1300;
	s3 =	simm.s32 $0x3F00  }
0x112: {  	[spmem:s2] =	stream.indirect.scatter.add.f32 [tilespmem:s3], [sflag:$0x1], $0x1, s1, s29, $0xb8;
	[tilespmem:$0x1DA00] =	vst v63  }
0x113: {  	s5 =	simm.s32 $0x1380;
	s6 =	simm.s32 $0x3F80  }
0x114: {  	[spmem:s2] =	stream.indirect.scatter.add.f32 [tilespmem:s6], [sflag:$0x1], $0x1, s5, s29, $0xb8;
	[tilespmem:$0x1DA00] =	vst v63  }
0x115: {  	s1 =	simm.s32 $0x1400;
	s3 =	simm.s32 $0x4000  }
0x116: {  	[spmem:s2] =	stream.indirect.scatter.add.f32 [tilespmem:s3], [sflag:$0x1], $0x1, s1, s29, $0xb8;
	[tilespmem:$0x1DA00] =	vst v63  }
0x117: {  	s5 =	simm.s32 $0x1480;
	s6 =	simm.s32 $0x4080  }
0x118: {  	[spmem:s2] =	stream.indirect.scatter.add.f32 [tilespmem:s6], [sflag:$0x1], $0x1, s5, s29, $0xb8;
	[tilespmem:$0x1DA00] =	vst v63  }
0x119: {  	s1 =	simm.s32 $0x1500;
	s3 =	simm.s32 $0x4100  }
0x11a: {  	[spmem:s2] =	stream.indirect.scatter.add.f32 [tilespmem:s3], [sflag:$0x1], $0x1, s1, s29, $0xb8;
	[tilespmem:$0x1DA00] =	vst v63  }
0x11b: {  	s5 =	simm.s32 $0x1580;
	s6 =	simm.s32 $0x4180  }
0x11c: {  	[spmem:s2] =	stream.indirect.scatter.add.f32 [tilespmem:s6], [sflag:$0x1], $0x1, s5, s29, $0xb8;
	[tilespmem:$0x1DA00] =	vst v63  }
0x11d: {  	s1 =	simm.s32 $0x1600;
	s3 =	simm.s32 $0x4200  }
0x11e: {  	[spmem:s2] =	stream.indirect.scatter.add.f32 [tilespmem:s3], [sflag:$0x1], $0x1, s1, s29, $0xb8;
	[tilespmem:$0x1DA00] =	vst v63  }
0x11f: {  	s5 =	simm.s32 $0x1680;
	s6 =	simm.s32 $0x4280  }
0x120: {  	[spmem:s2] =	stream.indirect.scatter.add.f32 [tilespmem:s6], [sflag:$0x1], $0x1, s5, s29, $0xb8;
	[tilespmem:$0x1DA00] =	vst v63  }
0x121: {  	s1 =	simm.s32 $0x1700;
	s3 =	simm.s32 $0x4300  }
0x122: {  	[spmem:s2] =	stream.indirect.scatter.add.f32 [tilespmem:s3], [sflag:$0x1], $0x1, s1, s29, $0xb8;
	[tilespmem:$0x1DA00] =	vst v63  }
0x123: {  	s0 =	simm.s32 $0x0;
	s5 =	rddreg [dreg:$0x4]  }
0x124: {  	[tilespmem:s0], [sflag:$0x2] =	stream.linear.gather [hbm4b:s5+s0], $0x7D0, $0x38;
	[tilespmem:$0x1DA00] =	vst v63  }
0x125: {  	_ =	swait.ge [sflag:s24], $0x7D0  }
0x126: {  	[sflag:s24] =	ssyncset.done $0x0  }
0x127: {  	s6 =	rddreg [dreg:$0x5];
	[sflag:s24] =	ssyncadd.s32 $0xFFFFF830  }
0x128: {  	[tilespmem:s28], [sflag:$0x2] =	stream.linear.gather [hbm4b:s6+s0], $0x7D0, $0x38;
	[tilespmem:$0x1DA00] =	vst v63  }
0x129: {  	_ =	swait.ge [sflag:s24], $0x7D0  }
0x12a: {  	[sflag:s24] =	ssyncset.done $0x0  }
0x12b: {  	s30 =	simm.s32 $0x820;
	[sflag:s24] =	ssyncadd.s32 $0xFFFFF830  }
0x12c: {  	v48 =	vld [tilespmem:s30+$0xFFFFFFE0]  }
0x12d: {  	s31 =	simm.s32 $0x20  }
0x12e: {  	v49 =	vld [tilespmem:s31+$0xFFFFFFE0];
	_ =	sdelay $0x2  }
0x12f: {  	v50 =	vmul.u32 $0x147B, v48;
	_ =	sdelay $0x1  }
0x130: {  	v51 =	vshll.u32 v49, $0x7;
	v44 =	vshra.s32 v50, $0x13  }
0x131: {  	s3 =	simm.s32 $0x1810;
	v44 =	vadd.s32 v44, v51  }
0x132: {  	[tilespmem:s3+$0xFFFFFFC0] =	vst v44  }
0x133: {  	v42 =	vld.idx.msk [tilespmem:v48+s25+$0x0], $0xffff  }
0x134: {  	v43 =	vld.idx.msk [tilespmem:v49+s25+$0x0], $0xffff;
	_ =	sdelay $0x4  }
0x135: {  	v42 =	vmul.f32 v43, v42  }
0x136: {  	s1 =	simm.s32 $0x4410  }
0x137: {  	[tilespmem:s1+$0xFFFFFFC0] =	vst v42  }
0x138: {  	v42 =	vld [tilespmem:s30+$0xFFFFFFF0];
	_ =	sdelay $0x1  }
0x139: {  	v52 =	vld [tilespmem:s31+$0xFFFFFFF0];
	_ =	sdelay $0x2  }
0x13a: {  	v53 =	vmul.u32 $0x147B, v42;
	_ =	sdelay $0x1  }
0x13b: {  	v54 =	vshll.u32 v52, $0x7;
	v44 =	vshra.s32 v53, $0x13  }
0x13c: {  	v44 =	vadd.s32 v44, v54  }
0x13d: {  	[tilespmem:s3+$0xFFFFFFD0] =	vst v44  }
0x13e: {  	v42 =	vld.idx.msk [tilespmem:v42+s25+$0x0], $0xffff  }
0x13f: {  	v43 =	vld.idx.msk [tilespmem:v52+s25+$0x0], $0xffff;
	_ =	sdelay $0x4  }
0x140: {  	v42 =	vmul.f32 v43, v42;
	_ =	sdelay $0x1  }
0x141: {  	[tilespmem:s1+$0xFFFFFFD0] =	vst v42  }
0x142: {  	v42 =	vld [tilespmem:s30+$0x0];
	_ =	sdelay $0x1  }
0x143: {  	v55 =	vld [tilespmem:s31+$0x0];
	_ =	sdelay $0x2  }
0x144: {  	v56 =	vmul.u32 $0x147B, v42;
	_ =	sdelay $0x1  }
0x145: {  	v57 =	vshll.u32 v55, $0x7;
	v44 =	vshra.s32 v56, $0x13  }
0x146: {  	v44 =	vadd.s32 v44, v57  }
0x147: {  	[tilespmem:s3+$0xFFFFFFE0] =	vst v44  }
0x148: {  	v42 =	vld.idx.msk [tilespmem:v42+s25+$0x0], $0xffff  }
0x149: {  	v43 =	vld.idx.msk [tilespmem:v55+s25+$0x0], $0xffff;
	_ =	sdelay $0x4  }
0x14a: {  	v42 =	vmul.f32 v43, v42;
	_ =	sdelay $0x1  }
0x14b: {  	[tilespmem:s1+$0xFFFFFFE0] =	vst v42  }
0x14c: {  	v42 =	vld [tilespmem:s30+$0x10];
	_ =	sdelay $0x1  }
0x14d: {  	v58 =	vld [tilespmem:s31+$0x10];
	_ =	sdelay $0x2  }
0x14e: {  	v59 =	vmul.u32 $0x147B, v42;
	_ =	sdelay $0x1  }
0x14f: {  	v60 =	vshll.u32 v58, $0x7;
	v44 =	vshra.s32 v59, $0x13  }
0x150: {  	s0 =	sand.u32 $0xFF0, s0;
	v44 =	vadd.s32 v44, v60  }
0x151: {  	[tilespmem:s0+$0x1800] =	vst v44  }
0x152: {  	v42 =	vld.idx.msk [tilespmem:v42+s25+$0x0], $0xffff  }
0x153: {  	v43 =	vld.idx.msk [tilespmem:v58+s25+$0x0], $0xffff;
	_ =	sdelay $0x4  }
0x154: {  	v42 =	vmul.f32 v43, v42;
	_ =	sdelay $0x1  }
0x155: {  	[tilespmem:s0+$0x4400] =	vst v42  }
0x156: {  	v42 =	vld [tilespmem:s30+$0x20];
	_ =	sdelay $0x1  }
0x157: {  	v61 =	vld [tilespmem:s31+$0x20];
	_ =	sdelay $0x2  }
0x158: {  	v62 =	vmul.u32 $0x147B, v42;
	_ =	sdelay $0x1  }
0x159: {  	v63 =	vshll.u32 v61, $0x7;
	v44 =	vshra.s32 v62, $0x13  }
0x15a: {  	v44 =	vadd.s32 v44, v63  }
0x15b: {  	[tilespmem:s3+$0x0] =	vst v44  }
0x15c: {  	v42 =	vld.idx.msk [tilespmem:v42+s25+$0x0], $0xffff  }
0x15d: {  	v43 =	vld.idx.msk [tilespmem:v61+s25+$0x0], $0xffff  }
0x15e: {  	s5 =	simm.s32 $0x1860;
	s0 =	simm.s32 $0x50;
	s3 =	simm.s32 $0x4410  }
.LBB2_12:
0x15f: {  	s31 =	sadd.s32 $0x50, s31;
	s30 =	sadd.s32 $0x50, s30;
	s1 =	sadd.s32 $0x50, s1  }
0x160: {  	p0 =	sne.s32 s0, $0x780;
	s6 =	smov.u32 s0;
	s0 =	sadd.s32 $0x50, s0  }
0x161: {  	_ = 	snop  }
0x162: {  	v42 =	vmul.f32 v43, v42;
	_ =	sdelay $0x1  }
0x163: {  	[tilespmem:s3+$0x0] =	vst v42;
	s3 =	smov.u32 s1  }
0x164: {  	v42 =	vld [tilespmem:s30+$0xFFFFFFE0];
	_ =	sdelay $0x1  }
0x165: {  	v43 =	vld [tilespmem:s31+$0xFFFFFFE0];
	_ =	sdelay $0x2  }
0x166: {  	v44 =	vmul.u32 $0x147B, v42;
	_ =	sdelay $0x1  }
0x167: {  	v44 =	vshra.s32 v44, $0x13;
	v45 =	vshll.u32 v43, $0x7  }
0x168: {  	v44 =	vadd.s32 v44, v45  }
0x169: {  	[tilespmem:s5+$0xFFFFFFC0] =	vst v44  }
0x16a: {  	v42 =	vld.idx.msk [tilespmem:v42+s25+$0x0], $0xffff  }
0x16b: {  	v43 =	vld.idx.msk [tilespmem:v43+s25+$0x0], $0xffff;
	_ =	sdelay $0x5  }
0x16c: {  	v42 =	vmul.f32 v43, v42;
	_ =	sdelay $0x1  }
0x16d: {  	[tilespmem:s1+$0xFFFFFFC0] =	vst v42  }
0x16e: {  	v42 =	vld [tilespmem:s30+$0xFFFFFFF0]  }
0x16f: {  	v43 =	vld [tilespmem:s31+$0xFFFFFFF0];
	_ =	sdelay $0x3  }
0x170: {  	v44 =	vmul.u32 $0x147B, v42  }
0x171: {  	v45 =	vshll.u32 v43, $0x7  }
0x172: {  	v44 =	vshra.s32 v44, $0x13  }
0x173: {  	v44 =	vadd.s32 v44, v45  }
0x174: {  	[tilespmem:s5+$0xFFFFFFD0] =	vst v44  }
0x175: {  	v42 =	vld.idx.msk [tilespmem:v42+s25+$0x0], $0xffff  }
0x176: {  	v43 =	vld.idx.msk [tilespmem:v43+s25+$0x0], $0xffff;
	_ =	sdelay $0x5  }
0x177: {  	v42 =	vmul.f32 v43, v42;
	_ =	sdelay $0x1  }
0x178: {  	[tilespmem:s1+$0xFFFFFFD0] =	vst v42  }
0x179: {  	v42 =	vld [tilespmem:s30+$0x0]  }
0x17a: {  	v43 =	vld [tilespmem:s31+$0x0];
	_ =	sdelay $0x3  }
0x17b: {  	v44 =	vmul.u32 $0x147B, v42;
	_ =	sdelay $0x1  }
0x17c: {  	v45 =	vshll.u32 v43, $0x7;
	v44 =	vshra.s32 v44, $0x13  }
0x17d: {  	v44 =	vadd.s32 v44, v45  }
0x17e: {  	[tilespmem:s5+$0xFFFFFFE0] =	vst v44  }
0x17f: {  	v42 =	vld.idx.msk [tilespmem:v42+s25+$0x0], $0xffff  }
0x180: {  	v43 =	vld.idx.msk [tilespmem:v43+s25+$0x0], $0xffff;
	_ =	sdelay $0x5  }
0x181: {  	v42 =	vmul.f32 v43, v42;
	_ =	sdelay $0x1  }
0x182: {  	[tilespmem:s1+$0xFFFFFFE0] =	vst v42  }
0x183: {  	v42 =	vld [tilespmem:s30+$0x10]  }
0x184: {  	v43 =	vld [tilespmem:s31+$0x10];
	_ =	sdelay $0x3  }
0x185: {  	v44 =	vmul.u32 $0x147B, v42;
	_ =	sdelay $0x1  }
0x186: {  	v45 =	vshll.u32 v43, $0x7;
	v44 =	vshra.s32 v44, $0x13  }
0x187: {  	s6 =	sand.u32 $0xFF0, s6;
	v44 =	vadd.s32 v44, v45  }
0x188: {  	[tilespmem:s6+$0x1800] =	vst v44  }
0x189: {  	v42 =	vld.idx.msk [tilespmem:v42+s25+$0x0], $0xffff  }
0x18a: {  	v43 =	vld.idx.msk [tilespmem:v43+s25+$0x0], $0xffff;
	_ =	sdelay $0x5  }
0x18b: {  	v42 =	vmul.f32 v43, v42;
	_ =	sdelay $0x1  }
0x18c: {  	[tilespmem:s6+$0x4400] =	vst v42  }
0x18d: {  	v42 =	vld [tilespmem:s30+$0x20]  }
0x18e: {  	v43 =	vld [tilespmem:s31+$0x20];
	_ =	sdelay $0x3  }
0x18f: {  	v44 =	vmul.u32 $0x147B, v42;
	_ =	sdelay $0x1  }
0x190: {  	v45 =	vshll.u32 v43, $0x7;
	v44 =	vshra.s32 v44, $0x13  }
0x191: {  	v44 =	vadd.s32 v44, v45  }
.Ltmp5:
0x192: {  	[tilespmem:s5+$0x0] =	vst v44;
	(pc) =	sbr.rel @p0 .LBB2_12-.Ltmp5, $3  }
0x193: {  	v42 =	vld.idx.msk [tilespmem:v42+s25+$0x0], $0xffff  }
0x194: {  	v43 =	vld.idx.msk [tilespmem:v43+s25+$0x0], $0xffff;
	_ =	sdelay $0x1  }
0x195: {  	s5 =	sadd.s32 $0x50, s5  }
0x196: {  	_ =	sdelay $0x1  }
0x197: {  	v42 =	vmul.f32 v43, v42;
	_ =	sdelay $0x1  }
0x198: {  	s0 =	simm.s32 $0x1780;
	s1 =	simm.s32 $0x4380;
	[tilespmem:s3+$0x0] =	vst v42  }
0x199: {  	[spmem:s2] =	stream.indirect.scatter.add.f32 [tilespmem:s1], [sflag:$0x1], $0x1, s0, s29, $0xb8;
	[tilespmem:$0x1DA00] =	vst v63  }
0x19a: {  	s30 =	simm.s32 $0x1800;
	s31 =	simm.s32 $0x4400  }
0x19b: {  	[spmem:s2] =	stream.indirect.scatter.add.f32 [tilespmem:s31], [sflag:$0x1], $0x1, s30, s29, $0xb8;
	[tilespmem:$0x1DA00] =	vst v63  }
0x19c: {  	s3 =	simm.s32 $0x4480;
	s1 =	simm.s32 $0x1880  }
0x19d: {  	[spmem:s2] =	stream.indirect.scatter.add.f32 [tilespmem:s3], [sflag:$0x1], $0x1, s1, s29, $0xb8;
	[tilespmem:$0x1DA00] =	vst v63  }
0x19e: {  	s5 =	simm.s32 $0x1900;
	s6 =	simm.s32 $0x4500  }
0x19f: {  	[spmem:s2] =	stream.indirect.scatter.add.f32 [tilespmem:s6], [sflag:$0x1], $0x1, s5, s29, $0xb8;
	[tilespmem:$0x1DA00] =	vst v63  }
0x1a0: {  	s30 =	simm.s32 $0x1980;
	s31 =	simm.s32 $0x4580  }
0x1a1: {  	[spmem:s2] =	stream.indirect.scatter.add.f32 [tilespmem:s31], [sflag:$0x1], $0x1, s30, s29, $0xb8;
	[tilespmem:$0x1DA00] =	vst v63  }
0x1a2: {  	s1 =	simm.s32 $0x1A00;
	s3 =	simm.s32 $0x4600  }
0x1a3: {  	[spmem:s2] =	stream.indirect.scatter.add.f32 [tilespmem:s3], [sflag:$0x1], $0x1, s1, s29, $0xb8;
	[tilespmem:$0x1DA00] =	vst v63  }
0x1a4: {  	s5 =	simm.s32 $0x1A80;
	s6 =	simm.s32 $0x4680  }
0x1a5: {  	[spmem:s2] =	stream.indirect.scatter.add.f32 [tilespmem:s6], [sflag:$0x1], $0x1, s5, s29, $0xb8;
	[tilespmem:$0x1DA00] =	vst v63  }
0x1a6: {  	s30 =	simm.s32 $0x1B00;
	s31 =	simm.s32 $0x4700  }
0x1a7: {  	[spmem:s2] =	stream.indirect.scatter.add.f32 [tilespmem:s31], [sflag:$0x1], $0x1, s30, s29, $0xb8;
	[tilespmem:$0x1DA00] =	vst v63  }
0x1a8: {  	s1 =	simm.s32 $0x1B80;
	s3 =	simm.s32 $0x4780  }
0x1a9: {  	[spmem:s2] =	stream.indirect.scatter.add.f32 [tilespmem:s3], [sflag:$0x1], $0x1, s1, s29, $0xb8;
	[tilespmem:$0x1DA00] =	vst v63  }
0x1aa: {  	s5 =	simm.s32 $0x1C00;
	s6 =	simm.s32 $0x4800  }
0x1ab: {  	[spmem:s2] =	stream.indirect.scatter.add.f32 [tilespmem:s6], [sflag:$0x1], $0x1, s5, s29, $0xb8;
	[tilespmem:$0x1DA00] =	vst v63  }
0x1ac: {  	s30 =	simm.s32 $0x1C80;
	s31 =	simm.s32 $0x4880  }
0x1ad: {  	[spmem:s2] =	stream.indirect.scatter.add.f32 [tilespmem:s31], [sflag:$0x1], $0x1, s30, s29, $0xb8;
	[tilespmem:$0x1DA00] =	vst v63  }
0x1ae: {  	s1 =	simm.s32 $0x1D00;
	s3 =	simm.s32 $0x4900  }
0x1af: {  	[spmem:s2] =	stream.indirect.scatter.add.f32 [tilespmem:s3], [sflag:$0x1], $0x1, s1, s29, $0xb8;
	[tilespmem:$0x1DA00] =	vst v63  }
0x1b0: {  	s5 =	simm.s32 $0x1D80;
	s6 =	simm.s32 $0x4980  }
0x1b1: {  	[spmem:s2] =	stream.indirect.scatter.add.f32 [tilespmem:s6], [sflag:$0x1], $0x1, s5, s29, $0xb8;
	[tilespmem:$0x1DA00] =	vst v63  }
0x1b2: {  	s30 =	simm.s32 $0x1E00;
	s31 =	simm.s32 $0x4A00  }
0x1b3: {  	[spmem:s2] =	stream.indirect.scatter.add.f32 [tilespmem:s31], [sflag:$0x1], $0x1, s30, s29, $0xb8;
	[tilespmem:$0x1DA00] =	vst v63  }
0x1b4: {  	s3 =	simm.s32 $0x1E80;
	s5 =	simm.s32 $0x4A80  }
0x1b5: {  	[spmem:s2] =	stream.indirect.scatter.add.f32 [tilespmem:s5], [sflag:$0x1], $0x1, s3, s29, $0xb8;
	[tilespmem:$0x1DA00] =	vst v63  }
0x1b6: {  	s6 =	simm.s32 $0x1F00;
	s30 =	simm.s32 $0x4B00  }
0x1b7: {  	[spmem:s2] =	stream.indirect.scatter.add.f32 [tilespmem:s30], [sflag:$0x1], $0x1, s6, s29, $0xb8;
	[tilespmem:$0x1DA00] =	vst v63  }
0x1b8: {  	s31 =	simm.s32 $0x0  }
0x1b9: {  	[tilespmem:s31], [sflag:$0x2] =	stream.linear.gather [hbm4b:s14+s31], $0x7D0, $0x38;
	[tilespmem:$0x1DA00] =	vst v63  }
0x1ba: {  	_ =	swait.ge [sflag:s24], $0x7D0  }
0x1bb: {  	[sflag:s24] =	ssyncset.done $0x0  }
0x1bc: {  	[sflag:s24] =	ssyncadd.s32 $0xFFFFF830  }
0x1bd: {  	[tilespmem:s28], [sflag:$0x2] =	stream.linear.gather [hbm4b:s15+s31], $0x7D0, $0x38;
	[tilespmem:$0x1DA00] =	vst v63  }
0x1be: {  	_ =	swait.ge [sflag:s24], $0x7D0  }
0x1bf: {  	[sflag:s24] =	ssyncset.done $0x0  }
0x1c0: {  	s1 =	simm.s32 $0x0;
	[sflag:s24] =	ssyncadd.s32 $0xFFFFF830  }
0x1c1: {  	v48 =	vld [tilespmem:s1+$0x800];
	_ =	sdelay $0x1  }
0x1c2: {  	v49 =	vld [tilespmem:s1+$0x0];
	_ =	sdelay $0x2  }
0x1c3: {  	v44 =	vmul.u32 $0x147B, v48;
	_ =	sdelay $0x1  }
0x1c4: {  	v45 =	vshll.u32 v49, $0x7;
	v44 =	vshra.s32 v44, $0x13  }
0x1c5: {  	v50 =	vld [tilespmem:s1+$0x810];
	v44 =	vadd.s32 v44, v45  }
0x1c6: {  	v51 =	vld [tilespmem:s1+$0x10];
	[tilespmem:s1+$0x1FA0] =	vst v44  }
0x1c7: {  	v43 =	vld.idx.msk [tilespmem:v49+s25+$0x0], $0xffff  }
0x1c8: {  	v42 =	vld.idx.msk [tilespmem:v48+s25+$0x0], $0xffff;
	_ =	sdelay $0x1  }
0x1c9: {  	v46 =	vmul.u32 $0x147B, v50;
	_ =	sdelay $0x1  }
0x1ca: {  	v47 =	vshll.u32 v51, $0x7;
	v46 =	vshra.s32 v46, $0x13  }
0x1cb: {  	v46 =	vadd.s32 v46, v47;
	v42 =	vmul.f32 v43, v42  }
0x1cc: {  	v53 =	vld [tilespmem:s1+$0x820];
	[tilespmem:s1+$0x1FB0] =	vst v46  }
0x1cd: {  	v52 =	vld [tilespmem:s1+$0x20];
	[tilespmem:s1+$0x4BA0] =	vst v42  }
0x1ce: {  	v44 =	vld.idx.msk [tilespmem:v50+s25+$0x0], $0xffff  }
0x1cf: {  	v45 =	vld.idx.msk [tilespmem:v51+s25+$0x0], $0xffff;
	_ =	sdelay $0x1  }
0x1d0: {  	v54 =	vmul.u32 $0x147B, v53;
	_ =	sdelay $0x1  }
0x1d1: {  	v46 =	vshra.s32 v54, $0x13;
	v48 =	vshll.u32 v52, $0x7  }
0x1d2: {  	v56 =	vadd.s32 v46, v48;
	v44 =	vmul.f32 v45, v44  }
0x1d3: {  	v55 =	vld [tilespmem:s1+$0x830];
	[tilespmem:s1+$0x1FC0] =	vst v56  }
0x1d4: {  	v49 =	vld [tilespmem:s1+$0x30];
	[tilespmem:s1+$0x4BB0] =	vst v44  }
0x1d5: {  	v42 =	vld.idx.msk [tilespmem:v53+s25+$0x0], $0xffff  }
0x1d6: {  	v43 =	vld.idx.msk [tilespmem:v52+s25+$0x0], $0xffff;
	_ =	sdelay $0x1  }
0x1d7: {  	v57 =	vmul.u32 $0x147B, v55;
	_ =	sdelay $0x1  }
0x1d8: {  	v58 =	vshll.u32 v49, $0x7;
	v44 =	vshra.s32 v57, $0x13  }
0x1d9: {  	v59 =	vld [tilespmem:s1+$0x840];
	v44 =	vadd.s32 v44, v58;
	v42 =	vmul.f32 v43, v42  }
0x1da: {  	[tilespmem:s1+$0x1FD0] =	vst v44  }
0x1db: {  	v60 =	vld [tilespmem:s1+$0x40];
	[tilespmem:s1+$0x4BC0] =	vst v42  }
0x1dc: {  	v42 =	vld.idx.msk [tilespmem:v55+s25+$0x0], $0xffff  }
0x1dd: {  	v62 =	vld.idx.msk [tilespmem:v49+s25+$0x0], $0xffff  }
0x1de: {  	v61 =	vmul.u32 $0x147B, v59;
	_ =	sdelay $0x1  }
0x1df: {  	v63 =	vshll.u32 v60, $0x7;
	v43 =	vshra.s32 v61, $0x13  }
0x1e0: {  	v43 =	vadd.s32 v43, v63  }
0x1e1: {  	s5 =	simm.s32 $0x50;
	[tilespmem:s1+$0x1FE0] =	vst v43;
	v46 =	vmul.f32 v62, v42  }
0x1e2: {  	v43 =	vld [tilespmem:s5+$0x0]  }
0x1e3: {  	v42 =	vld [tilespmem:s5+$0x800];
	[tilespmem:s1+$0x4BD0] =	vst v46  }
0x1e4: {  	v44 =	vld.idx.msk [tilespmem:v59+s25+$0x0], $0xffff  }
0x1e5: {  	s0 =	simm.s32 $0x280;
	v45 =	vld.idx.msk [tilespmem:v60+s25+$0x0], $0xffff  }
.LBB2_14:
0x1e6: {  	p0 =	sne.s32 s0, $0x1E00;
	s3 =	smov.u32 s0;
	s0 =	sadd.s32 $0x140, s0  }
0x1e7: {  	_ = 	snop  }
0x1e8: {  	v46 =	vmul.u32 $0x147B, v42;
	_ =	sdelay $0x1  }
0x1e9: {  	v47 =	vshll.u32 v43, $0x7;
	v46 =	vshra.s32 v46, $0x13  }
0x1ea: {  	v44 =	vmul.f32 v45, v44;
	v46 =	vadd.s32 v46, v47  }
0x1eb: {  	[tilespmem:s5+$0x1FA0] =	vst v46;
	v45 =	vld [tilespmem:s5+$0x10]  }
0x1ec: {  	v46 =	vld [tilespmem:s5+$0x810];
	[tilespmem:s1+$0x4BE0] =	vst v44;
	s1 =	smov.u32 s5  }
0x1ed: {  	v43 =	vld.idx.msk [tilespmem:v43+s25+$0x0], $0xffff  }
0x1ee: {  	v42 =	vld.idx.msk [tilespmem:v42+s25+$0x0], $0xffff;
	_ =	sdelay $0x2  }
0x1ef: {  	v44 =	vmul.u32 $0x147B, v46;
	_ =	sdelay $0x1  }
0x1f0: {  	v47 =	vshll.u32 v45, $0x7;
	v44 =	vshra.s32 v44, $0x13  }
0x1f1: {  	v42 =	vmul.f32 v43, v42;
	v43 =	vadd.s32 v44, v47  }
0x1f2: {  	[tilespmem:s1+$0x1FB0] =	vst v43;
	v43 =	vld [tilespmem:s1+$0x20]  }
0x1f3: {  	[tilespmem:s1+$0x4BA0] =	vst v42;
	v42 =	vld [tilespmem:s1+$0x820]  }
0x1f4: {  	v44 =	vld.idx.msk [tilespmem:v46+s25+$0x0], $0xffff  }
0x1f5: {  	v45 =	vld.idx.msk [tilespmem:v45+s25+$0x0], $0xffff;
	_ =	sdelay $0x1  }
0x1f6: {  	v46 =	vld [tilespmem:s1+$0x830]  }
0x1f7: {  	v47 =	vmul.u32 $0x147B, v42  }
0x1f8: {  	v48 =	vld [tilespmem:s1+$0x30]  }
0x1f9: {  	v49 =	vshll.u32 v43, $0x7;
	v47 =	vshra.s32 v47, $0x13  }
0x1fa: {  	v44 =	vmul.f32 v45, v44;
	v45 =	vadd.s32 v47, v49  }
0x1fb: {  	[tilespmem:s1+$0x1FC0] =	vst v45;
	v45 =	vmul.u32 $0x147B, v46  }
0x1fc: {  	[tilespmem:s1+$0x4BB0] =	vst v44  }
0x1fd: {  	v42 =	vld.idx.msk [tilespmem:v42+s25+$0x0], $0xffff;
	v44 =	vshra.s32 v45, $0x13;
	v45 =	vshll.u32 v48, $0x7  }
0x1fe: {  	v43 =	vld.idx.msk [tilespmem:v43+s25+$0x0], $0xffff;
	v44 =	vadd.s32 v44, v45  }
0x1ff: {  	[tilespmem:s1+$0x1FD0] =	vst v44  }
0x200: {  	v44 =	vld [tilespmem:s1+$0x840];
	_ =	sdelay $0x1  }
0x201: {  	v45 =	vld [tilespmem:s1+$0x40];
	_ =	sdelay $0x1  }
0x202: {  	v42 =	vmul.f32 v43, v42  }
0x203: {  	v43 =	vmul.u32 $0x147B, v44  }
0x204: {  	[tilespmem:s1+$0x4BC0] =	vst v42  }
0x205: {  	v42 =	vld.idx.msk [tilespmem:v46+s25+$0x0], $0xffff;
	v43 =	vshra.s32 v43, $0x13;
	v46 =	vshll.u32 v45, $0x7  }
0x206: {  	v47 =	vld.idx.msk [tilespmem:v48+s25+$0x0], $0xffff;
	v43 =	vadd.s32 v43, v46  }
0x207: {  	[tilespmem:s1+$0x1FE0] =	vst v43;
	_ =	sdelay $0x4  }
.Ltmp6:
0x208: {  	s5 =	sshra.s32 s3, $0x2;
	v46 =	vmul.f32 v47, v42;
	(pc) =	sbr.rel @p0 .LBB2_14-.Ltmp6, $4  }
0x209: {  	v43 =	vld [tilespmem:s5+$0x0]  }
0x20a: {  	v42 =	vld [tilespmem:s5+$0x800];
	[tilespmem:s1+$0x4BD0] =	vst v46  }
0x20b: {  	v44 =	vld.idx.msk [tilespmem:v44+s25+$0x0], $0xffff  }
0x20c: {  	v45 =	vld.idx.msk [tilespmem:v45+s25+$0x0], $0xffff  }
0x20d: {  	_ =	sdelay $0x1  }
0x20e: {  	v46 =	vmul.u32 $0x147B, v42;
	_ =	sdelay $0x1  }
0x20f: {  	v47 =	vshll.u32 v43, $0x7;
	v46 =	vshra.s32 v46, $0x13  }
0x210: {  	v44 =	vmul.f32 v45, v44;
	v46 =	vadd.s32 v46, v47  }
0x211: {  	v57 =	vld [tilespmem:s5+$0x810];
	[tilespmem:s5+$0x1FA0] =	vst v46  }
0x212: {  	v58 =	vld [tilespmem:s5+$0x10];
	[tilespmem:s1+$0x4BE0] =	vst v44  }
0x213: {  	v59 =	vld.idx.msk [tilespmem:v43+s25+$0x0], $0xffff  }
0x214: {  	v60 =	vld.idx.msk [tilespmem:v42+s25+$0x0], $0xffff;
	_ =	sdelay $0x1  }
0x215: {  	v61 =	vmul.u32 $0x147B, v57;
	_ =	sdelay $0x1  }
0x216: {  	v62 =	vshll.u32 v58, $0x7;
	v44 =	vshra.s32 v61, $0x13  }
0x217: {  	v44 =	vadd.s32 v44, v62;
	v42 =	vmul.f32 v59, v60  }
0x218: {  	v52 =	vld [tilespmem:s5+$0x820];
	[tilespmem:s5+$0x1FB0] =	vst v44  }
0x219: {  	v63 =	vld [tilespmem:s5+$0x20];
	[tilespmem:s5+$0x4BA0] =	vst v42  }
0x21a: {  	v44 =	vld.idx.msk [tilespmem:v57+s25+$0x0], $0xffff  }
0x21b: {  	v53 =	vld.idx.msk [tilespmem:v58+s25+$0x0], $0xffff;
	_ =	sdelay $0x1  }
0x21c: {  	v54 =	vmul.u32 $0x147B, v52;
	_ =	sdelay $0x1  }
0x21d: {  	v48 =	vshll.u32 v63, $0x7;
	v46 =	vshra.s32 v54, $0x13  }
0x21e: {  	v56 =	vadd.s32 v46, v48;
	v44 =	vmul.f32 v53, v44  }
0x21f: {  	v55 =	vld [tilespmem:s5+$0x830];
	[tilespmem:s5+$0x1FC0] =	vst v56  }
0x220: {  	v49 =	vld [tilespmem:s5+$0x30];
	[tilespmem:s5+$0x4BB0] =	vst v44  }
0x221: {  	v42 =	vld.idx.msk [tilespmem:v52+s25+$0x0], $0xffff  }
0x222: {  	v43 =	vld.idx.msk [tilespmem:v63+s25+$0x0], $0xffff;
	_ =	sdelay $0x1  }
0x223: {  	v57 =	vmul.u32 $0x147B, v55;
	_ =	sdelay $0x1  }
0x224: {  	v58 =	vshll.u32 v49, $0x7;
	v44 =	vshra.s32 v57, $0x13  }
0x225: {  	v44 =	vadd.s32 v44, v58;
	v42 =	vmul.f32 v43, v42  }
0x226: {  	v59 =	vld [tilespmem:s5+$0x840];
	[tilespmem:s5+$0x1FD0] =	vst v44  }
0x227: {  	v60 =	vld [tilespmem:s5+$0x40];
	[tilespmem:s5+$0x4BC0] =	vst v42  }
0x228: {  	v42 =	vld.idx.msk [tilespmem:v55+s25+$0x0], $0xffff  }
0x229: {  	v61 =	vld.idx.msk [tilespmem:v49+s25+$0x0], $0xffff;
	_ =	sdelay $0x1  }
0x22a: {  	v62 =	vmul.u32 $0x147B, v59;
	_ =	sdelay $0x1  }
0x22b: {  	v46 =	vshra.s32 v62, $0x13;
	v63 =	vshll.u32 v60, $0x7  }
0x22c: {  	v46 =	vadd.s32 v46, v63;
	v42 =	vmul.f32 v61, v42  }
0x22d: {  	[tilespmem:s5+$0x1FE0] =	vst v46  }
0x22e: {  	[tilespmem:s5+$0x4BD0] =	vst v42  }
0x22f: {  	v42 =	vld.idx.msk [tilespmem:v59+s25+$0x0], $0xffff  }
0x230: {  	v43 =	vld.idx.msk [tilespmem:v60+s25+$0x0], $0xffff;
	_ =	sdelay $0x4  }
0x231: {  	v42 =	vmul.f32 v43, v42;
	_ =	sdelay $0x1  }
0x232: {  	s0 =	simm.s32 $0x1F80;
	s3 =	simm.s32 $0x4B80;
	[tilespmem:s5+$0x4BE0] =	vst v42  }
0x233: {  	[spmem:s2] =	stream.indirect.scatter.add.f32 [tilespmem:s3], [sflag:$0x1], $0x1, s0, s29, $0xb8;
	[tilespmem:$0x1DA00] =	vst v63  }
0x234: {  	s6 =	simm.s32 $0x4C00;
	s5 =	simm.s32 $0x2000  }
0x235: {  	[spmem:s2] =	stream.indirect.scatter.add.f32 [tilespmem:s6], [sflag:$0x1], $0x1, s5, s29, $0xb8;
	[tilespmem:$0x1DA00] =	vst v63  }
0x236: {  	s1 =	simm.s32 $0x2080;
	s3 =	simm.s32 $0x4C80  }
0x237: {  	[spmem:s2] =	stream.indirect.scatter.add.f32 [tilespmem:s3], [sflag:$0x1], $0x1, s1, s29, $0xb8;
	[tilespmem:$0x1DA00] =	vst v63  }
0x238: {  	s5 =	simm.s32 $0x2100;
	s6 =	simm.s32 $0x4D00  }
0x239: {  	[spmem:s2] =	stream.indirect.scatter.add.f32 [tilespmem:s6], [sflag:$0x1], $0x1, s5, s29, $0xb8;
	[tilespmem:$0x1DA00] =	vst v63  }
0x23a: {  	s1 =	simm.s32 $0x2180;
	s3 =	simm.s32 $0x4D80  }
0x23b: {  	[spmem:s2] =	stream.indirect.scatter.add.f32 [tilespmem:s3], [sflag:$0x1], $0x1, s1, s29, $0xb8;
	[tilespmem:$0x1DA00] =	vst v63  }
0x23c: {  	s5 =	simm.s32 $0x2200;
	s6 =	simm.s32 $0x4E00  }
0x23d: {  	[spmem:s2] =	stream.indirect.scatter.add.f32 [tilespmem:s6], [sflag:$0x1], $0x1, s5, s29, $0xb8;
	[tilespmem:$0x1DA00] =	vst v63  }
0x23e: {  	s1 =	simm.s32 $0x2280;
	s3 =	simm.s32 $0x4E80  }
0x23f: {  	[spmem:s2] =	stream.indirect.scatter.add.f32 [tilespmem:s3], [sflag:$0x1], $0x1, s1, s29, $0xb8;
	[tilespmem:$0x1DA00] =	vst v63  }
0x240: {  	s5 =	simm.s32 $0x2300;
	s6 =	simm.s32 $0x4F00  }
0x241: {  	[spmem:s2] =	stream.indirect.scatter.add.f32 [tilespmem:s6], [sflag:$0x1], $0x1, s5, s29, $0xb8;
	[tilespmem:$0x1DA00] =	vst v63  }
0x242: {  	s1 =	simm.s32 $0x2380;
	s3 =	simm.s32 $0x4F80  }
0x243: {  	[spmem:s2] =	stream.indirect.scatter.add.f32 [tilespmem:s3], [sflag:$0x1], $0x1, s1, s29, $0xb8;
	[tilespmem:$0x1DA00] =	vst v63  }
0x244: {  	s5 =	simm.s32 $0x2400;
	s6 =	simm.s32 $0x5000  }
0x245: {  	[spmem:s2] =	stream.indirect.scatter.add.f32 [tilespmem:s6], [sflag:$0x1], $0x1, s5, s29, $0xb8;
	[tilespmem:$0x1DA00] =	vst v63  }
0x246: {  	s1 =	simm.s32 $0x2480;
	s3 =	simm.s32 $0x5080  }
0x247: {  	[spmem:s2] =	stream.indirect.scatter.add.f32 [tilespmem:s3], [sflag:$0x1], $0x1, s1, s29, $0xb8;
	[tilespmem:$0x1DA00] =	vst v63  }
0x248: {  	s5 =	simm.s32 $0x2500;
	s6 =	simm.s32 $0x5100  }
0x249: {  	[spmem:s2] =	stream.indirect.scatter.add.f32 [tilespmem:s6], [sflag:$0x1], $0x1, s5, s29, $0xb8;
	[tilespmem:$0x1DA00] =	vst v63  }
0x24a: {  	s1 =	simm.s32 $0x2580;
	s3 =	simm.s32 $0x5180  }
0x24b: {  	[spmem:s2] =	stream.indirect.scatter.add.f32 [tilespmem:s3], [sflag:$0x1], $0x1, s1, s29, $0xb8;
	[tilespmem:$0x1DA00] =	vst v63  }
0x24c: {  	s5 =	simm.s32 $0x2600;
	s6 =	simm.s32 $0x5200  }
0x24d: {  	[spmem:s2] =	stream.indirect.scatter.add.f32 [tilespmem:s6], [sflag:$0x1], $0x1, s5, s29, $0xb8;
	[tilespmem:$0x1DA00] =	vst v63  }
0x24e: {  	s3 =	simm.s32 $0x2680;
	s5 =	simm.s32 $0x5280  }
0x24f: {  	[spmem:s2] =	stream.indirect.scatter.add.f32 [tilespmem:s5], [sflag:$0x1], $0x1, s3, s29, $0xb8;
	[tilespmem:$0x1DA00] =	vst v63  }
0x250: {  	s6 =	simm.s32 $0x0  }
0x251: {  	[tilespmem:s6], [sflag:$0x2] =	stream.linear.gather [hbm4b:s16+s6], $0x7D0, $0x38;
	[tilespmem:$0x1DA00] =	vst v63  }
0x252: {  	_ =	swait.ge [sflag:s24], $0x7D0  }
0x253: {  	[sflag:s24] =	ssyncset.done $0x0  }
0x254: {  	[sflag:s24] =	ssyncadd.s32 $0xFFFFF830  }
0x255: {  	[tilespmem:s28], [sflag:$0x2] =	stream.linear.gather [hbm4b:s17+s6], $0x7D0, $0x38;
	[tilespmem:$0x1DA00] =	vst v63  }
0x256: {  	_ =	swait.ge [sflag:s24], $0x7D0  }
0x257: {  	[sflag:s24] =	ssyncset.done $0x0  }
0x258: {  	s30 =	simm.s32 $0x820;
	[sflag:s24] =	ssyncadd.s32 $0xFFFFF830  }
0x259: {  	v48 =	vld [tilespmem:s30+$0xFFFFFFE0]  }
0x25a: {  	s31 =	simm.s32 $0x20  }
0x25b: {  	v49 =	vld [tilespmem:s31+$0xFFFFFFE0];
	_ =	sdelay $0x2  }
0x25c: {  	v50 =	vmul.u32 $0x147B, v48;
	_ =	sdelay $0x1  }
0x25d: {  	v51 =	vshll.u32 v49, $0x7;
	v44 =	vshra.s32 v50, $0x13  }
0x25e: {  	s3 =	simm.s32 $0x27B0;
	v44 =	vadd.s32 v44, v51  }
0x25f: {  	[tilespmem:s3+$0xFFFFFFC0] =	vst v44  }
0x260: {  	v42 =	vld.idx.msk [tilespmem:v48+s25+$0x0], $0xffff  }
0x261: {  	v43 =	vld.idx.msk [tilespmem:v49+s25+$0x0], $0xffff;
	_ =	sdelay $0x4  }
0x262: {  	v42 =	vmul.f32 v43, v42  }
0x263: {  	s1 =	simm.s32 $0x53B0  }
0x264: {  	[tilespmem:s1+$0xFFFFFFC0] =	vst v42  }
0x265: {  	v42 =	vld [tilespmem:s30+$0xFFFFFFF0];
	_ =	sdelay $0x1  }
0x266: {  	v52 =	vld [tilespmem:s31+$0xFFFFFFF0];
	_ =	sdelay $0x2  }
0x267: {  	v53 =	vmul.u32 $0x147B, v42;
	_ =	sdelay $0x1  }
0x268: {  	v54 =	vshll.u32 v52, $0x7;
	v44 =	vshra.s32 v53, $0x13  }
0x269: {  	s0 =	sand.u32 $0xFF0, s6;
	v44 =	vadd.s32 v44, v54  }
0x26a: {  	[tilespmem:s0+$0x2780] =	vst v44  }
0x26b: {  	v42 =	vld.idx.msk [tilespmem:v42+s25+$0x0], $0xffff  }
0x26c: {  	v43 =	vld.idx.msk [tilespmem:v52+s25+$0x0], $0xffff;
	_ =	sdelay $0x4  }
0x26d: {  	v42 =	vmul.f32 v43, v42;
	_ =	sdelay $0x1  }
0x26e: {  	[tilespmem:s0+$0x5380] =	vst v42  }
0x26f: {  	v42 =	vld [tilespmem:s30+$0x0];
	_ =	sdelay $0x1  }
0x270: {  	v55 =	vld [tilespmem:s31+$0x0];
	_ =	sdelay $0x2  }
0x271: {  	v56 =	vmul.u32 $0x147B, v42;
	_ =	sdelay $0x1  }
0x272: {  	v57 =	vshll.u32 v55, $0x7;
	v44 =	vshra.s32 v56, $0x13  }
0x273: {  	v44 =	vadd.s32 v44, v57  }
0x274: {  	[tilespmem:s3+$0xFFFFFFE0] =	vst v44  }
0x275: {  	v42 =	vld.idx.msk [tilespmem:v42+s25+$0x0], $0xffff  }
0x276: {  	v43 =	vld.idx.msk [tilespmem:v55+s25+$0x0], $0xffff;
	_ =	sdelay $0x4  }
0x277: {  	v42 =	vmul.f32 v43, v42;
	_ =	sdelay $0x1  }
0x278: {  	[tilespmem:s1+$0xFFFFFFE0] =	vst v42  }
0x279: {  	v42 =	vld [tilespmem:s30+$0x10];
	_ =	sdelay $0x1  }
0x27a: {  	v58 =	vld [tilespmem:s31+$0x10];
	_ =	sdelay $0x2  }
0x27b: {  	v59 =	vmul.u32 $0x147B, v42;
	_ =	sdelay $0x1  }
0x27c: {  	v60 =	vshll.u32 v58, $0x7;
	v44 =	vshra.s32 v59, $0x13  }
0x27d: {  	v44 =	vadd.s32 v44, v60  }
0x27e: {  	[tilespmem:s3+$0xFFFFFFF0] =	vst v44  }
0x27f: {  	v42 =	vld.idx.msk [tilespmem:v42+s25+$0x0], $0xffff  }
0x280: {  	v43 =	vld.idx.msk [tilespmem:v58+s25+$0x0], $0xffff;
	_ =	sdelay $0x4  }
0x281: {  	v42 =	vmul.f32 v43, v42;
	_ =	sdelay $0x1  }
0x282: {  	[tilespmem:s1+$0xFFFFFFF0] =	vst v42  }
0x283: {  	v42 =	vld [tilespmem:s30+$0x20];
	_ =	sdelay $0x1  }
0x284: {  	v61 =	vld [tilespmem:s31+$0x20];
	_ =	sdelay $0x2  }
0x285: {  	v62 =	vmul.u32 $0x147B, v42;
	_ =	sdelay $0x1  }
0x286: {  	v63 =	vshll.u32 v61, $0x7;
	v44 =	vshra.s32 v62, $0x13  }
0x287: {  	v44 =	vadd.s32 v44, v63  }
0x288: {  	[tilespmem:s3+$0x0] =	vst v44  }
0x289: {  	v42 =	vld.idx.msk [tilespmem:v42+s25+$0x0], $0xffff  }
0x28a: {  	v43 =	vld.idx.msk [tilespmem:v61+s25+$0x0], $0xffff  }
0x28b: {  	s5 =	simm.s32 $0x2800;
	s0 =	simm.s32 $0x50;
	s3 =	simm.s32 $0x53B0  }
.LBB2_16:
0x28c: {  	s31 =	sadd.s32 $0x50, s31;
	s30 =	sadd.s32 $0x50, s30;
	s1 =	sadd.s32 $0x50, s1  }
0x28d: {  	p0 =	sne.s32 s0, $0x780;
	s6 =	smov.u32 s0;
	s0 =	sadd.s32 $0x50, s0  }
0x28e: {  	_ = 	snop  }
0x28f: {  	v42 =	vmul.f32 v43, v42;
	_ =	sdelay $0x1  }
0x290: {  	[tilespmem:s3+$0x0] =	vst v42;
	s3 =	smov.u32 s1  }
0x291: {  	v42 =	vld [tilespmem:s30+$0xFFFFFFE0];
	_ =	sdelay $0x1  }
0x292: {  	v43 =	vld [tilespmem:s31+$0xFFFFFFE0];
	_ =	sdelay $0x2  }
0x293: {  	v44 =	vmul.u32 $0x147B, v42;
	_ =	sdelay $0x1  }
0x294: {  	v44 =	vshra.s32 v44, $0x13;
	v45 =	vshll.u32 v43, $0x7  }
0x295: {  	v44 =	vadd.s32 v44, v45  }
0x296: {  	[tilespmem:s5+$0xFFFFFFC0] =	vst v44  }
0x297: {  	v42 =	vld.idx.msk [tilespmem:v42+s25+$0x0], $0xffff  }
0x298: {  	v43 =	vld.idx.msk [tilespmem:v43+s25+$0x0], $0xffff;
	_ =	sdelay $0x5  }
0x299: {  	v42 =	vmul.f32 v43, v42;
	_ =	sdelay $0x1  }
0x29a: {  	[tilespmem:s1+$0xFFFFFFC0] =	vst v42  }
0x29b: {  	v42 =	vld [tilespmem:s30+$0xFFFFFFF0]  }
0x29c: {  	v43 =	vld [tilespmem:s31+$0xFFFFFFF0];
	_ =	sdelay $0x3  }
0x29d: {  	v44 =	vmul.u32 $0x147B, v42  }
0x29e: {  	v45 =	vshll.u32 v43, $0x7  }
0x29f: {  	s6 =	sand.u32 $0xFF0, s6;
	v44 =	vshra.s32 v44, $0x13  }
0x2a0: {  	v44 =	vadd.s32 v44, v45  }
0x2a1: {  	[tilespmem:s6+$0x2780] =	vst v44  }
0x2a2: {  	v42 =	vld.idx.msk [tilespmem:v42+s25+$0x0], $0xffff  }
0x2a3: {  	v43 =	vld.idx.msk [tilespmem:v43+s25+$0x0], $0xffff;
	_ =	sdelay $0x5  }
0x2a4: {  	v42 =	vmul.f32 v43, v42;
	_ =	sdelay $0x1  }
0x2a5: {  	[tilespmem:s6+$0x5380] =	vst v42  }
0x2a6: {  	v42 =	vld [tilespmem:s30+$0x0]  }
0x2a7: {  	v43 =	vld [tilespmem:s31+$0x0];
	_ =	sdelay $0x3  }
0x2a8: {  	v44 =	vmul.u32 $0x147B, v42;
	_ =	sdelay $0x1  }
0x2a9: {  	v45 =	vshll.u32 v43, $0x7;
	v44 =	vshra.s32 v44, $0x13  }
0x2aa: {  	v44 =	vadd.s32 v44, v45  }
0x2ab: {  	[tilespmem:s5+$0xFFFFFFE0] =	vst v44  }
0x2ac: {  	v42 =	vld.idx.msk [tilespmem:v42+s25+$0x0], $0xffff  }
0x2ad: {  	v43 =	vld.idx.msk [tilespmem:v43+s25+$0x0], $0xffff;
	_ =	sdelay $0x5  }
0x2ae: {  	v42 =	vmul.f32 v43, v42;
	_ =	sdelay $0x1  }
0x2af: {  	[tilespmem:s1+$0xFFFFFFE0] =	vst v42  }
0x2b0: {  	v42 =	vld [tilespmem:s30+$0x10]  }
0x2b1: {  	v43 =	vld [tilespmem:s31+$0x10];
	_ =	sdelay $0x3  }
0x2b2: {  	v44 =	vmul.u32 $0x147B, v42;
	_ =	sdelay $0x1  }
0x2b3: {  	v45 =	vshll.u32 v43, $0x7;
	v44 =	vshra.s32 v44, $0x13  }
0x2b4: {  	v44 =	vadd.s32 v44, v45  }
0x2b5: {  	[tilespmem:s5+$0xFFFFFFF0] =	vst v44  }
0x2b6: {  	v42 =	vld.idx.msk [tilespmem:v42+s25+$0x0], $0xffff  }
0x2b7: {  	v43 =	vld.idx.msk [tilespmem:v43+s25+$0x0], $0xffff;
	_ =	sdelay $0x5  }
0x2b8: {  	v42 =	vmul.f32 v43, v42;
	_ =	sdelay $0x1  }
0x2b9: {  	[tilespmem:s1+$0xFFFFFFF0] =	vst v42  }
0x2ba: {  	v42 =	vld [tilespmem:s30+$0x20]  }
0x2bb: {  	v43 =	vld [tilespmem:s31+$0x20];
	_ =	sdelay $0x3  }
0x2bc: {  	v44 =	vmul.u32 $0x147B, v42;
	_ =	sdelay $0x1  }
0x2bd: {  	v45 =	vshll.u32 v43, $0x7;
	v44 =	vshra.s32 v44, $0x13  }
0x2be: {  	v44 =	vadd.s32 v44, v45  }
.Ltmp7:
0x2bf: {  	[tilespmem:s5+$0x0] =	vst v44;
	(pc) =	sbr.rel @p0 .LBB2_16-.Ltmp7, $3  }
0x2c0: {  	v42 =	vld.idx.msk [tilespmem:v42+s25+$0x0], $0xffff  }
0x2c1: {  	v43 =	vld.idx.msk [tilespmem:v43+s25+$0x0], $0xffff;
	_ =	sdelay $0x1  }
0x2c2: {  	s5 =	sadd.s32 $0x50, s5  }
0x2c3: {  	_ =	sdelay $0x1  }
0x2c4: {  	v42 =	vmul.f32 v43, v42;
	_ =	sdelay $0x1  }
0x2c5: {  	s0 =	simm.s32 $0x2700;
	s1 =	simm.s32 $0x5300;
	[tilespmem:s3+$0x0] =	vst v42  }
0x2c6: {  	[spmem:s2] =	stream.indirect.scatter.add.f32 [tilespmem:s1], [sflag:$0x1], $0x1, s0, s29, $0xb8;
	[tilespmem:$0x1DA00] =	vst v63  }
0x2c7: {  	s3 =	simm.s32 $0x5380;
	s1 =	simm.s32 $0x2780  }
0x2c8: {  	[spmem:s2] =	stream.indirect.scatter.add.f32 [tilespmem:s3], [sflag:$0x1], $0x1, s1, s29, $0xb8;
	[tilespmem:$0x1DA00] =	vst v63  }
0x2c9: {  	s5 =	simm.s32 $0x2800;
	s6 =	simm.s32 $0x5400  }
0x2ca: {  	[spmem:s2] =	stream.indirect.scatter.add.f32 [tilespmem:s6], [sflag:$0x1], $0x1, s5, s29, $0xb8;
	[tilespmem:$0x1DA00] =	vst v63  }
0x2cb: {  	s1 =	simm.s32 $0x2880;
	s3 =	simm.s32 $0x5480  }
0x2cc: {  	[spmem:s2] =	stream.indirect.scatter.add.f32 [tilespmem:s3], [sflag:$0x1], $0x1, s1, s29, $0xb8;
	[tilespmem:$0x1DA00] =	vst v63  }
0x2cd: {  	s5 =	simm.s32 $0x2900;
	s6 =	simm.s32 $0x5500  }
0x2ce: {  	[spmem:s2] =	stream.indirect.scatter.add.f32 [tilespmem:s6], [sflag:$0x1], $0x1, s5, s29, $0xb8;
	[tilespmem:$0x1DA00] =	vst v63  }
0x2cf: {  	s1 =	simm.s32 $0x2980;
	s3 =	simm.s32 $0x5580  }
0x2d0: {  	[spmem:s2] =	stream.indirect.scatter.add.f32 [tilespmem:s3], [sflag:$0x1], $0x1, s1, s29, $0xb8;
	[tilespmem:$0x1DA00] =	vst v63  }
0x2d1: {  	s5 =	simm.s32 $0x2A00;
	s6 =	simm.s32 $0x5600  }
0x2d2: {  	[spmem:s2] =	stream.indirect.scatter.add.f32 [tilespmem:s6], [sflag:$0x1], $0x1, s5, s29, $0xb8;
	[tilespmem:$0x1DA00] =	vst v63  }
0x2d3: {  	s1 =	simm.s32 $0x2A80;
	s3 =	simm.s32 $0x5680  }
0x2d4: {  	[spmem:s2] =	stream.indirect.scatter.add.f32 [tilespmem:s3], [sflag:$0x1], $0x1, s1, s29, $0xb8;
	[tilespmem:$0x1DA00] =	vst v63  }
0x2d5: {  	s5 =	simm.s32 $0x2B00;
	s6 =	simm.s32 $0x5700  }
0x2d6: {  	[spmem:s2] =	stream.indirect.scatter.add.f32 [tilespmem:s6], [sflag:$0x1], $0x1, s5, s29, $0xb8;
	[tilespmem:$0x1DA00] =	vst v63  }
0x2d7: {  	s1 =	simm.s32 $0x2B80;
	s3 =	simm.s32 $0x5780  }
0x2d8: {  	[spmem:s2] =	stream.indirect.scatter.add.f32 [tilespmem:s3], [sflag:$0x1], $0x1, s1, s29, $0xb8;
	[tilespmem:$0x1DA00] =	vst v63  }
0x2d9: {  	s5 =	simm.s32 $0x2C00;
	s6 =	simm.s32 $0x5800  }
0x2da: {  	[spmem:s2] =	stream.indirect.scatter.add.f32 [tilespmem:s6], [sflag:$0x1], $0x1, s5, s29, $0xb8;
	[tilespmem:$0x1DA00] =	vst v63  }
0x2db: {  	s1 =	simm.s32 $0x2C80;
	s3 =	simm.s32 $0x5880  }
0x2dc: {  	[spmem:s2] =	stream.indirect.scatter.add.f32 [tilespmem:s3], [sflag:$0x1], $0x1, s1, s29, $0xb8;
	[tilespmem:$0x1DA00] =	vst v63  }
0x2dd: {  	s5 =	simm.s32 $0x2D00;
	s6 =	simm.s32 $0x5900  }
0x2de: {  	[spmem:s2] =	stream.indirect.scatter.add.f32 [tilespmem:s6], [sflag:$0x1], $0x1, s5, s29, $0xb8;
	[tilespmem:$0x1DA00] =	vst v63  }
0x2df: {  	s1 =	simm.s32 $0x2D80;
	s3 =	simm.s32 $0x5980  }
0x2e0: {  	[spmem:s2] =	stream.indirect.scatter.add.f32 [tilespmem:s3], [sflag:$0x1], $0x1, s1, s29, $0xb8;
	[tilespmem:$0x1DA00] =	vst v63  }
0x2e1: {  	s5 =	simm.s32 $0x2E00;
	s6 =	simm.s32 $0x5A00  }
0x2e2: {  	[spmem:s2] =	stream.indirect.scatter.add.f32 [tilespmem:s6], [sflag:$0x1], $0x1, s5, s29, $0xb8;
	[tilespmem:$0x1DA00] =	vst v63  }
0x2e3: {  	s1 =	simm.s32 $0x2E80;
	s3 =	simm.s32 $0x5A80  }
0x2e4: {  	[spmem:s2] =	stream.indirect.scatter.add.f32 [tilespmem:s3], [sflag:$0x1], $0x1, s1, s29, $0xb8;
	[tilespmem:$0x1DA00] =	vst v63  }
0x2e5: {  	s5 =	simm.s32 $0x0  }
0x2e6: {  	[tilespmem:s5], [sflag:$0x2] =	stream.linear.gather [hbm4b:s18+s5], $0x7D0, $0x38;
	[tilespmem:$0x1DA00] =	vst v63  }
0x2e7: {  	_ =	swait.ge [sflag:s24], $0x7D0  }
0x2e8: {  	[sflag:s24] =	ssyncset.done $0x0  }
0x2e9: {  	[sflag:s24] =	ssyncadd.s32 $0xFFFFF830  }
0x2ea: {  	[tilespmem:s28], [sflag:$0x2] =	stream.linear.gather [hbm4b:s19+s5], $0x7D0, $0x38;
	[tilespmem:$0x1DA00] =	vst v63  }
0x2eb: {  	_ =	swait.ge [sflag:s24], $0x7D0  }
0x2ec: {  	[sflag:s24] =	ssyncset.done $0x0  }
0x2ed: {  	s30 =	simm.s32 $0x820;
	[sflag:s24] =	ssyncadd.s32 $0xFFFFF830  }
0x2ee: {  	v50 =	vld [tilespmem:s30+$0xFFFFFFE0]  }
0x2ef: {  	s31 =	simm.s32 $0x20  }
0x2f0: {  	v51 =	vld [tilespmem:s31+$0xFFFFFFE0];
	_ =	sdelay $0x2  }
0x2f1: {  	v44 =	vmul.u32 $0x147B, v50;
	_ =	sdelay $0x1  }
0x2f2: {  	v45 =	vshll.u32 v51, $0x7;
	v44 =	vshra.s32 v44, $0x13  }
0x2f3: {  	s6 =	simm.s32 $0x2F70;
	v44 =	vadd.s32 v44, v45  }
0x2f4: {  	[tilespmem:s6+$0xFFFFFFD0] =	vst v44  }
0x2f5: {  	v42 =	vld.idx.msk [tilespmem:v50+s25+$0x0], $0xffff  }
0x2f6: {  	v43 =	vld.idx.msk [tilespmem:v51+s25+$0x0], $0xffff;
	_ =	sdelay $0x4  }
0x2f7: {  	v42 =	vmul.f32 v43, v42  }
0x2f8: {  	s1 =	simm.s32 $0x5B70  }
0x2f9: {  	[tilespmem:s1+$0xFFFFFFD0] =	vst v42  }
0x2fa: {  	v42 =	vld [tilespmem:s30+$0xFFFFFFF0];
	_ =	sdelay $0x1  }
0x2fb: {  	v52 =	vld [tilespmem:s31+$0xFFFFFFF0];
	_ =	sdelay $0x2  }
0x2fc: {  	v53 =	vmul.u32 $0x147B, v42;
	_ =	sdelay $0x1  }
0x2fd: {  	v54 =	vshll.u32 v52, $0x7;
	v44 =	vshra.s32 v53, $0x13  }
0x2fe: {  	v44 =	vadd.s32 v44, v54  }
0x2ff: {  	[tilespmem:s6+$0xFFFFFFE0] =	vst v44  }
0x300: {  	v42 =	vld.idx.msk [tilespmem:v42+s25+$0x0], $0xffff  }
0x301: {  	v43 =	vld.idx.msk [tilespmem:v52+s25+$0x0], $0xffff;
	_ =	sdelay $0x4  }
0x302: {  	v42 =	vmul.f32 v43, v42;
	_ =	sdelay $0x1  }
0x303: {  	[tilespmem:s1+$0xFFFFFFE0] =	vst v42  }
0x304: {  	v42 =	vld [tilespmem:s30+$0x0];
	_ =	sdelay $0x1  }
0x305: {  	v55 =	vld [tilespmem:s31+$0x0];
	_ =	sdelay $0x2  }
0x306: {  	v56 =	vmul.u32 $0x147B, v42;
	_ =	sdelay $0x1  }
0x307: {  	v57 =	vshll.u32 v55, $0x7;
	v44 =	vshra.s32 v56, $0x13  }
0x308: {  	v44 =	vadd.s32 v44, v57  }
0x309: {  	[tilespmem:s6+$0xFFFFFFF0] =	vst v44  }
0x30a: {  	v42 =	vld.idx.msk [tilespmem:v42+s25+$0x0], $0xffff  }
0x30b: {  	v43 =	vld.idx.msk [tilespmem:v55+s25+$0x0], $0xffff;
	_ =	sdelay $0x4  }
0x30c: {  	v42 =	vmul.f32 v43, v42;
	_ =	sdelay $0x1  }
0x30d: {  	[tilespmem:s1+$0xFFFFFFF0] =	vst v42  }
0x30e: {  	v42 =	vld [tilespmem:s30+$0x10];
	_ =	sdelay $0x1  }
0x30f: {  	v58 =	vld [tilespmem:s31+$0x10];
	_ =	sdelay $0x2  }
0x310: {  	v59 =	vmul.u32 $0x147B, v42;
	_ =	sdelay $0x1  }
0x311: {  	v60 =	vshll.u32 v58, $0x7;
	v44 =	vshra.s32 v59, $0x13  }
0x312: {  	v44 =	vadd.s32 v44, v60  }
0x313: {  	[tilespmem:s6+$0x0] =	vst v44  }
0x314: {  	v42 =	vld.idx.msk [tilespmem:v42+s25+$0x0], $0xffff  }
0x315: {  	v43 =	vld.idx.msk [tilespmem:v58+s25+$0x0], $0xffff;
	_ =	sdelay $0x4  }
0x316: {  	v42 =	vmul.f32 v43, v42;
	_ =	sdelay $0x1  }
0x317: {  	[tilespmem:s1+$0x0] =	vst v42  }
0x318: {  	v42 =	vld [tilespmem:s30+$0x20];
	_ =	sdelay $0x1  }
0x319: {  	v61 =	vld [tilespmem:s31+$0x20];
	_ =	sdelay $0x2  }
0x31a: {  	v62 =	vmul.u32 $0x147B, v42;
	_ =	sdelay $0x1  }
0x31b: {  	v63 =	vshll.u32 v61, $0x7;
	v44 =	vshra.s32 v62, $0x13  }
0x31c: {  	s6 =	sand.u32 $0xFF0, s5;
	v44 =	vadd.s32 v44, v63  }
0x31d: {  	[tilespmem:s6+$0x2F80] =	vst v44  }
0x31e: {  	v42 =	vld.idx.msk [tilespmem:v42+s25+$0x0], $0xffff  }
0x31f: {  	v43 =	vld.idx.msk [tilespmem:v61+s25+$0x0], $0xffff  }
0x320: {  	s0 =	simm.s32 $0x50;
	s3 =	simm.s32 $0x2FC0  }
.LBB2_18:
0x321: {  	s31 =	sadd.s32 $0x50, s31;
	s30 =	sadd.s32 $0x50, s30;
	s1 =	sadd.s32 $0x50, s1  }
0x322: {  	p0 =	sne.s32 s0, $0x780;
	s5 =	smov.u32 s0;
	s0 =	sadd.s32 $0x50, s0  }
0x323: {  	_ = 	snop  }
0x324: {  	v42 =	vmul.f32 v43, v42;
	_ =	sdelay $0x1  }
0x325: {  	[tilespmem:s6+$0x5B80] =	vst v42  }
0x326: {  	v42 =	vld [tilespmem:s30+$0xFFFFFFE0];
	_ =	sdelay $0x1  }
0x327: {  	v43 =	vld [tilespmem:s31+$0xFFFFFFE0];
	_ =	sdelay $0x2  }
0x328: {  	v44 =	vmul.u32 $0x147B, v42;
	_ =	sdelay $0x1  }
0x329: {  	v44 =	vshra.s32 v44, $0x13;
	v45 =	vshll.u32 v43, $0x7  }
0x32a: {  	v44 =	vadd.s32 v44, v45  }
0x32b: {  	[tilespmem:s3+$0xFFFFFFD0] =	vst v44  }
0x32c: {  	v42 =	vld.idx.msk [tilespmem:v42+s25+$0x0], $0xffff  }
0x32d: {  	v43 =	vld.idx.msk [tilespmem:v43+s25+$0x0], $0xffff;
	_ =	sdelay $0x5  }
0x32e: {  	v42 =	vmul.f32 v43, v42;
	_ =	sdelay $0x1  }
0x32f: {  	[tilespmem:s1+$0xFFFFFFD0] =	vst v42  }
0x330: {  	v42 =	vld [tilespmem:s30+$0xFFFFFFF0]  }
0x331: {  	v43 =	vld [tilespmem:s31+$0xFFFFFFF0];
	_ =	sdelay $0x3  }
0x332: {  	v44 =	vmul.u32 $0x147B, v42  }
0x333: {  	v45 =	vshll.u32 v43, $0x7  }
0x334: {  	v44 =	vshra.s32 v44, $0x13  }
0x335: {  	v44 =	vadd.s32 v44, v45  }
0x336: {  	[tilespmem:s3+$0xFFFFFFE0] =	vst v44  }
0x337: {  	v42 =	vld.idx.msk [tilespmem:v42+s25+$0x0], $0xffff  }
0x338: {  	v43 =	vld.idx.msk [tilespmem:v43+s25+$0x0], $0xffff;
	_ =	sdelay $0x5  }
0x339: {  	v42 =	vmul.f32 v43, v42;
	_ =	sdelay $0x1  }
0x33a: {  	[tilespmem:s1+$0xFFFFFFE0] =	vst v42  }
0x33b: {  	v42 =	vld [tilespmem:s30+$0x0]  }
0x33c: {  	v43 =	vld [tilespmem:s31+$0x0];
	_ =	sdelay $0x3  }
0x33d: {  	v44 =	vmul.u32 $0x147B, v42;
	_ =	sdelay $0x1  }
0x33e: {  	v45 =	vshll.u32 v43, $0x7;
	v44 =	vshra.s32 v44, $0x13  }
0x33f: {  	v44 =	vadd.s32 v44, v45  }
0x340: {  	[tilespmem:s3+$0xFFFFFFF0] =	vst v44  }
0x341: {  	v42 =	vld.idx.msk [tilespmem:v42+s25+$0x0], $0xffff  }
0x342: {  	v43 =	vld.idx.msk [tilespmem:v43+s25+$0x0], $0xffff;
	_ =	sdelay $0x5  }
0x343: {  	v42 =	vmul.f32 v43, v42;
	_ =	sdelay $0x1  }
0x344: {  	[tilespmem:s1+$0xFFFFFFF0] =	vst v42  }
0x345: {  	v42 =	vld [tilespmem:s30+$0x10]  }
0x346: {  	v43 =	vld [tilespmem:s31+$0x10];
	_ =	sdelay $0x3  }
0x347: {  	v44 =	vmul.u32 $0x147B, v42;
	_ =	sdelay $0x1  }
0x348: {  	v45 =	vshll.u32 v43, $0x7;
	v44 =	vshra.s32 v44, $0x13  }
0x349: {  	v44 =	vadd.s32 v44, v45  }
0x34a: {  	[tilespmem:s3+$0x0] =	vst v44  }
0x34b: {  	v42 =	vld.idx.msk [tilespmem:v42+s25+$0x0], $0xffff  }
0x34c: {  	v43 =	vld.idx.msk [tilespmem:v43+s25+$0x0], $0xffff;
	_ =	sdelay $0x5  }
0x34d: {  	v42 =	vmul.f32 v43, v42;
	_ =	sdelay $0x1  }
0x34e: {  	[tilespmem:s1+$0x0] =	vst v42  }
0x34f: {  	v42 =	vld [tilespmem:s30+$0x20]  }
0x350: {  	v43 =	vld [tilespmem:s31+$0x20];
	_ =	sdelay $0x3  }
0x351: {  	v44 =	vmul.u32 $0x147B, v42;
	_ =	sdelay $0x1  }
0x352: {  	v45 =	vshll.u32 v43, $0x7;
	v44 =	vshra.s32 v44, $0x13  }
0x353: {  	s6 =	sand.u32 $0xFF0, s5;
	v44 =	vadd.s32 v44, v45  }
.Ltmp8:
0x354: {  	[tilespmem:s6+$0x2F80] =	vst v44;
	(pc) =	sbr.rel @p0 .LBB2_18-.Ltmp8, $3  }
0x355: {  	v42 =	vld.idx.msk [tilespmem:v42+s25+$0x0], $0xffff  }
0x356: {  	v43 =	vld.idx.msk [tilespmem:v43+s25+$0x0], $0xffff;
	_ =	sdelay $0x1  }
0x357: {  	s3 =	sadd.s32 $0x50, s3  }
0x358: {  	_ =	sdelay $0x1  }
0x359: {  	v42 =	vmul.f32 v43, v42;
	_ =	sdelay $0x1  }
0x35a: {  	s0 =	simm.s32 $0x2F00;
	s1 =	simm.s32 $0x5B00;
	[tilespmem:s6+$0x5B80] =	vst v42  }
0x35b: {  	[spmem:s2] =	stream.indirect.scatter.add.f32 [tilespmem:s1], [sflag:$0x1], $0x1, s0, s29, $0xb8;
	[tilespmem:$0x1DA00] =	vst v63  }
0x35c: {  	s30 =	simm.s32 $0x2F80;
	s31 =	simm.s32 $0x5B80  }
0x35d: {  	[spmem:s2] =	stream.indirect.scatter.add.f32 [tilespmem:s31], [sflag:$0x1], $0x1, s30, s29, $0xb8;
	[tilespmem:$0x1DA00] =	vst v63  }
0x35e: {  	s3 =	simm.s32 $0x5C00;
	s1 =	simm.s32 $0x3000  }
0x35f: {  	[spmem:s2] =	stream.indirect.scatter.add.f32 [tilespmem:s3], [sflag:$0x1], $0x1, s1, s29, $0xb8;
	[tilespmem:$0x1DA00] =	vst v63  }
0x360: {  	s5 =	simm.s32 $0x3080;
	s6 =	simm.s32 $0x5C80  }
0x361: {  	[spmem:s2] =	stream.indirect.scatter.add.f32 [tilespmem:s6], [sflag:$0x1], $0x1, s5, s29, $0xb8;
	[tilespmem:$0x1DA00] =	vst v63  }
0x362: {  	s30 =	simm.s32 $0x3100;
	s31 =	simm.s32 $0x5D00  }
0x363: {  	[spmem:s2] =	stream.indirect.scatter.add.f32 [tilespmem:s31], [sflag:$0x1], $0x1, s30, s29, $0xb8;
	[tilespmem:$0x1DA00] =	vst v63  }
0x364: {  	s1 =	simm.s32 $0x3180;
	s3 =	simm.s32 $0x5D80  }
0x365: {  	[spmem:s2] =	stream.indirect.scatter.add.f32 [tilespmem:s3], [sflag:$0x1], $0x1, s1, s29, $0xb8;
	[tilespmem:$0x1DA00] =	vst v63  }
0x366: {  	s5 =	simm.s32 $0x3200;
	s6 =	simm.s32 $0x5E00  }
0x367: {  	[spmem:s2] =	stream.indirect.scatter.add.f32 [tilespmem:s6], [sflag:$0x1], $0x1, s5, s29, $0xb8;
	[tilespmem:$0x1DA00] =	vst v63  }
0x368: {  	s30 =	simm.s32 $0x3280;
	s31 =	simm.s32 $0x5E80  }
0x369: {  	[spmem:s2] =	stream.indirect.scatter.add.f32 [tilespmem:s31], [sflag:$0x1], $0x1, s30, s29, $0xb8;
	[tilespmem:$0x1DA00] =	vst v63  }
0x36a: {  	s1 =	simm.s32 $0x3300;
	s3 =	simm.s32 $0x5F00  }
0x36b: {  	[spmem:s2] =	stream.indirect.scatter.add.f32 [tilespmem:s3], [sflag:$0x1], $0x1, s1, s29, $0xb8;
	[tilespmem:$0x1DA00] =	vst v63  }
0x36c: {  	s5 =	simm.s32 $0x3380;
	s6 =	simm.s32 $0x5F80  }
0x36d: {  	[spmem:s2] =	stream.indirect.scatter.add.f32 [tilespmem:s6], [sflag:$0x1], $0x1, s5, s29, $0xb8;
	[tilespmem:$0x1DA00] =	vst v63  }
0x36e: {  	s30 =	simm.s32 $0x3400;
	s31 =	simm.s32 $0x6000  }
0x36f: {  	[spmem:s2] =	stream.indirect.scatter.add.f32 [tilespmem:s31], [sflag:$0x1], $0x1, s30, s29, $0xb8;
	[tilespmem:$0x1DA00] =	vst v63  }
0x370: {  	s1 =	simm.s32 $0x3480;
	s3 =	simm.s32 $0x6080  }
0x371: {  	[spmem:s2] =	stream.indirect.scatter.add.f32 [tilespmem:s3], [sflag:$0x1], $0x1, s1, s29, $0xb8;
	[tilespmem:$0x1DA00] =	vst v63  }
0x372: {  	s5 =	simm.s32 $0x3500;
	s6 =	simm.s32 $0x6100  }
0x373: {  	[spmem:s2] =	stream.indirect.scatter.add.f32 [tilespmem:s6], [sflag:$0x1], $0x1, s5, s29, $0xb8;
	[tilespmem:$0x1DA00] =	vst v63  }
0x374: {  	s30 =	simm.s32 $0x3580;
	s31 =	simm.s32 $0x6180  }
0x375: {  	[spmem:s2] =	stream.indirect.scatter.add.f32 [tilespmem:s31], [sflag:$0x1], $0x1, s30, s29, $0xb8;
	[tilespmem:$0x1DA00] =	vst v63  }
0x376: {  	s1 =	simm.s32 $0x3600;
	s3 =	simm.s32 $0x6200  }
0x377: {  	[spmem:s2] =	stream.indirect.scatter.add.f32 [tilespmem:s3], [sflag:$0x1], $0x1, s1, s29, $0xb8;
	[tilespmem:$0x1DA00] =	vst v63  }
0x378: {  	s5 =	simm.s32 $0x3680;
	s6 =	simm.s32 $0x6280  }
0x379: {  	[spmem:s2] =	stream.indirect.scatter.add.f32 [tilespmem:s6], [sflag:$0x1], $0x1, s5, s29, $0xb8;
	[tilespmem:$0x1DA00] =	vst v63  }
0x37a: {  	[tilespmem:$0x3710] =	vst v41  }
0x37b: {  	[tilespmem:$0x6310] =	vst v40  }
0x37c: {  	[tilespmem:$0x3720] =	vst v41  }
0x37d: {  	[tilespmem:$0x6320] =	vst v40  }
0x37e: {  	[tilespmem:$0x3730] =	vst v41  }
0x37f: {  	[tilespmem:$0x6330] =	vst v40  }
0x380: {  	[tilespmem:$0x3740] =	vst v41  }
0x381: {  	[tilespmem:$0x6340] =	vst v40  }
0x382: {  	[tilespmem:$0x3750] =	vst v41  }
0x383: {  	[tilespmem:$0x6350] =	vst v40  }
0x384: {  	[tilespmem:$0x3760] =	vst v41  }
0x385: {  	[tilespmem:$0x6360] =	vst v40  }
0x386: {  	[tilespmem:$0x3770] =	vst v41  }
0x387: {  	[tilespmem:$0x6370] =	vst v40  }
0x388: {  	v42 =	vld.idx.msk [tilespmem:v0+s25+$0x0], $0xffff;
	_ =	sdelay $0x4  }
0x389: {  	v42 =	vmul.f32 v42, v42;
	_ =	sdelay $0x1  }
0x38a: {  	[tilespmem:$0x3780] =	vst v20;
	v42 =	vnsel vm3, $0x0, v42  }
0x38b: {  	[tilespmem:$0x6380] =	vst v42  }
0x38c: {  	v42 =	vld.idx.msk [tilespmem:v1+s25+$0x0], $0xffff;
	_ =	sdelay $0x4  }
0x38d: {  	v42 =	vmul.f32 v42, v42;
	_ =	sdelay $0x1  }
0x38e: {  	[tilespmem:$0x3790] =	vst v21;
	v42 =	vnsel vm2, $0x0, v42  }
0x38f: {  	[tilespmem:$0x6390] =	vst v42  }
0x390: {  	v42 =	vld.idx.msk [tilespmem:v2+s25+$0x0], $0xffff;
	_ =	sdelay $0x4  }
0x391: {  	v42 =	vmul.f32 v42, v42;
	_ =	sdelay $0x1  }
0x392: {  	[tilespmem:$0x37A0] =	vst v22;
	v42 =	vnsel vm1, $0x0, v42  }
0x393: {  	[tilespmem:$0x63A0] =	vst v42  }
0x394: {  	v42 =	vld.idx.msk [tilespmem:v3+s25+$0x0], $0xffff;
	_ =	sdelay $0x4  }
0x395: {  	v42 =	vmul.f32 v42, v42;
	_ =	sdelay $0x1  }
0x396: {  	[tilespmem:$0x37B0] =	vst v23;
	v42 =	vnsel vm0, $0x0, v42  }
0x397: {  	[tilespmem:$0x63B0] =	vst v42  }
0x398: {  	v42 =	vld.idx.msk [tilespmem:v4+s25+$0x0], $0xffff;
	_ =	sdelay $0x4  }
0x399: {  	v42 =	vmul.f32 v42, v42;
	_ =	sdelay $0x1  }
0x39a: {  	[tilespmem:$0x37C0] =	vst v24;
	v42 =	vnsel vm15, $0x0, v42  }
0x39b: {  	[tilespmem:$0x63C0] =	vst v42  }
0x39c: {  	v42 =	vld.idx.msk [tilespmem:v5+s25+$0x0], $0xffff;
	_ =	sdelay $0x4  }
0x39d: {  	v42 =	vmul.f32 v42, v42;
	_ =	sdelay $0x1  }
0x39e: {  	[tilespmem:$0x37D0] =	vst v25;
	v42 =	vnsel vm14, $0x0, v42  }
0x39f: {  	[tilespmem:$0x63D0] =	vst v42  }
0x3a0: {  	v42 =	vld.idx.msk [tilespmem:v6+s25+$0x0], $0xffff;
	_ =	sdelay $0x4  }
0x3a1: {  	v42 =	vmul.f32 v42, v42;
	_ =	sdelay $0x1  }
0x3a2: {  	[tilespmem:$0x37E0] =	vst v26;
	v42 =	vnsel vm13, $0x0, v42  }
0x3a3: {  	[tilespmem:$0x63E0] =	vst v42  }
0x3a4: {  	v42 =	vld.idx.msk [tilespmem:v7+s25+$0x0], $0xffff;
	_ =	sdelay $0x4  }
0x3a5: {  	v42 =	vmul.f32 v42, v42;
	_ =	sdelay $0x1  }
0x3a6: {  	[tilespmem:$0x37F0] =	vst v27;
	v42 =	vnsel vm12, $0x0, v42  }
0x3a7: {  	[tilespmem:$0x63F0] =	vst v42  }
0x3a8: {  	v42 =	vld.idx.msk [tilespmem:v8+s25+$0x0], $0xffff;
	_ =	sdelay $0x4  }
0x3a9: {  	v42 =	vmul.f32 v42, v42;
	_ =	sdelay $0x1  }
0x3aa: {  	[tilespmem:$0x3800] =	vst v28;
	v42 =	vnsel vm11, $0x0, v42  }
0x3ab: {  	[tilespmem:$0x6400] =	vst v42  }
0x3ac: {  	v42 =	vld.idx.msk [tilespmem:v9+s25+$0x0], $0xffff;
	_ =	sdelay $0x4  }
0x3ad: {  	v42 =	vmul.f32 v42, v42;
	_ =	sdelay $0x1  }
0x3ae: {  	[tilespmem:$0x3810] =	vst v29;
	v42 =	vnsel vm10, $0x0, v42  }
0x3af: {  	[tilespmem:$0x6410] =	vst v42  }
0x3b0: {  	v42 =	vld.idx.msk [tilespmem:v10+s25+$0x0], $0xffff;
	_ =	sdelay $0x4  }
0x3b1: {  	v42 =	vmul.f32 v42, v42;
	_ =	sdelay $0x1  }
0x3b2: {  	[tilespmem:$0x3820] =	vst v30;
	v42 =	vnsel vm9, $0x0, v42  }
0x3b3: {  	[tilespmem:$0x6420] =	vst v42  }
0x3b4: {  	v42 =	vld.idx.msk [tilespmem:v11+s25+$0x0], $0xffff;
	_ =	sdelay $0x4  }
0x3b5: {  	v42 =	vmul.f32 v42, v42;
	_ =	sdelay $0x1  }
0x3b6: {  	[tilespmem:$0x3830] =	vst v31;
	v42 =	vnsel vm8, $0x0, v42  }
0x3b7: {  	[tilespmem:$0x6430] =	vst v42  }
0x3b8: {  	v42 =	vld.idx.msk [tilespmem:v12+s25+$0x0], $0xffff;
	_ =	sdelay $0x4  }
0x3b9: {  	v42 =	vmul.f32 v42, v42;
	_ =	sdelay $0x1  }
0x3ba: {  	[tilespmem:$0x3840] =	vst v32;
	v42 =	vnsel vm7, $0x0, v42  }
0x3bb: {  	[tilespmem:$0x6440] =	vst v42  }
0x3bc: {  	v42 =	vld.idx.msk [tilespmem:v13+s25+$0x0], $0xffff;
	_ =	sdelay $0x4  }
0x3bd: {  	v42 =	vmul.f32 v42, v42;
	_ =	sdelay $0x1  }
0x3be: {  	[tilespmem:$0x3850] =	vst v33;
	v42 =	vnsel vm6, $0x0, v42  }
0x3bf: {  	[tilespmem:$0x6450] =	vst v42  }
0x3c0: {  	v42 =	vld.idx.msk [tilespmem:v14+s25+$0x0], $0xffff;
	_ =	sdelay $0x4  }
0x3c1: {  	v42 =	vmul.f32 v42, v42;
	_ =	sdelay $0x1  }
0x3c2: {  	[tilespmem:$0x3860] =	vst v34;
	v42 =	vnsel vm5, $0x0, v42  }
0x3c3: {  	[tilespmem:$0x6460] =	vst v42  }
0x3c4: {  	v42 =	vld.idx.msk [tilespmem:v15+s25+$0x0], $0xffff  }
0x3c5: {  	v59 =	vld [tilespmem:$0x1FFF0];
	_ =	sdelay $0x3  }
0x3c6: {  	v42 =	vmul.f32 v42, v42  }
0x3c7: {  	vm4 =	vnez.u8 v59  }
0x3c8: {  	[tilespmem:$0x3870] =	vst v35;
	v42 =	vnsel vm4, $0x0, v42  }
0x3c9: {  	[tilespmem:$0x6470] =	vst v42  }
0x3ca: {  	v42 =	vld.idx.msk [tilespmem:v16+s25+$0x0], $0xffff  }
0x3cb: {  	v60 =	vld [tilespmem:$0x1FFE0];
	_ =	sdelay $0x3  }
0x3cc: {  	v42 =	vmul.f32 v42, v42  }
0x3cd: {  	vm4 =	vnez.u8 v60  }
0x3ce: {  	[tilespmem:$0x3880] =	vst v36;
	v42 =	vnsel vm4, $0x0, v42  }
0x3cf: {  	[tilespmem:$0x6480] =	vst v42  }
0x3d0: {  	v42 =	vld.idx.msk [tilespmem:v17+s25+$0x0], $0xffff  }
0x3d1: {  	v61 =	vld [tilespmem:$0x1FFD0];
	_ =	sdelay $0x3  }
0x3d2: {  	v42 =	vmul.f32 v42, v42  }
0x3d3: {  	vm4 =	vnez.u8 v61  }
0x3d4: {  	[tilespmem:$0x3890] =	vst v37;
	v42 =	vnsel vm4, $0x0, v42  }
0x3d5: {  	[tilespmem:$0x6490] =	vst v42  }
0x3d6: {  	v42 =	vld.idx.msk [tilespmem:v18+s25+$0x0], $0xffff  }
0x3d7: {  	v62 =	vld [tilespmem:$0x1FFC0];
	_ =	sdelay $0x3  }
0x3d8: {  	v42 =	vmul.f32 v42, v42  }
0x3d9: {  	vm4 =	vnez.u8 v62  }
0x3da: {  	[tilespmem:$0x38A0] =	vst v38;
	v42 =	vnsel vm4, $0x0, v42  }
0x3db: {  	[tilespmem:$0x64A0] =	vst v42  }
0x3dc: {  	v42 =	vld.idx.msk [tilespmem:v19+s25+$0x0], $0xffff;
	[tilespmem:$0x38B0] =	vst v39  }
0x3dd: {  	[tilespmem:$0x38C0] =	vst v41  }
0x3de: {  	v63 =	vld [tilespmem:$0x1FFB0];
	[tilespmem:$0x64C0] =	vst v40  }
0x3df: {  	[tilespmem:$0x38D0] =	vst v41  }
0x3e0: {  	[tilespmem:$0x64D0] =	vst v40  }
0x3e1: {  	[tilespmem:$0x38E0] =	vst v41  }
0x3e2: {  	[tilespmem:$0x64E0] =	vst v40;
	v42 =	vmul.f32 v42, v42  }
0x3e3: {  	vm4 =	vnez.u8 v63;
	[tilespmem:$0x38F0] =	vst v41  }
0x3e4: {  	[tilespmem:$0x64F0] =	vst v40;
	v42 =	vnsel vm4, $0x0, v42  }
0x3e5: {  	s30 =	simm.s32 $0x3700;
	s31 =	simm.s32 $0x6300;
	[tilespmem:$0x64B0] =	vst v42  }
0x3e6: {  	[spmem:s2] =	stream.indirect.scatter.add.f32 [tilespmem:s31], [sflag:$0x1], $0x1, s30, s29, $0xb8;
	[tilespmem:$0x1DA00] =	vst v63  }
0x3e7: {  	s1 =	simm.s32 $0x3780;
	s3 =	simm.s32 $0x6380  }
0x3e8: {  	[spmem:s2] =	stream.indirect.scatter.add.f32 [tilespmem:s3], [sflag:$0x1], $0x1, s1, s29, $0xb8;
	[tilespmem:$0x1DA00] =	vst v63  }
0x3e9: {  	s5 =	simm.s32 $0x3800;
	s6 =	simm.s32 $0x6400  }
0x3ea: {  	[spmem:s2] =	stream.indirect.scatter.add.f32 [tilespmem:s6], [sflag:$0x1], $0x1, s5, s29, $0xb8;
	[tilespmem:$0x1DA00] =	vst v63  }
0x3eb: {  	s30 =	simm.s32 $0x3880;
	s31 =	simm.s32 $0x6480  }
0x3ec: {  	[spmem:s2] =	stream.indirect.scatter.add.f32 [tilespmem:s31], [sflag:$0x1], $0x1, s30, s29, $0xb8;
	[tilespmem:$0x1DA00] =	vst v63  }
0x3ed: {  	_ =	swait.ge [sflag:s26], $0x80  }
0x3ee: {  	s0 =	simm.s32 $0x51;
	[sflag:s26] =	ssyncset.done $0x0  }
.LBB2_20:
0x3ef: {  	p0 =	sne.s32 s0, $0x1;
	s0 =	sadd.s32 $0xFFFFFFFF, s0;
	[sflag:s26] =	ssyncadd.s32 $0xFFFFFF80  }
.Ltmp9:
0x3f0: {  	(pc) =	sbr.rel @p0 .LBB2_20-.Ltmp9, $3  }
0x3f1: {  	_ =	sdelay $0x1  }
0x3f2: {  	_ =	swait.ge [sflag:s26], $0x80  }
0x3f3: {  	[sflag:s26] =	ssyncset.done $0x0  }
0x3f4: {  	[sflag:s26] =	ssyncadd.s32 $0xFFFFFF80;
	s4 =	sadd.s32 $0x1, s4  }
0x3f5: {  	s0 =	sshll.u32 s7, $0x6;
	[bflag:$0x0] =	sbarrier.arrive $0xFFFF;
	p0 =	sne.s32 s4, s23  }
.Ltmp10:
0x3f6: {  	s0 =	sor.u32 $0x1C02, s0;
	s1 =	rddreg [dreg:$0x6];
	(pc) =	sbr.rel @p0 .LBB2_1-.Ltmp10, $4  }
0x3f7: {  	[hbm:s21], [sflag:s0] =	dma.local [spmem:s1], $0x2710  }
0x3f8: {  	_ =	swait.ge [sflag:s24], $0x2710  }
0x3f9: {  	[sflag:s24] =	ssyncset.done $0x0  }
0x3fa: {  	[sflag:s24] =	ssyncadd.s32 $0xFFFFD8F0  }
0x3fb: {  	_ =	sfence.sel $0x180000  }
0x3fc: {  	[bflag:$0x0] =	sbarrier.arrive $0xFFFF  }
0x3fd: {  	_ =	strace $0x9000004A  }
0x3fe: {  	[bflag:$0x2] =	sbarrier.arrive $0xFFFF  }
0x3ff: {  	p0 =	sne.s32 s7, $0x0;
	s0 =	rddreg [dreg:$0x3]  }
0x400: {  	s0 =	sadd.s32 @!p0 $0x100000, s0  }
0x401: {  	[sflag:s0] =	ssyncadd.tile.s32 @!p0 $0x1;
	_ =	shalt  }
.Lfunc_end2:
_tile_overlayer_lowered:
.L_overlay_start_2:
0x402: {  	(tag) =	ssettag $0x2  }
0x403: {  	s0 =	rddreg [dreg:$0x0];
	s2 =	stileid.u32  }
0x404: {  	s1 =	rddreg [dreg:$0x1];
	p0 =	sne.s32 s2, $0x0  }
0x405: {  	s3 =	rddreg [dreg:$0x2];
	[bflag:$0x3] =	sbarrier.arrive $0xFFFF;
	s2 =	simm.s32 @!p0 $0x1C02  }
0x406: {  	[timem:s3], [sflag:s2] =	dma.local @!p0 [hbm:s0], s1  }
0x407: {  	s0 =	simm.s32 @!p0 $0x2  }
0x408: {  	_ =	swait.ge @!p0 [sflag:s0], s1  }
0x409: {  	s1 =	ssub.s32 @!p0 $0x0, s1;
	[sflag:s0] =	ssyncset.done @!p0 $0x0  }
0x40a: {  	[sflag:s0] =	ssyncadd.s32 @!p0 s1  }
0x40b: {  	[bflag:$0x3] =	sbarrier.arrive $0xFFFF  }
0x40c: {  	_ =	shalt  }

</sc_bundles>
